<compile_context>
chip_gen: v7x
topology: tpu7x:2x2x1
jax: 0.10.2.dev20260603
libtpu: 0.0.44.dev20260713+nightly
codegen_flags: <defaults>
</compile_context>

<pallas_src>
import functools

import jax
import jax.numpy as jnp
from jax import lax
from jax.experimental import pallas as pl
from jax.experimental.pallas import tpu as pltpu
from jax.experimental.pallas import tpu_sc as plsc

N = 10000
N_PAD = 10240
D = 128
NC = 2
NS = 16
NW = NC * NS
CHUNK = 64
ZC = 64
ROWS_PT = N_PAD // NS
PAD_DST = N


def _make_agg(feat_width, with_deg, ept):
    nchunk = ept // CHUNK
    mesh = plsc.VectorSubcoreMesh(core_axis_name="c", subcore_axis_name="s")
    tbl_shape = (N_PAD, feat_width) if feat_width > 1 else (N_PAD,)
    buf_shape = (CHUNK, feat_width) if feat_width > 1 else (CHUNK,)

    out_type = [jax.ShapeDtypeStruct((NC,) + tbl_shape, jnp.float32)]
    if with_deg:
        out_type.append(jax.ShapeDtypeStruct((NC, N_PAD), jnp.float32))

    scratch_types = [
        pltpu.VMEM((ept,), jnp.int32),
        pltpu.VMEM((nchunk, CHUNK), jnp.int32),
        pltpu.VMEM(buf_shape, jnp.float32),
        pltpu.VMEM(buf_shape, jnp.float32),
        pltpu.VMEM_SHARED(tbl_shape, jnp.float32),
        pltpu.SemaphoreType.DMA,
        pltpu.SemaphoreType.DMA,
    ]
    if with_deg:
        scratch_types += [
            pltpu.VMEM((CHUNK,), jnp.float32),
            pltpu.VMEM((CHUNK,), jnp.float32),
            pltpu.VMEM_SHARED((N_PAD,), jnp.float32),
        ]

    @functools.partial(pl.kernel, mesh=mesh, out_type=out_type,
                       scratch_types=scratch_types)
    def k(table, src, dst, *refs):
        if with_deg:
            (out, deg_out, src_v, dst_v, buf0, buf1, acc,
             sem0, sem1, ones_v, z1buf, dacc) = refs
        else:
            (out, src_v, dst_v, buf0, buf1, acc, sem0, sem1) = refs
        c = lax.axis_index("c")
        s = lax.axis_index("s")
        wid = c * NS + s

        pltpu.sync_copy(src.at[wid], src_v)
        pltpu.sync_copy(dst.at[wid], dst_v)

        zvec = jnp.zeros((16,), jnp.float32)
        if feat_width > 1:
            def zrow(r, carry):
                for k16 in range(feat_width // 16):
                    buf0[r, pl.ds(16 * k16, 16)] = zvec
                return carry
            lax.fori_loop(0, ZC, zrow, 0)
        else:
            def zrow(r, carry):
                buf0[pl.ds(16 * r, 16)] = zvec
                return carry
            lax.fori_loop(0, ZC // 16, zrow, 0)
        if with_deg:
            def orow(r, carry):
                ones_v[pl.ds(16 * r, 16)] = jnp.ones((16,), jnp.float32)
                return carry
            lax.fori_loop(0, CHUNK // 16, orow, 0)
            def z1row(r, carry):
                z1buf[pl.ds(16 * r, 16)] = zvec
                return carry
            lax.fori_loop(0, ZC // 16, z1row, 0)

        zsrc = buf0.at[pl.ds(0, ZC)]
        for t in range(ROWS_PT // ZC):
            row = s * ROWS_PT + t * ZC
            pltpu.sync_copy(zsrc, acc.at[pl.ds(row, ZC)])
        if with_deg:
            for t in range(ROWS_PT // ZC):
                row = s * ROWS_PT + t * ZC
                pltpu.sync_copy(z1buf.at[pl.ds(0, ZC)], dacc.at[pl.ds(row, ZC)])
        plsc.subcore_barrier()

        def start_gather(j, buf, sem):
            return pltpu.async_copy(
                table.at[src_v.at[pl.ds(j * CHUNK, CHUNK)]], buf, sem)

        def wait_gather(j, buf, sem):
            pltpu.make_async_copy(
                table.at[src_v.at[pl.ds(j * CHUNK, CHUNK)]], buf, sem).wait()

        def scatter(j, buf):
            pltpu.sync_copy(buf, acc.at[dst_v.at[j]], add=True)
            if with_deg:
                pltpu.sync_copy(ones_v, dacc.at[dst_v.at[j]], add=True)

        npair = nchunk // 2
        start_gather(0, buf0, sem0)

        def body(i, carry):
            j0 = 2 * i
            start_gather(j0 + 1, buf1, sem1)
            wait_gather(j0, buf0, sem0)
            scatter(j0, buf0)

            @pl.when(i < npair - 1)
            def _():
                start_gather(j0 + 2, buf0, sem0)
            wait_gather(j0 + 1, buf1, sem1)
            scatter(j0 + 1, buf1)
            return carry
        lax.fori_loop(0, npair, body, 0)
        plsc.subcore_barrier()

        if feat_width > 1:
            for t in range(ROWS_PT // CHUNK):
                row = s * ROWS_PT + t * CHUNK
                pltpu.sync_copy(acc.at[pl.ds(row, CHUNK)],
                                out.at[c, pl.ds(row, CHUNK)])
        else:
            pltpu.sync_copy(acc.at[pl.ds(s * ROWS_PT, ROWS_PT)],
                            out.at[c, pl.ds(s * ROWS_PT, ROWS_PT)])
        if with_deg:
            pltpu.sync_copy(dacc.at[pl.ds(s * ROWS_PT, ROWS_PT)],
                            deg_out.at[c, pl.ds(s * ROWS_PT, ROWS_PT)])

    return k



BM = 200


def _c0_body(p_ref, x_ref, d_ref, wl_ref, bl_ref, wr_ref, h_ref, rdeg_ref):
    d = jnp.maximum(d_ref[0] + d_ref[1], 1.0)
    rd = 1.0 / d
    mean = (p_ref[0] + p_ref[1]) * rd
    h = (jnp.dot(mean, wl_ref[...], preferred_element_type=jnp.float32)
         + bl_ref[...]
         + jnp.dot(x_ref[...], wr_ref[...], preferred_element_type=jnp.float32))
    h_ref[...] = jnp.maximum(h, 0.0)
    rdeg_ref[...] = rd


def _c1_body(q_ref, h_ref, rdeg_ref, wl_ref, bl_ref, wr_ref, wz_ref, bz_ref,
             z_ref):
    mean = (q_ref[0] + q_ref[1]) * rdeg_ref[...]
    h2 = (jnp.dot(mean, wl_ref[...], preferred_element_type=jnp.float32)
          + bl_ref[...]
          + jnp.dot(h_ref[...], wr_ref[...], preferred_element_type=jnp.float32))
    h2 = jnp.maximum(h2, 0.0)
    z_ref[...] = jnp.dot(h2, wz_ref[...], preferred_element_type=jnp.float32) \
        + bz_ref[...]


def _final_body(r_ref, rdeg_ref, zrb_ref, o_ref):
    o_ref[...] = jax.nn.sigmoid((r_ref[0] + r_ref[1]) * rdeg_ref[...]
                                + zrb_ref[...])


def _w_spec():
    return pl.BlockSpec((D, D), lambda i: (0, 0))


def _b_spec():
    return pl.BlockSpec((1, D), lambda i: (0, 0))


def _col_spec():
    return pl.BlockSpec((BM, 1), lambda i: (i, 0))


def _row_spec():
    return pl.BlockSpec((BM, D), lambda i: (i, 0))


def _p_spec():
    return pl.BlockSpec((NC, BM, D), lambda i: (0, i, 0))


def _d_spec():
    return pl.BlockSpec((NC, BM, 1), lambda i: (0, i, 0))


def kernel(x, edge_index, Wl0, bl0, Wr0, Wl1, bl1, Wr1, Wlo, blo, Wro):
    n, d_feat = x.shape
    e = edge_index.shape[1]
    nchunk = -(-e // (NW * CHUNK))
    nchunk += nchunk % 2
    ept = nchunk * CHUNK
    e_pad = ept * NW

    ei = edge_index.astype(jnp.int32)
    pad_dst = PAD_DST + jnp.arange(e_pad - e, dtype=jnp.int32) % (N_PAD - N)
    src = jnp.concatenate(
        [ei[0], jnp.zeros((e_pad - e,), jnp.int32)]).reshape(NW, ept)
    dst = jnp.concatenate([ei[1], pad_dst]).reshape(NW, ept // CHUNK, CHUNK)

    grid = (n // BM,)

    agg0 = _make_agg(D, True, ept)
    p, deg = agg0(x, src, dst)
    deg3 = deg[:, :, None]

    h1, rdeg = pl.pallas_call(
        _c0_body,
        grid=grid,
        in_specs=[_p_spec(), _row_spec(), _d_spec(),
                  _w_spec(), _b_spec(), _w_spec()],
        out_specs=[_row_spec(), _col_spec()],
        out_shape=[jax.ShapeDtypeStruct((n, D), jnp.float32),
                   jax.ShapeDtypeStruct((n, 1), jnp.float32)],
    )(p, x, deg3, Wl0, bl0.reshape(1, D), Wr0)

    agg1 = _make_agg(D, False, ept)
    (q,) = agg1(h1, src, dst)

    wz = jnp.concatenate(
        [Wlo, Wro, jnp.zeros((D, D - 2 * Wlo.shape[1]), jnp.float32)], axis=1)
    bz = jnp.zeros((1, D), jnp.float32).at[0, 1].set(blo[0])
    z = pl.pallas_call(
        _c1_body,
        grid=grid,
        in_specs=[_p_spec(), _row_spec(), _col_spec(),
                  _w_spec(), _b_spec(), _w_spec(), _w_spec(), _b_spec()],
        out_specs=_row_spec(),
        out_shape=jax.ShapeDtypeStruct((n, D), jnp.float32),
    )(q, h1, rdeg, Wl1, bl1.reshape(1, D), Wr1, wz, bz)

    zl = z[:, 0]
    zrb = z[:, 1:2]
    agg2 = _make_agg(1, False, ept)
    (r,) = agg2(zl, src, dst)

    out = pl.pallas_call(
        _final_body,
        grid=grid,
        in_specs=[_d_spec(), _col_spec(), _col_spec()],
        out_specs=_col_spec(),
        out_shape=jax.ShapeDtypeStruct((n, 1), jnp.float32),
    )(r[:, :, None], rdeg, zrb)

    return out

# --- scband reference (transcript-rebuilt; emitter-appended) ---
"""Pipeline reference for scband-dynamic-gnn-66958540145299 (READ-ONLY COPY).

The authoritative reference and input builder live on the scoring server;
editing this copy changes nothing except your own understanding.
"""

import jax, jax.numpy as jnp
import numpy as np

N_NODES = 10000
N_EDGES = 320000
D_FEAT = 128
HIDDEN = 128
OUT = 1


def setup_inputs(seed: int = 0) -> dict:
    key = jax.random.key(seed)
    ks = jax.random.split(key, 12)
    x = jax.random.normal(ks[0], (N_NODES, D_FEAT), dtype=jnp.float32)
    edge_index = jax.random.randint(ks[1], (2, N_EDGES), 0, N_NODES, dtype=jnp.int64)
    s = 0.05
    # SAGEConv params: lin_l (neighbor path, with bias), lin_r (root path, no bias)
    Wl0 = jax.random.normal(ks[2], (D_FEAT, HIDDEN), dtype=jnp.float32) * s
    bl0 = jnp.zeros((HIDDEN,), dtype=jnp.float32)
    Wr0 = jax.random.normal(ks[3], (D_FEAT, HIDDEN), dtype=jnp.float32) * s
    Wl1 = jax.random.normal(ks[4], (HIDDEN, HIDDEN), dtype=jnp.float32) * s
    bl1 = jnp.zeros((HIDDEN,), dtype=jnp.float32)
    Wr1 = jax.random.normal(ks[5], (HIDDEN, HIDDEN), dtype=jnp.float32) * s
    Wlo = jax.random.normal(ks[6], (HIDDEN, OUT), dtype=jnp.float32) * s
    blo = jnp.zeros((OUT,), dtype=jnp.float32)
    Wro = jax.random.normal(ks[7], (HIDDEN, OUT), dtype=jnp.float32) * s
    return {"x": x, "edge_index": edge_index,
            "Wl0": Wl0, "bl0": bl0, "Wr0": Wr0,
            "Wl1": Wl1, "bl1": bl1, "Wr1": Wr1,
            "Wlo": Wlo, "blo": blo, "Wro": Wro}


def sage_conv(x, edge_index, Wl, bl, Wr):
    # PyG SAGEConv with mean aggregation:
    # out = lin_l(mean_{j in N(i)} x_j) + lin_r(x_i)
    src = edge_index[0]
    dst = edge_index[1]
    msgs = jnp.take(x, src, axis=0)                      # gather (SparseCore)
    agg = jax.ops.segment_sum(msgs, dst, num_segments=N_NODES)
    deg = jax.ops.segment_sum(jnp.ones((src.shape[0],), dtype=x.dtype), dst,
                              num_segments=N_NODES)
    mean = agg / jnp.clip(deg, 1.0, None)[:, None]
    return mean @ Wl + bl + x @ Wr


def reference(x, edge_index, Wl0, bl0, Wr0, Wl1, bl1, Wr1, Wlo, blo, Wro):
    h = sage_conv(x, edge_index, Wl0, bl0, Wr0)
    h = jax.nn.relu(h)
    h = sage_conv(h, edge_index, Wl1, bl1, Wr1)
    h = jax.nn.relu(h)
    out = sage_conv(h, edge_index, Wlo, blo, Wro)
    return jax.nn.sigmoid(out)

if __name__ == "__main__":
    import jax
    _d = setup_inputs()
    print(jax.jit(kernel)(*tuple(_d.values())))

</pallas_src>

<mosaic_0001>
#map = affine_map<(d0, d1) -> (0, 0)>
#map1 = affine_map<(d0, d1) -> (0, 0, 0)>
module attributes {stable_mosaic.version = 14 : i64} {
  func.func @k(%arg0: i32, %arg1: i32, %arg2: memref<10000x128xf32, #tpu.memory_space<hbm>>, %arg3: memref<32x10112xi32, #tpu.memory_space<hbm>>, %arg4: memref<32x158x64xi32, #tpu.memory_space<hbm>>, %arg5: memref<2x10240x128xf32, #tpu.memory_space<hbm>>, %arg6: memref<2x10240xf32, #tpu.memory_space<hbm>>, %arg7: memref<10112xi32, #tpu.memory_space<vmem>>, %arg8: memref<158x64xi32, #tpu.memory_space<vmem>>, %arg9: memref<64x128xf32, #tpu.memory_space<vmem>>, %arg10: memref<64x128xf32, #tpu.memory_space<vmem>>, %arg11: memref<10240x128xf32, #tpu.memory_space<vmem_shared>>, %arg12: memref<!tpu.dma_semaphore, #tpu.memory_space<semaphore_mem>>, %arg13: memref<!tpu.dma_semaphore, #tpu.memory_space<semaphore_mem>>, %arg14: memref<64xf32, #tpu.memory_space<vmem>>, %arg15: memref<64xf32, #tpu.memory_space<vmem>>, %arg16: memref<10240xf32, #tpu.memory_space<vmem_shared>>) attributes {dimension_semantics = [#tpu.dimension_semantics<core_parallel>, #tpu.dimension_semantics<subcore_parallel>], iteration_bounds = array<i64: 2, 16>, scalar_prefetch = 0 : i64, scratch_operands = 10 : i64, tpu.core_type = #tpu.core_type<sc_vector_subcore>, window_params = [{transform_indices = #map}, {transform_indices = #map}, {transform_indices = #map1}, {transform_indices = #map1}, {transform_indices = #map}]} {
    %mul3A = arith.constant 16 : i32
    %mul3A_0 = arith.muli %arg0, %mul3A : i32
    %add3A = arith.addi %mul3A_0, %arg1 : i32
    "tpu.region"() ({
      %run_scoped3A = tpu.sem_alloc : memref<!tpu.dma_semaphore, #tpu.memory_space<semaphore_mem>>
      %dma_start3A_154 = arith.constant 0 : i32
      %dma_start3A_155 = tpu.memref_slice %arg3[%add3A, %dma_start3A_154] : memref<32x10112xi32, #tpu.memory_space<hbm>> -> memref<1x10112xi32, #tpu.memory_space<hbm>>
      %dma_start3A_156 = tpu.memref_squeeze %dma_start3A_155 : memref<1x10112xi32, #tpu.memory_space<hbm>> -> memref<10112xi32, #tpu.memory_space<hbm>>
      %dma_start3A_157 = arith.constant 0 : i32
      %dma_start3A_158 = tpu.memref_slice %arg3[%add3A, %dma_start3A_157] : memref<32x10112xi32, #tpu.memory_space<hbm>> -> memref<1x10112xi32, #tpu.memory_space<hbm>>
      %dma_start3A_159 = tpu.memref_squeeze %dma_start3A_158 : memref<1x10112xi32, #tpu.memory_space<hbm>> -> memref<10112xi32, #tpu.memory_space<hbm>>
      tpu.enqueue_dma source(%dma_start3A_159 : memref<10112xi32, #tpu.memory_space<hbm>>) target(%arg7 : memref<10112xi32, #tpu.memory_space<vmem>>) target_semaphore(%run_scoped3A : memref<!tpu.dma_semaphore, #tpu.memory_space<semaphore_mem>>)
      %dma_wait3A = arith.constant 0 : i32
      %dma_wait3A_160 = tpu.memref_slice %arg3[%add3A, %dma_wait3A] : memref<32x10112xi32, #tpu.memory_space<hbm>> -> memref<1x10112xi32, #tpu.memory_space<hbm>>
      %dma_wait3A_161 = tpu.memref_squeeze %dma_wait3A_160 : memref<1x10112xi32, #tpu.memory_space<hbm>> -> memref<10112xi32, #tpu.memory_space<hbm>>
      %dma_wait3A_162 = arith.constant 0 : i32
      %dma_wait3A_163 = tpu.memref_slice %arg3[%add3A, %dma_wait3A_162] : memref<32x10112xi32, #tpu.memory_space<hbm>> -> memref<1x10112xi32, #tpu.memory_space<hbm>>
      %dma_wait3A_164 = tpu.memref_squeeze %dma_wait3A_163 : memref<1x10112xi32, #tpu.memory_space<hbm>> -> memref<10112xi32, #tpu.memory_space<hbm>>
      tpu.wait_dma2 semaphore(%run_scoped3A : memref<!tpu.dma_semaphore, #tpu.memory_space<semaphore_mem>>) src(%dma_wait3A_164 : memref<10112xi32, #tpu.memory_space<hbm>>) dst(%arg7 : memref<10112xi32, #tpu.memory_space<vmem>>)
      tpu.yield
    }) : () -> ()
    "tpu.region"() ({
      %run_scoped3A = tpu.sem_alloc : memref<!tpu.dma_semaphore, #tpu.memory_space<semaphore_mem>>
      %dma_start3A_154 = arith.constant 0 : i32
      %dma_start3A_155 = arith.constant 0 : i32
      %dma_start3A_156 = tpu.memref_slice %arg4[%add3A, %dma_start3A_154, %dma_start3A_155] : memref<32x158x64xi32, #tpu.memory_space<hbm>> -> memref<1x158x64xi32, #tpu.memory_space<hbm>>
      %dma_start3A_157 = tpu.memref_squeeze %dma_start3A_156 : memref<1x158x64xi32, #tpu.memory_space<hbm>> -> memref<158x64xi32, #tpu.memory_space<hbm>>
      %dma_start3A_158 = arith.constant 0 : i32
      %dma_start3A_159 = arith.constant 0 : i32
      %dma_start3A_160 = tpu.memref_slice %arg4[%add3A, %dma_start3A_158, %dma_start3A_159] : memref<32x158x64xi32, #tpu.memory_space<hbm>> -> memref<1x158x64xi32, #tpu.memory_space<hbm>>
      %dma_start3A_161 = tpu.memref_squeeze %dma_start3A_160 : memref<1x158x64xi32, #tpu.memory_space<hbm>> -> memref<158x64xi32, #tpu.memory_space<hbm>>
      tpu.enqueue_dma source(%dma_start3A_161 : memref<158x64xi32, #tpu.memory_space<hbm>>) target(%arg8 : memref<158x64xi32, #tpu.memory_space<vmem>>) target_semaphore(%run_scoped3A : memref<!tpu.dma_semaphore, #tpu.memory_space<semaphore_mem>>)
      %dma_wait3A = arith.constant 0 : i32
      %dma_wait3A_162 = arith.constant 0 : i32
      %dma_wait3A_163 = tpu.memref_slice %arg4[%add3A, %dma_wait3A, %dma_wait3A_162] : memref<32x158x64xi32, #tpu.memory_space<hbm>> -> memref<1x158x64xi32, #tpu.memory_space<hbm>>
      %dma_wait3A_164 = tpu.memref_squeeze %dma_wait3A_163 : memref<1x158x64xi32, #tpu.memory_space<hbm>> -> memref<158x64xi32, #tpu.memory_space<hbm>>
      %dma_wait3A_165 = arith.constant 0 : i32
      %dma_wait3A_166 = arith.constant 0 : i32
      %dma_wait3A_167 = tpu.memref_slice %arg4[%add3A, %dma_wait3A_165, %dma_wait3A_166] : memref<32x158x64xi32, #tpu.memory_space<hbm>> -> memref<1x158x64xi32, #tpu.memory_space<hbm>>
      %dma_wait3A_168 = tpu.memref_squeeze %dma_wait3A_167 : memref<1x158x64xi32, #tpu.memory_space<hbm>> -> memref<158x64xi32, #tpu.memory_space<hbm>>
      tpu.wait_dma2 semaphore(%run_scoped3A : memref<!tpu.dma_semaphore, #tpu.memory_space<semaphore_mem>>) src(%dma_wait3A_168 : memref<158x64xi32, #tpu.memory_space<hbm>>) dst(%arg8 : memref<158x64xi32, #tpu.memory_space<vmem>>)
      tpu.yield
    }) : () -> ()
    %broadcast_in_dim3A = arith.constant 0.000000e+00 : f32
    %broadcast_in_dim3A_1 = vector.broadcast %broadcast_in_dim3A : f32 to vector<16xf32>
    %scan3A = arith.constant 0 : i32
    %scan3A_2 = arith.constant 0 : i32
    %scan3A_3 = arith.constant 64 : i32
    %scan3A_4 = arith.addi %scan3A_2, %scan3A_3 : i32
    %scan3A_5 = arith.constant 1 : i32
    scf.for %scan3A_154 = %scan3A_2 to %scan3A_4 step %scan3A_5  : i32 {
      %swap3A = arith.index_cast %scan3A_154 : i32 to index
      %swap3A_155 = arith.constant 0 : index
      %swap3A_156 = tpu.vector_load %arg9[%swap3A, %swap3A_155] {strides = array<i32>} : memref<64x128xf32, #tpu.memory_space<vmem>>, vector<1x16xf32>,
      %swap3A_157 = vector.shape_cast %swap3A_156 : vector<1x16xf32> to vector<16xf32>
      %swap3A_158 = vector.shape_cast %broadcast_in_dim3A_1 : vector<16xf32> to vector<1x16xf32>
      tpu.vector_store %arg9[%swap3A, %swap3A_155], %swap3A_158 {strides = array<i32>} : memref<64x128xf32, #tpu.memory_space<vmem>>, vector<1x16xf32>,
      %swap3A_159 = arith.index_cast %scan3A_154 : i32 to index
      %swap3A_160 = arith.constant 16 : index
      %swap3A_161 = tpu.vector_load %arg9[%swap3A_159, %swap3A_160] {strides = array<i32>} : memref<64x128xf32, #tpu.memory_space<vmem>>, vector<1x16xf32>,
      %swap3A_162 = vector.shape_cast %swap3A_161 : vector<1x16xf32> to vector<16xf32>
      %swap3A_163 = vector.shape_cast %broadcast_in_dim3A_1 : vector<16xf32> to vector<1x16xf32>
      tpu.vector_store %arg9[%swap3A_159, %swap3A_160], %swap3A_163 {strides = array<i32>} : memref<64x128xf32, #tpu.memory_space<vmem>>, vector<1x16xf32>,
      %swap3A_164 = arith.index_cast %scan3A_154 : i32 to index
      %swap3A_165 = arith.constant 32 : index
      %swap3A_166 = tpu.vector_load %arg9[%swap3A_164, %swap3A_165] {strides = array<i32>} : memref<64x128xf32, #tpu.memory_space<vmem>>, vector<1x16xf32>,
      %swap3A_167 = vector.shape_cast %swap3A_166 : vector<1x16xf32> to vector<16xf32>
      %swap3A_168 = vector.shape_cast %broadcast_in_dim3A_1 : vector<16xf32> to vector<1x16xf32>
      tpu.vector_store %arg9[%swap3A_164, %swap3A_165], %swap3A_168 {strides = array<i32>} : memref<64x128xf32, #tpu.memory_space<vmem>>, vector<1x16xf32>,
      %swap3A_169 = arith.index_cast %scan3A_154 : i32 to index
      %swap3A_170 = arith.constant 48 : index
      %swap3A_171 = tpu.vector_load %arg9[%swap3A_169, %swap3A_170] {strides = array<i32>} : memref<64x128xf32, #tpu.memory_space<vmem>>, vector<1x16xf32>,
      %swap3A_172 = vector.shape_cast %swap3A_171 : vector<1x16xf32> to vector<16xf32>
      %swap3A_173 = vector.shape_cast %broadcast_in_dim3A_1 : vector<16xf32> to vector<1x16xf32>
      tpu.vector_store %arg9[%swap3A_169, %swap3A_170], %swap3A_173 {strides = array<i32>} : memref<64x128xf32, #tpu.memory_space<vmem>>, vector<1x16xf32>,
      %swap3A_174 = arith.index_cast %scan3A_154 : i32 to index
      %swap3A_175 = arith.constant 64 : index
      %swap3A_176 = tpu.vector_load %arg9[%swap3A_174, %swap3A_175] {strides = array<i32>} : memref<64x128xf32, #tpu.memory_space<vmem>>, vector<1x16xf32>,
      %swap3A_177 = vector.shape_cast %swap3A_176 : vector<1x16xf32> to vector<16xf32>
      %swap3A_178 = vector.shape_cast %broadcast_in_dim3A_1 : vector<16xf32> to vector<1x16xf32>
      tpu.vector_store %arg9[%swap3A_174, %swap3A_175], %swap3A_178 {strides = array<i32>} : memref<64x128xf32, #tpu.memory_space<vmem>>, vector<1x16xf32>,
      %swap3A_179 = arith.index_cast %scan3A_154 : i32 to index
      %swap3A_180 = arith.constant 80 : index
      %swap3A_181 = tpu.vector_load %arg9[%swap3A_179, %swap3A_180] {strides = array<i32>} : memref<64x128xf32, #tpu.memory_space<vmem>>, vector<1x16xf32>,
      %swap3A_182 = vector.shape_cast %swap3A_181 : vector<1x16xf32> to vector<16xf32>
      %swap3A_183 = vector.shape_cast %broadcast_in_dim3A_1 : vector<16xf32> to vector<1x16xf32>
      tpu.vector_store %arg9[%swap3A_179, %swap3A_180], %swap3A_183 {strides = array<i32>} : memref<64x128xf32, #tpu.memory_space<vmem>>, vector<1x16xf32>,
      %swap3A_184 = arith.index_cast %scan3A_154 : i32 to index
      %swap3A_185 = arith.constant 96 : index
      %swap3A_186 = tpu.vector_load %arg9[%swap3A_184, %swap3A_185] {strides = array<i32>} : memref<64x128xf32, #tpu.memory_space<vmem>>, vector<1x16xf32>,
      %swap3A_187 = vector.shape_cast %swap3A_186 : vector<1x16xf32> to vector<16xf32>
      %swap3A_188 = vector.shape_cast %broadcast_in_dim3A_1 : vector<16xf32> to vector<1x16xf32>
      tpu.vector_store %arg9[%swap3A_184, %swap3A_185], %swap3A_188 {strides = array<i32>} : memref<64x128xf32, #tpu.memory_space<vmem>>, vector<1x16xf32>,
      %swap3A_189 = arith.index_cast %scan3A_154 : i32 to index
      %swap3A_190 = arith.constant 112 : index
      %swap3A_191 = tpu.vector_load %arg9[%swap3A_189, %swap3A_190] {strides = array<i32>} : memref<64x128xf32, #tpu.memory_space<vmem>>, vector<1x16xf32>,
      %swap3A_192 = vector.shape_cast %swap3A_191 : vector<1x16xf32> to vector<16xf32>
      %swap3A_193 = vector.shape_cast %broadcast_in_dim3A_1 : vector<16xf32> to vector<1x16xf32>
      tpu.vector_store %arg9[%swap3A_189, %swap3A_190], %swap3A_193 {strides = array<i32>} : memref<64x128xf32, #tpu.memory_space<vmem>>, vector<1x16xf32>,
    }
    %scan3A_6 = arith.constant 64 : i32
    %scan3A_7 = arith.constant 0 : i32
    %scan3A_8 = arith.constant 0 : i32
    %scan3A_9 = arith.constant 4 : i32
    %scan3A_10 = arith.addi %scan3A_8, %scan3A_9 : i32
    %scan3A_11 = arith.constant 1 : i32
    scf.for %scan3A_154 = %scan3A_8 to %scan3A_10 step %scan3A_11  : i32 {
      %broadcast_in_dim3A_155 = arith.constant 1.000000e+00 : f32
      %broadcast_in_dim3A_156 = vector.broadcast %broadcast_in_dim3A_155 : f32 to vector<16xf32>
      %mul3A_157 = arith.constant 16 : i32
      %mul3A_158 = arith.muli %mul3A_157, %scan3A_154 : i32
      %swap3A = arith.index_cast %mul3A_158 : i32 to index
      %swap3A_159 = tpu.vector_load %arg14[%swap3A] {strides = array<i32>} : memref<64xf32, #tpu.memory_space<vmem>>, vector<16xf32>,
      %swap3A_160 = vector.shape_cast %swap3A_159 : vector<16xf32> to vector<16xf32>
      %swap3A_161 = vector.shape_cast %broadcast_in_dim3A_156 : vector<16xf32> to vector<16xf32>
      tpu.vector_store %arg14[%swap3A], %swap3A_161 {strides = array<i32>} : memref<64xf32, #tpu.memory_space<vmem>>, vector<16xf32>,
    }
    %scan3A_12 = arith.constant 4 : i32
    %scan3A_13 = arith.constant 0 : i32
    %scan3A_14 = arith.constant 0 : i32
    %scan3A_15 = arith.constant 4 : i32
    %scan3A_16 = arith.addi %scan3A_14, %scan3A_15 : i32
    %scan3A_17 = arith.constant 1 : i32
    scf.for %scan3A_154 = %scan3A_14 to %scan3A_16 step %scan3A_17  : i32 {
      %mul3A_155 = arith.constant 16 : i32
      %mul3A_156 = arith.muli %mul3A_155, %scan3A_154 : i32
      %swap3A = arith.index_cast %mul3A_156 : i32 to index
      %swap3A_157 = tpu.vector_load %arg15[%swap3A] {strides = array<i32>} : memref<64xf32, #tpu.memory_space<vmem>>, vector<16xf32>,
      %swap3A_158 = vector.shape_cast %swap3A_157 : vector<16xf32> to vector<16xf32>
      %swap3A_159 = vector.shape_cast %broadcast_in_dim3A_1 : vector<16xf32> to vector<16xf32>
      tpu.vector_store %arg15[%swap3A], %swap3A_159 {strides = array<i32>} : memref<64xf32, #tpu.memory_space<vmem>>, vector<16xf32>,
    }
    %scan3A_18 = arith.constant 4 : i32
    %mul3A_19 = arith.constant 640 : i32
    %mul3A_20 = arith.muli %arg1, %mul3A_19 : i32
    %add3A_21 = arith.constant 0 : i32
    %add3A_22 = arith.addi %mul3A_20, %add3A_21 : i32
    "tpu.region"() ({
      %run_scoped3A = tpu.sem_alloc : memref<!tpu.dma_semaphore, #tpu.memory_space<semaphore_mem>>
      %dma_start3A_154 = arith.constant 0 : i32
      %dma_start3A_155 = arith.constant 0 : i32
      %dma_start3A_156 = tpu.memref_slice %arg9[%dma_start3A_154, %dma_start3A_155] : memref<64x128xf32, #tpu.memory_space<vmem>> -> memref<64x128xf32, #tpu.memory_space<vmem>>
      %dma_start3A_157 = arith.constant 0 : i32
      %dma_start3A_158 = tpu.memref_slice %arg11[%add3A_22, %dma_start3A_157] : memref<10240x128xf32, #tpu.memory_space<vmem_shared>> -> memref<64x128xf32, #tpu.memory_space<vmem_shared>>
      %dma_start3A_159 = arith.constant 0 : i32
      %dma_start3A_160 = tpu.memref_slice %arg11[%add3A_22, %dma_start3A_159] : memref<10240x128xf32, #tpu.memory_space<vmem_shared>> -> memref<64x128xf32, #tpu.memory_space<vmem_shared>>
      %dma_start3A_161 = arith.constant 0 : i32
      %dma_start3A_162 = arith.constant 0 : i32
      %dma_start3A_163 = tpu.memref_slice %arg9[%dma_start3A_161, %dma_start3A_162] : memref<64x128xf32, #tpu.memory_space<vmem>> -> memref<64x128xf32, #tpu.memory_space<vmem>>
      tpu.enqueue_dma source(%dma_start3A_163 : memref<64x128xf32, #tpu.memory_space<vmem>>) target(%dma_start3A_160 : memref<64x128xf32, #tpu.memory_space<vmem_shared>>) target_semaphore(%run_scoped3A : memref<!tpu.dma_semaphore, #tpu.memory_space<semaphore_mem>>)
      %dma_wait3A = arith.constant 0 : i32
      %dma_wait3A_164 = arith.constant 0 : i32
      %dma_wait3A_165 = tpu.memref_slice %arg9[%dma_wait3A, %dma_wait3A_164] : memref<64x128xf32, #tpu.memory_space<vmem>> -> memref<64x128xf32, #tpu.memory_space<vmem>>
      %dma_wait3A_166 = arith.constant 0 : i32
      %dma_wait3A_167 = tpu.memref_slice %arg11[%add3A_22, %dma_wait3A_166] : memref<10240x128xf32, #tpu.memory_space<vmem_shared>> -> memref<64x128xf32, #tpu.memory_space<vmem_shared>>
      %dma_wait3A_168 = arith.constant 0 : i32
      %dma_wait3A_169 = tpu.memref_slice %arg11[%add3A_22, %dma_wait3A_168] : memref<10240x128xf32, #tpu.memory_space<vmem_shared>> -> memref<64x128xf32, #tpu.memory_space<vmem_shared>>
      %dma_wait3A_170 = arith.constant 0 : i32
      %dma_wait3A_171 = arith.constant 0 : i32
      %dma_wait3A_172 = tpu.memref_slice %arg9[%dma_wait3A_170, %dma_wait3A_171] : memref<64x128xf32, #tpu.memory_space<vmem>> -> memref<64x128xf32, #tpu.memory_space<vmem>>
      tpu.wait_dma2 semaphore(%run_scoped3A : memref<!tpu.dma_semaphore, #tpu.memory_space<semaphore_mem>>) src(%dma_wait3A_172 : memref<64x128xf32, #tpu.memory_space<vmem>>) dst(%dma_wait3A_169 : memref<64x128xf32, #tpu.memory_space<vmem_shared>>)
      tpu.yield
    }) : () -> ()
    %mul3A_23 = arith.constant 640 : i32
    %mul3A_24 = arith.muli %arg1, %mul3A_23 : i32
    %add3A_25 = arith.constant 64 : i32
    %add3A_26 = arith.addi %mul3A_24, %add3A_25 : i32
    "tpu.region"() ({
      %run_scoped3A = tpu.sem_alloc : memref<!tpu.dma_semaphore, #tpu.memory_space<semaphore_mem>>
      %dma_start3A_154 = arith.constant 0 : i32
      %dma_start3A_155 = arith.constant 0 : i32
      %dma_start3A_156 = tpu.memref_slice %arg9[%dma_start3A_154, %dma_start3A_155] : memref<64x128xf32, #tpu.memory_space<vmem>> -> memref<64x128xf32, #tpu.memory_space<vmem>>
      %dma_start3A_157 = arith.constant 0 : i32
      %dma_start3A_158 = tpu.memref_slice %arg11[%add3A_26, %dma_start3A_157] : memref<10240x128xf32, #tpu.memory_space<vmem_shared>> -> memref<64x128xf32, #tpu.memory_space<vmem_shared>>
      %dma_start3A_159 = arith.constant 0 : i32
      %dma_start3A_160 = tpu.memref_slice %arg11[%add3A_26, %dma_start3A_159] : memref<10240x128xf32, #tpu.memory_space<vmem_shared>> -> memref<64x128xf32, #tpu.memory_space<vmem_shared>>
      %dma_start3A_161 = arith.constant 0 : i32
      %dma_start3A_162 = arith.constant 0 : i32
      %dma_start3A_163 = tpu.memref_slice %arg9[%dma_start3A_161, %dma_start3A_162] : memref<64x128xf32, #tpu.memory_space<vmem>> -> memref<64x128xf32, #tpu.memory_space<vmem>>
      tpu.enqueue_dma source(%dma_start3A_163 : memref<64x128xf32, #tpu.memory_space<vmem>>) target(%dma_start3A_160 : memref<64x128xf32, #tpu.memory_space<vmem_shared>>) target_semaphore(%run_scoped3A : memref<!tpu.dma_semaphore, #tpu.memory_space<semaphore_mem>>)
      %dma_wait3A = arith.constant 0 : i32
      %dma_wait3A_164 = arith.constant 0 : i32
      %dma_wait3A_165 = tpu.memref_slice %arg9[%dma_wait3A, %dma_wait3A_164] : memref<64x128xf32, #tpu.memory_space<vmem>> -> memref<64x128xf32, #tpu.memory_space<vmem>>
      %dma_wait3A_166 = arith.constant 0 : i32
      %dma_wait3A_167 = tpu.memref_slice %arg11[%add3A_26, %dma_wait3A_166] : memref<10240x128xf32, #tpu.memory_space<vmem_shared>> -> memref<64x128xf32, #tpu.memory_space<vmem_shared>>
      %dma_wait3A_168 = arith.constant 0 : i32
      %dma_wait3A_169 = tpu.memref_slice %arg11[%add3A_26, %dma_wait3A_168] : memref<10240x128xf32, #tpu.memory_space<vmem_shared>> -> memref<64x128xf32, #tpu.memory_space<vmem_shared>>
      %dma_wait3A_170 = arith.constant 0 : i32
      %dma_wait3A_171 = arith.constant 0 : i32
      %dma_wait3A_172 = tpu.memref_slice %arg9[%dma_wait3A_170, %dma_wait3A_171] : memref<64x128xf32, #tpu.memory_space<vmem>> -> memref<64x128xf32, #tpu.memory_space<vmem>>
      tpu.wait_dma2 semaphore(%run_scoped3A : memref<!tpu.dma_semaphore, #tpu.memory_space<semaphore_mem>>) src(%dma_wait3A_172 : memref<64x128xf32, #tpu.memory_space<vmem>>) dst(%dma_wait3A_169 : memref<64x128xf32, #tpu.memory_space<vmem_shared>>)
      tpu.yield
    }) : () -> ()
    %mul3A_27 = arith.constant 640 : i32
    %mul3A_28 = arith.muli %arg1, %mul3A_27 : i32
    %add3A_29 = arith.constant 128 : i32
    %add3A_30 = arith.addi %mul3A_28, %add3A_29 : i32
    "tpu.region"() ({
      %run_scoped3A = tpu.sem_alloc : memref<!tpu.dma_semaphore, #tpu.memory_space<semaphore_mem>>
      %dma_start3A_154 = arith.constant 0 : i32
      %dma_start3A_155 = arith.constant 0 : i32
      %dma_start3A_156 = tpu.memref_slice %arg9[%dma_start3A_154, %dma_start3A_155] : memref<64x128xf32, #tpu.memory_space<vmem>> -> memref<64x128xf32, #tpu.memory_space<vmem>>
      %dma_start3A_157 = arith.constant 0 : i32
      %dma_start3A_158 = tpu.memref_slice %arg11[%add3A_30, %dma_start3A_157] : memref<10240x128xf32, #tpu.memory_space<vmem_shared>> -> memref<64x128xf32, #tpu.memory_space<vmem_shared>>
      %dma_start3A_159 = arith.constant 0 : i32
      %dma_start3A_160 = tpu.memref_slice %arg11[%add3A_30, %dma_start3A_159] : memref<10240x128xf32, #tpu.memory_space<vmem_shared>> -> memref<64x128xf32, #tpu.memory_space<vmem_shared>>
      %dma_start3A_161 = arith.constant 0 : i32
      %dma_start3A_162 = arith.constant 0 : i32
      %dma_start3A_163 = tpu.memref_slice %arg9[%dma_start3A_161, %dma_start3A_162] : memref<64x128xf32, #tpu.memory_space<vmem>> -> memref<64x128xf32, #tpu.memory_space<vmem>>
      tpu.enqueue_dma source(%dma_start3A_163 : memref<64x128xf32, #tpu.memory_space<vmem>>) target(%dma_start3A_160 : memref<64x128xf32, #tpu.memory_space<vmem_shared>>) target_semaphore(%run_scoped3A : memref<!tpu.dma_semaphore, #tpu.memory_space<semaphore_mem>>)
      %dma_wait3A = arith.constant 0 : i32
      %dma_wait3A_164 = arith.constant 0 : i32
      %dma_wait3A_165 = tpu.memref_slice %arg9[%dma_wait3A, %dma_wait3A_164] : memref<64x128xf32, #tpu.memory_space<vmem>> -> memref<64x128xf32, #tpu.memory_space<vmem>>
      %dma_wait3A_166 = arith.constant 0 : i32
      %dma_wait3A_167 = tpu.memref_slice %arg11[%add3A_30, %dma_wait3A_166] : memref<10240x128xf32, #tpu.memory_space<vmem_shared>> -> memref<64x128xf32, #tpu.memory_space<vmem_shared>>
      %dma_wait3A_168 = arith.constant 0 : i32
      %dma_wait3A_169 = tpu.memref_slice %arg11[%add3A_30, %dma_wait3A_168] : memref<10240x128xf32, #tpu.memory_space<vmem_shared>> -> memref<64x128xf32, #tpu.memory_space<vmem_shared>>
      %dma_wait3A_170 = arith.constant 0 : i32
      %dma_wait3A_171 = arith.constant 0 : i32
      %dma_wait3A_172 = tpu.memref_slice %arg9[%dma_wait3A_170, %dma_wait3A_171] : memref<64x128xf32, #tpu.memory_space<vmem>> -> memref<64x128xf32, #tpu.memory_space<vmem>>
      tpu.wait_dma2 semaphore(%run_scoped3A : memref<!tpu.dma_semaphore, #tpu.memory_space<semaphore_mem>>) src(%dma_wait3A_172 : memref<64x128xf32, #tpu.memory_space<vmem>>) dst(%dma_wait3A_169 : memref<64x128xf32, #tpu.memory_space<vmem_shared>>)
      tpu.yield
    }) : () -> ()
    %mul3A_31 = arith.constant 640 : i32
    %mul3A_32 = arith.muli %arg1, %mul3A_31 : i32
    %add3A_33 = arith.constant 192 : i32
    %add3A_34 = arith.addi %mul3A_32, %add3A_33 : i32
    "tpu.region"() ({
      %run_scoped3A = tpu.sem_alloc : memref<!tpu.dma_semaphore, #tpu.memory_space<semaphore_mem>>
      %dma_start3A_154 = arith.constant 0 : i32
      %dma_start3A_155 = arith.constant 0 : i32
      %dma_start3A_156 = tpu.memref_slice %arg9[%dma_start3A_154, %dma_start3A_155] : memref<64x128xf32, #tpu.memory_space<vmem>> -> memref<64x128xf32, #tpu.memory_space<vmem>>
      %dma_start3A_157 = arith.constant 0 : i32
      %dma_start3A_158 = tpu.memref_slice %arg11[%add3A_34, %dma_start3A_157] : memref<10240x128xf32, #tpu.memory_space<vmem_shared>> -> memref<64x128xf32, #tpu.memory_space<vmem_shared>>
      %dma_start3A_159 = arith.constant 0 : i32
      %dma_start3A_160 = tpu.memref_slice %arg11[%add3A_34, %dma_start3A_159] : memref<10240x128xf32, #tpu.memory_space<vmem_shared>> -> memref<64x128xf32, #tpu.memory_space<vmem_shared>>
      %dma_start3A_161 = arith.constant 0 : i32
      %dma_start3A_162 = arith.constant 0 : i32
      %dma_start3A_163 = tpu.memref_slice %arg9[%dma_start3A_161, %dma_start3A_162] : memref<64x128xf32, #tpu.memory_space<vmem>> -> memref<64x128xf32, #tpu.memory_space<vmem>>
      tpu.enqueue_dma source(%dma_start3A_163 : memref<64x128xf32, #tpu.memory_space<vmem>>) target(%dma_start3A_160 : memref<64x128xf32, #tpu.memory_space<vmem_shared>>) target_semaphore(%run_scoped3A : memref<!tpu.dma_semaphore, #tpu.memory_space<semaphore_mem>>)
      %dma_wait3A = arith.constant 0 : i32
      %dma_wait3A_164 = arith.constant 0 : i32
      %dma_wait3A_165 = tpu.memref_slice %arg9[%dma_wait3A, %dma_wait3A_164] : memref<64x128xf32, #tpu.memory_space<vmem>> -> memref<64x128xf32, #tpu.memory_space<vmem>>
      %dma_wait3A_166 = arith.constant 0 : i32
      %dma_wait3A_167 = tpu.memref_slice %arg11[%add3A_34, %dma_wait3A_166] : memref<10240x128xf32, #tpu.memory_space<vmem_shared>> -> memref<64x128xf32, #tpu.memory_space<vmem_shared>>
      %dma_wait3A_168 = arith.constant 0 : i32
      %dma_wait3A_169 = tpu.memref_slice %arg11[%add3A_34, %dma_wait3A_168] : memref<10240x128xf32, #tpu.memory_space<vmem_shared>> -> memref<64x128xf32, #tpu.memory_space<vmem_shared>>
      %dma_wait3A_170 = arith.constant 0 : i32
      %dma_wait3A_171 = arith.constant 0 : i32
      %dma_wait3A_172 = tpu.memref_slice %arg9[%dma_wait3A_170, %dma_wait3A_171] : memref<64x128xf32, #tpu.memory_space<vmem>> -> memref<64x128xf32, #tpu.memory_space<vmem>>
      tpu.wait_dma2 semaphore(%run_scoped3A : memref<!tpu.dma_semaphore, #tpu.memory_space<semaphore_mem>>) src(%dma_wait3A_172 : memref<64x128xf32, #tpu.memory_space<vmem>>) dst(%dma_wait3A_169 : memref<64x128xf32, #tpu.memory_space<vmem_shared>>)
      tpu.yield
    }) : () -> ()
    %mul3A_35 = arith.constant 640 : i32
    %mul3A_36 = arith.muli %arg1, %mul3A_35 : i32
    %add3A_37 = arith.constant 256 : i32
    %add3A_38 = arith.addi %mul3A_36, %add3A_37 : i32
    "tpu.region"() ({
      %run_scoped3A = tpu.sem_alloc : memref<!tpu.dma_semaphore, #tpu.memory_space<semaphore_mem>>
      %dma_start3A_154 = arith.constant 0 : i32
      %dma_start3A_155 = arith.constant 0 : i32
      %dma_start3A_156 = tpu.memref_slice %arg9[%dma_start3A_154, %dma_start3A_155] : memref<64x128xf32, #tpu.memory_space<vmem>> -> memref<64x128xf32, #tpu.memory_space<vmem>>
      %dma_start3A_157 = arith.constant 0 : i32
      %dma_start3A_158 = tpu.memref_slice %arg11[%add3A_38, %dma_start3A_157] : memref<10240x128xf32, #tpu.memory_space<vmem_shared>> -> memref<64x128xf32, #tpu.memory_space<vmem_shared>>
      %dma_start3A_159 = arith.constant 0 : i32
      %dma_start3A_160 = tpu.memref_slice %arg11[%add3A_38, %dma_start3A_159] : memref<10240x128xf32, #tpu.memory_space<vmem_shared>> -> memref<64x128xf32, #tpu.memory_space<vmem_shared>>
      %dma_start3A_161 = arith.constant 0 : i32
      %dma_start3A_162 = arith.constant 0 : i32
      %dma_start3A_163 = tpu.memref_slice %arg9[%dma_start3A_161, %dma_start3A_162] : memref<64x128xf32, #tpu.memory_space<vmem>> -> memref<64x128xf32, #tpu.memory_space<vmem>>
      tpu.enqueue_dma source(%dma_start3A_163 : memref<64x128xf32, #tpu.memory_space<vmem>>) target(%dma_start3A_160 : memref<64x128xf32, #tpu.memory_space<vmem_shared>>) target_semaphore(%run_scoped3A : memref<!tpu.dma_semaphore, #tpu.memory_space<semaphore_mem>>)
      %dma_wait3A = arith.constant 0 : i32
      %dma_wait3A_164 = arith.constant 0 : i32
      %dma_wait3A_165 = tpu.memref_slice %arg9[%dma_wait3A, %dma_wait3A_164] : memref<64x128xf32, #tpu.memory_space<vmem>> -> memref<64x128xf32, #tpu.memory_space<vmem>>
      %dma_wait3A_166 = arith.constant 0 : i32
      %dma_wait3A_167 = tpu.memref_slice %arg11[%add3A_38, %dma_wait3A_166] : memref<10240x128xf32, #tpu.memory_space<vmem_shared>> -> memref<64x128xf32, #tpu.memory_space<vmem_shared>>
      %dma_wait3A_168 = arith.constant 0 : i32
      %dma_wait3A_169 = tpu.memref_slice %arg11[%add3A_38, %dma_wait3A_168] : memref<10240x128xf32, #tpu.memory_space<vmem_shared>> -> memref<64x128xf32, #tpu.memory_space<vmem_shared>>
      %dma_wait3A_170 = arith.constant 0 : i32
      %dma_wait3A_171 = arith.constant 0 : i32
      %dma_wait3A_172 = tpu.memref_slice %arg9[%dma_wait3A_170, %dma_wait3A_171] : memref<64x128xf32, #tpu.memory_space<vmem>> -> memref<64x128xf32, #tpu.memory_space<vmem>>
      tpu.wait_dma2 semaphore(%run_scoped3A : memref<!tpu.dma_semaphore, #tpu.memory_space<semaphore_mem>>) src(%dma_wait3A_172 : memref<64x128xf32, #tpu.memory_space<vmem>>) dst(%dma_wait3A_169 : memref<64x128xf32, #tpu.memory_space<vmem_shared>>)
      tpu.yield
    }) : () -> ()
    %mul3A_39 = arith.constant 640 : i32
    %mul3A_40 = arith.muli %arg1, %mul3A_39 : i32
    %add3A_41 = arith.constant 320 : i32
    %add3A_42 = arith.addi %mul3A_40, %add3A_41 : i32
    "tpu.region"() ({
      %run_scoped3A = tpu.sem_alloc : memref<!tpu.dma_semaphore, #tpu.memory_space<semaphore_mem>>
      %dma_start3A_154 = arith.constant 0 : i32
      %dma_start3A_155 = arith.constant 0 : i32
      %dma_start3A_156 = tpu.memref_slice %arg9[%dma_start3A_154, %dma_start3A_155] : memref<64x128xf32, #tpu.memory_space<vmem>> -> memref<64x128xf32, #tpu.memory_space<vmem>>
      %dma_start3A_157 = arith.constant 0 : i32
      %dma_start3A_158 = tpu.memref_slice %arg11[%add3A_42, %dma_start3A_157] : memref<10240x128xf32, #tpu.memory_space<vmem_shared>> -> memref<64x128xf32, #tpu.memory_space<vmem_shared>>
      %dma_start3A_159 = arith.constant 0 : i32
      %dma_start3A_160 = tpu.memref_slice %arg11[%add3A_42, %dma_start3A_159] : memref<10240x128xf32, #tpu.memory_space<vmem_shared>> -> memref<64x128xf32, #tpu.memory_space<vmem_shared>>
      %dma_start3A_161 = arith.constant 0 : i32
      %dma_start3A_162 = arith.constant 0 : i32
      %dma_start3A_163 = tpu.memref_slice %arg9[%dma_start3A_161, %dma_start3A_162] : memref<64x128xf32, #tpu.memory_space<vmem>> -> memref<64x128xf32, #tpu.memory_space<vmem>>
      tpu.enqueue_dma source(%dma_start3A_163 : memref<64x128xf32, #tpu.memory_space<vmem>>) target(%dma_start3A_160 : memref<64x128xf32, #tpu.memory_space<vmem_shared>>) target_semaphore(%run_scoped3A : memref<!tpu.dma_semaphore, #tpu.memory_space<semaphore_mem>>)
      %dma_wait3A = arith.constant 0 : i32
      %dma_wait3A_164 = arith.constant 0 : i32
      %dma_wait3A_165 = tpu.memref_slice %arg9[%dma_wait3A, %dma_wait3A_164] : memref<64x128xf32, #tpu.memory_space<vmem>> -> memref<64x128xf32, #tpu.memory_space<vmem>>
      %dma_wait3A_166 = arith.constant 0 : i32
      %dma_wait3A_167 = tpu.memref_slice %arg11[%add3A_42, %dma_wait3A_166] : memref<10240x128xf32, #tpu.memory_space<vmem_shared>> -> memref<64x128xf32, #tpu.memory_space<vmem_shared>>
      %dma_wait3A_168 = arith.constant 0 : i32
      %dma_wait3A_169 = tpu.memref_slice %arg11[%add3A_42, %dma_wait3A_168] : memref<10240x128xf32, #tpu.memory_space<vmem_shared>> -> memref<64x128xf32, #tpu.memory_space<vmem_shared>>
      %dma_wait3A_170 = arith.constant 0 : i32
      %dma_wait3A_171 = arith.constant 0 : i32
      %dma_wait3A_172 = tpu.memref_slice %arg9[%dma_wait3A_170, %dma_wait3A_171] : memref<64x128xf32, #tpu.memory_space<vmem>> -> memref<64x128xf32, #tpu.memory_space<vmem>>
      tpu.wait_dma2 semaphore(%run_scoped3A : memref<!tpu.dma_semaphore, #tpu.memory_space<semaphore_mem>>) src(%dma_wait3A_172 : memref<64x128xf32, #tpu.memory_space<vmem>>) dst(%dma_wait3A_169 : memref<64x128xf32, #tpu.memory_space<vmem_shared>>)
      tpu.yield
    }) : () -> ()
    %mul3A_43 = arith.constant 640 : i32
    %mul3A_44 = arith.muli %arg1, %mul3A_43 : i32
    %add3A_45 = arith.constant 384 : i32
    %add3A_46 = arith.addi %mul3A_44, %add3A_45 : i32
    "tpu.region"() ({
      %run_scoped3A = tpu.sem_alloc : memref<!tpu.dma_semaphore, #tpu.memory_space<semaphore_mem>>
      %dma_start3A_154 = arith.constant 0 : i32
      %dma_start3A_155 = arith.constant 0 : i32
      %dma_start3A_156 = tpu.memref_slice %arg9[%dma_start3A_154, %dma_start3A_155] : memref<64x128xf32, #tpu.memory_space<vmem>> -> memref<64x128xf32, #tpu.memory_space<vmem>>
      %dma_start3A_157 = arith.constant 0 : i32
      %dma_start3A_158 = tpu.memref_slice %arg11[%add3A_46, %dma_start3A_157] : memref<10240x128xf32, #tpu.memory_space<vmem_shared>> -> memref<64x128xf32, #tpu.memory_space<vmem_shared>>
      %dma_start3A_159 = arith.constant 0 : i32
      %dma_start3A_160 = tpu.memref_slice %arg11[%add3A_46, %dma_start3A_159] : memref<10240x128xf32, #tpu.memory_space<vmem_shared>> -> memref<64x128xf32, #tpu.memory_space<vmem_shared>>
      %dma_start3A_161 = arith.constant 0 : i32
      %dma_start3A_162 = arith.constant 0 : i32
      %dma_start3A_163 = tpu.memref_slice %arg9[%dma_start3A_161, %dma_start3A_162] : memref<64x128xf32, #tpu.memory_space<vmem>> -> memref<64x128xf32, #tpu.memory_space<vmem>>
      tpu.enqueue_dma source(%dma_start3A_163 : memref<64x128xf32, #tpu.memory_space<vmem>>) target(%dma_start3A_160 : memref<64x128xf32, #tpu.memory_space<vmem_shared>>) target_semaphore(%run_scoped3A : memref<!tpu.dma_semaphore, #tpu.memory_space<semaphore_mem>>)
      %dma_wait3A = arith.constant 0 : i32
      %dma_wait3A_164 = arith.constant 0 : i32
      %dma_wait3A_165 = tpu.memref_slice %arg9[%dma_wait3A, %dma_wait3A_164] : memref<64x128xf32, #tpu.memory_space<vmem>> -> memref<64x128xf32, #tpu.memory_space<vmem>>
      %dma_wait3A_166 = arith.constant 0 : i32
      %dma_wait3A_167 = tpu.memref_slice %arg11[%add3A_46, %dma_wait3A_166] : memref<10240x128xf32, #tpu.memory_space<vmem_shared>> -> memref<64x128xf32, #tpu.memory_space<vmem_shared>>
      %dma_wait3A_168 = arith.constant 0 : i32
      %dma_wait3A_169 = tpu.memref_slice %arg11[%add3A_46, %dma_wait3A_168] : memref<10240x128xf32, #tpu.memory_space<vmem_shared>> -> memref<64x128xf32, #tpu.memory_space<vmem_shared>>
      %dma_wait3A_170 = arith.constant 0 : i32
      %dma_wait3A_171 = arith.constant 0 : i32
      %dma_wait3A_172 = tpu.memref_slice %arg9[%dma_wait3A_170, %dma_wait3A_171] : memref<64x128xf32, #tpu.memory_space<vmem>> -> memref<64x128xf32, #tpu.memory_space<vmem>>
      tpu.wait_dma2 semaphore(%run_scoped3A : memref<!tpu.dma_semaphore, #tpu.memory_space<semaphore_mem>>) src(%dma_wait3A_172 : memref<64x128xf32, #tpu.memory_space<vmem>>) dst(%dma_wait3A_169 : memref<64x128xf32, #tpu.memory_space<vmem_shared>>)
      tpu.yield
    }) : () -> ()
    %mul3A_47 = arith.constant 640 : i32
    %mul3A_48 = arith.muli %arg1, %mul3A_47 : i32
    %add3A_49 = arith.constant 448 : i32
    %add3A_50 = arith.addi %mul3A_48, %add3A_49 : i32
    "tpu.region"() ({
      %run_scoped3A = tpu.sem_alloc : memref<!tpu.dma_semaphore, #tpu.memory_space<semaphore_mem>>
      %dma_start3A_154 = arith.constant 0 : i32
      %dma_start3A_155 = arith.constant 0 : i32
      %dma_start3A_156 = tpu.memref_slice %arg9[%dma_start3A_154, %dma_start3A_155] : memref<64x128xf32, #tpu.memory_space<vmem>> -> memref<64x128xf32, #tpu.memory_space<vmem>>
      %dma_start3A_157 = arith.constant 0 : i32
      %dma_start3A_158 = tpu.memref_slice %arg11[%add3A_50, %dma_start3A_157] : memref<10240x128xf32, #tpu.memory_space<vmem_shared>> -> memref<64x128xf32, #tpu.memory_space<vmem_shared>>
      %dma_start3A_159 = arith.constant 0 : i32
      %dma_start3A_160 = tpu.memref_slice %arg11[%add3A_50, %dma_start3A_159] : memref<10240x128xf32, #tpu.memory_space<vmem_shared>> -> memref<64x128xf32, #tpu.memory_space<vmem_shared>>
      %dma_start3A_161 = arith.constant 0 : i32
      %dma_start3A_162 = arith.constant 0 : i32
      %dma_start3A_163 = tpu.memref_slice %arg9[%dma_start3A_161, %dma_start3A_162] : memref<64x128xf32, #tpu.memory_space<vmem>> -> memref<64x128xf32, #tpu.memory_space<vmem>>
      tpu.enqueue_dma source(%dma_start3A_163 : memref<64x128xf32, #tpu.memory_space<vmem>>) target(%dma_start3A_160 : memref<64x128xf32, #tpu.memory_space<vmem_shared>>) target_semaphore(%run_scoped3A : memref<!tpu.dma_semaphore, #tpu.memory_space<semaphore_mem>>)
      %dma_wait3A = arith.constant 0 : i32
      %dma_wait3A_164 = arith.constant 0 : i32
      %dma_wait3A_165 = tpu.memref_slice %arg9[%dma_wait3A, %dma_wait3A_164] : memref<64x128xf32, #tpu.memory_space<vmem>> -> memref<64x128xf32, #tpu.memory_space<vmem>>
      %dma_wait3A_166 = arith.constant 0 : i32
      %dma_wait3A_167 = tpu.memref_slice %arg11[%add3A_50, %dma_wait3A_166] : memref<10240x128xf32, #tpu.memory_space<vmem_shared>> -> memref<64x128xf32, #tpu.memory_space<vmem_shared>>
      %dma_wait3A_168 = arith.constant 0 : i32
      %dma_wait3A_169 = tpu.memref_slice %arg11[%add3A_50, %dma_wait3A_168] : memref<10240x128xf32, #tpu.memory_space<vmem_shared>> -> memref<64x128xf32, #tpu.memory_space<vmem_shared>>
      %dma_wait3A_170 = arith.constant 0 : i32
      %dma_wait3A_171 = arith.constant 0 : i32
      %dma_wait3A_172 = tpu.memref_slice %arg9[%dma_wait3A_170, %dma_wait3A_171] : memref<64x128xf32, #tpu.memory_space<vmem>> -> memref<64x128xf32, #tpu.memory_space<vmem>>
      tpu.wait_dma2 semaphore(%run_scoped3A : memref<!tpu.dma_semaphore, #tpu.memory_space<semaphore_mem>>) src(%dma_wait3A_172 : memref<64x128xf32, #tpu.memory_space<vmem>>) dst(%dma_wait3A_169 : memref<64x128xf32, #tpu.memory_space<vmem_shared>>)
      tpu.yield
    }) : () -> ()
    %mul3A_51 = arith.constant 640 : i32
    %mul3A_52 = arith.muli %arg1, %mul3A_51 : i32
    %add3A_53 = arith.constant 512 : i32
    %add3A_54 = arith.addi %mul3A_52, %add3A_53 : i32
    "tpu.region"() ({
      %run_scoped3A = tpu.sem_alloc : memref<!tpu.dma_semaphore, #tpu.memory_space<semaphore_mem>>
      %dma_start3A_154 = arith.constant 0 : i32
      %dma_start3A_155 = arith.constant 0 : i32
      %dma_start3A_156 = tpu.memref_slice %arg9[%dma_start3A_154, %dma_start3A_155] : memref<64x128xf32, #tpu.memory_space<vmem>> -> memref<64x128xf32, #tpu.memory_space<vmem>>
      %dma_start3A_157 = arith.constant 0 : i32
      %dma_start3A_158 = tpu.memref_slice %arg11[%add3A_54, %dma_start3A_157] : memref<10240x128xf32, #tpu.memory_space<vmem_shared>> -> memref<64x128xf32, #tpu.memory_space<vmem_shared>>
      %dma_start3A_159 = arith.constant 0 : i32
      %dma_start3A_160 = tpu.memref_slice %arg11[%add3A_54, %dma_start3A_159] : memref<10240x128xf32, #tpu.memory_space<vmem_shared>> -> memref<64x128xf32, #tpu.memory_space<vmem_shared>>
      %dma_start3A_161 = arith.constant 0 : i32
      %dma_start3A_162 = arith.constant 0 : i32
      %dma_start3A_163 = tpu.memref_slice %arg9[%dma_start3A_161, %dma_start3A_162] : memref<64x128xf32, #tpu.memory_space<vmem>> -> memref<64x128xf32, #tpu.memory_space<vmem>>
      tpu.enqueue_dma source(%dma_start3A_163 : memref<64x128xf32, #tpu.memory_space<vmem>>) target(%dma_start3A_160 : memref<64x128xf32, #tpu.memory_space<vmem_shared>>) target_semaphore(%run_scoped3A : memref<!tpu.dma_semaphore, #tpu.memory_space<semaphore_mem>>)
      %dma_wait3A = arith.constant 0 : i32
      %dma_wait3A_164 = arith.constant 0 : i32
      %dma_wait3A_165 = tpu.memref_slice %arg9[%dma_wait3A, %dma_wait3A_164] : memref<64x128xf32, #tpu.memory_space<vmem>> -> memref<64x128xf32, #tpu.memory_space<vmem>>
      %dma_wait3A_166 = arith.constant 0 : i32
      %dma_wait3A_167 = tpu.memref_slice %arg11[%add3A_54, %dma_wait3A_166] : memref<10240x128xf32, #tpu.memory_space<vmem_shared>> -> memref<64x128xf32, #tpu.memory_space<vmem_shared>>
      %dma_wait3A_168 = arith.constant 0 : i32
      %dma_wait3A_169 = tpu.memref_slice %arg11[%add3A_54, %dma_wait3A_168] : memref<10240x128xf32, #tpu.memory_space<vmem_shared>> -> memref<64x128xf32, #tpu.memory_space<vmem_shared>>
      %dma_wait3A_170 = arith.constant 0 : i32
      %dma_wait3A_171 = arith.constant 0 : i32
      %dma_wait3A_172 = tpu.memref_slice %arg9[%dma_wait3A_170, %dma_wait3A_171] : memref<64x128xf32, #tpu.memory_space<vmem>> -> memref<64x128xf32, #tpu.memory_space<vmem>>
      tpu.wait_dma2 semaphore(%run_scoped3A : memref<!tpu.dma_semaphore, #tpu.memory_space<semaphore_mem>>) src(%dma_wait3A_172 : memref<64x128xf32, #tpu.memory_space<vmem>>) dst(%dma_wait3A_169 : memref<64x128xf32, #tpu.memory_space<vmem_shared>>)
      tpu.yield
    }) : () -> ()
    %mul3A_55 = arith.constant 640 : i32
    %mul3A_56 = arith.muli %arg1, %mul3A_55 : i32
    %add3A_57 = arith.constant 576 : i32
    %add3A_58 = arith.addi %mul3A_56, %add3A_57 : i32
    "tpu.region"() ({
      %run_scoped3A = tpu.sem_alloc : memref<!tpu.dma_semaphore, #tpu.memory_space<semaphore_mem>>
      %dma_start3A_154 = arith.constant 0 : i32
      %dma_start3A_155 = arith.constant 0 : i32
      %dma_start3A_156 = tpu.memref_slice %arg9[%dma_start3A_154, %dma_start3A_155] : memref<64x128xf32, #tpu.memory_space<vmem>> -> memref<64x128xf32, #tpu.memory_space<vmem>>
      %dma_start3A_157 = arith.constant 0 : i32
      %dma_start3A_158 = tpu.memref_slice %arg11[%add3A_58, %dma_start3A_157] : memref<10240x128xf32, #tpu.memory_space<vmem_shared>> -> memref<64x128xf32, #tpu.memory_space<vmem_shared>>
      %dma_start3A_159 = arith.constant 0 : i32
      %dma_start3A_160 = tpu.memref_slice %arg11[%add3A_58, %dma_start3A_159] : memref<10240x128xf32, #tpu.memory_space<vmem_shared>> -> memref<64x128xf32, #tpu.memory_space<vmem_shared>>
      %dma_start3A_161 = arith.constant 0 : i32
      %dma_start3A_162 = arith.constant 0 : i32
      %dma_start3A_163 = tpu.memref_slice %arg9[%dma_start3A_161, %dma_start3A_162] : memref<64x128xf32, #tpu.memory_space<vmem>> -> memref<64x128xf32, #tpu.memory_space<vmem>>
      tpu.enqueue_dma source(%dma_start3A_163 : memref<64x128xf32, #tpu.memory_space<vmem>>) target(%dma_start3A_160 : memref<64x128xf32, #tpu.memory_space<vmem_shared>>) target_semaphore(%run_scoped3A : memref<!tpu.dma_semaphore, #tpu.memory_space<semaphore_mem>>)
      %dma_wait3A = arith.constant 0 : i32
      %dma_wait3A_164 = arith.constant 0 : i32
      %dma_wait3A_165 = tpu.memref_slice %arg9[%dma_wait3A, %dma_wait3A_164] : memref<64x128xf32, #tpu.memory_space<vmem>> -> memref<64x128xf32, #tpu.memory_space<vmem>>
      %dma_wait3A_166 = arith.constant 0 : i32
      %dma_wait3A_167 = tpu.memref_slice %arg11[%add3A_58, %dma_wait3A_166] : memref<10240x128xf32, #tpu.memory_space<vmem_shared>> -> memref<64x128xf32, #tpu.memory_space<vmem_shared>>
      %dma_wait3A_168 = arith.constant 0 : i32
      %dma_wait3A_169 = tpu.memref_slice %arg11[%add3A_58, %dma_wait3A_168] : memref<10240x128xf32, #tpu.memory_space<vmem_shared>> -> memref<64x128xf32, #tpu.memory_space<vmem_shared>>
      %dma_wait3A_170 = arith.constant 0 : i32
      %dma_wait3A_171 = arith.constant 0 : i32
      %dma_wait3A_172 = tpu.memref_slice %arg9[%dma_wait3A_170, %dma_wait3A_171] : memref<64x128xf32, #tpu.memory_space<vmem>> -> memref<64x128xf32, #tpu.memory_space<vmem>>
      tpu.wait_dma2 semaphore(%run_scoped3A : memref<!tpu.dma_semaphore, #tpu.memory_space<semaphore_mem>>) src(%dma_wait3A_172 : memref<64x128xf32, #tpu.memory_space<vmem>>) dst(%dma_wait3A_169 : memref<64x128xf32, #tpu.memory_space<vmem_shared>>)
      tpu.yield
    }) : () -> ()
    %mul3A_59 = arith.constant 640 : i32
    %mul3A_60 = arith.muli %arg1, %mul3A_59 : i32
    %add3A_61 = arith.constant 0 : i32
    %add3A_62 = arith.addi %mul3A_60, %add3A_61 : i32
    "tpu.region"() ({
      %run_scoped3A = tpu.sem_alloc : memref<!tpu.dma_semaphore, #tpu.memory_space<semaphore_mem>>
      %dma_start3A_154 = arith.constant 0 : i32
      %dma_start3A_155 = tpu.memref_slice %arg15[%dma_start3A_154] : memref<64xf32, #tpu.memory_space<vmem>> -> memref<64xf32, #tpu.memory_space<vmem>>
      %dma_start3A_156 = tpu.memref_slice %arg16[%add3A_62] : memref<10240xf32, #tpu.memory_space<vmem_shared>> -> memref<64xf32, #tpu.memory_space<vmem_shared>>
      %dma_start3A_157 = tpu.memref_slice %arg16[%add3A_62] : memref<10240xf32, #tpu.memory_space<vmem_shared>> -> memref<64xf32, #tpu.memory_space<vmem_shared>>
      %dma_start3A_158 = arith.constant 0 : i32
      %dma_start3A_159 = tpu.memref_slice %arg15[%dma_start3A_158] : memref<64xf32, #tpu.memory_space<vmem>> -> memref<64xf32, #tpu.memory_space<vmem>>
      tpu.enqueue_dma source(%dma_start3A_159 : memref<64xf32, #tpu.memory_space<vmem>>) target(%dma_start3A_157 : memref<64xf32, #tpu.memory_space<vmem_shared>>) target_semaphore(%run_scoped3A : memref<!tpu.dma_semaphore, #tpu.memory_space<semaphore_mem>>)
      %dma_wait3A = arith.constant 0 : i32
      %dma_wait3A_160 = tpu.memref_slice %arg15[%dma_wait3A] : memref<64xf32, #tpu.memory_space<vmem>> -> memref<64xf32, #tpu.memory_space<vmem>>
      %dma_wait3A_161 = tpu.memref_slice %arg16[%add3A_62] : memref<10240xf32, #tpu.memory_space<vmem_shared>> -> memref<64xf32, #tpu.memory_space<vmem_shared>>
      %dma_wait3A_162 = tpu.memref_slice %arg16[%add3A_62] : memref<10240xf32, #tpu.memory_space<vmem_shared>> -> memref<64xf32, #tpu.memory_space<vmem_shared>>
      %dma_wait3A_163 = arith.constant 0 : i32
      %dma_wait3A_164 = tpu.memref_slice %arg15[%dma_wait3A_163] : memref<64xf32, #tpu.memory_space<vmem>> -> memref<64xf32, #tpu.memory_space<vmem>>
      tpu.wait_dma2 semaphore(%run_scoped3A : memref<!tpu.dma_semaphore, #tpu.memory_space<semaphore_mem>>) src(%dma_wait3A_164 : memref<64xf32, #tpu.memory_space<vmem>>) dst(%dma_wait3A_162 : memref<64xf32, #tpu.memory_space<vmem_shared>>)
      tpu.yield
    }) : () -> ()
    %mul3A_63 = arith.constant 640 : i32
    %mul3A_64 = arith.muli %arg1, %mul3A_63 : i32
    %add3A_65 = arith.constant 64 : i32
    %add3A_66 = arith.addi %mul3A_64, %add3A_65 : i32
    "tpu.region"() ({
      %run_scoped3A = tpu.sem_alloc : memref<!tpu.dma_semaphore, #tpu.memory_space<semaphore_mem>>
      %dma_start3A_154 = arith.constant 0 : i32
      %dma_start3A_155 = tpu.memref_slice %arg15[%dma_start3A_154] : memref<64xf32, #tpu.memory_space<vmem>> -> memref<64xf32, #tpu.memory_space<vmem>>
      %dma_start3A_156 = tpu.memref_slice %arg16[%add3A_66] : memref<10240xf32, #tpu.memory_space<vmem_shared>> -> memref<64xf32, #tpu.memory_space<vmem_shared>>
      %dma_start3A_157 = tpu.memref_slice %arg16[%add3A_66] : memref<10240xf32, #tpu.memory_space<vmem_shared>> -> memref<64xf32, #tpu.memory_space<vmem_shared>>
      %dma_start3A_158 = arith.constant 0 : i32
      %dma_start3A_159 = tpu.memref_slice %arg15[%dma_start3A_158] : memref<64xf32, #tpu.memory_space<vmem>> -> memref<64xf32, #tpu.memory_space<vmem>>
      tpu.enqueue_dma source(%dma_start3A_159 : memref<64xf32, #tpu.memory_space<vmem>>) target(%dma_start3A_157 : memref<64xf32, #tpu.memory_space<vmem_shared>>) target_semaphore(%run_scoped3A : memref<!tpu.dma_semaphore, #tpu.memory_space<semaphore_mem>>)
      %dma_wait3A = arith.constant 0 : i32
      %dma_wait3A_160 = tpu.memref_slice %arg15[%dma_wait3A] : memref<64xf32, #tpu.memory_space<vmem>> -> memref<64xf32, #tpu.memory_space<vmem>>
      %dma_wait3A_161 = tpu.memref_slice %arg16[%add3A_66] : memref<10240xf32, #tpu.memory_space<vmem_shared>> -> memref<64xf32, #tpu.memory_space<vmem_shared>>
      %dma_wait3A_162 = tpu.memref_slice %arg16[%add3A_66] : memref<10240xf32, #tpu.memory_space<vmem_shared>> -> memref<64xf32, #tpu.memory_space<vmem_shared>>
      %dma_wait3A_163 = arith.constant 0 : i32
      %dma_wait3A_164 = tpu.memref_slice %arg15[%dma_wait3A_163] : memref<64xf32, #tpu.memory_space<vmem>> -> memref<64xf32, #tpu.memory_space<vmem>>
      tpu.wait_dma2 semaphore(%run_scoped3A : memref<!tpu.dma_semaphore, #tpu.memory_space<semaphore_mem>>) src(%dma_wait3A_164 : memref<64xf32, #tpu.memory_space<vmem>>) dst(%dma_wait3A_162 : memref<64xf32, #tpu.memory_space<vmem_shared>>)
      tpu.yield
    }) : () -> ()
    %mul3A_67 = arith.constant 640 : i32
    %mul3A_68 = arith.muli %arg1, %mul3A_67 : i32
    %add3A_69 = arith.constant 128 : i32
    %add3A_70 = arith.addi %mul3A_68, %add3A_69 : i32
    "tpu.region"() ({
      %run_scoped3A = tpu.sem_alloc : memref<!tpu.dma_semaphore, #tpu.memory_space<semaphore_mem>>
      %dma_start3A_154 = arith.constant 0 : i32
      %dma_start3A_155 = tpu.memref_slice %arg15[%dma_start3A_154] : memref<64xf32, #tpu.memory_space<vmem>> -> memref<64xf32, #tpu.memory_space<vmem>>
      %dma_start3A_156 = tpu.memref_slice %arg16[%add3A_70] : memref<10240xf32, #tpu.memory_space<vmem_shared>> -> memref<64xf32, #tpu.memory_space<vmem_shared>>
      %dma_start3A_157 = tpu.memref_slice %arg16[%add3A_70] : memref<10240xf32, #tpu.memory_space<vmem_shared>> -> memref<64xf32, #tpu.memory_space<vmem_shared>>
      %dma_start3A_158 = arith.constant 0 : i32
      %dma_start3A_159 = tpu.memref_slice %arg15[%dma_start3A_158] : memref<64xf32, #tpu.memory_space<vmem>> -> memref<64xf32, #tpu.memory_space<vmem>>
      tpu.enqueue_dma source(%dma_start3A_159 : memref<64xf32, #tpu.memory_space<vmem>>) target(%dma_start3A_157 : memref<64xf32, #tpu.memory_space<vmem_shared>>) target_semaphore(%run_scoped3A : memref<!tpu.dma_semaphore, #tpu.memory_space<semaphore_mem>>)
      %dma_wait3A = arith.constant 0 : i32
      %dma_wait3A_160 = tpu.memref_slice %arg15[%dma_wait3A] : memref<64xf32, #tpu.memory_space<vmem>> -> memref<64xf32, #tpu.memory_space<vmem>>
      %dma_wait3A_161 = tpu.memref_slice %arg16[%add3A_70] : memref<10240xf32, #tpu.memory_space<vmem_shared>> -> memref<64xf32, #tpu.memory_space<vmem_shared>>
      %dma_wait3A_162 = tpu.memref_slice %arg16[%add3A_70] : memref<10240xf32, #tpu.memory_space<vmem_shared>> -> memref<64xf32, #tpu.memory_space<vmem_shared>>
      %dma_wait3A_163 = arith.constant 0 : i32
      %dma_wait3A_164 = tpu.memref_slice %arg15[%dma_wait3A_163] : memref<64xf32, #tpu.memory_space<vmem>> -> memref<64xf32, #tpu.memory_space<vmem>>
      tpu.wait_dma2 semaphore(%run_scoped3A : memref<!tpu.dma_semaphore, #tpu.memory_space<semaphore_mem>>) src(%dma_wait3A_164 : memref<64xf32, #tpu.memory_space<vmem>>) dst(%dma_wait3A_162 : memref<64xf32, #tpu.memory_space<vmem_shared>>)
      tpu.yield
    }) : () -> ()
    %mul3A_71 = arith.constant 640 : i32
    %mul3A_72 = arith.muli %arg1, %mul3A_71 : i32
    %add3A_73 = arith.constant 192 : i32
    %add3A_74 = arith.addi %mul3A_72, %add3A_73 : i32
    "tpu.region"() ({
      %run_scoped3A = tpu.sem_alloc : memref<!tpu.dma_semaphore, #tpu.memory_space<semaphore_mem>>
      %dma_start3A_154 = arith.constant 0 : i32
      %dma_start3A_155 = tpu.memref_slice %arg15[%dma_start3A_154] : memref<64xf32, #tpu.memory_space<vmem>> -> memref<64xf32, #tpu.memory_space<vmem>>
      %dma_start3A_156 = tpu.memref_slice %arg16[%add3A_74] : memref<10240xf32, #tpu.memory_space<vmem_shared>> -> memref<64xf32, #tpu.memory_space<vmem_shared>>
      %dma_start3A_157 = tpu.memref_slice %arg16[%add3A_74] : memref<10240xf32, #tpu.memory_space<vmem_shared>> -> memref<64xf32, #tpu.memory_space<vmem_shared>>
      %dma_start3A_158 = arith.constant 0 : i32
      %dma_start3A_159 = tpu.memref_slice %arg15[%dma_start3A_158] : memref<64xf32, #tpu.memory_space<vmem>> -> memref<64xf32, #tpu.memory_space<vmem>>
      tpu.enqueue_dma source(%dma_start3A_159 : memref<64xf32, #tpu.memory_space<vmem>>) target(%dma_start3A_157 : memref<64xf32, #tpu.memory_space<vmem_shared>>) target_semaphore(%run_scoped3A : memref<!tpu.dma_semaphore, #tpu.memory_space<semaphore_mem>>)
      %dma_wait3A = arith.constant 0 : i32
      %dma_wait3A_160 = tpu.memref_slice %arg15[%dma_wait3A] : memref<64xf32, #tpu.memory_space<vmem>> -> memref<64xf32, #tpu.memory_space<vmem>>
      %dma_wait3A_161 = tpu.memref_slice %arg16[%add3A_74] : memref<10240xf32, #tpu.memory_space<vmem_shared>> -> memref<64xf32, #tpu.memory_space<vmem_shared>>
      %dma_wait3A_162 = tpu.memref_slice %arg16[%add3A_74] : memref<10240xf32, #tpu.memory_space<vmem_shared>> -> memref<64xf32, #tpu.memory_space<vmem_shared>>
      %dma_wait3A_163 = arith.constant 0 : i32
      %dma_wait3A_164 = tpu.memref_slice %arg15[%dma_wait3A_163] : memref<64xf32, #tpu.memory_space<vmem>> -> memref<64xf32, #tpu.memory_space<vmem>>
      tpu.wait_dma2 semaphore(%run_scoped3A : memref<!tpu.dma_semaphore, #tpu.memory_space<semaphore_mem>>) src(%dma_wait3A_164 : memref<64xf32, #tpu.memory_space<vmem>>) dst(%dma_wait3A_162 : memref<64xf32, #tpu.memory_space<vmem_shared>>)
      tpu.yield
    }) : () -> ()
    %mul3A_75 = arith.constant 640 : i32
    %mul3A_76 = arith.muli %arg1, %mul3A_75 : i32
    %add3A_77 = arith.constant 256 : i32
    %add3A_78 = arith.addi %mul3A_76, %add3A_77 : i32
    "tpu.region"() ({
      %run_scoped3A = tpu.sem_alloc : memref<!tpu.dma_semaphore, #tpu.memory_space<semaphore_mem>>
      %dma_start3A_154 = arith.constant 0 : i32
      %dma_start3A_155 = tpu.memref_slice %arg15[%dma_start3A_154] : memref<64xf32, #tpu.memory_space<vmem>> -> memref<64xf32, #tpu.memory_space<vmem>>
      %dma_start3A_156 = tpu.memref_slice %arg16[%add3A_78] : memref<10240xf32, #tpu.memory_space<vmem_shared>> -> memref<64xf32, #tpu.memory_space<vmem_shared>>
      %dma_start3A_157 = tpu.memref_slice %arg16[%add3A_78] : memref<10240xf32, #tpu.memory_space<vmem_shared>> -> memref<64xf32, #tpu.memory_space<vmem_shared>>
      %dma_start3A_158 = arith.constant 0 : i32
      %dma_start3A_159 = tpu.memref_slice %arg15[%dma_start3A_158] : memref<64xf32, #tpu.memory_space<vmem>> -> memref<64xf32, #tpu.memory_space<vmem>>
      tpu.enqueue_dma source(%dma_start3A_159 : memref<64xf32, #tpu.memory_space<vmem>>) target(%dma_start3A_157 : memref<64xf32, #tpu.memory_space<vmem_shared>>) target_semaphore(%run_scoped3A : memref<!tpu.dma_semaphore, #tpu.memory_space<semaphore_mem>>)
      %dma_wait3A = arith.constant 0 : i32
      %dma_wait3A_160 = tpu.memref_slice %arg15[%dma_wait3A] : memref<64xf32, #tpu.memory_space<vmem>> -> memref<64xf32, #tpu.memory_space<vmem>>
      %dma_wait3A_161 = tpu.memref_slice %arg16[%add3A_78] : memref<10240xf32, #tpu.memory_space<vmem_shared>> -> memref<64xf32, #tpu.memory_space<vmem_shared>>
      %dma_wait3A_162 = tpu.memref_slice %arg16[%add3A_78] : memref<10240xf32, #tpu.memory_space<vmem_shared>> -> memref<64xf32, #tpu.memory_space<vmem_shared>>
      %dma_wait3A_163 = arith.constant 0 : i32
      %dma_wait3A_164 = tpu.memref_slice %arg15[%dma_wait3A_163] : memref<64xf32, #tpu.memory_space<vmem>> -> memref<64xf32, #tpu.memory_space<vmem>>
      tpu.wait_dma2 semaphore(%run_scoped3A : memref<!tpu.dma_semaphore, #tpu.memory_space<semaphore_mem>>) src(%dma_wait3A_164 : memref<64xf32, #tpu.memory_space<vmem>>) dst(%dma_wait3A_162 : memref<64xf32, #tpu.memory_space<vmem_shared>>)
      tpu.yield
    }) : () -> ()
    %mul3A_79 = arith.constant 640 : i32
    %mul3A_80 = arith.muli %arg1, %mul3A_79 : i32
    %add3A_81 = arith.constant 320 : i32
    %add3A_82 = arith.addi %mul3A_80, %add3A_81 : i32
    "tpu.region"() ({
      %run_scoped3A = tpu.sem_alloc : memref<!tpu.dma_semaphore, #tpu.memory_space<semaphore_mem>>
      %dma_start3A_154 = arith.constant 0 : i32
      %dma_start3A_155 = tpu.memref_slice %arg15[%dma_start3A_154] : memref<64xf32, #tpu.memory_space<vmem>> -> memref<64xf32, #tpu.memory_space<vmem>>
      %dma_start3A_156 = tpu.memref_slice %arg16[%add3A_82] : memref<10240xf32, #tpu.memory_space<vmem_shared>> -> memref<64xf32, #tpu.memory_space<vmem_shared>>
      %dma_start3A_157 = tpu.memref_slice %arg16[%add3A_82] : memref<10240xf32, #tpu.memory_space<vmem_shared>> -> memref<64xf32, #tpu.memory_space<vmem_shared>>
      %dma_start3A_158 = arith.constant 0 : i32
      %dma_start3A_159 = tpu.memref_slice %arg15[%dma_start3A_158] : memref<64xf32, #tpu.memory_space<vmem>> -> memref<64xf32, #tpu.memory_space<vmem>>
      tpu.enqueue_dma source(%dma_start3A_159 : memref<64xf32, #tpu.memory_space<vmem>>) target(%dma_start3A_157 : memref<64xf32, #tpu.memory_space<vmem_shared>>) target_semaphore(%run_scoped3A : memref<!tpu.dma_semaphore, #tpu.memory_space<semaphore_mem>>)
      %dma_wait3A = arith.constant 0 : i32
      %dma_wait3A_160 = tpu.memref_slice %arg15[%dma_wait3A] : memref<64xf32, #tpu.memory_space<vmem>> -> memref<64xf32, #tpu.memory_space<vmem>>
      %dma_wait3A_161 = tpu.memref_slice %arg16[%add3A_82] : memref<10240xf32, #tpu.memory_space<vmem_shared>> -> memref<64xf32, #tpu.memory_space<vmem_shared>>
      %dma_wait3A_162 = tpu.memref_slice %arg16[%add3A_82] : memref<10240xf32, #tpu.memory_space<vmem_shared>> -> memref<64xf32, #tpu.memory_space<vmem_shared>>
      %dma_wait3A_163 = arith.constant 0 : i32
      %dma_wait3A_164 = tpu.memref_slice %arg15[%dma_wait3A_163] : memref<64xf32, #tpu.memory_space<vmem>> -> memref<64xf32, #tpu.memory_space<vmem>>
      tpu.wait_dma2 semaphore(%run_scoped3A : memref<!tpu.dma_semaphore, #tpu.memory_space<semaphore_mem>>) src(%dma_wait3A_164 : memref<64xf32, #tpu.memory_space<vmem>>) dst(%dma_wait3A_162 : memref<64xf32, #tpu.memory_space<vmem_shared>>)
      tpu.yield
    }) : () -> ()
    %mul3A_83 = arith.constant 640 : i32
    %mul3A_84 = arith.muli %arg1, %mul3A_83 : i32
    %add3A_85 = arith.constant 384 : i32
    %add3A_86 = arith.addi %mul3A_84, %add3A_85 : i32
    "tpu.region"() ({
      %run_scoped3A = tpu.sem_alloc : memref<!tpu.dma_semaphore, #tpu.memory_space<semaphore_mem>>
      %dma_start3A_154 = arith.constant 0 : i32
      %dma_start3A_155 = tpu.memref_slice %arg15[%dma_start3A_154] : memref<64xf32, #tpu.memory_space<vmem>> -> memref<64xf32, #tpu.memory_space<vmem>>
      %dma_start3A_156 = tpu.memref_slice %arg16[%add3A_86] : memref<10240xf32, #tpu.memory_space<vmem_shared>> -> memref<64xf32, #tpu.memory_space<vmem_shared>>
      %dma_start3A_157 = tpu.memref_slice %arg16[%add3A_86] : memref<10240xf32, #tpu.memory_space<vmem_shared>> -> memref<64xf32, #tpu.memory_space<vmem_shared>>
      %dma_start3A_158 = arith.constant 0 : i32
      %dma_start3A_159 = tpu.memref_slice %arg15[%dma_start3A_158] : memref<64xf32, #tpu.memory_space<vmem>> -> memref<64xf32, #tpu.memory_space<vmem>>
      tpu.enqueue_dma source(%dma_start3A_159 : memref<64xf32, #tpu.memory_space<vmem>>) target(%dma_start3A_157 : memref<64xf32, #tpu.memory_space<vmem_shared>>) target_semaphore(%run_scoped3A : memref<!tpu.dma_semaphore, #tpu.memory_space<semaphore_mem>>)
      %dma_wait3A = arith.constant 0 : i32
      %dma_wait3A_160 = tpu.memref_slice %arg15[%dma_wait3A] : memref<64xf32, #tpu.memory_space<vmem>> -> memref<64xf32, #tpu.memory_space<vmem>>
      %dma_wait3A_161 = tpu.memref_slice %arg16[%add3A_86] : memref<10240xf32, #tpu.memory_space<vmem_shared>> -> memref<64xf32, #tpu.memory_space<vmem_shared>>
      %dma_wait3A_162 = tpu.memref_slice %arg16[%add3A_86] : memref<10240xf32, #tpu.memory_space<vmem_shared>> -> memref<64xf32, #tpu.memory_space<vmem_shared>>
      %dma_wait3A_163 = arith.constant 0 : i32
      %dma_wait3A_164 = tpu.memref_slice %arg15[%dma_wait3A_163] : memref<64xf32, #tpu.memory_space<vmem>> -> memref<64xf32, #tpu.memory_space<vmem>>
      tpu.wait_dma2 semaphore(%run_scoped3A : memref<!tpu.dma_semaphore, #tpu.memory_space<semaphore_mem>>) src(%dma_wait3A_164 : memref<64xf32, #tpu.memory_space<vmem>>) dst(%dma_wait3A_162 : memref<64xf32, #tpu.memory_space<vmem_shared>>)
      tpu.yield
    }) : () -> ()
    %mul3A_87 = arith.constant 640 : i32
    %mul3A_88 = arith.muli %arg1, %mul3A_87 : i32
    %add3A_89 = arith.constant 448 : i32
    %add3A_90 = arith.addi %mul3A_88, %add3A_89 : i32
    "tpu.region"() ({
      %run_scoped3A = tpu.sem_alloc : memref<!tpu.dma_semaphore, #tpu.memory_space<semaphore_mem>>
      %dma_start3A_154 = arith.constant 0 : i32
      %dma_start3A_155 = tpu.memref_slice %arg15[%dma_start3A_154] : memref<64xf32, #tpu.memory_space<vmem>> -> memref<64xf32, #tpu.memory_space<vmem>>
      %dma_start3A_156 = tpu.memref_slice %arg16[%add3A_90] : memref<10240xf32, #tpu.memory_space<vmem_shared>> -> memref<64xf32, #tpu.memory_space<vmem_shared>>
      %dma_start3A_157 = tpu.memref_slice %arg16[%add3A_90] : memref<10240xf32, #tpu.memory_space<vmem_shared>> -> memref<64xf32, #tpu.memory_space<vmem_shared>>
      %dma_start3A_158 = arith.constant 0 : i32
      %dma_start3A_159 = tpu.memref_slice %arg15[%dma_start3A_158] : memref<64xf32, #tpu.memory_space<vmem>> -> memref<64xf32, #tpu.memory_space<vmem>>
      tpu.enqueue_dma source(%dma_start3A_159 : memref<64xf32, #tpu.memory_space<vmem>>) target(%dma_start3A_157 : memref<64xf32, #tpu.memory_space<vmem_shared>>) target_semaphore(%run_scoped3A : memref<!tpu.dma_semaphore, #tpu.memory_space<semaphore_mem>>)
      %dma_wait3A = arith.constant 0 : i32
      %dma_wait3A_160 = tpu.memref_slice %arg15[%dma_wait3A] : memref<64xf32, #tpu.memory_space<vmem>> -> memref<64xf32, #tpu.memory_space<vmem>>
      %dma_wait3A_161 = tpu.memref_slice %arg16[%add3A_90] : memref<10240xf32, #tpu.memory_space<vmem_shared>> -> memref<64xf32, #tpu.memory_space<vmem_shared>>
      %dma_wait3A_162 = tpu.memref_slice %arg16[%add3A_90] : memref<10240xf32, #tpu.memory_space<vmem_shared>> -> memref<64xf32, #tpu.memory_space<vmem_shared>>
      %dma_wait3A_163 = arith.constant 0 : i32
      %dma_wait3A_164 = tpu.memref_slice %arg15[%dma_wait3A_163] : memref<64xf32, #tpu.memory_space<vmem>> -> memref<64xf32, #tpu.memory_space<vmem>>
      tpu.wait_dma2 semaphore(%run_scoped3A : memref<!tpu.dma_semaphore, #tpu.memory_space<semaphore_mem>>) src(%dma_wait3A_164 : memref<64xf32, #tpu.memory_space<vmem>>) dst(%dma_wait3A_162 : memref<64xf32, #tpu.memory_space<vmem_shared>>)
      tpu.yield
    }) : () -> ()
    %mul3A_91 = arith.constant 640 : i32
    %mul3A_92 = arith.muli %arg1, %mul3A_91 : i32
    %add3A_93 = arith.constant 512 : i32
    %add3A_94 = arith.addi %mul3A_92, %add3A_93 : i32
    "tpu.region"() ({
      %run_scoped3A = tpu.sem_alloc : memref<!tpu.dma_semaphore, #tpu.memory_space<semaphore_mem>>
      %dma_start3A_154 = arith.constant 0 : i32
      %dma_start3A_155 = tpu.memref_slice %arg15[%dma_start3A_154] : memref<64xf32, #tpu.memory_space<vmem>> -> memref<64xf32, #tpu.memory_space<vmem>>
      %dma_start3A_156 = tpu.memref_slice %arg16[%add3A_94] : memref<10240xf32, #tpu.memory_space<vmem_shared>> -> memref<64xf32, #tpu.memory_space<vmem_shared>>
      %dma_start3A_157 = tpu.memref_slice %arg16[%add3A_94] : memref<10240xf32, #tpu.memory_space<vmem_shared>> -> memref<64xf32, #tpu.memory_space<vmem_shared>>
      %dma_start3A_158 = arith.constant 0 : i32
      %dma_start3A_159 = tpu.memref_slice %arg15[%dma_start3A_158] : memref<64xf32, #tpu.memory_space<vmem>> -> memref<64xf32, #tpu.memory_space<vmem>>
      tpu.enqueue_dma source(%dma_start3A_159 : memref<64xf32, #tpu.memory_space<vmem>>) target(%dma_start3A_157 : memref<64xf32, #tpu.memory_space<vmem_shared>>) target_semaphore(%run_scoped3A : memref<!tpu.dma_semaphore, #tpu.memory_space<semaphore_mem>>)
      %dma_wait3A = arith.constant 0 : i32
      %dma_wait3A_160 = tpu.memref_slice %arg15[%dma_wait3A] : memref<64xf32, #tpu.memory_space<vmem>> -> memref<64xf32, #tpu.memory_space<vmem>>
      %dma_wait3A_161 = tpu.memref_slice %arg16[%add3A_94] : memref<10240xf32, #tpu.memory_space<vmem_shared>> -> memref<64xf32, #tpu.memory_space<vmem_shared>>
      %dma_wait3A_162 = tpu.memref_slice %arg16[%add3A_94] : memref<10240xf32, #tpu.memory_space<vmem_shared>> -> memref<64xf32, #tpu.memory_space<vmem_shared>>
      %dma_wait3A_163 = arith.constant 0 : i32
      %dma_wait3A_164 = tpu.memref_slice %arg15[%dma_wait3A_163] : memref<64xf32, #tpu.memory_space<vmem>> -> memref<64xf32, #tpu.memory_space<vmem>>
      tpu.wait_dma2 semaphore(%run_scoped3A : memref<!tpu.dma_semaphore, #tpu.memory_space<semaphore_mem>>) src(%dma_wait3A_164 : memref<64xf32, #tpu.memory_space<vmem>>) dst(%dma_wait3A_162 : memref<64xf32, #tpu.memory_space<vmem_shared>>)
      tpu.yield
    }) : () -> ()
    %mul3A_95 = arith.constant 640 : i32
    %mul3A_96 = arith.muli %arg1, %mul3A_95 : i32
    %add3A_97 = arith.constant 576 : i32
    %add3A_98 = arith.addi %mul3A_96, %add3A_97 : i32
    "tpu.region"() ({
      %run_scoped3A = tpu.sem_alloc : memref<!tpu.dma_semaphore, #tpu.memory_space<semaphore_mem>>
      %dma_start3A_154 = arith.constant 0 : i32
      %dma_start3A_155 = tpu.memref_slice %arg15[%dma_start3A_154] : memref<64xf32, #tpu.memory_space<vmem>> -> memref<64xf32, #tpu.memory_space<vmem>>
      %dma_start3A_156 = tpu.memref_slice %arg16[%add3A_98] : memref<10240xf32, #tpu.memory_space<vmem_shared>> -> memref<64xf32, #tpu.memory_space<vmem_shared>>
      %dma_start3A_157 = tpu.memref_slice %arg16[%add3A_98] : memref<10240xf32, #tpu.memory_space<vmem_shared>> -> memref<64xf32, #tpu.memory_space<vmem_shared>>
      %dma_start3A_158 = arith.constant 0 : i32
      %dma_start3A_159 = tpu.memref_slice %arg15[%dma_start3A_158] : memref<64xf32, #tpu.memory_space<vmem>> -> memref<64xf32, #tpu.memory_space<vmem>>
      tpu.enqueue_dma source(%dma_start3A_159 : memref<64xf32, #tpu.memory_space<vmem>>) target(%dma_start3A_157 : memref<64xf32, #tpu.memory_space<vmem_shared>>) target_semaphore(%run_scoped3A : memref<!tpu.dma_semaphore, #tpu.memory_space<semaphore_mem>>)
      %dma_wait3A = arith.constant 0 : i32
      %dma_wait3A_160 = tpu.memref_slice %arg15[%dma_wait3A] : memref<64xf32, #tpu.memory_space<vmem>> -> memref<64xf32, #tpu.memory_space<vmem>>
      %dma_wait3A_161 = tpu.memref_slice %arg16[%add3A_98] : memref<10240xf32, #tpu.memory_space<vmem_shared>> -> memref<64xf32, #tpu.memory_space<vmem_shared>>
      %dma_wait3A_162 = tpu.memref_slice %arg16[%add3A_98] : memref<10240xf32, #tpu.memory_space<vmem_shared>> -> memref<64xf32, #tpu.memory_space<vmem_shared>>
      %dma_wait3A_163 = arith.constant 0 : i32
      %dma_wait3A_164 = tpu.memref_slice %arg15[%dma_wait3A_163] : memref<64xf32, #tpu.memory_space<vmem>> -> memref<64xf32, #tpu.memory_space<vmem>>
      tpu.wait_dma2 semaphore(%run_scoped3A : memref<!tpu.dma_semaphore, #tpu.memory_space<semaphore_mem>>) src(%dma_wait3A_164 : memref<64xf32, #tpu.memory_space<vmem>>) dst(%dma_wait3A_162 : memref<64xf32, #tpu.memory_space<vmem_shared>>)
      tpu.yield
    }) : () -> ()
    %barrier3A = arith.constant 0 : index
    tpu.barrier barrier_id(%barrier3A)
    %dma_start3A = arith.constant 0 : i32
    %dma_start3A_99 = tpu.memref_slice %arg7[%dma_start3A] : memref<10112xi32, #tpu.memory_space<vmem>> -> memref<64xi32, #tpu.memory_space<vmem>>
    %dma_start3A_100 = arith.constant 0 : i32
    %dma_start3A_101 = arith.constant 0 : i32
    %dma_start3A_102 = tpu.memref_slice %arg2[%dma_start3A_100, %dma_start3A_101] : memref<10000x128xf32, #tpu.memory_space<hbm>> -> memref<10000x128xf32, #tpu.memory_space<hbm>>
    tpu.enqueue_indirect_dma source(%dma_start3A_102 : memref<10000x128xf32, #tpu.memory_space<hbm>>) target(%arg9 : memref<64x128xf32, #tpu.memory_space<vmem>>) offsets(%dma_start3A_99 : memref<64xi32, #tpu.memory_space<vmem>>) semaphore(%arg12 : memref<!tpu.dma_semaphore, #tpu.memory_space<semaphore_mem>>)
    %scan3A_103 = arith.constant 0 : i32
    %scan3A_104 = arith.constant 0 : i32
    %scan3A_105 = arith.constant 79 : i32
    %scan3A_106 = arith.addi %scan3A_104, %scan3A_105 : i32
    %scan3A_107 = arith.constant 1 : i32
    scf.for %scan3A_154 = %scan3A_104 to %scan3A_106 step %scan3A_107  : i32 {
      %mul3A_155 = arith.constant 2 : i32
      %mul3A_156 = arith.muli %mul3A_155, %scan3A_154 : i32
      %add3A_157 = arith.constant 1 : i32
      %add3A_158 = arith.addi %mul3A_156, %add3A_157 : i32
      %mul3A_159 = arith.constant 64 : i32
      %mul3A_160 = arith.muli %add3A_158, %mul3A_159 : i32
      %dma_start3A_161 = tpu.memref_slice %arg7[%mul3A_160] : memref<10112xi32, #tpu.memory_space<vmem>> -> memref<64xi32, #tpu.memory_space<vmem>>
      %dma_start3A_162 = arith.constant 0 : i32
      %dma_start3A_163 = arith.constant 0 : i32
      %dma_start3A_164 = tpu.memref_slice %arg2[%dma_start3A_162, %dma_start3A_163] : memref<10000x128xf32, #tpu.memory_space<hbm>> -> memref<10000x128xf32, #tpu.memory_space<hbm>>
      tpu.enqueue_indirect_dma source(%dma_start3A_164 : memref<10000x128xf32, #tpu.memory_space<hbm>>) target(%arg10 : memref<64x128xf32, #tpu.memory_space<vmem>>) offsets(%dma_start3A_161 : memref<64xi32, #tpu.memory_space<vmem>>) semaphore(%arg13 : memref<!tpu.dma_semaphore, #tpu.memory_space<semaphore_mem>>)
      %mul3A_165 = arith.constant 64 : i32
      %mul3A_166 = arith.muli %mul3A_156, %mul3A_165 : i32
      %dma_wait3A = tpu.memref_slice %arg7[%mul3A_166] : memref<10112xi32, #tpu.memory_space<vmem>> -> memref<64xi32, #tpu.memory_space<vmem>>
      %dma_wait3A_167 = arith.constant 0 : i32
      %dma_wait3A_168 = arith.constant 0 : i32
      %dma_wait3A_169 = tpu.memref_slice %arg2[%dma_wait3A_167, %dma_wait3A_168] : memref<10000x128xf32, #tpu.memory_space<hbm>> -> memref<10000x128xf32, #tpu.memory_space<hbm>>
      tpu.wait_indirect_dma semaphore(%arg12 : memref<!tpu.dma_semaphore, #tpu.memory_space<semaphore_mem>>) src(%dma_wait3A_169 : memref<10000x128xf32, #tpu.memory_space<hbm>>) dst(%arg9 : memref<64x128xf32, #tpu.memory_space<vmem>>)
      "tpu.region"() ({
        %run_scoped3A = tpu.sem_alloc : memref<!tpu.dma_semaphore, #tpu.memory_space<semaphore_mem>>
        %dma_start3A_182 = arith.constant 0 : i32
        %dma_start3A_183 = tpu.memref_slice %arg8[%mul3A_156, %dma_start3A_182] : memref<158x64xi32, #tpu.memory_space<vmem>> -> memref<1x64xi32, #tpu.memory_space<vmem>>
        %dma_start3A_184 = tpu.memref_squeeze %dma_start3A_183 : memref<1x64xi32, #tpu.memory_space<vmem>> -> memref<64xi32, #tpu.memory_space<vmem>>
        %dma_start3A_185 = arith.constant 0 : i32
        %dma_start3A_186 = arith.constant 0 : i32
        %dma_start3A_187 = tpu.memref_slice %arg11[%dma_start3A_185, %dma_start3A_186] : memref<10240x128xf32, #tpu.memory_space<vmem_shared>> -> memref<10240x128xf32, #tpu.memory_space<vmem_shared>>
        tpu.enqueue_indirect_dma source(%arg9 : memref<64x128xf32, #tpu.memory_space<vmem>>) target(%dma_start3A_187 : memref<10240x128xf32, #tpu.memory_space<vmem_shared>>) offsets(%dma_start3A_184 : memref<64xi32, #tpu.memory_space<vmem>>) semaphore(%run_scoped3A : memref<!tpu.dma_semaphore, #tpu.memory_space<semaphore_mem>>) {add = true}
        %dma_wait3A_188 = arith.constant 0 : i32
        %dma_wait3A_189 = tpu.memref_slice %arg8[%mul3A_156, %dma_wait3A_188] : memref<158x64xi32, #tpu.memory_space<vmem>> -> memref<1x64xi32, #tpu.memory_space<vmem>>
        %dma_wait3A_190 = tpu.memref_squeeze %dma_wait3A_189 : memref<1x64xi32, #tpu.memory_space<vmem>> -> memref<64xi32, #tpu.memory_space<vmem>>
        %dma_wait3A_191 = arith.constant 0 : i32
        %dma_wait3A_192 = arith.constant 0 : i32
        %dma_wait3A_193 = tpu.memref_slice %arg11[%dma_wait3A_191, %dma_wait3A_192] : memref<10240x128xf32, #tpu.memory_space<vmem_shared>> -> memref<10240x128xf32, #tpu.memory_space<vmem_shared>>
        tpu.wait_indirect_dma semaphore(%run_scoped3A : memref<!tpu.dma_semaphore, #tpu.memory_space<semaphore_mem>>) src(%arg9 : memref<64x128xf32, #tpu.memory_space<vmem>>) dst(%dma_wait3A_193 : memref<10240x128xf32, #tpu.memory_space<vmem_shared>>)
        tpu.yield
      }) : () -> ()
      "tpu.region"() ({
        %run_scoped3A = tpu.sem_alloc : memref<!tpu.dma_semaphore, #tpu.memory_space<semaphore_mem>>
        %dma_start3A_182 = arith.constant 0 : i32
        %dma_start3A_183 = tpu.memref_slice %arg8[%mul3A_156, %dma_start3A_182] : memref<158x64xi32, #tpu.memory_space<vmem>> -> memref<1x64xi32, #tpu.memory_space<vmem>>
        %dma_start3A_184 = tpu.memref_squeeze %dma_start3A_183 : memref<1x64xi32, #tpu.memory_space<vmem>> -> memref<64xi32, #tpu.memory_space<vmem>>
        %dma_start3A_185 = arith.constant 0 : i32
        %dma_start3A_186 = tpu.memref_slice %arg16[%dma_start3A_185] : memref<10240xf32, #tpu.memory_space<vmem_shared>> -> memref<10240xf32, #tpu.memory_space<vmem_shared>>
        tpu.enqueue_indirect_dma source(%arg14 : memref<64xf32, #tpu.memory_space<vmem>>) target(%dma_start3A_186 : memref<10240xf32, #tpu.memory_space<vmem_shared>>) offsets(%dma_start3A_184 : memref<64xi32, #tpu.memory_space<vmem>>) semaphore(%run_scoped3A : memref<!tpu.dma_semaphore, #tpu.memory_space<semaphore_mem>>) {add = true}
        %dma_wait3A_187 = arith.constant 0 : i32
        %dma_wait3A_188 = tpu.memref_slice %arg8[%mul3A_156, %dma_wait3A_187] : memref<158x64xi32, #tpu.memory_space<vmem>> -> memref<1x64xi32, #tpu.memory_space<vmem>>
        %dma_wait3A_189 = tpu.memref_squeeze %dma_wait3A_188 : memref<1x64xi32, #tpu.memory_space<vmem>> -> memref<64xi32, #tpu.memory_space<vmem>>
        %dma_wait3A_190 = arith.constant 0 : i32
        %dma_wait3A_191 = tpu.memref_slice %arg16[%dma_wait3A_190] : memref<10240xf32, #tpu.memory_space<vmem_shared>> -> memref<10240xf32, #tpu.memory_space<vmem_shared>>
        tpu.wait_indirect_dma semaphore(%run_scoped3A : memref<!tpu.dma_semaphore, #tpu.memory_space<semaphore_mem>>) src(%arg14 : memref<64xf32, #tpu.memory_space<vmem>>) dst(%dma_wait3A_191 : memref<10240xf32, #tpu.memory_space<vmem_shared>>)
        tpu.yield
      }) : () -> ()
      %lt3A = arith.constant 78 : i32
      %lt3A_170 = arith.cmpi slt, %scan3A_154, %lt3A : i32
      %convert_element_type3A = arith.extui %lt3A_170 : i1 to i32
      %cond3A = arith.constant 0 : i32
      %cond3A_171 = arith.cmpi ne, %convert_element_type3A, %cond3A : i32
      scf.if %cond3A_171 {
        %add3A_182 = arith.constant 2 : i32
        %add3A_183 = arith.addi %mul3A_156, %add3A_182 : i32
        %mul3A_184 = arith.constant 64 : i32
        %mul3A_185 = arith.muli %add3A_183, %mul3A_184 : i32
        %dma_start3A_186 = tpu.memref_slice %arg7[%mul3A_185] : memref<10112xi32, #tpu.memory_space<vmem>> -> memref<64xi32, #tpu.memory_space<vmem>>
        %dma_start3A_187 = arith.constant 0 : i32
        %dma_start3A_188 = arith.constant 0 : i32
        %dma_start3A_189 = tpu.memref_slice %arg2[%dma_start3A_187, %dma_start3A_188] : memref<10000x128xf32, #tpu.memory_space<hbm>> -> memref<10000x128xf32, #tpu.memory_space<hbm>>
        tpu.enqueue_indirect_dma source(%dma_start3A_189 : memref<10000x128xf32, #tpu.memory_space<hbm>>) target(%arg9 : memref<64x128xf32, #tpu.memory_space<vmem>>) offsets(%dma_start3A_186 : memref<64xi32, #tpu.memory_space<vmem>>) semaphore(%arg12 : memref<!tpu.dma_semaphore, #tpu.memory_space<semaphore_mem>>)
      } else {
      }
      %add3A_172 = arith.constant 1 : i32
      %add3A_173 = arith.addi %mul3A_156, %add3A_172 : i32
      %mul3A_174 = arith.constant 64 : i32
      %mul3A_175 = arith.muli %add3A_173, %mul3A_174 : i32
      %dma_wait3A_176 = tpu.memref_slice %arg7[%mul3A_175] : memref<10112xi32, #tpu.memory_space<vmem>> -> memref<64xi32, #tpu.memory_space<vmem>>
      %dma_wait3A_177 = arith.constant 0 : i32
      %dma_wait3A_178 = arith.constant 0 : i32
      %dma_wait3A_179 = tpu.memref_slice %arg2[%dma_wait3A_177, %dma_wait3A_178] : memref<10000x128xf32, #tpu.memory_space<hbm>> -> memref<10000x128xf32, #tpu.memory_space<hbm>>
      tpu.wait_indirect_dma semaphore(%arg13 : memref<!tpu.dma_semaphore, #tpu.memory_space<semaphore_mem>>) src(%dma_wait3A_179 : memref<10000x128xf32, #tpu.memory_space<hbm>>) dst(%arg10 : memref<64x128xf32, #tpu.memory_space<vmem>>)
      %add3A_180 = arith.constant 1 : i32
      %add3A_181 = arith.addi %mul3A_156, %add3A_180 : i32
      "tpu.region"() ({
        %run_scoped3A = tpu.sem_alloc : memref<!tpu.dma_semaphore, #tpu.memory_space<semaphore_mem>>
        %dma_start3A_182 = arith.constant 0 : i32
        %dma_start3A_183 = tpu.memref_slice %arg8[%add3A_181, %dma_start3A_182] : memref<158x64xi32, #tpu.memory_space<vmem>> -> memref<1x64xi32, #tpu.memory_space<vmem>>
        %dma_start3A_184 = tpu.memref_squeeze %dma_start3A_183 : memref<1x64xi32, #tpu.memory_space<vmem>> -> memref<64xi32, #tpu.memory_space<vmem>>
        %dma_start3A_185 = arith.constant 0 : i32
        %dma_start3A_186 = arith.constant 0 : i32
        %dma_start3A_187 = tpu.memref_slice %arg11[%dma_start3A_185, %dma_start3A_186] : memref<10240x128xf32, #tpu.memory_space<vmem_shared>> -> memref<10240x128xf32, #tpu.memory_space<vmem_shared>>
        tpu.enqueue_indirect_dma source(%arg10 : memref<64x128xf32, #tpu.memory_space<vmem>>) target(%dma_start3A_187 : memref<10240x128xf32, #tpu.memory_space<vmem_shared>>) offsets(%dma_start3A_184 : memref<64xi32, #tpu.memory_space<vmem>>) semaphore(%run_scoped3A : memref<!tpu.dma_semaphore, #tpu.memory_space<semaphore_mem>>) {add = true}
        %dma_wait3A_188 = arith.constant 0 : i32
        %dma_wait3A_189 = tpu.memref_slice %arg8[%add3A_181, %dma_wait3A_188] : memref<158x64xi32, #tpu.memory_space<vmem>> -> memref<1x64xi32, #tpu.memory_space<vmem>>
        %dma_wait3A_190 = tpu.memref_squeeze %dma_wait3A_189 : memref<1x64xi32, #tpu.memory_space<vmem>> -> memref<64xi32, #tpu.memory_space<vmem>>
        %dma_wait3A_191 = arith.constant 0 : i32
        %dma_wait3A_192 = arith.constant 0 : i32
        %dma_wait3A_193 = tpu.memref_slice %arg11[%dma_wait3A_191, %dma_wait3A_192] : memref<10240x128xf32, #tpu.memory_space<vmem_shared>> -> memref<10240x128xf32, #tpu.memory_space<vmem_shared>>
        tpu.wait_indirect_dma semaphore(%run_scoped3A : memref<!tpu.dma_semaphore, #tpu.memory_space<semaphore_mem>>) src(%arg10 : memref<64x128xf32, #tpu.memory_space<vmem>>) dst(%dma_wait3A_193 : memref<10240x128xf32, #tpu.memory_space<vmem_shared>>)
        tpu.yield
      }) : () -> ()
      "tpu.region"() ({
        %run_scoped3A = tpu.sem_alloc : memref<!tpu.dma_semaphore, #tpu.memory_space<semaphore_mem>>
        %dma_start3A_182 = arith.constant 0 : i32
        %dma_start3A_183 = tpu.memref_slice %arg8[%add3A_181, %dma_start3A_182] : memref<158x64xi32, #tpu.memory_space<vmem>> -> memref<1x64xi32, #tpu.memory_space<vmem>>
        %dma_start3A_184 = tpu.memref_squeeze %dma_start3A_183 : memref<1x64xi32, #tpu.memory_space<vmem>> -> memref<64xi32, #tpu.memory_space<vmem>>
        %dma_start3A_185 = arith.constant 0 : i32
        %dma_start3A_186 = tpu.memref_slice %arg16[%dma_start3A_185] : memref<10240xf32, #tpu.memory_space<vmem_shared>> -> memref<10240xf32, #tpu.memory_space<vmem_shared>>
        tpu.enqueue_indirect_dma source(%arg14 : memref<64xf32, #tpu.memory_space<vmem>>) target(%dma_start3A_186 : memref<10240xf32, #tpu.memory_space<vmem_shared>>) offsets(%dma_start3A_184 : memref<64xi32, #tpu.memory_space<vmem>>) semaphore(%run_scoped3A : memref<!tpu.dma_semaphore, #tpu.memory_space<semaphore_mem>>) {add = true}
        %dma_wait3A_187 = arith.constant 0 : i32
        %dma_wait3A_188 = tpu.memref_slice %arg8[%add3A_181, %dma_wait3A_187] : memref<158x64xi32, #tpu.memory_space<vmem>> -> memref<1x64xi32, #tpu.memory_space<vmem>>
        %dma_wait3A_189 = tpu.memref_squeeze %dma_wait3A_188 : memref<1x64xi32, #tpu.memory_space<vmem>> -> memref<64xi32, #tpu.memory_space<vmem>>
        %dma_wait3A_190 = arith.constant 0 : i32
        %dma_wait3A_191 = tpu.memref_slice %arg16[%dma_wait3A_190] : memref<10240xf32, #tpu.memory_space<vmem_shared>> -> memref<10240xf32, #tpu.memory_space<vmem_shared>>
        tpu.wait_indirect_dma semaphore(%run_scoped3A : memref<!tpu.dma_semaphore, #tpu.memory_space<semaphore_mem>>) src(%arg14 : memref<64xf32, #tpu.memory_space<vmem>>) dst(%dma_wait3A_191 : memref<10240xf32, #tpu.memory_space<vmem_shared>>)
        tpu.yield
      }) : () -> ()
    }
    %scan3A_108 = arith.constant 79 : i32
    %barrier3A_109 = arith.constant 0 : index
    tpu.barrier barrier_id(%barrier3A_109)
    %mul3A_110 = arith.constant 640 : i32
    %mul3A_111 = arith.muli %arg1, %mul3A_110 : i32
    %add3A_112 = arith.constant 0 : i32
    %add3A_113 = arith.addi %mul3A_111, %add3A_112 : i32
    "tpu.region"() ({
      %run_scoped3A = tpu.sem_alloc : memref<!tpu.dma_semaphore, #tpu.memory_space<semaphore_mem>>
      %dma_start3A_154 = arith.constant 0 : i32
      %dma_start3A_155 = tpu.memref_slice %arg5[%arg0, %add3A_113, %dma_start3A_154] : memref<2x10240x128xf32, #tpu.memory_space<hbm>> -> memref<1x64x128xf32, #tpu.memory_space<hbm>>
      %dma_start3A_156 = tpu.memref_squeeze %dma_start3A_155 : memref<1x64x128xf32, #tpu.memory_space<hbm>> -> memref<64x128xf32, #tpu.memory_space<hbm>>
      %dma_start3A_157 = arith.constant 0 : i32
      %dma_start3A_158 = tpu.memref_slice %arg11[%add3A_113, %dma_start3A_157] : memref<10240x128xf32, #tpu.memory_space<vmem_shared>> -> memref<64x128xf32, #tpu.memory_space<vmem_shared>>
      tpu.enqueue_dma source(%dma_start3A_158 : memref<64x128xf32, #tpu.memory_space<vmem_shared>>) target(%dma_start3A_156 : memref<64x128xf32, #tpu.memory_space<hbm>>) target_semaphore(%run_scoped3A : memref<!tpu.dma_semaphore, #tpu.memory_space<semaphore_mem>>)
      %dma_wait3A = arith.constant 0 : i32
      %dma_wait3A_159 = tpu.memref_slice %arg5[%arg0, %add3A_113, %dma_wait3A] : memref<2x10240x128xf32, #tpu.memory_space<hbm>> -> memref<1x64x128xf32, #tpu.memory_space<hbm>>
      %dma_wait3A_160 = tpu.memref_squeeze %dma_wait3A_159 : memref<1x64x128xf32, #tpu.memory_space<hbm>> -> memref<64x128xf32, #tpu.memory_space<hbm>>
      %dma_wait3A_161 = arith.constant 0 : i32
      %dma_wait3A_162 = tpu.memref_slice %arg11[%add3A_113, %dma_wait3A_161] : memref<10240x128xf32, #tpu.memory_space<vmem_shared>> -> memref<64x128xf32, #tpu.memory_space<vmem_shared>>
      tpu.wait_dma2 semaphore(%run_scoped3A : memref<!tpu.dma_semaphore, #tpu.memory_space<semaphore_mem>>) src(%dma_wait3A_162 : memref<64x128xf32, #tpu.memory_space<vmem_shared>>) dst(%dma_wait3A_160 : memref<64x128xf32, #tpu.memory_space<hbm>>)
      tpu.yield
    }) : () -> ()
    %mul3A_114 = arith.constant 640 : i32
    %mul3A_115 = arith.muli %arg1, %mul3A_114 : i32
    %add3A_116 = arith.constant 64 : i32
    %add3A_117 = arith.addi %mul3A_115, %add3A_116 : i32
    "tpu.region"() ({
      %run_scoped3A = tpu.sem_alloc : memref<!tpu.dma_semaphore, #tpu.memory_space<semaphore_mem>>
      %dma_start3A_154 = arith.constant 0 : i32
      %dma_start3A_155 = tpu.memref_slice %arg5[%arg0, %add3A_117, %dma_start3A_154] : memref<2x10240x128xf32, #tpu.memory_space<hbm>> -> memref<1x64x128xf32, #tpu.memory_space<hbm>>
      %dma_start3A_156 = tpu.memref_squeeze %dma_start3A_155 : memref<1x64x128xf32, #tpu.memory_space<hbm>> -> memref<64x128xf32, #tpu.memory_space<hbm>>
      %dma_start3A_157 = arith.constant 0 : i32
      %dma_start3A_158 = tpu.memref_slice %arg11[%add3A_117, %dma_start3A_157] : memref<10240x128xf32, #tpu.memory_space<vmem_shared>> -> memref<64x128xf32, #tpu.memory_space<vmem_shared>>
      tpu.enqueue_dma source(%dma_start3A_158 : memref<64x128xf32, #tpu.memory_space<vmem_shared>>) target(%dma_start3A_156 : memref<64x128xf32, #tpu.memory_space<hbm>>) target_semaphore(%run_scoped3A : memref<!tpu.dma_semaphore, #tpu.memory_space<semaphore_mem>>)
      %dma_wait3A = arith.constant 0 : i32
      %dma_wait3A_159 = tpu.memref_slice %arg5[%arg0, %add3A_117, %dma_wait3A] : memref<2x10240x128xf32, #tpu.memory_space<hbm>> -> memref<1x64x128xf32, #tpu.memory_space<hbm>>
      %dma_wait3A_160 = tpu.memref_squeeze %dma_wait3A_159 : memref<1x64x128xf32, #tpu.memory_space<hbm>> -> memref<64x128xf32, #tpu.memory_space<hbm>>
      %dma_wait3A_161 = arith.constant 0 : i32
      %dma_wait3A_162 = tpu.memref_slice %arg11[%add3A_117, %dma_wait3A_161] : memref<10240x128xf32, #tpu.memory_space<vmem_shared>> -> memref<64x128xf32, #tpu.memory_space<vmem_shared>>
      tpu.wait_dma2 semaphore(%run_scoped3A : memref<!tpu.dma_semaphore, #tpu.memory_space<semaphore_mem>>) src(%dma_wait3A_162 : memref<64x128xf32, #tpu.memory_space<vmem_shared>>) dst(%dma_wait3A_160 : memref<64x128xf32, #tpu.memory_space<hbm>>)
      tpu.yield
    }) : () -> ()
    %mul3A_118 = arith.constant 640 : i32
    %mul3A_119 = arith.muli %arg1, %mul3A_118 : i32
    %add3A_120 = arith.constant 128 : i32
    %add3A_121 = arith.addi %mul3A_119, %add3A_120 : i32
    "tpu.region"() ({
      %run_scoped3A = tpu.sem_alloc : memref<!tpu.dma_semaphore, #tpu.memory_space<semaphore_mem>>
      %dma_start3A_154 = arith.constant 0 : i32
      %dma_start3A_155 = tpu.memref_slice %arg5[%arg0, %add3A_121, %dma_start3A_154] : memref<2x10240x128xf32, #tpu.memory_space<hbm>> -> memref<1x64x128xf32, #tpu.memory_space<hbm>>
      %dma_start3A_156 = tpu.memref_squeeze %dma_start3A_155 : memref<1x64x128xf32, #tpu.memory_space<hbm>> -> memref<64x128xf32, #tpu.memory_space<hbm>>
      %dma_start3A_157 = arith.constant 0 : i32
      %dma_start3A_158 = tpu.memref_slice %arg11[%add3A_121, %dma_start3A_157] : memref<10240x128xf32, #tpu.memory_space<vmem_shared>> -> memref<64x128xf32, #tpu.memory_space<vmem_shared>>
      tpu.enqueue_dma source(%dma_start3A_158 : memref<64x128xf32, #tpu.memory_space<vmem_shared>>) target(%dma_start3A_156 : memref<64x128xf32, #tpu.memory_space<hbm>>) target_semaphore(%run_scoped3A : memref<!tpu.dma_semaphore, #tpu.memory_space<semaphore_mem>>)
      %dma_wait3A = arith.constant 0 : i32
      %dma_wait3A_159 = tpu.memref_slice %arg5[%arg0, %add3A_121, %dma_wait3A] : memref<2x10240x128xf32, #tpu.memory_space<hbm>> -> memref<1x64x128xf32, #tpu.memory_space<hbm>>
      %dma_wait3A_160 = tpu.memref_squeeze %dma_wait3A_159 : memref<1x64x128xf32, #tpu.memory_space<hbm>> -> memref<64x128xf32, #tpu.memory_space<hbm>>
      %dma_wait3A_161 = arith.constant 0 : i32
      %dma_wait3A_162 = tpu.memref_slice %arg11[%add3A_121, %dma_wait3A_161] : memref<10240x128xf32, #tpu.memory_space<vmem_shared>> -> memref<64x128xf32, #tpu.memory_space<vmem_shared>>
      tpu.wait_dma2 semaphore(%run_scoped3A : memref<!tpu.dma_semaphore, #tpu.memory_space<semaphore_mem>>) src(%dma_wait3A_162 : memref<64x128xf32, #tpu.memory_space<vmem_shared>>) dst(%dma_wait3A_160 : memref<64x128xf32, #tpu.memory_space<hbm>>)
      tpu.yield
    }) : () -> ()
    %mul3A_122 = arith.constant 640 : i32
    %mul3A_123 = arith.muli %arg1, %mul3A_122 : i32
    %add3A_124 = arith.constant 192 : i32
    %add3A_125 = arith.addi %mul3A_123, %add3A_124 : i32
    "tpu.region"() ({
      %run_scoped3A = tpu.sem_alloc : memref<!tpu.dma_semaphore, #tpu.memory_space<semaphore_mem>>
      %dma_start3A_154 = arith.constant 0 : i32
      %dma_start3A_155 = tpu.memref_slice %arg5[%arg0, %add3A_125, %dma_start3A_154] : memref<2x10240x128xf32, #tpu.memory_space<hbm>> -> memref<1x64x128xf32, #tpu.memory_space<hbm>>
      %dma_start3A_156 = tpu.memref_squeeze %dma_start3A_155 : memref<1x64x128xf32, #tpu.memory_space<hbm>> -> memref<64x128xf32, #tpu.memory_space<hbm>>
      %dma_start3A_157 = arith.constant 0 : i32
      %dma_start3A_158 = tpu.memref_slice %arg11[%add3A_125, %dma_start3A_157] : memref<10240x128xf32, #tpu.memory_space<vmem_shared>> -> memref<64x128xf32, #tpu.memory_space<vmem_shared>>
      tpu.enqueue_dma source(%dma_start3A_158 : memref<64x128xf32, #tpu.memory_space<vmem_shared>>) target(%dma_start3A_156 : memref<64x128xf32, #tpu.memory_space<hbm>>) target_semaphore(%run_scoped3A : memref<!tpu.dma_semaphore, #tpu.memory_space<semaphore_mem>>)
      %dma_wait3A = arith.constant 0 : i32
      %dma_wait3A_159 = tpu.memref_slice %arg5[%arg0, %add3A_125, %dma_wait3A] : memref<2x10240x128xf32, #tpu.memory_space<hbm>> -> memref<1x64x128xf32, #tpu.memory_space<hbm>>
      %dma_wait3A_160 = tpu.memref_squeeze %dma_wait3A_159 : memref<1x64x128xf32, #tpu.memory_space<hbm>> -> memref<64x128xf32, #tpu.memory_space<hbm>>
      %dma_wait3A_161 = arith.constant 0 : i32
      %dma_wait3A_162 = tpu.memref_slice %arg11[%add3A_125, %dma_wait3A_161] : memref<10240x128xf32, #tpu.memory_space<vmem_shared>> -> memref<64x128xf32, #tpu.memory_space<vmem_shared>>
      tpu.wait_dma2 semaphore(%run_scoped3A : memref<!tpu.dma_semaphore, #tpu.memory_space<semaphore_mem>>) src(%dma_wait3A_162 : memref<64x128xf32, #tpu.memory_space<vmem_shared>>) dst(%dma_wait3A_160 : memref<64x128xf32, #tpu.memory_space<hbm>>)
      tpu.yield
    }) : () -> ()
    %mul3A_126 = arith.constant 640 : i32
    %mul3A_127 = arith.muli %arg1, %mul3A_126 : i32
    %add3A_128 = arith.constant 256 : i32
    %add3A_129 = arith.addi %mul3A_127, %add3A_128 : i32
    "tpu.region"() ({
      %run_scoped3A = tpu.sem_alloc : memref<!tpu.dma_semaphore, #tpu.memory_space<semaphore_mem>>
      %dma_start3A_154 = arith.constant 0 : i32
      %dma_start3A_155 = tpu.memref_slice %arg5[%arg0, %add3A_129, %dma_start3A_154] : memref<2x10240x128xf32, #tpu.memory_space<hbm>> -> memref<1x64x128xf32, #tpu.memory_space<hbm>>
      %dma_start3A_156 = tpu.memref_squeeze %dma_start3A_155 : memref<1x64x128xf32, #tpu.memory_space<hbm>> -> memref<64x128xf32, #tpu.memory_space<hbm>>
      %dma_start3A_157 = arith.constant 0 : i32
      %dma_start3A_158 = tpu.memref_slice %arg11[%add3A_129, %dma_start3A_157] : memref<10240x128xf32, #tpu.memory_space<vmem_shared>> -> memref<64x128xf32, #tpu.memory_space<vmem_shared>>
      tpu.enqueue_dma source(%dma_start3A_158 : memref<64x128xf32, #tpu.memory_space<vmem_shared>>) target(%dma_start3A_156 : memref<64x128xf32, #tpu.memory_space<hbm>>) target_semaphore(%run_scoped3A : memref<!tpu.dma_semaphore, #tpu.memory_space<semaphore_mem>>)
      %dma_wait3A = arith.constant 0 : i32
      %dma_wait3A_159 = tpu.memref_slice %arg5[%arg0, %add3A_129, %dma_wait3A] : memref<2x10240x128xf32, #tpu.memory_space<hbm>> -> memref<1x64x128xf32, #tpu.memory_space<hbm>>
      %dma_wait3A_160 = tpu.memref_squeeze %dma_wait3A_159 : memref<1x64x128xf32, #tpu.memory_space<hbm>> -> memref<64x128xf32, #tpu.memory_space<hbm>>
      %dma_wait3A_161 = arith.constant 0 : i32
      %dma_wait3A_162 = tpu.memref_slice %arg11[%add3A_129, %dma_wait3A_161] : memref<10240x128xf32, #tpu.memory_space<vmem_shared>> -> memref<64x128xf32, #tpu.memory_space<vmem_shared>>
      tpu.wait_dma2 semaphore(%run_scoped3A : memref<!tpu.dma_semaphore, #tpu.memory_space<semaphore_mem>>) src(%dma_wait3A_162 : memref<64x128xf32, #tpu.memory_space<vmem_shared>>) dst(%dma_wait3A_160 : memref<64x128xf32, #tpu.memory_space<hbm>>)
      tpu.yield
    }) : () -> ()
    %mul3A_130 = arith.constant 640 : i32
    %mul3A_131 = arith.muli %arg1, %mul3A_130 : i32
    %add3A_132 = arith.constant 320 : i32
    %add3A_133 = arith.addi %mul3A_131, %add3A_132 : i32
    "tpu.region"() ({
      %run_scoped3A = tpu.sem_alloc : memref<!tpu.dma_semaphore, #tpu.memory_space<semaphore_mem>>
      %dma_start3A_154 = arith.constant 0 : i32
      %dma_start3A_155 = tpu.memref_slice %arg5[%arg0, %add3A_133, %dma_start3A_154] : memref<2x10240x128xf32, #tpu.memory_space<hbm>> -> memref<1x64x128xf32, #tpu.memory_space<hbm>>
      %dma_start3A_156 = tpu.memref_squeeze %dma_start3A_155 : memref<1x64x128xf32, #tpu.memory_space<hbm>> -> memref<64x128xf32, #tpu.memory_space<hbm>>
      %dma_start3A_157 = arith.constant 0 : i32
      %dma_start3A_158 = tpu.memref_slice %arg11[%add3A_133, %dma_start3A_157] : memref<10240x128xf32, #tpu.memory_space<vmem_shared>> -> memref<64x128xf32, #tpu.memory_space<vmem_shared>>
      tpu.enqueue_dma source(%dma_start3A_158 : memref<64x128xf32, #tpu.memory_space<vmem_shared>>) target(%dma_start3A_156 : memref<64x128xf32, #tpu.memory_space<hbm>>) target_semaphore(%run_scoped3A : memref<!tpu.dma_semaphore, #tpu.memory_space<semaphore_mem>>)
      %dma_wait3A = arith.constant 0 : i32
      %dma_wait3A_159 = tpu.memref_slice %arg5[%arg0, %add3A_133, %dma_wait3A] : memref<2x10240x128xf32, #tpu.memory_space<hbm>> -> memref<1x64x128xf32, #tpu.memory_space<hbm>>
      %dma_wait3A_160 = tpu.memref_squeeze %dma_wait3A_159 : memref<1x64x128xf32, #tpu.memory_space<hbm>> -> memref<64x128xf32, #tpu.memory_space<hbm>>
      %dma_wait3A_161 = arith.constant 0 : i32
      %dma_wait3A_162 = tpu.memref_slice %arg11[%add3A_133, %dma_wait3A_161] : memref<10240x128xf32, #tpu.memory_space<vmem_shared>> -> memref<64x128xf32, #tpu.memory_space<vmem_shared>>
      tpu.wait_dma2 semaphore(%run_scoped3A : memref<!tpu.dma_semaphore, #tpu.memory_space<semaphore_mem>>) src(%dma_wait3A_162 : memref<64x128xf32, #tpu.memory_space<vmem_shared>>) dst(%dma_wait3A_160 : memref<64x128xf32, #tpu.memory_space<hbm>>)
      tpu.yield
    }) : () -> ()
    %mul3A_134 = arith.constant 640 : i32
    %mul3A_135 = arith.muli %arg1, %mul3A_134 : i32
    %add3A_136 = arith.constant 384 : i32
    %add3A_137 = arith.addi %mul3A_135, %add3A_136 : i32
    "tpu.region"() ({
      %run_scoped3A = tpu.sem_alloc : memref<!tpu.dma_semaphore, #tpu.memory_space<semaphore_mem>>
      %dma_start3A_154 = arith.constant 0 : i32
      %dma_start3A_155 = tpu.memref_slice %arg5[%arg0, %add3A_137, %dma_start3A_154] : memref<2x10240x128xf32, #tpu.memory_space<hbm>> -> memref<1x64x128xf32, #tpu.memory_space<hbm>>
      %dma_start3A_156 = tpu.memref_squeeze %dma_start3A_155 : memref<1x64x128xf32, #tpu.memory_space<hbm>> -> memref<64x128xf32, #tpu.memory_space<hbm>>
      %dma_start3A_157 = arith.constant 0 : i32
      %dma_start3A_158 = tpu.memref_slice %arg11[%add3A_137, %dma_start3A_157] : memref<10240x128xf32, #tpu.memory_space<vmem_shared>> -> memref<64x128xf32, #tpu.memory_space<vmem_shared>>
      tpu.enqueue_dma source(%dma_start3A_158 : memref<64x128xf32, #tpu.memory_space<vmem_shared>>) target(%dma_start3A_156 : memref<64x128xf32, #tpu.memory_space<hbm>>) target_semaphore(%run_scoped3A : memref<!tpu.dma_semaphore, #tpu.memory_space<semaphore_mem>>)
      %dma_wait3A = arith.constant 0 : i32
      %dma_wait3A_159 = tpu.memref_slice %arg5[%arg0, %add3A_137, %dma_wait3A] : memref<2x10240x128xf32, #tpu.memory_space<hbm>> -> memref<1x64x128xf32, #tpu.memory_space<hbm>>
      %dma_wait3A_160 = tpu.memref_squeeze %dma_wait3A_159 : memref<1x64x128xf32, #tpu.memory_space<hbm>> -> memref<64x128xf32, #tpu.memory_space<hbm>>
      %dma_wait3A_161 = arith.constant 0 : i32
      %dma_wait3A_162 = tpu.memref_slice %arg11[%add3A_137, %dma_wait3A_161] : memref<10240x128xf32, #tpu.memory_space<vmem_shared>> -> memref<64x128xf32, #tpu.memory_space<vmem_shared>>
      tpu.wait_dma2 semaphore(%run_scoped3A : memref<!tpu.dma_semaphore, #tpu.memory_space<semaphore_mem>>) src(%dma_wait3A_162 : memref<64x128xf32, #tpu.memory_space<vmem_shared>>) dst(%dma_wait3A_160 : memref<64x128xf32, #tpu.memory_space<hbm>>)
      tpu.yield
    }) : () -> ()
    %mul3A_138 = arith.constant 640 : i32
    %mul3A_139 = arith.muli %arg1, %mul3A_138 : i32
    %add3A_140 = arith.constant 448 : i32
    %add3A_141 = arith.addi %mul3A_139, %add3A_140 : i32
    "tpu.region"() ({
      %run_scoped3A = tpu.sem_alloc : memref<!tpu.dma_semaphore, #tpu.memory_space<semaphore_mem>>
      %dma_start3A_154 = arith.constant 0 : i32
      %dma_start3A_155 = tpu.memref_slice %arg5[%arg0, %add3A_141, %dma_start3A_154] : memref<2x10240x128xf32, #tpu.memory_space<hbm>> -> memref<1x64x128xf32, #tpu.memory_space<hbm>>
      %dma_start3A_156 = tpu.memref_squeeze %dma_start3A_155 : memref<1x64x128xf32, #tpu.memory_space<hbm>> -> memref<64x128xf32, #tpu.memory_space<hbm>>
      %dma_start3A_157 = arith.constant 0 : i32
      %dma_start3A_158 = tpu.memref_slice %arg11[%add3A_141, %dma_start3A_157] : memref<10240x128xf32, #tpu.memory_space<vmem_shared>> -> memref<64x128xf32, #tpu.memory_space<vmem_shared>>
      tpu.enqueue_dma source(%dma_start3A_158 : memref<64x128xf32, #tpu.memory_space<vmem_shared>>) target(%dma_start3A_156 : memref<64x128xf32, #tpu.memory_space<hbm>>) target_semaphore(%run_scoped3A : memref<!tpu.dma_semaphore, #tpu.memory_space<semaphore_mem>>)
      %dma_wait3A = arith.constant 0 : i32
      %dma_wait3A_159 = tpu.memref_slice %arg5[%arg0, %add3A_141, %dma_wait3A] : memref<2x10240x128xf32, #tpu.memory_space<hbm>> -> memref<1x64x128xf32, #tpu.memory_space<hbm>>
      %dma_wait3A_160 = tpu.memref_squeeze %dma_wait3A_159 : memref<1x64x128xf32, #tpu.memory_space<hbm>> -> memref<64x128xf32, #tpu.memory_space<hbm>>
      %dma_wait3A_161 = arith.constant 0 : i32
      %dma_wait3A_162 = tpu.memref_slice %arg11[%add3A_141, %dma_wait3A_161] : memref<10240x128xf32, #tpu.memory_space<vmem_shared>> -> memref<64x128xf32, #tpu.memory_space<vmem_shared>>
      tpu.wait_dma2 semaphore(%run_scoped3A : memref<!tpu.dma_semaphore, #tpu.memory_space<semaphore_mem>>) src(%dma_wait3A_162 : memref<64x128xf32, #tpu.memory_space<vmem_shared>>) dst(%dma_wait3A_160 : memref<64x128xf32, #tpu.memory_space<hbm>>)
      tpu.yield
    }) : () -> ()
    %mul3A_142 = arith.constant 640 : i32
    %mul3A_143 = arith.muli %arg1, %mul3A_142 : i32
    %add3A_144 = arith.constant 512 : i32
    %add3A_145 = arith.addi %mul3A_143, %add3A_144 : i32
    "tpu.region"() ({
      %run_scoped3A = tpu.sem_alloc : memref<!tpu.dma_semaphore, #tpu.memory_space<semaphore_mem>>
      %dma_start3A_154 = arith.constant 0 : i32
      %dma_start3A_155 = tpu.memref_slice %arg5[%arg0, %add3A_145, %dma_start3A_154] : memref<2x10240x128xf32, #tpu.memory_space<hbm>> -> memref<1x64x128xf32, #tpu.memory_space<hbm>>
      %dma_start3A_156 = tpu.memref_squeeze %dma_start3A_155 : memref<1x64x128xf32, #tpu.memory_space<hbm>> -> memref<64x128xf32, #tpu.memory_space<hbm>>
      %dma_start3A_157 = arith.constant 0 : i32
      %dma_start3A_158 = tpu.memref_slice %arg11[%add3A_145, %dma_start3A_157] : memref<10240x128xf32, #tpu.memory_space<vmem_shared>> -> memref<64x128xf32, #tpu.memory_space<vmem_shared>>
      tpu.enqueue_dma source(%dma_start3A_158 : memref<64x128xf32, #tpu.memory_space<vmem_shared>>) target(%dma_start3A_156 : memref<64x128xf32, #tpu.memory_space<hbm>>) target_semaphore(%run_scoped3A : memref<!tpu.dma_semaphore, #tpu.memory_space<semaphore_mem>>)
      %dma_wait3A = arith.constant 0 : i32
      %dma_wait3A_159 = tpu.memref_slice %arg5[%arg0, %add3A_145, %dma_wait3A] : memref<2x10240x128xf32, #tpu.memory_space<hbm>> -> memref<1x64x128xf32, #tpu.memory_space<hbm>>
      %dma_wait3A_160 = tpu.memref_squeeze %dma_wait3A_159 : memref<1x64x128xf32, #tpu.memory_space<hbm>> -> memref<64x128xf32, #tpu.memory_space<hbm>>
      %dma_wait3A_161 = arith.constant 0 : i32
      %dma_wait3A_162 = tpu.memref_slice %arg11[%add3A_145, %dma_wait3A_161] : memref<10240x128xf32, #tpu.memory_space<vmem_shared>> -> memref<64x128xf32, #tpu.memory_space<vmem_shared>>
      tpu.wait_dma2 semaphore(%run_scoped3A : memref<!tpu.dma_semaphore, #tpu.memory_space<semaphore_mem>>) src(%dma_wait3A_162 : memref<64x128xf32, #tpu.memory_space<vmem_shared>>) dst(%dma_wait3A_160 : memref<64x128xf32, #tpu.memory_space<hbm>>)
      tpu.yield
    }) : () -> ()
    %mul3A_146 = arith.constant 640 : i32
    %mul3A_147 = arith.muli %arg1, %mul3A_146 : i32
    %add3A_148 = arith.constant 576 : i32
    %add3A_149 = arith.addi %mul3A_147, %add3A_148 : i32
    "tpu.region"() ({
      %run_scoped3A = tpu.sem_alloc : memref<!tpu.dma_semaphore, #tpu.memory_space<semaphore_mem>>
      %dma_start3A_154 = arith.constant 0 : i32
      %dma_start3A_155 = tpu.memref_slice %arg5[%arg0, %add3A_149, %dma_start3A_154] : memref<2x10240x128xf32, #tpu.memory_space<hbm>> -> memref<1x64x128xf32, #tpu.memory_space<hbm>>
      %dma_start3A_156 = tpu.memref_squeeze %dma_start3A_155 : memref<1x64x128xf32, #tpu.memory_space<hbm>> -> memref<64x128xf32, #tpu.memory_space<hbm>>
      %dma_start3A_157 = arith.constant 0 : i32
      %dma_start3A_158 = tpu.memref_slice %arg11[%add3A_149, %dma_start3A_157] : memref<10240x128xf32, #tpu.memory_space<vmem_shared>> -> memref<64x128xf32, #tpu.memory_space<vmem_shared>>
      tpu.enqueue_dma source(%dma_start3A_158 : memref<64x128xf32, #tpu.memory_space<vmem_shared>>) target(%dma_start3A_156 : memref<64x128xf32, #tpu.memory_space<hbm>>) target_semaphore(%run_scoped3A : memref<!tpu.dma_semaphore, #tpu.memory_space<semaphore_mem>>)
      %dma_wait3A = arith.constant 0 : i32
      %dma_wait3A_159 = tpu.memref_slice %arg5[%arg0, %add3A_149, %dma_wait3A] : memref<2x10240x128xf32, #tpu.memory_space<hbm>> -> memref<1x64x128xf32, #tpu.memory_space<hbm>>
      %dma_wait3A_160 = tpu.memref_squeeze %dma_wait3A_159 : memref<1x64x128xf32, #tpu.memory_space<hbm>> -> memref<64x128xf32, #tpu.memory_space<hbm>>
      %dma_wait3A_161 = arith.constant 0 : i32
      %dma_wait3A_162 = tpu.memref_slice %arg11[%add3A_149, %dma_wait3A_161] : memref<10240x128xf32, #tpu.memory_space<vmem_shared>> -> memref<64x128xf32, #tpu.memory_space<vmem_shared>>
      tpu.wait_dma2 semaphore(%run_scoped3A : memref<!tpu.dma_semaphore, #tpu.memory_space<semaphore_mem>>) src(%dma_wait3A_162 : memref<64x128xf32, #tpu.memory_space<vmem_shared>>) dst(%dma_wait3A_160 : memref<64x128xf32, #tpu.memory_space<hbm>>)
      tpu.yield
    }) : () -> ()
    %mul3A_150 = arith.constant 640 : i32
    %mul3A_151 = arith.muli %arg1, %mul3A_150 : i32
    %mul3A_152 = arith.constant 640 : i32
    %mul3A_153 = arith.muli %arg1, %mul3A_152 : i32
    "tpu.region"() ({
      %run_scoped3A = tpu.sem_alloc : memref<!tpu.dma_semaphore, #tpu.memory_space<semaphore_mem>>
      %dma_start3A_154 = tpu.memref_slice %arg6[%arg0, %mul3A_153] : memref<2x10240xf32, #tpu.memory_space<hbm>> -> memref<1x640xf32, #tpu.memory_space<hbm>>
      %dma_start3A_155 = tpu.memref_squeeze %dma_start3A_154 : memref<1x640xf32, #tpu.memory_space<hbm>> -> memref<640xf32, #tpu.memory_space<hbm>>
      %dma_start3A_156 = tpu.memref_slice %arg16[%mul3A_151] : memref<10240xf32, #tpu.memory_space<vmem_shared>> -> memref<640xf32, #tpu.memory_space<vmem_shared>>
      tpu.enqueue_dma source(%dma_start3A_156 : memref<640xf32, #tpu.memory_space<vmem_shared>>) target(%dma_start3A_155 : memref<640xf32, #tpu.memory_space<hbm>>) target_semaphore(%run_scoped3A : memref<!tpu.dma_semaphore, #tpu.memory_space<semaphore_mem>>)
      %dma_wait3A = tpu.memref_slice %arg6[%arg0, %mul3A_153] : memref<2x10240xf32, #tpu.memory_space<hbm>> -> memref<1x640xf32, #tpu.memory_space<hbm>>
      %dma_wait3A_157 = tpu.memref_squeeze %dma_wait3A : memref<1x640xf32, #tpu.memory_space<hbm>> -> memref<640xf32, #tpu.memory_space<hbm>>
      %dma_wait3A_158 = tpu.memref_slice %arg16[%mul3A_151] : memref<10240xf32, #tpu.memory_space<vmem_shared>> -> memref<640xf32, #tpu.memory_space<vmem_shared>>
      tpu.wait_dma2 semaphore(%run_scoped3A : memref<!tpu.dma_semaphore, #tpu.memory_space<semaphore_mem>>) src(%dma_wait3A_158 : memref<640xf32, #tpu.memory_space<vmem_shared>>) dst(%dma_wait3A_157 : memref<640xf32, #tpu.memory_space<hbm>>)
      tpu.yield
    }) : () -> ()
    return
  }
}

#map = affine_map<(d0, d1) -> (0)>
#map1 = affine_map<(d0, d1) -> (0, 0)>
#map2 = affine_map<(d0, d1) -> (0, 0, 0)>
module attributes {stable_mosaic.version = 14 : i64} {
  func.func @k(%arg0: i32, %arg1: i32, %arg2: memref<10000xf32, #tpu.memory_space<hbm>>, %arg3: memref<32x10112xi32, #tpu.memory_space<hbm>>, %arg4: memref<32x158x64xi32, #tpu.memory_space<hbm>>, %arg5: memref<2x10240xf32, #tpu.memory_space<hbm>>, %arg6: memref<10112xi32, #tpu.memory_space<vmem>>, %arg7: memref<158x64xi32, #tpu.memory_space<vmem>>, %arg8: memref<64xf32, #tpu.memory_space<vmem>>, %arg9: memref<64xf32, #tpu.memory_space<vmem>>, %arg10: memref<10240xf32, #tpu.memory_space<vmem_shared>>, %arg11: memref<!tpu.dma_semaphore, #tpu.memory_space<semaphore_mem>>, %arg12: memref<!tpu.dma_semaphore, #tpu.memory_space<semaphore_mem>>) attributes {dimension_semantics = [#tpu.dimension_semantics<core_parallel>, #tpu.dimension_semantics<subcore_parallel>], iteration_bounds = array<i64: 2, 16>, scalar_prefetch = 0 : i64, scratch_operands = 7 : i64, tpu.core_type = #tpu.core_type<sc_vector_subcore>, window_params = [{transform_indices = #map}, {transform_indices = #map1}, {transform_indices = #map2}, {transform_indices = #map1}]} {
    %mul3A = arith.constant 16 : i32
    %mul3A_0 = arith.muli %arg0, %mul3A : i32
    %add3A = arith.addi %mul3A_0, %arg1 : i32
    "tpu.region"() ({
      %run_scoped3A = tpu.sem_alloc : memref<!tpu.dma_semaphore, #tpu.memory_space<semaphore_mem>>
      %dma_start3A_61 = arith.constant 0 : i32
      %dma_start3A_62 = tpu.memref_slice %arg3[%add3A, %dma_start3A_61] : memref<32x10112xi32, #tpu.memory_space<hbm>> -> memref<1x10112xi32, #tpu.memory_space<hbm>>
      %dma_start3A_63 = tpu.memref_squeeze %dma_start3A_62 : memref<1x10112xi32, #tpu.memory_space<hbm>> -> memref<10112xi32, #tpu.memory_space<hbm>>
      %dma_start3A_64 = arith.constant 0 : i32
      %dma_start3A_65 = tpu.memref_slice %arg3[%add3A, %dma_start3A_64] : memref<32x10112xi32, #tpu.memory_space<hbm>> -> memref<1x10112xi32, #tpu.memory_space<hbm>>
      %dma_start3A_66 = tpu.memref_squeeze %dma_start3A_65 : memref<1x10112xi32, #tpu.memory_space<hbm>> -> memref<10112xi32, #tpu.memory_space<hbm>>
      tpu.enqueue_dma source(%dma_start3A_66 : memref<10112xi32, #tpu.memory_space<hbm>>) target(%arg6 : memref<10112xi32, #tpu.memory_space<vmem>>) target_semaphore(%run_scoped3A : memref<!tpu.dma_semaphore, #tpu.memory_space<semaphore_mem>>)
      %dma_wait3A = arith.constant 0 : i32
      %dma_wait3A_67 = tpu.memref_slice %arg3[%add3A, %dma_wait3A] : memref<32x10112xi32, #tpu.memory_space<hbm>> -> memref<1x10112xi32, #tpu.memory_space<hbm>>
      %dma_wait3A_68 = tpu.memref_squeeze %dma_wait3A_67 : memref<1x10112xi32, #tpu.memory_space<hbm>> -> memref<10112xi32, #tpu.memory_space<hbm>>
      %dma_wait3A_69 = arith.constant 0 : i32
      %dma_wait3A_70 = tpu.memref_slice %arg3[%add3A, %dma_wait3A_69] : memref<32x10112xi32, #tpu.memory_space<hbm>> -> memref<1x10112xi32, #tpu.memory_space<hbm>>
      %dma_wait3A_71 = tpu.memref_squeeze %dma_wait3A_70 : memref<1x10112xi32, #tpu.memory_space<hbm>> -> memref<10112xi32, #tpu.memory_space<hbm>>
      tpu.wait_dma2 semaphore(%run_scoped3A : memref<!tpu.dma_semaphore, #tpu.memory_space<semaphore_mem>>) src(%dma_wait3A_71 : memref<10112xi32, #tpu.memory_space<hbm>>) dst(%arg6 : memref<10112xi32, #tpu.memory_space<vmem>>)
      tpu.yield
    }) : () -> ()
    "tpu.region"() ({
      %run_scoped3A = tpu.sem_alloc : memref<!tpu.dma_semaphore, #tpu.memory_space<semaphore_mem>>
      %dma_start3A_61 = arith.constant 0 : i32
      %dma_start3A_62 = arith.constant 0 : i32
      %dma_start3A_63 = tpu.memref_slice %arg4[%add3A, %dma_start3A_61, %dma_start3A_62] : memref<32x158x64xi32, #tpu.memory_space<hbm>> -> memref<1x158x64xi32, #tpu.memory_space<hbm>>
      %dma_start3A_64 = tpu.memref_squeeze %dma_start3A_63 : memref<1x158x64xi32, #tpu.memory_space<hbm>> -> memref<158x64xi32, #tpu.memory_space<hbm>>
      %dma_start3A_65 = arith.constant 0 : i32
      %dma_start3A_66 = arith.constant 0 : i32
      %dma_start3A_67 = tpu.memref_slice %arg4[%add3A, %dma_start3A_65, %dma_start3A_66] : memref<32x158x64xi32, #tpu.memory_space<hbm>> -> memref<1x158x64xi32, #tpu.memory_space<hbm>>
      %dma_start3A_68 = tpu.memref_squeeze %dma_start3A_67 : memref<1x158x64xi32, #tpu.memory_space<hbm>> -> memref<158x64xi32, #tpu.memory_space<hbm>>
      tpu.enqueue_dma source(%dma_start3A_68 : memref<158x64xi32, #tpu.memory_space<hbm>>) target(%arg7 : memref<158x64xi32, #tpu.memory_space<vmem>>) target_semaphore(%run_scoped3A : memref<!tpu.dma_semaphore, #tpu.memory_space<semaphore_mem>>)
      %dma_wait3A = arith.constant 0 : i32
      %dma_wait3A_69 = arith.constant 0 : i32
      %dma_wait3A_70 = tpu.memref_slice %arg4[%add3A, %dma_wait3A, %dma_wait3A_69] : memref<32x158x64xi32, #tpu.memory_space<hbm>> -> memref<1x158x64xi32, #tpu.memory_space<hbm>>
      %dma_wait3A_71 = tpu.memref_squeeze %dma_wait3A_70 : memref<1x158x64xi32, #tpu.memory_space<hbm>> -> memref<158x64xi32, #tpu.memory_space<hbm>>
      %dma_wait3A_72 = arith.constant 0 : i32
      %dma_wait3A_73 = arith.constant 0 : i32
      %dma_wait3A_74 = tpu.memref_slice %arg4[%add3A, %dma_wait3A_72, %dma_wait3A_73] : memref<32x158x64xi32, #tpu.memory_space<hbm>> -> memref<1x158x64xi32, #tpu.memory_space<hbm>>
      %dma_wait3A_75 = tpu.memref_squeeze %dma_wait3A_74 : memref<1x158x64xi32, #tpu.memory_space<hbm>> -> memref<158x64xi32, #tpu.memory_space<hbm>>
      tpu.wait_dma2 semaphore(%run_scoped3A : memref<!tpu.dma_semaphore, #tpu.memory_space<semaphore_mem>>) src(%dma_wait3A_75 : memref<158x64xi32, #tpu.memory_space<hbm>>) dst(%arg7 : memref<158x64xi32, #tpu.memory_space<vmem>>)
      tpu.yield
    }) : () -> ()
    %broadcast_in_dim3A = arith.constant 0.000000e+00 : f32
    %broadcast_in_dim3A_1 = vector.broadcast %broadcast_in_dim3A : f32 to vector<16xf32>
    %scan3A = arith.constant 0 : i32
    %scan3A_2 = arith.constant 0 : i32
    %scan3A_3 = arith.constant 4 : i32
    %scan3A_4 = arith.addi %scan3A_2, %scan3A_3 : i32
    %scan3A_5 = arith.constant 1 : i32
    scf.for %scan3A_61 = %scan3A_2 to %scan3A_4 step %scan3A_5  : i32 {
      %mul3A_62 = arith.constant 16 : i32
      %mul3A_63 = arith.muli %mul3A_62, %scan3A_61 : i32
      %swap3A = arith.index_cast %mul3A_63 : i32 to index
      %swap3A_64 = tpu.vector_load %arg8[%swap3A] {strides = array<i32>} : memref<64xf32, #tpu.memory_space<vmem>>, vector<16xf32>,
      %swap3A_65 = vector.shape_cast %swap3A_64 : vector<16xf32> to vector<16xf32>
      %swap3A_66 = vector.shape_cast %broadcast_in_dim3A_1 : vector<16xf32> to vector<16xf32>
      tpu.vector_store %arg8[%swap3A], %swap3A_66 {strides = array<i32>} : memref<64xf32, #tpu.memory_space<vmem>>, vector<16xf32>,
    }
    %scan3A_6 = arith.constant 4 : i32
    %mul3A_7 = arith.constant 640 : i32
    %mul3A_8 = arith.muli %arg1, %mul3A_7 : i32
    %add3A_9 = arith.constant 0 : i32
    %add3A_10 = arith.addi %mul3A_8, %add3A_9 : i32
    "tpu.region"() ({
      %run_scoped3A = tpu.sem_alloc : memref<!tpu.dma_semaphore, #tpu.memory_space<semaphore_mem>>
      %dma_start3A_61 = arith.constant 0 : i32
      %dma_start3A_62 = tpu.memref_slice %arg8[%dma_start3A_61] : memref<64xf32, #tpu.memory_space<vmem>> -> memref<64xf32, #tpu.memory_space<vmem>>
      %dma_start3A_63 = tpu.memref_slice %arg10[%add3A_10] : memref<10240xf32, #tpu.memory_space<vmem_shared>> -> memref<64xf32, #tpu.memory_space<vmem_shared>>
      %dma_start3A_64 = tpu.memref_slice %arg10[%add3A_10] : memref<10240xf32, #tpu.memory_space<vmem_shared>> -> memref<64xf32, #tpu.memory_space<vmem_shared>>
      %dma_start3A_65 = arith.constant 0 : i32
      %dma_start3A_66 = tpu.memref_slice %arg8[%dma_start3A_65] : memref<64xf32, #tpu.memory_space<vmem>> -> memref<64xf32, #tpu.memory_space<vmem>>
      tpu.enqueue_dma source(%dma_start3A_66 : memref<64xf32, #tpu.memory_space<vmem>>) target(%dma_start3A_64 : memref<64xf32, #tpu.memory_space<vmem_shared>>) target_semaphore(%run_scoped3A : memref<!tpu.dma_semaphore, #tpu.memory_space<semaphore_mem>>)
      %dma_wait3A = arith.constant 0 : i32
      %dma_wait3A_67 = tpu.memref_slice %arg8[%dma_wait3A] : memref<64xf32, #tpu.memory_space<vmem>> -> memref<64xf32, #tpu.memory_space<vmem>>
      %dma_wait3A_68 = tpu.memref_slice %arg10[%add3A_10] : memref<10240xf32, #tpu.memory_space<vmem_shared>> -> memref<64xf32, #tpu.memory_space<vmem_shared>>
      %dma_wait3A_69 = tpu.memref_slice %arg10[%add3A_10] : memref<10240xf32, #tpu.memory_space<vmem_shared>> -> memref<64xf32, #tpu.memory_space<vmem_shared>>
      %dma_wait3A_70 = arith.constant 0 : i32
      %dma_wait3A_71 = tpu.memref_slice %arg8[%dma_wait3A_70] : memref<64xf32, #tpu.memory_space<vmem>> -> memref<64xf32, #tpu.memory_space<vmem>>
      tpu.wait_dma2 semaphore(%run_scoped3A : memref<!tpu.dma_semaphore, #tpu.memory_space<semaphore_mem>>) src(%dma_wait3A_71 : memref<64xf32, #tpu.memory_space<vmem>>) dst(%dma_wait3A_69 : memref<64xf32, #tpu.memory_space<vmem_shared>>)
      tpu.yield
    }) : () -> ()
    %mul3A_11 = arith.constant 640 : i32
    %mul3A_12 = arith.muli %arg1, %mul3A_11 : i32
    %add3A_13 = arith.constant 64 : i32
    %add3A_14 = arith.addi %mul3A_12, %add3A_13 : i32
    "tpu.region"() ({
      %run_scoped3A = tpu.sem_alloc : memref<!tpu.dma_semaphore, #tpu.memory_space<semaphore_mem>>
      %dma_start3A_61 = arith.constant 0 : i32
      %dma_start3A_62 = tpu.memref_slice %arg8[%dma_start3A_61] : memref<64xf32, #tpu.memory_space<vmem>> -> memref<64xf32, #tpu.memory_space<vmem>>
      %dma_start3A_63 = tpu.memref_slice %arg10[%add3A_14] : memref<10240xf32, #tpu.memory_space<vmem_shared>> -> memref<64xf32, #tpu.memory_space<vmem_shared>>
      %dma_start3A_64 = tpu.memref_slice %arg10[%add3A_14] : memref<10240xf32, #tpu.memory_space<vmem_shared>> -> memref<64xf32, #tpu.memory_space<vmem_shared>>
      %dma_start3A_65 = arith.constant 0 : i32
      %dma_start3A_66 = tpu.memref_slice %arg8[%dma_start3A_65] : memref<64xf32, #tpu.memory_space<vmem>> -> memref<64xf32, #tpu.memory_space<vmem>>
      tpu.enqueue_dma source(%dma_start3A_66 : memref<64xf32, #tpu.memory_space<vmem>>) target(%dma_start3A_64 : memref<64xf32, #tpu.memory_space<vmem_shared>>) target_semaphore(%run_scoped3A : memref<!tpu.dma_semaphore, #tpu.memory_space<semaphore_mem>>)
      %dma_wait3A = arith.constant 0 : i32
      %dma_wait3A_67 = tpu.memref_slice %arg8[%dma_wait3A] : memref<64xf32, #tpu.memory_space<vmem>> -> memref<64xf32, #tpu.memory_space<vmem>>
      %dma_wait3A_68 = tpu.memref_slice %arg10[%add3A_14] : memref<10240xf32, #tpu.memory_space<vmem_shared>> -> memref<64xf32, #tpu.memory_space<vmem_shared>>
      %dma_wait3A_69 = tpu.memref_slice %arg10[%add3A_14] : memref<10240xf32, #tpu.memory_space<vmem_shared>> -> memref<64xf32, #tpu.memory_space<vmem_shared>>
      %dma_wait3A_70 = arith.constant 0 : i32
      %dma_wait3A_71 = tpu.memref_slice %arg8[%dma_wait3A_70] : memref<64xf32, #tpu.memory_space<vmem>> -> memref<64xf32, #tpu.memory_space<vmem>>
      tpu.wait_dma2 semaphore(%run_scoped3A : memref<!tpu.dma_semaphore, #tpu.memory_space<semaphore_mem>>) src(%dma_wait3A_71 : memref<64xf32, #tpu.memory_space<vmem>>) dst(%dma_wait3A_69 : memref<64xf32, #tpu.memory_space<vmem_shared>>)
      tpu.yield
    }) : () -> ()
    %mul3A_15 = arith.constant 640 : i32
    %mul3A_16 = arith.muli %arg1, %mul3A_15 : i32
    %add3A_17 = arith.constant 128 : i32
    %add3A_18 = arith.addi %mul3A_16, %add3A_17 : i32
    "tpu.region"() ({
      %run_scoped3A = tpu.sem_alloc : memref<!tpu.dma_semaphore, #tpu.memory_space<semaphore_mem>>
      %dma_start3A_61 = arith.constant 0 : i32
      %dma_start3A_62 = tpu.memref_slice %arg8[%dma_start3A_61] : memref<64xf32, #tpu.memory_space<vmem>> -> memref<64xf32, #tpu.memory_space<vmem>>
      %dma_start3A_63 = tpu.memref_slice %arg10[%add3A_18] : memref<10240xf32, #tpu.memory_space<vmem_shared>> -> memref<64xf32, #tpu.memory_space<vmem_shared>>
      %dma_start3A_64 = tpu.memref_slice %arg10[%add3A_18] : memref<10240xf32, #tpu.memory_space<vmem_shared>> -> memref<64xf32, #tpu.memory_space<vmem_shared>>
      %dma_start3A_65 = arith.constant 0 : i32
      %dma_start3A_66 = tpu.memref_slice %arg8[%dma_start3A_65] : memref<64xf32, #tpu.memory_space<vmem>> -> memref<64xf32, #tpu.memory_space<vmem>>
      tpu.enqueue_dma source(%dma_start3A_66 : memref<64xf32, #tpu.memory_space<vmem>>) target(%dma_start3A_64 : memref<64xf32, #tpu.memory_space<vmem_shared>>) target_semaphore(%run_scoped3A : memref<!tpu.dma_semaphore, #tpu.memory_space<semaphore_mem>>)
      %dma_wait3A = arith.constant 0 : i32
      %dma_wait3A_67 = tpu.memref_slice %arg8[%dma_wait3A] : memref<64xf32, #tpu.memory_space<vmem>> -> memref<64xf32, #tpu.memory_space<vmem>>
      %dma_wait3A_68 = tpu.memref_slice %arg10[%add3A_18] : memref<10240xf32, #tpu.memory_space<vmem_shared>> -> memref<64xf32, #tpu.memory_space<vmem_shared>>
      %dma_wait3A_69 = tpu.memref_slice %arg10[%add3A_18] : memref<10240xf32, #tpu.memory_space<vmem_shared>> -> memref<64xf32, #tpu.memory_space<vmem_shared>>
      %dma_wait3A_70 = arith.constant 0 : i32
      %dma_wait3A_71 = tpu.memref_slice %arg8[%dma_wait3A_70] : memref<64xf32, #tpu.memory_space<vmem>> -> memref<64xf32, #tpu.memory_space<vmem>>
      tpu.wait_dma2 semaphore(%run_scoped3A : memref<!tpu.dma_semaphore, #tpu.memory_space<semaphore_mem>>) src(%dma_wait3A_71 : memref<64xf32, #tpu.memory_space<vmem>>) dst(%dma_wait3A_69 : memref<64xf32, #tpu.memory_space<vmem_shared>>)
      tpu.yield
    }) : () -> ()
    %mul3A_19 = arith.constant 640 : i32
    %mul3A_20 = arith.muli %arg1, %mul3A_19 : i32
    %add3A_21 = arith.constant 192 : i32
    %add3A_22 = arith.addi %mul3A_20, %add3A_21 : i32
    "tpu.region"() ({
      %run_scoped3A = tpu.sem_alloc : memref<!tpu.dma_semaphore, #tpu.memory_space<semaphore_mem>>
      %dma_start3A_61 = arith.constant 0 : i32
      %dma_start3A_62 = tpu.memref_slice %arg8[%dma_start3A_61] : memref<64xf32, #tpu.memory_space<vmem>> -> memref<64xf32, #tpu.memory_space<vmem>>
      %dma_start3A_63 = tpu.memref_slice %arg10[%add3A_22] : memref<10240xf32, #tpu.memory_space<vmem_shared>> -> memref<64xf32, #tpu.memory_space<vmem_shared>>
      %dma_start3A_64 = tpu.memref_slice %arg10[%add3A_22] : memref<10240xf32, #tpu.memory_space<vmem_shared>> -> memref<64xf32, #tpu.memory_space<vmem_shared>>
      %dma_start3A_65 = arith.constant 0 : i32
      %dma_start3A_66 = tpu.memref_slice %arg8[%dma_start3A_65] : memref<64xf32, #tpu.memory_space<vmem>> -> memref<64xf32, #tpu.memory_space<vmem>>
      tpu.enqueue_dma source(%dma_start3A_66 : memref<64xf32, #tpu.memory_space<vmem>>) target(%dma_start3A_64 : memref<64xf32, #tpu.memory_space<vmem_shared>>) target_semaphore(%run_scoped3A : memref<!tpu.dma_semaphore, #tpu.memory_space<semaphore_mem>>)
      %dma_wait3A = arith.constant 0 : i32
      %dma_wait3A_67 = tpu.memref_slice %arg8[%dma_wait3A] : memref<64xf32, #tpu.memory_space<vmem>> -> memref<64xf32, #tpu.memory_space<vmem>>
      %dma_wait3A_68 = tpu.memref_slice %arg10[%add3A_22] : memref<10240xf32, #tpu.memory_space<vmem_shared>> -> memref<64xf32, #tpu.memory_space<vmem_shared>>
      %dma_wait3A_69 = tpu.memref_slice %arg10[%add3A_22] : memref<10240xf32, #tpu.memory_space<vmem_shared>> -> memref<64xf32, #tpu.memory_space<vmem_shared>>
      %dma_wait3A_70 = arith.constant 0 : i32
      %dma_wait3A_71 = tpu.memref_slice %arg8[%dma_wait3A_70] : memref<64xf32, #tpu.memory_space<vmem>> -> memref<64xf32, #tpu.memory_space<vmem>>
      tpu.wait_dma2 semaphore(%run_scoped3A : memref<!tpu.dma_semaphore, #tpu.memory_space<semaphore_mem>>) src(%dma_wait3A_71 : memref<64xf32, #tpu.memory_space<vmem>>) dst(%dma_wait3A_69 : memref<64xf32, #tpu.memory_space<vmem_shared>>)
      tpu.yield
    }) : () -> ()
    %mul3A_23 = arith.constant 640 : i32
    %mul3A_24 = arith.muli %arg1, %mul3A_23 : i32
    %add3A_25 = arith.constant 256 : i32
    %add3A_26 = arith.addi %mul3A_24, %add3A_25 : i32
    "tpu.region"() ({
      %run_scoped3A = tpu.sem_alloc : memref<!tpu.dma_semaphore, #tpu.memory_space<semaphore_mem>>
      %dma_start3A_61 = arith.constant 0 : i32
      %dma_start3A_62 = tpu.memref_slice %arg8[%dma_start3A_61] : memref<64xf32, #tpu.memory_space<vmem>> -> memref<64xf32, #tpu.memory_space<vmem>>
      %dma_start3A_63 = tpu.memref_slice %arg10[%add3A_26] : memref<10240xf32, #tpu.memory_space<vmem_shared>> -> memref<64xf32, #tpu.memory_space<vmem_shared>>
      %dma_start3A_64 = tpu.memref_slice %arg10[%add3A_26] : memref<10240xf32, #tpu.memory_space<vmem_shared>> -> memref<64xf32, #tpu.memory_space<vmem_shared>>
      %dma_start3A_65 = arith.constant 0 : i32
      %dma_start3A_66 = tpu.memref_slice %arg8[%dma_start3A_65] : memref<64xf32, #tpu.memory_space<vmem>> -> memref<64xf32, #tpu.memory_space<vmem>>
      tpu.enqueue_dma source(%dma_start3A_66 : memref<64xf32, #tpu.memory_space<vmem>>) target(%dma_start3A_64 : memref<64xf32, #tpu.memory_space<vmem_shared>>) target_semaphore(%run_scoped3A : memref<!tpu.dma_semaphore, #tpu.memory_space<semaphore_mem>>)
      %dma_wait3A = arith.constant 0 : i32
      %dma_wait3A_67 = tpu.memref_slice %arg8[%dma_wait3A] : memref<64xf32, #tpu.memory_space<vmem>> -> memref<64xf32, #tpu.memory_space<vmem>>
      %dma_wait3A_68 = tpu.memref_slice %arg10[%add3A_26] : memref<10240xf32, #tpu.memory_space<vmem_shared>> -> memref<64xf32, #tpu.memory_space<vmem_shared>>
      %dma_wait3A_69 = tpu.memref_slice %arg10[%add3A_26] : memref<10240xf32, #tpu.memory_space<vmem_shared>> -> memref<64xf32, #tpu.memory_space<vmem_shared>>
      %dma_wait3A_70 = arith.constant 0 : i32
      %dma_wait3A_71 = tpu.memref_slice %arg8[%dma_wait3A_70] : memref<64xf32, #tpu.memory_space<vmem>> -> memref<64xf32, #tpu.memory_space<vmem>>
      tpu.wait_dma2 semaphore(%run_scoped3A : memref<!tpu.dma_semaphore, #tpu.memory_space<semaphore_mem>>) src(%dma_wait3A_71 : memref<64xf32, #tpu.memory_space<vmem>>) dst(%dma_wait3A_69 : memref<64xf32, #tpu.memory_space<vmem_shared>>)
      tpu.yield
    }) : () -> ()
    %mul3A_27 = arith.constant 640 : i32
    %mul3A_28 = arith.muli %arg1, %mul3A_27 : i32
    %add3A_29 = arith.constant 320 : i32
    %add3A_30 = arith.addi %mul3A_28, %add3A_29 : i32
    "tpu.region"() ({
      %run_scoped3A = tpu.sem_alloc : memref<!tpu.dma_semaphore, #tpu.memory_space<semaphore_mem>>
      %dma_start3A_61 = arith.constant 0 : i32
      %dma_start3A_62 = tpu.memref_slice %arg8[%dma_start3A_61] : memref<64xf32, #tpu.memory_space<vmem>> -> memref<64xf32, #tpu.memory_space<vmem>>
      %dma_start3A_63 = tpu.memref_slice %arg10[%add3A_30] : memref<10240xf32, #tpu.memory_space<vmem_shared>> -> memref<64xf32, #tpu.memory_space<vmem_shared>>
      %dma_start3A_64 = tpu.memref_slice %arg10[%add3A_30] : memref<10240xf32, #tpu.memory_space<vmem_shared>> -> memref<64xf32, #tpu.memory_space<vmem_shared>>
      %dma_start3A_65 = arith.constant 0 : i32
      %dma_start3A_66 = tpu.memref_slice %arg8[%dma_start3A_65] : memref<64xf32, #tpu.memory_space<vmem>> -> memref<64xf32, #tpu.memory_space<vmem>>
      tpu.enqueue_dma source(%dma_start3A_66 : memref<64xf32, #tpu.memory_space<vmem>>) target(%dma_start3A_64 : memref<64xf32, #tpu.memory_space<vmem_shared>>) target_semaphore(%run_scoped3A : memref<!tpu.dma_semaphore, #tpu.memory_space<semaphore_mem>>)
      %dma_wait3A = arith.constant 0 : i32
      %dma_wait3A_67 = tpu.memref_slice %arg8[%dma_wait3A] : memref<64xf32, #tpu.memory_space<vmem>> -> memref<64xf32, #tpu.memory_space<vmem>>
      %dma_wait3A_68 = tpu.memref_slice %arg10[%add3A_30] : memref<10240xf32, #tpu.memory_space<vmem_shared>> -> memref<64xf32, #tpu.memory_space<vmem_shared>>
      %dma_wait3A_69 = tpu.memref_slice %arg10[%add3A_30] : memref<10240xf32, #tpu.memory_space<vmem_shared>> -> memref<64xf32, #tpu.memory_space<vmem_shared>>
      %dma_wait3A_70 = arith.constant 0 : i32
      %dma_wait3A_71 = tpu.memref_slice %arg8[%dma_wait3A_70] : memref<64xf32, #tpu.memory_space<vmem>> -> memref<64xf32, #tpu.memory_space<vmem>>
      tpu.wait_dma2 semaphore(%run_scoped3A : memref<!tpu.dma_semaphore, #tpu.memory_space<semaphore_mem>>) src(%dma_wait3A_71 : memref<64xf32, #tpu.memory_space<vmem>>) dst(%dma_wait3A_69 : memref<64xf32, #tpu.memory_space<vmem_shared>>)
      tpu.yield
    }) : () -> ()
    %mul3A_31 = arith.constant 640 : i32
    %mul3A_32 = arith.muli %arg1, %mul3A_31 : i32
    %add3A_33 = arith.constant 384 : i32
    %add3A_34 = arith.addi %mul3A_32, %add3A_33 : i32
    "tpu.region"() ({
      %run_scoped3A = tpu.sem_alloc : memref<!tpu.dma_semaphore, #tpu.memory_space<semaphore_mem>>
      %dma_start3A_61 = arith.constant 0 : i32
      %dma_start3A_62 = tpu.memref_slice %arg8[%dma_start3A_61] : memref<64xf32, #tpu.memory_space<vmem>> -> memref<64xf32, #tpu.memory_space<vmem>>
      %dma_start3A_63 = tpu.memref_slice %arg10[%add3A_34] : memref<10240xf32, #tpu.memory_space<vmem_shared>> -> memref<64xf32, #tpu.memory_space<vmem_shared>>
      %dma_start3A_64 = tpu.memref_slice %arg10[%add3A_34] : memref<10240xf32, #tpu.memory_space<vmem_shared>> -> memref<64xf32, #tpu.memory_space<vmem_shared>>
      %dma_start3A_65 = arith.constant 0 : i32
      %dma_start3A_66 = tpu.memref_slice %arg8[%dma_start3A_65] : memref<64xf32, #tpu.memory_space<vmem>> -> memref<64xf32, #tpu.memory_space<vmem>>
      tpu.enqueue_dma source(%dma_start3A_66 : memref<64xf32, #tpu.memory_space<vmem>>) target(%dma_start3A_64 : memref<64xf32, #tpu.memory_space<vmem_shared>>) target_semaphore(%run_scoped3A : memref<!tpu.dma_semaphore, #tpu.memory_space<semaphore_mem>>)
      %dma_wait3A = arith.constant 0 : i32
      %dma_wait3A_67 = tpu.memref_slice %arg8[%dma_wait3A] : memref<64xf32, #tpu.memory_space<vmem>> -> memref<64xf32, #tpu.memory_space<vmem>>
      %dma_wait3A_68 = tpu.memref_slice %arg10[%add3A_34] : memref<10240xf32, #tpu.memory_space<vmem_shared>> -> memref<64xf32, #tpu.memory_space<vmem_shared>>
      %dma_wait3A_69 = tpu.memref_slice %arg10[%add3A_34] : memref<10240xf32, #tpu.memory_space<vmem_shared>> -> memref<64xf32, #tpu.memory_space<vmem_shared>>
      %dma_wait3A_70 = arith.constant 0 : i32
      %dma_wait3A_71 = tpu.memref_slice %arg8[%dma_wait3A_70] : memref<64xf32, #tpu.memory_space<vmem>> -> memref<64xf32, #tpu.memory_space<vmem>>
      tpu.wait_dma2 semaphore(%run_scoped3A : memref<!tpu.dma_semaphore, #tpu.memory_space<semaphore_mem>>) src(%dma_wait3A_71 : memref<64xf32, #tpu.memory_space<vmem>>) dst(%dma_wait3A_69 : memref<64xf32, #tpu.memory_space<vmem_shared>>)
      tpu.yield
    }) : () -> ()
    %mul3A_35 = arith.constant 640 : i32
    %mul3A_36 = arith.muli %arg1, %mul3A_35 : i32
    %add3A_37 = arith.constant 448 : i32
    %add3A_38 = arith.addi %mul3A_36, %add3A_37 : i32
    "tpu.region"() ({
      %run_scoped3A = tpu.sem_alloc : memref<!tpu.dma_semaphore, #tpu.memory_space<semaphore_mem>>
      %dma_start3A_61 = arith.constant 0 : i32
      %dma_start3A_62 = tpu.memref_slice %arg8[%dma_start3A_61] : memref<64xf32, #tpu.memory_space<vmem>> -> memref<64xf32, #tpu.memory_space<vmem>>
      %dma_start3A_63 = tpu.memref_slice %arg10[%add3A_38] : memref<10240xf32, #tpu.memory_space<vmem_shared>> -> memref<64xf32, #tpu.memory_space<vmem_shared>>
      %dma_start3A_64 = tpu.memref_slice %arg10[%add3A_38] : memref<10240xf32, #tpu.memory_space<vmem_shared>> -> memref<64xf32, #tpu.memory_space<vmem_shared>>
      %dma_start3A_65 = arith.constant 0 : i32
      %dma_start3A_66 = tpu.memref_slice %arg8[%dma_start3A_65] : memref<64xf32, #tpu.memory_space<vmem>> -> memref<64xf32, #tpu.memory_space<vmem>>
      tpu.enqueue_dma source(%dma_start3A_66 : memref<64xf32, #tpu.memory_space<vmem>>) target(%dma_start3A_64 : memref<64xf32, #tpu.memory_space<vmem_shared>>) target_semaphore(%run_scoped3A : memref<!tpu.dma_semaphore, #tpu.memory_space<semaphore_mem>>)
      %dma_wait3A = arith.constant 0 : i32
      %dma_wait3A_67 = tpu.memref_slice %arg8[%dma_wait3A] : memref<64xf32, #tpu.memory_space<vmem>> -> memref<64xf32, #tpu.memory_space<vmem>>
      %dma_wait3A_68 = tpu.memref_slice %arg10[%add3A_38] : memref<10240xf32, #tpu.memory_space<vmem_shared>> -> memref<64xf32, #tpu.memory_space<vmem_shared>>
      %dma_wait3A_69 = tpu.memref_slice %arg10[%add3A_38] : memref<10240xf32, #tpu.memory_space<vmem_shared>> -> memref<64xf32, #tpu.memory_space<vmem_shared>>
      %dma_wait3A_70 = arith.constant 0 : i32
      %dma_wait3A_71 = tpu.memref_slice %arg8[%dma_wait3A_70] : memref<64xf32, #tpu.memory_space<vmem>> -> memref<64xf32, #tpu.memory_space<vmem>>
      tpu.wait_dma2 semaphore(%run_scoped3A : memref<!tpu.dma_semaphore, #tpu.memory_space<semaphore_mem>>) src(%dma_wait3A_71 : memref<64xf32, #tpu.memory_space<vmem>>) dst(%dma_wait3A_69 : memref<64xf32, #tpu.memory_space<vmem_shared>>)
      tpu.yield
    }) : () -> ()
    %mul3A_39 = arith.constant 640 : i32
    %mul3A_40 = arith.muli %arg1, %mul3A_39 : i32
    %add3A_41 = arith.constant 512 : i32
    %add3A_42 = arith.addi %mul3A_40, %add3A_41 : i32
    "tpu.region"() ({
      %run_scoped3A = tpu.sem_alloc : memref<!tpu.dma_semaphore, #tpu.memory_space<semaphore_mem>>
      %dma_start3A_61 = arith.constant 0 : i32
      %dma_start3A_62 = tpu.memref_slice %arg8[%dma_start3A_61] : memref<64xf32, #tpu.memory_space<vmem>> -> memref<64xf32, #tpu.memory_space<vmem>>
      %dma_start3A_63 = tpu.memref_slice %arg10[%add3A_42] : memref<10240xf32, #tpu.memory_space<vmem_shared>> -> memref<64xf32, #tpu.memory_space<vmem_shared>>
      %dma_start3A_64 = tpu.memref_slice %arg10[%add3A_42] : memref<10240xf32, #tpu.memory_space<vmem_shared>> -> memref<64xf32, #tpu.memory_space<vmem_shared>>
      %dma_start3A_65 = arith.constant 0 : i32
      %dma_start3A_66 = tpu.memref_slice %arg8[%dma_start3A_65] : memref<64xf32, #tpu.memory_space<vmem>> -> memref<64xf32, #tpu.memory_space<vmem>>
      tpu.enqueue_dma source(%dma_start3A_66 : memref<64xf32, #tpu.memory_space<vmem>>) target(%dma_start3A_64 : memref<64xf32, #tpu.memory_space<vmem_shared>>) target_semaphore(%run_scoped3A : memref<!tpu.dma_semaphore, #tpu.memory_space<semaphore_mem>>)
      %dma_wait3A = arith.constant 0 : i32
      %dma_wait3A_67 = tpu.memref_slice %arg8[%dma_wait3A] : memref<64xf32, #tpu.memory_space<vmem>> -> memref<64xf32, #tpu.memory_space<vmem>>
      %dma_wait3A_68 = tpu.memref_slice %arg10[%add3A_42] : memref<10240xf32, #tpu.memory_space<vmem_shared>> -> memref<64xf32, #tpu.memory_space<vmem_shared>>
      %dma_wait3A_69 = tpu.memref_slice %arg10[%add3A_42] : memref<10240xf32, #tpu.memory_space<vmem_shared>> -> memref<64xf32, #tpu.memory_space<vmem_shared>>
      %dma_wait3A_70 = arith.constant 0 : i32
      %dma_wait3A_71 = tpu.memref_slice %arg8[%dma_wait3A_70] : memref<64xf32, #tpu.memory_space<vmem>> -> memref<64xf32, #tpu.memory_space<vmem>>
      tpu.wait_dma2 semaphore(%run_scoped3A : memref<!tpu.dma_semaphore, #tpu.memory_space<semaphore_mem>>) src(%dma_wait3A_71 : memref<64xf32, #tpu.memory_space<vmem>>) dst(%dma_wait3A_69 : memref<64xf32, #tpu.memory_space<vmem_shared>>)
      tpu.yield
    }) : () -> ()
    %mul3A_43 = arith.constant 640 : i32
    %mul3A_44 = arith.muli %arg1, %mul3A_43 : i32
    %add3A_45 = arith.constant 576 : i32
    %add3A_46 = arith.addi %mul3A_44, %add3A_45 : i32
    "tpu.region"() ({
      %run_scoped3A = tpu.sem_alloc : memref<!tpu.dma_semaphore, #tpu.memory_space<semaphore_mem>>
      %dma_start3A_61 = arith.constant 0 : i32
      %dma_start3A_62 = tpu.memref_slice %arg8[%dma_start3A_61] : memref<64xf32, #tpu.memory_space<vmem>> -> memref<64xf32, #tpu.memory_space<vmem>>
      %dma_start3A_63 = tpu.memref_slice %arg10[%add3A_46] : memref<10240xf32, #tpu.memory_space<vmem_shared>> -> memref<64xf32, #tpu.memory_space<vmem_shared>>
      %dma_start3A_64 = tpu.memref_slice %arg10[%add3A_46] : memref<10240xf32, #tpu.memory_space<vmem_shared>> -> memref<64xf32, #tpu.memory_space<vmem_shared>>
      %dma_start3A_65 = arith.constant 0 : i32
      %dma_start3A_66 = tpu.memref_slice %arg8[%dma_start3A_65] : memref<64xf32, #tpu.memory_space<vmem>> -> memref<64xf32, #tpu.memory_space<vmem>>
      tpu.enqueue_dma source(%dma_start3A_66 : memref<64xf32, #tpu.memory_space<vmem>>) target(%dma_start3A_64 : memref<64xf32, #tpu.memory_space<vmem_shared>>) target_semaphore(%run_scoped3A : memref<!tpu.dma_semaphore, #tpu.memory_space<semaphore_mem>>)
      %dma_wait3A = arith.constant 0 : i32
      %dma_wait3A_67 = tpu.memref_slice %arg8[%dma_wait3A] : memref<64xf32, #tpu.memory_space<vmem>> -> memref<64xf32, #tpu.memory_space<vmem>>
      %dma_wait3A_68 = tpu.memref_slice %arg10[%add3A_46] : memref<10240xf32, #tpu.memory_space<vmem_shared>> -> memref<64xf32, #tpu.memory_space<vmem_shared>>
      %dma_wait3A_69 = tpu.memref_slice %arg10[%add3A_46] : memref<10240xf32, #tpu.memory_space<vmem_shared>> -> memref<64xf32, #tpu.memory_space<vmem_shared>>
      %dma_wait3A_70 = arith.constant 0 : i32
      %dma_wait3A_71 = tpu.memref_slice %arg8[%dma_wait3A_70] : memref<64xf32, #tpu.memory_space<vmem>> -> memref<64xf32, #tpu.memory_space<vmem>>
      tpu.wait_dma2 semaphore(%run_scoped3A : memref<!tpu.dma_semaphore, #tpu.memory_space<semaphore_mem>>) src(%dma_wait3A_71 : memref<64xf32, #tpu.memory_space<vmem>>) dst(%dma_wait3A_69 : memref<64xf32, #tpu.memory_space<vmem_shared>>)
      tpu.yield
    }) : () -> ()
    %barrier3A = arith.constant 0 : index
    tpu.barrier barrier_id(%barrier3A)
    %dma_start3A = arith.constant 0 : i32
    %dma_start3A_47 = tpu.memref_slice %arg6[%dma_start3A] : memref<10112xi32, #tpu.memory_space<vmem>> -> memref<64xi32, #tpu.memory_space<vmem>>
    %dma_start3A_48 = arith.constant 0 : i32
    %dma_start3A_49 = tpu.memref_slice %arg2[%dma_start3A_48] : memref<10000xf32, #tpu.memory_space<hbm>> -> memref<10000xf32, #tpu.memory_space<hbm>>
    tpu.enqueue_indirect_dma source(%dma_start3A_49 : memref<10000xf32, #tpu.memory_space<hbm>>) target(%arg8 : memref<64xf32, #tpu.memory_space<vmem>>) offsets(%dma_start3A_47 : memref<64xi32, #tpu.memory_space<vmem>>) semaphore(%arg11 : memref<!tpu.dma_semaphore, #tpu.memory_space<semaphore_mem>>)
    %scan3A_50 = arith.constant 0 : i32
    %scan3A_51 = arith.constant 0 : i32
    %scan3A_52 = arith.constant 79 : i32
    %scan3A_53 = arith.addi %scan3A_51, %scan3A_52 : i32
    %scan3A_54 = arith.constant 1 : i32
    scf.for %scan3A_61 = %scan3A_51 to %scan3A_53 step %scan3A_54  : i32 {
      %mul3A_62 = arith.constant 2 : i32
      %mul3A_63 = arith.muli %mul3A_62, %scan3A_61 : i32
      %add3A_64 = arith.constant 1 : i32
      %add3A_65 = arith.addi %mul3A_63, %add3A_64 : i32
      %mul3A_66 = arith.constant 64 : i32
      %mul3A_67 = arith.muli %add3A_65, %mul3A_66 : i32
      %dma_start3A_68 = tpu.memref_slice %arg6[%mul3A_67] : memref<10112xi32, #tpu.memory_space<vmem>> -> memref<64xi32, #tpu.memory_space<vmem>>
      %dma_start3A_69 = arith.constant 0 : i32
      %dma_start3A_70 = tpu.memref_slice %arg2[%dma_start3A_69] : memref<10000xf32, #tpu.memory_space<hbm>> -> memref<10000xf32, #tpu.memory_space<hbm>>
      tpu.enqueue_indirect_dma source(%dma_start3A_70 : memref<10000xf32, #tpu.memory_space<hbm>>) target(%arg9 : memref<64xf32, #tpu.memory_space<vmem>>) offsets(%dma_start3A_68 : memref<64xi32, #tpu.memory_space<vmem>>) semaphore(%arg12 : memref<!tpu.dma_semaphore, #tpu.memory_space<semaphore_mem>>)
      %mul3A_71 = arith.constant 64 : i32
      %mul3A_72 = arith.muli %mul3A_63, %mul3A_71 : i32
      %dma_wait3A = tpu.memref_slice %arg6[%mul3A_72] : memref<10112xi32, #tpu.memory_space<vmem>> -> memref<64xi32, #tpu.memory_space<vmem>>
      %dma_wait3A_73 = arith.constant 0 : i32
      %dma_wait3A_74 = tpu.memref_slice %arg2[%dma_wait3A_73] : memref<10000xf32, #tpu.memory_space<hbm>> -> memref<10000xf32, #tpu.memory_space<hbm>>
      tpu.wait_indirect_dma semaphore(%arg11 : memref<!tpu.dma_semaphore, #tpu.memory_space<semaphore_mem>>) src(%dma_wait3A_74 : memref<10000xf32, #tpu.memory_space<hbm>>) dst(%arg8 : memref<64xf32, #tpu.memory_space<vmem>>)
      "tpu.region"() ({
        %run_scoped3A = tpu.sem_alloc : memref<!tpu.dma_semaphore, #tpu.memory_space<semaphore_mem>>
        %dma_start3A_86 = arith.constant 0 : i32
        %dma_start3A_87 = tpu.memref_slice %arg7[%mul3A_63, %dma_start3A_86] : memref<158x64xi32, #tpu.memory_space<vmem>> -> memref<1x64xi32, #tpu.memory_space<vmem>>
        %dma_start3A_88 = tpu.memref_squeeze %dma_start3A_87 : memref<1x64xi32, #tpu.memory_space<vmem>> -> memref<64xi32, #tpu.memory_space<vmem>>
        %dma_start3A_89 = arith.constant 0 : i32
        %dma_start3A_90 = tpu.memref_slice %arg10[%dma_start3A_89] : memref<10240xf32, #tpu.memory_space<vmem_shared>> -> memref<10240xf32, #tpu.memory_space<vmem_shared>>
        tpu.enqueue_indirect_dma source(%arg8 : memref<64xf32, #tpu.memory_space<vmem>>) target(%dma_start3A_90 : memref<10240xf32, #tpu.memory_space<vmem_shared>>) offsets(%dma_start3A_88 : memref<64xi32, #tpu.memory_space<vmem>>) semaphore(%run_scoped3A : memref<!tpu.dma_semaphore, #tpu.memory_space<semaphore_mem>>) {add = true}
        %dma_wait3A_91 = arith.constant 0 : i32
        %dma_wait3A_92 = tpu.memref_slice %arg7[%mul3A_63, %dma_wait3A_91] : memref<158x64xi32, #tpu.memory_space<vmem>> -> memref<1x64xi32, #tpu.memory_space<vmem>>
        %dma_wait3A_93 = tpu.memref_squeeze %dma_wait3A_92 : memref<1x64xi32, #tpu.memory_space<vmem>> -> memref<64xi32, #tpu.memory_space<vmem>>
        %dma_wait3A_94 = arith.constant 0 : i32
        %dma_wait3A_95 = tpu.memref_slice %arg10[%dma_wait3A_94] : memref<10240xf32, #tpu.memory_space<vmem_shared>> -> memref<10240xf32, #tpu.memory_space<vmem_shared>>
        tpu.wait_indirect_dma semaphore(%run_scoped3A : memref<!tpu.dma_semaphore, #tpu.memory_space<semaphore_mem>>) src(%arg8 : memref<64xf32, #tpu.memory_space<vmem>>) dst(%dma_wait3A_95 : memref<10240xf32, #tpu.memory_space<vmem_shared>>)
        tpu.yield
      }) : () -> ()
      %lt3A = arith.constant 78 : i32
      %lt3A_75 = arith.cmpi slt, %scan3A_61, %lt3A : i32
      %convert_element_type3A = arith.extui %lt3A_75 : i1 to i32
      %cond3A = arith.constant 0 : i32
      %cond3A_76 = arith.cmpi ne, %convert_element_type3A, %cond3A : i32
      scf.if %cond3A_76 {
        %add3A_86 = arith.constant 2 : i32
        %add3A_87 = arith.addi %mul3A_63, %add3A_86 : i32
        %mul3A_88 = arith.constant 64 : i32
        %mul3A_89 = arith.muli %add3A_87, %mul3A_88 : i32
        %dma_start3A_90 = tpu.memref_slice %arg6[%mul3A_89] : memref<10112xi32, #tpu.memory_space<vmem>> -> memref<64xi32, #tpu.memory_space<vmem>>
        %dma_start3A_91 = arith.constant 0 : i32
        %dma_start3A_92 = tpu.memref_slice %arg2[%dma_start3A_91] : memref<10000xf32, #tpu.memory_space<hbm>> -> memref<10000xf32, #tpu.memory_space<hbm>>
        tpu.enqueue_indirect_dma source(%dma_start3A_92 : memref<10000xf32, #tpu.memory_space<hbm>>) target(%arg8 : memref<64xf32, #tpu.memory_space<vmem>>) offsets(%dma_start3A_90 : memref<64xi32, #tpu.memory_space<vmem>>) semaphore(%arg11 : memref<!tpu.dma_semaphore, #tpu.memory_space<semaphore_mem>>)
      } else {
      }
      %add3A_77 = arith.constant 1 : i32
      %add3A_78 = arith.addi %mul3A_63, %add3A_77 : i32
      %mul3A_79 = arith.constant 64 : i32
      %mul3A_80 = arith.muli %add3A_78, %mul3A_79 : i32
      %dma_wait3A_81 = tpu.memref_slice %arg6[%mul3A_80] : memref<10112xi32, #tpu.memory_space<vmem>> -> memref<64xi32, #tpu.memory_space<vmem>>
      %dma_wait3A_82 = arith.constant 0 : i32
      %dma_wait3A_83 = tpu.memref_slice %arg2[%dma_wait3A_82] : memref<10000xf32, #tpu.memory_space<hbm>> -> memref<10000xf32, #tpu.memory_space<hbm>>
      tpu.wait_indirect_dma semaphore(%arg12 : memref<!tpu.dma_semaphore, #tpu.memory_space<semaphore_mem>>) src(%dma_wait3A_83 : memref<10000xf32, #tpu.memory_space<hbm>>) dst(%arg9 : memref<64xf32, #tpu.memory_space<vmem>>)
      %add3A_84 = arith.constant 1 : i32
      %add3A_85 = arith.addi %mul3A_63, %add3A_84 : i32
      "tpu.region"() ({
        %run_scoped3A = tpu.sem_alloc : memref<!tpu.dma_semaphore, #tpu.memory_space<semaphore_mem>>
        %dma_start3A_86 = arith.constant 0 : i32
        %dma_start3A_87 = tpu.memref_slice %arg7[%add3A_85, %dma_start3A_86] : memref<158x64xi32, #tpu.memory_space<vmem>> -> memref<1x64xi32, #tpu.memory_space<vmem>>
        %dma_start3A_88 = tpu.memref_squeeze %dma_start3A_87 : memref<1x64xi32, #tpu.memory_space<vmem>> -> memref<64xi32, #tpu.memory_space<vmem>>
        %dma_start3A_89 = arith.constant 0 : i32
        %dma_start3A_90 = tpu.memref_slice %arg10[%dma_start3A_89] : memref<10240xf32, #tpu.memory_space<vmem_shared>> -> memref<10240xf32, #tpu.memory_space<vmem_shared>>
        tpu.enqueue_indirect_dma source(%arg9 : memref<64xf32, #tpu.memory_space<vmem>>) target(%dma_start3A_90 : memref<10240xf32, #tpu.memory_space<vmem_shared>>) offsets(%dma_start3A_88 : memref<64xi32, #tpu.memory_space<vmem>>) semaphore(%run_scoped3A : memref<!tpu.dma_semaphore, #tpu.memory_space<semaphore_mem>>) {add = true}
        %dma_wait3A_91 = arith.constant 0 : i32
        %dma_wait3A_92 = tpu.memref_slice %arg7[%add3A_85, %dma_wait3A_91] : memref<158x64xi32, #tpu.memory_space<vmem>> -> memref<1x64xi32, #tpu.memory_space<vmem>>
        %dma_wait3A_93 = tpu.memref_squeeze %dma_wait3A_92 : memref<1x64xi32, #tpu.memory_space<vmem>> -> memref<64xi32, #tpu.memory_space<vmem>>
        %dma_wait3A_94 = arith.constant 0 : i32
        %dma_wait3A_95 = tpu.memref_slice %arg10[%dma_wait3A_94] : memref<10240xf32, #tpu.memory_space<vmem_shared>> -> memref<10240xf32, #tpu.memory_space<vmem_shared>>
        tpu.wait_indirect_dma semaphore(%run_scoped3A : memref<!tpu.dma_semaphore, #tpu.memory_space<semaphore_mem>>) src(%arg9 : memref<64xf32, #tpu.memory_space<vmem>>) dst(%dma_wait3A_95 : memref<10240xf32, #tpu.memory_space<vmem_shared>>)
        tpu.yield
      }) : () -> ()
    }
    %scan3A_55 = arith.constant 79 : i32
    %barrier3A_56 = arith.constant 0 : index
    tpu.barrier barrier_id(%barrier3A_56)
    %mul3A_57 = arith.constant 640 : i32
    %mul3A_58 = arith.muli %arg1, %mul3A_57 : i32
    %mul3A_59 = arith.constant 640 : i32
    %mul3A_60 = arith.muli %arg1, %mul3A_59 : i32
    "tpu.region"() ({
      %run_scoped3A = tpu.sem_alloc : memref<!tpu.dma_semaphore, #tpu.memory_space<semaphore_mem>>
      %dma_start3A_61 = tpu.memref_slice %arg5[%arg0, %mul3A_60] : memref<2x10240xf32, #tpu.memory_space<hbm>> -> memref<1x640xf32, #tpu.memory_space<hbm>>
      %dma_start3A_62 = tpu.memref_squeeze %dma_start3A_61 : memref<1x640xf32, #tpu.memory_space<hbm>> -> memref<640xf32, #tpu.memory_space<hbm>>
      %dma_start3A_63 = tpu.memref_slice %arg10[%mul3A_58] : memref<10240xf32, #tpu.memory_space<vmem_shared>> -> memref<640xf32, #tpu.memory_space<vmem_shared>>
      tpu.enqueue_dma source(%dma_start3A_63 : memref<640xf32, #tpu.memory_space<vmem_shared>>) target(%dma_start3A_62 : memref<640xf32, #tpu.memory_space<hbm>>) target_semaphore(%run_scoped3A : memref<!tpu.dma_semaphore, #tpu.memory_space<semaphore_mem>>)
      %dma_wait3A = tpu.memref_slice %arg5[%arg0, %mul3A_60] : memref<2x10240xf32, #tpu.memory_space<hbm>> -> memref<1x640xf32, #tpu.memory_space<hbm>>
      %dma_wait3A_64 = tpu.memref_squeeze %dma_wait3A : memref<1x640xf32, #tpu.memory_space<hbm>> -> memref<640xf32, #tpu.memory_space<hbm>>
      %dma_wait3A_65 = tpu.memref_slice %arg10[%mul3A_58] : memref<10240xf32, #tpu.memory_space<vmem_shared>> -> memref<640xf32, #tpu.memory_space<vmem_shared>>
      tpu.wait_dma2 semaphore(%run_scoped3A : memref<!tpu.dma_semaphore, #tpu.memory_space<semaphore_mem>>) src(%dma_wait3A_65 : memref<640xf32, #tpu.memory_space<vmem_shared>>) dst(%dma_wait3A_64 : memref<640xf32, #tpu.memory_space<hbm>>)
      tpu.yield
    }) : () -> ()
    return
  }
}

#map = affine_map<(d0, d1) -> (0, 0)>
#map1 = affine_map<(d0, d1) -> (0, 0, 0)>
module attributes {stable_mosaic.version = 14 : i64} {
  func.func @k(%arg0: i32, %arg1: i32, %arg2: memref<10000x128xf32, #tpu.memory_space<hbm>>, %arg3: memref<32x10112xi32, #tpu.memory_space<hbm>>, %arg4: memref<32x158x64xi32, #tpu.memory_space<hbm>>, %arg5: memref<2x10240x128xf32, #tpu.memory_space<hbm>>, %arg6: memref<10112xi32, #tpu.memory_space<vmem>>, %arg7: memref<158x64xi32, #tpu.memory_space<vmem>>, %arg8: memref<64x128xf32, #tpu.memory_space<vmem>>, %arg9: memref<64x128xf32, #tpu.memory_space<vmem>>, %arg10: memref<10240x128xf32, #tpu.memory_space<vmem_shared>>, %arg11: memref<!tpu.dma_semaphore, #tpu.memory_space<semaphore_mem>>, %arg12: memref<!tpu.dma_semaphore, #tpu.memory_space<semaphore_mem>>) attributes {dimension_semantics = [#tpu.dimension_semantics<core_parallel>, #tpu.dimension_semantics<subcore_parallel>], iteration_bounds = array<i64: 2, 16>, scalar_prefetch = 0 : i64, scratch_operands = 7 : i64, tpu.core_type = #tpu.core_type<sc_vector_subcore>, window_params = [{transform_indices = #map}, {transform_indices = #map}, {transform_indices = #map1}, {transform_indices = #map1}]} {
    %mul3A = arith.constant 16 : i32
    %mul3A_0 = arith.muli %arg0, %mul3A : i32
    %add3A = arith.addi %mul3A_0, %arg1 : i32
    "tpu.region"() ({
      %run_scoped3A = tpu.sem_alloc : memref<!tpu.dma_semaphore, #tpu.memory_space<semaphore_mem>>
      %dma_start3A_98 = arith.constant 0 : i32
      %dma_start3A_99 = tpu.memref_slice %arg3[%add3A, %dma_start3A_98] : memref<32x10112xi32, #tpu.memory_space<hbm>> -> memref<1x10112xi32, #tpu.memory_space<hbm>>
      %dma_start3A_100 = tpu.memref_squeeze %dma_start3A_99 : memref<1x10112xi32, #tpu.memory_space<hbm>> -> memref<10112xi32, #tpu.memory_space<hbm>>
      %dma_start3A_101 = arith.constant 0 : i32
      %dma_start3A_102 = tpu.memref_slice %arg3[%add3A, %dma_start3A_101] : memref<32x10112xi32, #tpu.memory_space<hbm>> -> memref<1x10112xi32, #tpu.memory_space<hbm>>
      %dma_start3A_103 = tpu.memref_squeeze %dma_start3A_102 : memref<1x10112xi32, #tpu.memory_space<hbm>> -> memref<10112xi32, #tpu.memory_space<hbm>>
      tpu.enqueue_dma source(%dma_start3A_103 : memref<10112xi32, #tpu.memory_space<hbm>>) target(%arg6 : memref<10112xi32, #tpu.memory_space<vmem>>) target_semaphore(%run_scoped3A : memref<!tpu.dma_semaphore, #tpu.memory_space<semaphore_mem>>)
      %dma_wait3A = arith.constant 0 : i32
      %dma_wait3A_104 = tpu.memref_slice %arg3[%add3A, %dma_wait3A] : memref<32x10112xi32, #tpu.memory_space<hbm>> -> memref<1x10112xi32, #tpu.memory_space<hbm>>
      %dma_wait3A_105 = tpu.memref_squeeze %dma_wait3A_104 : memref<1x10112xi32, #tpu.memory_space<hbm>> -> memref<10112xi32, #tpu.memory_space<hbm>>
      %dma_wait3A_106 = arith.constant 0 : i32
      %dma_wait3A_107 = tpu.memref_slice %arg3[%add3A, %dma_wait3A_106] : memref<32x10112xi32, #tpu.memory_space<hbm>> -> memref<1x10112xi32, #tpu.memory_space<hbm>>
      %dma_wait3A_108 = tpu.memref_squeeze %dma_wait3A_107 : memref<1x10112xi32, #tpu.memory_space<hbm>> -> memref<10112xi32, #tpu.memory_space<hbm>>
      tpu.wait_dma2 semaphore(%run_scoped3A : memref<!tpu.dma_semaphore, #tpu.memory_space<semaphore_mem>>) src(%dma_wait3A_108 : memref<10112xi32, #tpu.memory_space<hbm>>) dst(%arg6 : memref<10112xi32, #tpu.memory_space<vmem>>)
      tpu.yield
    }) : () -> ()
    "tpu.region"() ({
      %run_scoped3A = tpu.sem_alloc : memref<!tpu.dma_semaphore, #tpu.memory_space<semaphore_mem>>
      %dma_start3A_98 = arith.constant 0 : i32
      %dma_start3A_99 = arith.constant 0 : i32
      %dma_start3A_100 = tpu.memref_slice %arg4[%add3A, %dma_start3A_98, %dma_start3A_99] : memref<32x158x64xi32, #tpu.memory_space<hbm>> -> memref<1x158x64xi32, #tpu.memory_space<hbm>>
      %dma_start3A_101 = tpu.memref_squeeze %dma_start3A_100 : memref<1x158x64xi32, #tpu.memory_space<hbm>> -> memref<158x64xi32, #tpu.memory_space<hbm>>
      %dma_start3A_102 = arith.constant 0 : i32
      %dma_start3A_103 = arith.constant 0 : i32
      %dma_start3A_104 = tpu.memref_slice %arg4[%add3A, %dma_start3A_102, %dma_start3A_103] : memref<32x158x64xi32, #tpu.memory_space<hbm>> -> memref<1x158x64xi32, #tpu.memory_space<hbm>>
      %dma_start3A_105 = tpu.memref_squeeze %dma_start3A_104 : memref<1x158x64xi32, #tpu.memory_space<hbm>> -> memref<158x64xi32, #tpu.memory_space<hbm>>
      tpu.enqueue_dma source(%dma_start3A_105 : memref<158x64xi32, #tpu.memory_space<hbm>>) target(%arg7 : memref<158x64xi32, #tpu.memory_space<vmem>>) target_semaphore(%run_scoped3A : memref<!tpu.dma_semaphore, #tpu.memory_space<semaphore_mem>>)
      %dma_wait3A = arith.constant 0 : i32
      %dma_wait3A_106 = arith.constant 0 : i32
      %dma_wait3A_107 = tpu.memref_slice %arg4[%add3A, %dma_wait3A, %dma_wait3A_106] : memref<32x158x64xi32, #tpu.memory_space<hbm>> -> memref<1x158x64xi32, #tpu.memory_space<hbm>>
      %dma_wait3A_108 = tpu.memref_squeeze %dma_wait3A_107 : memref<1x158x64xi32, #tpu.memory_space<hbm>> -> memref<158x64xi32, #tpu.memory_space<hbm>>
      %dma_wait3A_109 = arith.constant 0 : i32
      %dma_wait3A_110 = arith.constant 0 : i32
      %dma_wait3A_111 = tpu.memref_slice %arg4[%add3A, %dma_wait3A_109, %dma_wait3A_110] : memref<32x158x64xi32, #tpu.memory_space<hbm>> -> memref<1x158x64xi32, #tpu.memory_space<hbm>>
      %dma_wait3A_112 = tpu.memref_squeeze %dma_wait3A_111 : memref<1x158x64xi32, #tpu.memory_space<hbm>> -> memref<158x64xi32, #tpu.memory_space<hbm>>
      tpu.wait_dma2 semaphore(%run_scoped3A : memref<!tpu.dma_semaphore, #tpu.memory_space<semaphore_mem>>) src(%dma_wait3A_112 : memref<158x64xi32, #tpu.memory_space<hbm>>) dst(%arg7 : memref<158x64xi32, #tpu.memory_space<vmem>>)
      tpu.yield
    }) : () -> ()
    %broadcast_in_dim3A = arith.constant 0.000000e+00 : f32
    %broadcast_in_dim3A_1 = vector.broadcast %broadcast_in_dim3A : f32 to vector<16xf32>
    %scan3A = arith.constant 0 : i32
    %scan3A_2 = arith.constant 0 : i32
    %scan3A_3 = arith.constant 64 : i32
    %scan3A_4 = arith.addi %scan3A_2, %scan3A_3 : i32
    %scan3A_5 = arith.constant 1 : i32
    scf.for %scan3A_98 = %scan3A_2 to %scan3A_4 step %scan3A_5  : i32 {
      %swap3A = arith.index_cast %scan3A_98 : i32 to index
      %swap3A_99 = arith.constant 0 : index
      %swap3A_100 = tpu.vector_load %arg8[%swap3A, %swap3A_99] {strides = array<i32>} : memref<64x128xf32, #tpu.memory_space<vmem>>, vector<1x16xf32>,
      %swap3A_101 = vector.shape_cast %swap3A_100 : vector<1x16xf32> to vector<16xf32>
      %swap3A_102 = vector.shape_cast %broadcast_in_dim3A_1 : vector<16xf32> to vector<1x16xf32>
      tpu.vector_store %arg8[%swap3A, %swap3A_99], %swap3A_102 {strides = array<i32>} : memref<64x128xf32, #tpu.memory_space<vmem>>, vector<1x16xf32>,
      %swap3A_103 = arith.index_cast %scan3A_98 : i32 to index
      %swap3A_104 = arith.constant 16 : index
      %swap3A_105 = tpu.vector_load %arg8[%swap3A_103, %swap3A_104] {strides = array<i32>} : memref<64x128xf32, #tpu.memory_space<vmem>>, vector<1x16xf32>,
      %swap3A_106 = vector.shape_cast %swap3A_105 : vector<1x16xf32> to vector<16xf32>
      %swap3A_107 = vector.shape_cast %broadcast_in_dim3A_1 : vector<16xf32> to vector<1x16xf32>
      tpu.vector_store %arg8[%swap3A_103, %swap3A_104], %swap3A_107 {strides = array<i32>} : memref<64x128xf32, #tpu.memory_space<vmem>>, vector<1x16xf32>,
      %swap3A_108 = arith.index_cast %scan3A_98 : i32 to index
      %swap3A_109 = arith.constant 32 : index
      %swap3A_110 = tpu.vector_load %arg8[%swap3A_108, %swap3A_109] {strides = array<i32>} : memref<64x128xf32, #tpu.memory_space<vmem>>, vector<1x16xf32>,
      %swap3A_111 = vector.shape_cast %swap3A_110 : vector<1x16xf32> to vector<16xf32>
      %swap3A_112 = vector.shape_cast %broadcast_in_dim3A_1 : vector<16xf32> to vector<1x16xf32>
      tpu.vector_store %arg8[%swap3A_108, %swap3A_109], %swap3A_112 {strides = array<i32>} : memref<64x128xf32, #tpu.memory_space<vmem>>, vector<1x16xf32>,
      %swap3A_113 = arith.index_cast %scan3A_98 : i32 to index
      %swap3A_114 = arith.constant 48 : index
      %swap3A_115 = tpu.vector_load %arg8[%swap3A_113, %swap3A_114] {strides = array<i32>} : memref<64x128xf32, #tpu.memory_space<vmem>>, vector<1x16xf32>,
      %swap3A_116 = vector.shape_cast %swap3A_115 : vector<1x16xf32> to vector<16xf32>
      %swap3A_117 = vector.shape_cast %broadcast_in_dim3A_1 : vector<16xf32> to vector<1x16xf32>
      tpu.vector_store %arg8[%swap3A_113, %swap3A_114], %swap3A_117 {strides = array<i32>} : memref<64x128xf32, #tpu.memory_space<vmem>>, vector<1x16xf32>,
      %swap3A_118 = arith.index_cast %scan3A_98 : i32 to index
      %swap3A_119 = arith.constant 64 : index
      %swap3A_120 = tpu.vector_load %arg8[%swap3A_118, %swap3A_119] {strides = array<i32>} : memref<64x128xf32, #tpu.memory_space<vmem>>, vector<1x16xf32>,
      %swap3A_121 = vector.shape_cast %swap3A_120 : vector<1x16xf32> to vector<16xf32>
      %swap3A_122 = vector.shape_cast %broadcast_in_dim3A_1 : vector<16xf32> to vector<1x16xf32>
      tpu.vector_store %arg8[%swap3A_118, %swap3A_119], %swap3A_122 {strides = array<i32>} : memref<64x128xf32, #tpu.memory_space<vmem>>, vector<1x16xf32>,
      %swap3A_123 = arith.index_cast %scan3A_98 : i32 to index
      %swap3A_124 = arith.constant 80 : index
      %swap3A_125 = tpu.vector_load %arg8[%swap3A_123, %swap3A_124] {strides = array<i32>} : memref<64x128xf32, #tpu.memory_space<vmem>>, vector<1x16xf32>,
      %swap3A_126 = vector.shape_cast %swap3A_125 : vector<1x16xf32> to vector<16xf32>
      %swap3A_127 = vector.shape_cast %broadcast_in_dim3A_1 : vector<16xf32> to vector<1x16xf32>
      tpu.vector_store %arg8[%swap3A_123, %swap3A_124], %swap3A_127 {strides = array<i32>} : memref<64x128xf32, #tpu.memory_space<vmem>>, vector<1x16xf32>,
      %swap3A_128 = arith.index_cast %scan3A_98 : i32 to index
      %swap3A_129 = arith.constant 96 : index
      %swap3A_130 = tpu.vector_load %arg8[%swap3A_128, %swap3A_129] {strides = array<i32>} : memref<64x128xf32, #tpu.memory_space<vmem>>, vector<1x16xf32>,
      %swap3A_131 = vector.shape_cast %swap3A_130 : vector<1x16xf32> to vector<16xf32>
      %swap3A_132 = vector.shape_cast %broadcast_in_dim3A_1 : vector<16xf32> to vector<1x16xf32>
      tpu.vector_store %arg8[%swap3A_128, %swap3A_129], %swap3A_132 {strides = array<i32>} : memref<64x128xf32, #tpu.memory_space<vmem>>, vector<1x16xf32>,
      %swap3A_133 = arith.index_cast %scan3A_98 : i32 to index
      %swap3A_134 = arith.constant 112 : index
      %swap3A_135 = tpu.vector_load %arg8[%swap3A_133, %swap3A_134] {strides = array<i32>} : memref<64x128xf32, #tpu.memory_space<vmem>>, vector<1x16xf32>,
      %swap3A_136 = vector.shape_cast %swap3A_135 : vector<1x16xf32> to vector<16xf32>
      %swap3A_137 = vector.shape_cast %broadcast_in_dim3A_1 : vector<16xf32> to vector<1x16xf32>
      tpu.vector_store %arg8[%swap3A_133, %swap3A_134], %swap3A_137 {strides = array<i32>} : memref<64x128xf32, #tpu.memory_space<vmem>>, vector<1x16xf32>,
    }
    %scan3A_6 = arith.constant 64 : i32
    %mul3A_7 = arith.constant 640 : i32
    %mul3A_8 = arith.muli %arg1, %mul3A_7 : i32
    %add3A_9 = arith.constant 0 : i32
    %add3A_10 = arith.addi %mul3A_8, %add3A_9 : i32
    "tpu.region"() ({
      %run_scoped3A = tpu.sem_alloc : memref<!tpu.dma_semaphore, #tpu.memory_space<semaphore_mem>>
      %dma_start3A_98 = arith.constant 0 : i32
      %dma_start3A_99 = arith.constant 0 : i32
      %dma_start3A_100 = tpu.memref_slice %arg8[%dma_start3A_98, %dma_start3A_99] : memref<64x128xf32, #tpu.memory_space<vmem>> -> memref<64x128xf32, #tpu.memory_space<vmem>>
      %dma_start3A_101 = arith.constant 0 : i32
      %dma_start3A_102 = tpu.memref_slice %arg10[%add3A_10, %dma_start3A_101] : memref<10240x128xf32, #tpu.memory_space<vmem_shared>> -> memref<64x128xf32, #tpu.memory_space<vmem_shared>>
      %dma_start3A_103 = arith.constant 0 : i32
      %dma_start3A_104 = tpu.memref_slice %arg10[%add3A_10, %dma_start3A_103] : memref<10240x128xf32, #tpu.memory_space<vmem_shared>> -> memref<64x128xf32, #tpu.memory_space<vmem_shared>>
      %dma_start3A_105 = arith.constant 0 : i32
      %dma_start3A_106 = arith.constant 0 : i32
      %dma_start3A_107 = tpu.memref_slice %arg8[%dma_start3A_105, %dma_start3A_106] : memref<64x128xf32, #tpu.memory_space<vmem>> -> memref<64x128xf32, #tpu.memory_space<vmem>>
      tpu.enqueue_dma source(%dma_start3A_107 : memref<64x128xf32, #tpu.memory_space<vmem>>) target(%dma_start3A_104 : memref<64x128xf32, #tpu.memory_space<vmem_shared>>) target_semaphore(%run_scoped3A : memref<!tpu.dma_semaphore, #tpu.memory_space<semaphore_mem>>)
      %dma_wait3A = arith.constant 0 : i32
      %dma_wait3A_108 = arith.constant 0 : i32
      %dma_wait3A_109 = tpu.memref_slice %arg8[%dma_wait3A, %dma_wait3A_108] : memref<64x128xf32, #tpu.memory_space<vmem>> -> memref<64x128xf32, #tpu.memory_space<vmem>>
      %dma_wait3A_110 = arith.constant 0 : i32
      %dma_wait3A_111 = tpu.memref_slice %arg10[%add3A_10, %dma_wait3A_110] : memref<10240x128xf32, #tpu.memory_space<vmem_shared>> -> memref<64x128xf32, #tpu.memory_space<vmem_shared>>
      %dma_wait3A_112 = arith.constant 0 : i32
      %dma_wait3A_113 = tpu.memref_slice %arg10[%add3A_10, %dma_wait3A_112] : memref<10240x128xf32, #tpu.memory_space<vmem_shared>> -> memref<64x128xf32, #tpu.memory_space<vmem_shared>>
      %dma_wait3A_114 = arith.constant 0 : i32
      %dma_wait3A_115 = arith.constant 0 : i32
      %dma_wait3A_116 = tpu.memref_slice %arg8[%dma_wait3A_114, %dma_wait3A_115] : memref<64x128xf32, #tpu.memory_space<vmem>> -> memref<64x128xf32, #tpu.memory_space<vmem>>
      tpu.wait_dma2 semaphore(%run_scoped3A : memref<!tpu.dma_semaphore, #tpu.memory_space<semaphore_mem>>) src(%dma_wait3A_116 : memref<64x128xf32, #tpu.memory_space<vmem>>) dst(%dma_wait3A_113 : memref<64x128xf32, #tpu.memory_space<vmem_shared>>)
      tpu.yield
    }) : () -> ()
    %mul3A_11 = arith.constant 640 : i32
    %mul3A_12 = arith.muli %arg1, %mul3A_11 : i32
    %add3A_13 = arith.constant 64 : i32
    %add3A_14 = arith.addi %mul3A_12, %add3A_13 : i32
    "tpu.region"() ({
      %run_scoped3A = tpu.sem_alloc : memref<!tpu.dma_semaphore, #tpu.memory_space<semaphore_mem>>
      %dma_start3A_98 = arith.constant 0 : i32
      %dma_start3A_99 = arith.constant 0 : i32
      %dma_start3A_100 = tpu.memref_slice %arg8[%dma_start3A_98, %dma_start3A_99] : memref<64x128xf32, #tpu.memory_space<vmem>> -> memref<64x128xf32, #tpu.memory_space<vmem>>
      %dma_start3A_101 = arith.constant 0 : i32
      %dma_start3A_102 = tpu.memref_slice %arg10[%add3A_14, %dma_start3A_101] : memref<10240x128xf32, #tpu.memory_space<vmem_shared>> -> memref<64x128xf32, #tpu.memory_space<vmem_shared>>
      %dma_start3A_103 = arith.constant 0 : i32
      %dma_start3A_104 = tpu.memref_slice %arg10[%add3A_14, %dma_start3A_103] : memref<10240x128xf32, #tpu.memory_space<vmem_shared>> -> memref<64x128xf32, #tpu.memory_space<vmem_shared>>
      %dma_start3A_105 = arith.constant 0 : i32
      %dma_start3A_106 = arith.constant 0 : i32
      %dma_start3A_107 = tpu.memref_slice %arg8[%dma_start3A_105, %dma_start3A_106] : memref<64x128xf32, #tpu.memory_space<vmem>> -> memref<64x128xf32, #tpu.memory_space<vmem>>
      tpu.enqueue_dma source(%dma_start3A_107 : memref<64x128xf32, #tpu.memory_space<vmem>>) target(%dma_start3A_104 : memref<64x128xf32, #tpu.memory_space<vmem_shared>>) target_semaphore(%run_scoped3A : memref<!tpu.dma_semaphore, #tpu.memory_space<semaphore_mem>>)
      %dma_wait3A = arith.constant 0 : i32
      %dma_wait3A_108 = arith.constant 0 : i32
      %dma_wait3A_109 = tpu.memref_slice %arg8[%dma_wait3A, %dma_wait3A_108] : memref<64x128xf32, #tpu.memory_space<vmem>> -> memref<64x128xf32, #tpu.memory_space<vmem>>
      %dma_wait3A_110 = arith.constant 0 : i32
      %dma_wait3A_111 = tpu.memref_slice %arg10[%add3A_14, %dma_wait3A_110] : memref<10240x128xf32, #tpu.memory_space<vmem_shared>> -> memref<64x128xf32, #tpu.memory_space<vmem_shared>>
      %dma_wait3A_112 = arith.constant 0 : i32
      %dma_wait3A_113 = tpu.memref_slice %arg10[%add3A_14, %dma_wait3A_112] : memref<10240x128xf32, #tpu.memory_space<vmem_shared>> -> memref<64x128xf32, #tpu.memory_space<vmem_shared>>
      %dma_wait3A_114 = arith.constant 0 : i32
      %dma_wait3A_115 = arith.constant 0 : i32
      %dma_wait3A_116 = tpu.memref_slice %arg8[%dma_wait3A_114, %dma_wait3A_115] : memref<64x128xf32, #tpu.memory_space<vmem>> -> memref<64x128xf32, #tpu.memory_space<vmem>>
      tpu.wait_dma2 semaphore(%run_scoped3A : memref<!tpu.dma_semaphore, #tpu.memory_space<semaphore_mem>>) src(%dma_wait3A_116 : memref<64x128xf32, #tpu.memory_space<vmem>>) dst(%dma_wait3A_113 : memref<64x128xf32, #tpu.memory_space<vmem_shared>>)
      tpu.yield
    }) : () -> ()
    %mul3A_15 = arith.constant 640 : i32
    %mul3A_16 = arith.muli %arg1, %mul3A_15 : i32
    %add3A_17 = arith.constant 128 : i32
    %add3A_18 = arith.addi %mul3A_16, %add3A_17 : i32
    "tpu.region"() ({
      %run_scoped3A = tpu.sem_alloc : memref<!tpu.dma_semaphore, #tpu.memory_space<semaphore_mem>>
      %dma_start3A_98 = arith.constant 0 : i32
      %dma_start3A_99 = arith.constant 0 : i32
      %dma_start3A_100 = tpu.memref_slice %arg8[%dma_start3A_98, %dma_start3A_99] : memref<64x128xf32, #tpu.memory_space<vmem>> -> memref<64x128xf32, #tpu.memory_space<vmem>>
      %dma_start3A_101 = arith.constant 0 : i32
      %dma_start3A_102 = tpu.memref_slice %arg10[%add3A_18, %dma_start3A_101] : memref<10240x128xf32, #tpu.memory_space<vmem_shared>> -> memref<64x128xf32, #tpu.memory_space<vmem_shared>>
      %dma_start3A_103 = arith.constant 0 : i32
      %dma_start3A_104 = tpu.memref_slice %arg10[%add3A_18, %dma_start3A_103] : memref<10240x128xf32, #tpu.memory_space<vmem_shared>> -> memref<64x128xf32, #tpu.memory_space<vmem_shared>>
      %dma_start3A_105 = arith.constant 0 : i32
      %dma_start3A_106 = arith.constant 0 : i32
      %dma_start3A_107 = tpu.memref_slice %arg8[%dma_start3A_105, %dma_start3A_106] : memref<64x128xf32, #tpu.memory_space<vmem>> -> memref<64x128xf32, #tpu.memory_space<vmem>>
      tpu.enqueue_dma source(%dma_start3A_107 : memref<64x128xf32, #tpu.memory_space<vmem>>) target(%dma_start3A_104 : memref<64x128xf32, #tpu.memory_space<vmem_shared>>) target_semaphore(%run_scoped3A : memref<!tpu.dma_semaphore, #tpu.memory_space<semaphore_mem>>)
      %dma_wait3A = arith.constant 0 : i32
      %dma_wait3A_108 = arith.constant 0 : i32
      %dma_wait3A_109 = tpu.memref_slice %arg8[%dma_wait3A, %dma_wait3A_108] : memref<64x128xf32, #tpu.memory_space<vmem>> -> memref<64x128xf32, #tpu.memory_space<vmem>>
      %dma_wait3A_110 = arith.constant 0 : i32
      %dma_wait3A_111 = tpu.memref_slice %arg10[%add3A_18, %dma_wait3A_110] : memref<10240x128xf32, #tpu.memory_space<vmem_shared>> -> memref<64x128xf32, #tpu.memory_space<vmem_shared>>
      %dma_wait3A_112 = arith.constant 0 : i32
      %dma_wait3A_113 = tpu.memref_slice %arg10[%add3A_18, %dma_wait3A_112] : memref<10240x128xf32, #tpu.memory_space<vmem_shared>> -> memref<64x128xf32, #tpu.memory_space<vmem_shared>>
      %dma_wait3A_114 = arith.constant 0 : i32
      %dma_wait3A_115 = arith.constant 0 : i32
      %dma_wait3A_116 = tpu.memref_slice %arg8[%dma_wait3A_114, %dma_wait3A_115] : memref<64x128xf32, #tpu.memory_space<vmem>> -> memref<64x128xf32, #tpu.memory_space<vmem>>
      tpu.wait_dma2 semaphore(%run_scoped3A : memref<!tpu.dma_semaphore, #tpu.memory_space<semaphore_mem>>) src(%dma_wait3A_116 : memref<64x128xf32, #tpu.memory_space<vmem>>) dst(%dma_wait3A_113 : memref<64x128xf32, #tpu.memory_space<vmem_shared>>)
      tpu.yield
    }) : () -> ()
    %mul3A_19 = arith.constant 640 : i32
    %mul3A_20 = arith.muli %arg1, %mul3A_19 : i32
    %add3A_21 = arith.constant 192 : i32
    %add3A_22 = arith.addi %mul3A_20, %add3A_21 : i32
    "tpu.region"() ({
      %run_scoped3A = tpu.sem_alloc : memref<!tpu.dma_semaphore, #tpu.memory_space<semaphore_mem>>
      %dma_start3A_98 = arith.constant 0 : i32
      %dma_start3A_99 = arith.constant 0 : i32
      %dma_start3A_100 = tpu.memref_slice %arg8[%dma_start3A_98, %dma_start3A_99] : memref<64x128xf32, #tpu.memory_space<vmem>> -> memref<64x128xf32, #tpu.memory_space<vmem>>
      %dma_start3A_101 = arith.constant 0 : i32
      %dma_start3A_102 = tpu.memref_slice %arg10[%add3A_22, %dma_start3A_101] : memref<10240x128xf32, #tpu.memory_space<vmem_shared>> -> memref<64x128xf32, #tpu.memory_space<vmem_shared>>
      %dma_start3A_103 = arith.constant 0 : i32
      %dma_start3A_104 = tpu.memref_slice %arg10[%add3A_22, %dma_start3A_103] : memref<10240x128xf32, #tpu.memory_space<vmem_shared>> -> memref<64x128xf32, #tpu.memory_space<vmem_shared>>
      %dma_start3A_105 = arith.constant 0 : i32
      %dma_start3A_106 = arith.constant 0 : i32
      %dma_start3A_107 = tpu.memref_slice %arg8[%dma_start3A_105, %dma_start3A_106] : memref<64x128xf32, #tpu.memory_space<vmem>> -> memref<64x128xf32, #tpu.memory_space<vmem>>
      tpu.enqueue_dma source(%dma_start3A_107 : memref<64x128xf32, #tpu.memory_space<vmem>>) target(%dma_start3A_104 : memref<64x128xf32, #tpu.memory_space<vmem_shared>>) target_semaphore(%run_scoped3A : memref<!tpu.dma_semaphore, #tpu.memory_space<semaphore_mem>>)
      %dma_wait3A = arith.constant 0 : i32
      %dma_wait3A_108 = arith.constant 0 : i32
      %dma_wait3A_109 = tpu.memref_slice %arg8[%dma_wait3A, %dma_wait3A_108] : memref<64x128xf32, #tpu.memory_space<vmem>> -> memref<64x128xf32, #tpu.memory_space<vmem>>
      %dma_wait3A_110 = arith.constant 0 : i32
      %dma_wait3A_111 = tpu.memref_slice %arg10[%add3A_22, %dma_wait3A_110] : memref<10240x128xf32, #tpu.memory_space<vmem_shared>> -> memref<64x128xf32, #tpu.memory_space<vmem_shared>>
      %dma_wait3A_112 = arith.constant 0 : i32
      %dma_wait3A_113 = tpu.memref_slice %arg10[%add3A_22, %dma_wait3A_112] : memref<10240x128xf32, #tpu.memory_space<vmem_shared>> -> memref<64x128xf32, #tpu.memory_space<vmem_shared>>
      %dma_wait3A_114 = arith.constant 0 : i32
      %dma_wait3A_115 = arith.constant 0 : i32
      %dma_wait3A_116 = tpu.memref_slice %arg8[%dma_wait3A_114, %dma_wait3A_115] : memref<64x128xf32, #tpu.memory_space<vmem>> -> memref<64x128xf32, #tpu.memory_space<vmem>>
      tpu.wait_dma2 semaphore(%run_scoped3A : memref<!tpu.dma_semaphore, #tpu.memory_space<semaphore_mem>>) src(%dma_wait3A_116 : memref<64x128xf32, #tpu.memory_space<vmem>>) dst(%dma_wait3A_113 : memref<64x128xf32, #tpu.memory_space<vmem_shared>>)
      tpu.yield
    }) : () -> ()
    %mul3A_23 = arith.constant 640 : i32
    %mul3A_24 = arith.muli %arg1, %mul3A_23 : i32
    %add3A_25 = arith.constant 256 : i32
    %add3A_26 = arith.addi %mul3A_24, %add3A_25 : i32
    "tpu.region"() ({
      %run_scoped3A = tpu.sem_alloc : memref<!tpu.dma_semaphore, #tpu.memory_space<semaphore_mem>>
      %dma_start3A_98 = arith.constant 0 : i32
      %dma_start3A_99 = arith.constant 0 : i32
      %dma_start3A_100 = tpu.memref_slice %arg8[%dma_start3A_98, %dma_start3A_99] : memref<64x128xf32, #tpu.memory_space<vmem>> -> memref<64x128xf32, #tpu.memory_space<vmem>>
      %dma_start3A_101 = arith.constant 0 : i32
      %dma_start3A_102 = tpu.memref_slice %arg10[%add3A_26, %dma_start3A_101] : memref<10240x128xf32, #tpu.memory_space<vmem_shared>> -> memref<64x128xf32, #tpu.memory_space<vmem_shared>>
      %dma_start3A_103 = arith.constant 0 : i32
      %dma_start3A_104 = tpu.memref_slice %arg10[%add3A_26, %dma_start3A_103] : memref<10240x128xf32, #tpu.memory_space<vmem_shared>> -> memref<64x128xf32, #tpu.memory_space<vmem_shared>>
      %dma_start3A_105 = arith.constant 0 : i32
      %dma_start3A_106 = arith.constant 0 : i32
      %dma_start3A_107 = tpu.memref_slice %arg8[%dma_start3A_105, %dma_start3A_106] : memref<64x128xf32, #tpu.memory_space<vmem>> -> memref<64x128xf32, #tpu.memory_space<vmem>>
      tpu.enqueue_dma source(%dma_start3A_107 : memref<64x128xf32, #tpu.memory_space<vmem>>) target(%dma_start3A_104 : memref<64x128xf32, #tpu.memory_space<vmem_shared>>) target_semaphore(%run_scoped3A : memref<!tpu.dma_semaphore, #tpu.memory_space<semaphore_mem>>)
      %dma_wait3A = arith.constant 0 : i32
      %dma_wait3A_108 = arith.constant 0 : i32
      %dma_wait3A_109 = tpu.memref_slice %arg8[%dma_wait3A, %dma_wait3A_108] : memref<64x128xf32, #tpu.memory_space<vmem>> -> memref<64x128xf32, #tpu.memory_space<vmem>>
      %dma_wait3A_110 = arith.constant 0 : i32
      %dma_wait3A_111 = tpu.memref_slice %arg10[%add3A_26, %dma_wait3A_110] : memref<10240x128xf32, #tpu.memory_space<vmem_shared>> -> memref<64x128xf32, #tpu.memory_space<vmem_shared>>
      %dma_wait3A_112 = arith.constant 0 : i32
      %dma_wait3A_113 = tpu.memref_slice %arg10[%add3A_26, %dma_wait3A_112] : memref<10240x128xf32, #tpu.memory_space<vmem_shared>> -> memref<64x128xf32, #tpu.memory_space<vmem_shared>>
      %dma_wait3A_114 = arith.constant 0 : i32
      %dma_wait3A_115 = arith.constant 0 : i32
      %dma_wait3A_116 = tpu.memref_slice %arg8[%dma_wait3A_114, %dma_wait3A_115] : memref<64x128xf32, #tpu.memory_space<vmem>> -> memref<64x128xf32, #tpu.memory_space<vmem>>
      tpu.wait_dma2 semaphore(%run_scoped3A : memref<!tpu.dma_semaphore, #tpu.memory_space<semaphore_mem>>) src(%dma_wait3A_116 : memref<64x128xf32, #tpu.memory_space<vmem>>) dst(%dma_wait3A_113 : memref<64x128xf32, #tpu.memory_space<vmem_shared>>)
      tpu.yield
    }) : () -> ()
    %mul3A_27 = arith.constant 640 : i32
    %mul3A_28 = arith.muli %arg1, %mul3A_27 : i32
    %add3A_29 = arith.constant 320 : i32
    %add3A_30 = arith.addi %mul3A_28, %add3A_29 : i32
    "tpu.region"() ({
      %run_scoped3A = tpu.sem_alloc : memref<!tpu.dma_semaphore, #tpu.memory_space<semaphore_mem>>
      %dma_start3A_98 = arith.constant 0 : i32
      %dma_start3A_99 = arith.constant 0 : i32
      %dma_start3A_100 = tpu.memref_slice %arg8[%dma_start3A_98, %dma_start3A_99] : memref<64x128xf32, #tpu.memory_space<vmem>> -> memref<64x128xf32, #tpu.memory_space<vmem>>
      %dma_start3A_101 = arith.constant 0 : i32
      %dma_start3A_102 = tpu.memref_slice %arg10[%add3A_30, %dma_start3A_101] : memref<10240x128xf32, #tpu.memory_space<vmem_shared>> -> memref<64x128xf32, #tpu.memory_space<vmem_shared>>
      %dma_start3A_103 = arith.constant 0 : i32
      %dma_start3A_104 = tpu.memref_slice %arg10[%add3A_30, %dma_start3A_103] : memref<10240x128xf32, #tpu.memory_space<vmem_shared>> -> memref<64x128xf32, #tpu.memory_space<vmem_shared>>
      %dma_start3A_105 = arith.constant 0 : i32
      %dma_start3A_106 = arith.constant 0 : i32
      %dma_start3A_107 = tpu.memref_slice %arg8[%dma_start3A_105, %dma_start3A_106] : memref<64x128xf32, #tpu.memory_space<vmem>> -> memref<64x128xf32, #tpu.memory_space<vmem>>
      tpu.enqueue_dma source(%dma_start3A_107 : memref<64x128xf32, #tpu.memory_space<vmem>>) target(%dma_start3A_104 : memref<64x128xf32, #tpu.memory_space<vmem_shared>>) target_semaphore(%run_scoped3A : memref<!tpu.dma_semaphore, #tpu.memory_space<semaphore_mem>>)
      %dma_wait3A = arith.constant 0 : i32
      %dma_wait3A_108 = arith.constant 0 : i32
      %dma_wait3A_109 = tpu.memref_slice %arg8[%dma_wait3A, %dma_wait3A_108] : memref<64x128xf32, #tpu.memory_space<vmem>> -> memref<64x128xf32, #tpu.memory_space<vmem>>
      %dma_wait3A_110 = arith.constant 0 : i32
      %dma_wait3A_111 = tpu.memref_slice %arg10[%add3A_30, %dma_wait3A_110] : memref<10240x128xf32, #tpu.memory_space<vmem_shared>> -> memref<64x128xf32, #tpu.memory_space<vmem_shared>>
      %dma_wait3A_112 = arith.constant 0 : i32
      %dma_wait3A_113 = tpu.memref_slice %arg10[%add3A_30, %dma_wait3A_112] : memref<10240x128xf32, #tpu.memory_space<vmem_shared>> -> memref<64x128xf32, #tpu.memory_space<vmem_shared>>
      %dma_wait3A_114 = arith.constant 0 : i32
      %dma_wait3A_115 = arith.constant 0 : i32
      %dma_wait3A_116 = tpu.memref_slice %arg8[%dma_wait3A_114, %dma_wait3A_115] : memref<64x128xf32, #tpu.memory_space<vmem>> -> memref<64x128xf32, #tpu.memory_space<vmem>>
      tpu.wait_dma2 semaphore(%run_scoped3A : memref<!tpu.dma_semaphore, #tpu.memory_space<semaphore_mem>>) src(%dma_wait3A_116 : memref<64x128xf32, #tpu.memory_space<vmem>>) dst(%dma_wait3A_113 : memref<64x128xf32, #tpu.memory_space<vmem_shared>>)
      tpu.yield
    }) : () -> ()
    %mul3A_31 = arith.constant 640 : i32
    %mul3A_32 = arith.muli %arg1, %mul3A_31 : i32
    %add3A_33 = arith.constant 384 : i32
    %add3A_34 = arith.addi %mul3A_32, %add3A_33 : i32
    "tpu.region"() ({
      %run_scoped3A = tpu.sem_alloc : memref<!tpu.dma_semaphore, #tpu.memory_space<semaphore_mem>>
      %dma_start3A_98 = arith.constant 0 : i32
      %dma_start3A_99 = arith.constant 0 : i32
      %dma_start3A_100 = tpu.memref_slice %arg8[%dma_start3A_98, %dma_start3A_99] : memref<64x128xf32, #tpu.memory_space<vmem>> -> memref<64x128xf32, #tpu.memory_space<vmem>>
      %dma_start3A_101 = arith.constant 0 : i32
      %dma_start3A_102 = tpu.memref_slice %arg10[%add3A_34, %dma_start3A_101] : memref<10240x128xf32, #tpu.memory_space<vmem_shared>> -> memref<64x128xf32, #tpu.memory_space<vmem_shared>>
      %dma_start3A_103 = arith.constant 0 : i32
      %dma_start3A_104 = tpu.memref_slice %arg10[%add3A_34, %dma_start3A_103] : memref<10240x128xf32, #tpu.memory_space<vmem_shared>> -> memref<64x128xf32, #tpu.memory_space<vmem_shared>>
      %dma_start3A_105 = arith.constant 0 : i32
      %dma_start3A_106 = arith.constant 0 : i32
      %dma_start3A_107 = tpu.memref_slice %arg8[%dma_start3A_105, %dma_start3A_106] : memref<64x128xf32, #tpu.memory_space<vmem>> -> memref<64x128xf32, #tpu.memory_space<vmem>>
      tpu.enqueue_dma source(%dma_start3A_107 : memref<64x128xf32, #tpu.memory_space<vmem>>) target(%dma_start3A_104 : memref<64x128xf32, #tpu.memory_space<vmem_shared>>) target_semaphore(%run_scoped3A : memref<!tpu.dma_semaphore, #tpu.memory_space<semaphore_mem>>)
      %dma_wait3A = arith.constant 0 : i32
      %dma_wait3A_108 = arith.constant 0 : i32
      %dma_wait3A_109 = tpu.memref_slice %arg8[%dma_wait3A, %dma_wait3A_108] : memref<64x128xf32, #tpu.memory_space<vmem>> -> memref<64x128xf32, #tpu.memory_space<vmem>>
      %dma_wait3A_110 = arith.constant 0 : i32
      %dma_wait3A_111 = tpu.memref_slice %arg10[%add3A_34, %dma_wait3A_110] : memref<10240x128xf32, #tpu.memory_space<vmem_shared>> -> memref<64x128xf32, #tpu.memory_space<vmem_shared>>
      %dma_wait3A_112 = arith.constant 0 : i32
      %dma_wait3A_113 = tpu.memref_slice %arg10[%add3A_34, %dma_wait3A_112] : memref<10240x128xf32, #tpu.memory_space<vmem_shared>> -> memref<64x128xf32, #tpu.memory_space<vmem_shared>>
      %dma_wait3A_114 = arith.constant 0 : i32
      %dma_wait3A_115 = arith.constant 0 : i32
      %dma_wait3A_116 = tpu.memref_slice %arg8[%dma_wait3A_114, %dma_wait3A_115] : memref<64x128xf32, #tpu.memory_space<vmem>> -> memref<64x128xf32, #tpu.memory_space<vmem>>
      tpu.wait_dma2 semaphore(%run_scoped3A : memref<!tpu.dma_semaphore, #tpu.memory_space<semaphore_mem>>) src(%dma_wait3A_116 : memref<64x128xf32, #tpu.memory_space<vmem>>) dst(%dma_wait3A_113 : memref<64x128xf32, #tpu.memory_space<vmem_shared>>)
      tpu.yield
    }) : () -> ()
    %mul3A_35 = arith.constant 640 : i32
    %mul3A_36 = arith.muli %arg1, %mul3A_35 : i32
    %add3A_37 = arith.constant 448 : i32
    %add3A_38 = arith.addi %mul3A_36, %add3A_37 : i32
    "tpu.region"() ({
      %run_scoped3A = tpu.sem_alloc : memref<!tpu.dma_semaphore, #tpu.memory_space<semaphore_mem>>
      %dma_start3A_98 = arith.constant 0 : i32
      %dma_start3A_99 = arith.constant 0 : i32
      %dma_start3A_100 = tpu.memref_slice %arg8[%dma_start3A_98, %dma_start3A_99] : memref<64x128xf32, #tpu.memory_space<vmem>> -> memref<64x128xf32, #tpu.memory_space<vmem>>
      %dma_start3A_101 = arith.constant 0 : i32
      %dma_start3A_102 = tpu.memref_slice %arg10[%add3A_38, %dma_start3A_101] : memref<10240x128xf32, #tpu.memory_space<vmem_shared>> -> memref<64x128xf32, #tpu.memory_space<vmem_shared>>
      %dma_start3A_103 = arith.constant 0 : i32
      %dma_start3A_104 = tpu.memref_slice %arg10[%add3A_38, %dma_start3A_103] : memref<10240x128xf32, #tpu.memory_space<vmem_shared>> -> memref<64x128xf32, #tpu.memory_space<vmem_shared>>
      %dma_start3A_105 = arith.constant 0 : i32
      %dma_start3A_106 = arith.constant 0 : i32
      %dma_start3A_107 = tpu.memref_slice %arg8[%dma_start3A_105, %dma_start3A_106] : memref<64x128xf32, #tpu.memory_space<vmem>> -> memref<64x128xf32, #tpu.memory_space<vmem>>
      tpu.enqueue_dma source(%dma_start3A_107 : memref<64x128xf32, #tpu.memory_space<vmem>>) target(%dma_start3A_104 : memref<64x128xf32, #tpu.memory_space<vmem_shared>>) target_semaphore(%run_scoped3A : memref<!tpu.dma_semaphore, #tpu.memory_space<semaphore_mem>>)
      %dma_wait3A = arith.constant 0 : i32
      %dma_wait3A_108 = arith.constant 0 : i32
      %dma_wait3A_109 = tpu.memref_slice %arg8[%dma_wait3A, %dma_wait3A_108] : memref<64x128xf32, #tpu.memory_space<vmem>> -> memref<64x128xf32, #tpu.memory_space<vmem>>
      %dma_wait3A_110 = arith.constant 0 : i32
      %dma_wait3A_111 = tpu.memref_slice %arg10[%add3A_38, %dma_wait3A_110] : memref<10240x128xf32, #tpu.memory_space<vmem_shared>> -> memref<64x128xf32, #tpu.memory_space<vmem_shared>>
      %dma_wait3A_112 = arith.constant 0 : i32
      %dma_wait3A_113 = tpu.memref_slice %arg10[%add3A_38, %dma_wait3A_112] : memref<10240x128xf32, #tpu.memory_space<vmem_shared>> -> memref<64x128xf32, #tpu.memory_space<vmem_shared>>
      %dma_wait3A_114 = arith.constant 0 : i32
      %dma_wait3A_115 = arith.constant 0 : i32
      %dma_wait3A_116 = tpu.memref_slice %arg8[%dma_wait3A_114, %dma_wait3A_115] : memref<64x128xf32, #tpu.memory_space<vmem>> -> memref<64x128xf32, #tpu.memory_space<vmem>>
      tpu.wait_dma2 semaphore(%run_scoped3A : memref<!tpu.dma_semaphore, #tpu.memory_space<semaphore_mem>>) src(%dma_wait3A_116 : memref<64x128xf32, #tpu.memory_space<vmem>>) dst(%dma_wait3A_113 : memref<64x128xf32, #tpu.memory_space<vmem_shared>>)
      tpu.yield
    }) : () -> ()
    %mul3A_39 = arith.constant 640 : i32
    %mul3A_40 = arith.muli %arg1, %mul3A_39 : i32
    %add3A_41 = arith.constant 512 : i32
    %add3A_42 = arith.addi %mul3A_40, %add3A_41 : i32
    "tpu.region"() ({
      %run_scoped3A = tpu.sem_alloc : memref<!tpu.dma_semaphore, #tpu.memory_space<semaphore_mem>>
      %dma_start3A_98 = arith.constant 0 : i32
      %dma_start3A_99 = arith.constant 0 : i32
      %dma_start3A_100 = tpu.memref_slice %arg8[%dma_start3A_98, %dma_start3A_99] : memref<64x128xf32, #tpu.memory_space<vmem>> -> memref<64x128xf32, #tpu.memory_space<vmem>>
      %dma_start3A_101 = arith.constant 0 : i32
      %dma_start3A_102 = tpu.memref_slice %arg10[%add3A_42, %dma_start3A_101] : memref<10240x128xf32, #tpu.memory_space<vmem_shared>> -> memref<64x128xf32, #tpu.memory_space<vmem_shared>>
      %dma_start3A_103 = arith.constant 0 : i32
      %dma_start3A_104 = tpu.memref_slice %arg10[%add3A_42, %dma_start3A_103] : memref<10240x128xf32, #tpu.memory_space<vmem_shared>> -> memref<64x128xf32, #tpu.memory_space<vmem_shared>>
      %dma_start3A_105 = arith.constant 0 : i32
      %dma_start3A_106 = arith.constant 0 : i32
      %dma_start3A_107 = tpu.memref_slice %arg8[%dma_start3A_105, %dma_start3A_106] : memref<64x128xf32, #tpu.memory_space<vmem>> -> memref<64x128xf32, #tpu.memory_space<vmem>>
      tpu.enqueue_dma source(%dma_start3A_107 : memref<64x128xf32, #tpu.memory_space<vmem>>) target(%dma_start3A_104 : memref<64x128xf32, #tpu.memory_space<vmem_shared>>) target_semaphore(%run_scoped3A : memref<!tpu.dma_semaphore, #tpu.memory_space<semaphore_mem>>)
      %dma_wait3A = arith.constant 0 : i32
      %dma_wait3A_108 = arith.constant 0 : i32
      %dma_wait3A_109 = tpu.memref_slice %arg8[%dma_wait3A, %dma_wait3A_108] : memref<64x128xf32, #tpu.memory_space<vmem>> -> memref<64x128xf32, #tpu.memory_space<vmem>>
      %dma_wait3A_110 = arith.constant 0 : i32
      %dma_wait3A_111 = tpu.memref_slice %arg10[%add3A_42, %dma_wait3A_110] : memref<10240x128xf32, #tpu.memory_space<vmem_shared>> -> memref<64x128xf32, #tpu.memory_space<vmem_shared>>
      %dma_wait3A_112 = arith.constant 0 : i32
      %dma_wait3A_113 = tpu.memref_slice %arg10[%add3A_42, %dma_wait3A_112] : memref<10240x128xf32, #tpu.memory_space<vmem_shared>> -> memref<64x128xf32, #tpu.memory_space<vmem_shared>>
      %dma_wait3A_114 = arith.constant 0 : i32
      %dma_wait3A_115 = arith.constant 0 : i32
      %dma_wait3A_116 = tpu.memref_slice %arg8[%dma_wait3A_114, %dma_wait3A_115] : memref<64x128xf32, #tpu.memory_space<vmem>> -> memref<64x128xf32, #tpu.memory_space<vmem>>
      tpu.wait_dma2 semaphore(%run_scoped3A : memref<!tpu.dma_semaphore, #tpu.memory_space<semaphore_mem>>) src(%dma_wait3A_116 : memref<64x128xf32, #tpu.memory_space<vmem>>) dst(%dma_wait3A_113 : memref<64x128xf32, #tpu.memory_space<vmem_shared>>)
      tpu.yield
    }) : () -> ()
    %mul3A_43 = arith.constant 640 : i32
    %mul3A_44 = arith.muli %arg1, %mul3A_43 : i32
    %add3A_45 = arith.constant 576 : i32
    %add3A_46 = arith.addi %mul3A_44, %add3A_45 : i32
    "tpu.region"() ({
      %run_scoped3A = tpu.sem_alloc : memref<!tpu.dma_semaphore, #tpu.memory_space<semaphore_mem>>
      %dma_start3A_98 = arith.constant 0 : i32
      %dma_start3A_99 = arith.constant 0 : i32
      %dma_start3A_100 = tpu.memref_slice %arg8[%dma_start3A_98, %dma_start3A_99] : memref<64x128xf32, #tpu.memory_space<vmem>> -> memref<64x128xf32, #tpu.memory_space<vmem>>
      %dma_start3A_101 = arith.constant 0 : i32
      %dma_start3A_102 = tpu.memref_slice %arg10[%add3A_46, %dma_start3A_101] : memref<10240x128xf32, #tpu.memory_space<vmem_shared>> -> memref<64x128xf32, #tpu.memory_space<vmem_shared>>
      %dma_start3A_103 = arith.constant 0 : i32
      %dma_start3A_104 = tpu.memref_slice %arg10[%add3A_46, %dma_start3A_103] : memref<10240x128xf32, #tpu.memory_space<vmem_shared>> -> memref<64x128xf32, #tpu.memory_space<vmem_shared>>
      %dma_start3A_105 = arith.constant 0 : i32
      %dma_start3A_106 = arith.constant 0 : i32
      %dma_start3A_107 = tpu.memref_slice %arg8[%dma_start3A_105, %dma_start3A_106] : memref<64x128xf32, #tpu.memory_space<vmem>> -> memref<64x128xf32, #tpu.memory_space<vmem>>
      tpu.enqueue_dma source(%dma_start3A_107 : memref<64x128xf32, #tpu.memory_space<vmem>>) target(%dma_start3A_104 : memref<64x128xf32, #tpu.memory_space<vmem_shared>>) target_semaphore(%run_scoped3A : memref<!tpu.dma_semaphore, #tpu.memory_space<semaphore_mem>>)
      %dma_wait3A = arith.constant 0 : i32
      %dma_wait3A_108 = arith.constant 0 : i32
      %dma_wait3A_109 = tpu.memref_slice %arg8[%dma_wait3A, %dma_wait3A_108] : memref<64x128xf32, #tpu.memory_space<vmem>> -> memref<64x128xf32, #tpu.memory_space<vmem>>
      %dma_wait3A_110 = arith.constant 0 : i32
      %dma_wait3A_111 = tpu.memref_slice %arg10[%add3A_46, %dma_wait3A_110] : memref<10240x128xf32, #tpu.memory_space<vmem_shared>> -> memref<64x128xf32, #tpu.memory_space<vmem_shared>>
      %dma_wait3A_112 = arith.constant 0 : i32
      %dma_wait3A_113 = tpu.memref_slice %arg10[%add3A_46, %dma_wait3A_112] : memref<10240x128xf32, #tpu.memory_space<vmem_shared>> -> memref<64x128xf32, #tpu.memory_space<vmem_shared>>
      %dma_wait3A_114 = arith.constant 0 : i32
      %dma_wait3A_115 = arith.constant 0 : i32
      %dma_wait3A_116 = tpu.memref_slice %arg8[%dma_wait3A_114, %dma_wait3A_115] : memref<64x128xf32, #tpu.memory_space<vmem>> -> memref<64x128xf32, #tpu.memory_space<vmem>>
      tpu.wait_dma2 semaphore(%run_scoped3A : memref<!tpu.dma_semaphore, #tpu.memory_space<semaphore_mem>>) src(%dma_wait3A_116 : memref<64x128xf32, #tpu.memory_space<vmem>>) dst(%dma_wait3A_113 : memref<64x128xf32, #tpu.memory_space<vmem_shared>>)
      tpu.yield
    }) : () -> ()
    %barrier3A = arith.constant 0 : index
    tpu.barrier barrier_id(%barrier3A)
    %dma_start3A = arith.constant 0 : i32
    %dma_start3A_47 = tpu.memref_slice %arg6[%dma_start3A] : memref<10112xi32, #tpu.memory_space<vmem>> -> memref<64xi32, #tpu.memory_space<vmem>>
    %dma_start3A_48 = arith.constant 0 : i32
    %dma_start3A_49 = arith.constant 0 : i32
    %dma_start3A_50 = tpu.memref_slice %arg2[%dma_start3A_48, %dma_start3A_49] : memref<10000x128xf32, #tpu.memory_space<hbm>> -> memref<10000x128xf32, #tpu.memory_space<hbm>>
    tpu.enqueue_indirect_dma source(%dma_start3A_50 : memref<10000x128xf32, #tpu.memory_space<hbm>>) target(%arg8 : memref<64x128xf32, #tpu.memory_space<vmem>>) offsets(%dma_start3A_47 : memref<64xi32, #tpu.memory_space<vmem>>) semaphore(%arg11 : memref<!tpu.dma_semaphore, #tpu.memory_space<semaphore_mem>>)
    %scan3A_51 = arith.constant 0 : i32
    %scan3A_52 = arith.constant 0 : i32
    %scan3A_53 = arith.constant 79 : i32
    %scan3A_54 = arith.addi %scan3A_52, %scan3A_53 : i32
    %scan3A_55 = arith.constant 1 : i32
    scf.for %scan3A_98 = %scan3A_52 to %scan3A_54 step %scan3A_55  : i32 {
      %mul3A_99 = arith.constant 2 : i32
      %mul3A_100 = arith.muli %mul3A_99, %scan3A_98 : i32
      %add3A_101 = arith.constant 1 : i32
      %add3A_102 = arith.addi %mul3A_100, %add3A_101 : i32
      %mul3A_103 = arith.constant 64 : i32
      %mul3A_104 = arith.muli %add3A_102, %mul3A_103 : i32
      %dma_start3A_105 = tpu.memref_slice %arg6[%mul3A_104] : memref<10112xi32, #tpu.memory_space<vmem>> -> memref<64xi32, #tpu.memory_space<vmem>>
      %dma_start3A_106 = arith.constant 0 : i32
      %dma_start3A_107 = arith.constant 0 : i32
      %dma_start3A_108 = tpu.memref_slice %arg2[%dma_start3A_106, %dma_start3A_107] : memref<10000x128xf32, #tpu.memory_space<hbm>> -> memref<10000x128xf32, #tpu.memory_space<hbm>>
      tpu.enqueue_indirect_dma source(%dma_start3A_108 : memref<10000x128xf32, #tpu.memory_space<hbm>>) target(%arg9 : memref<64x128xf32, #tpu.memory_space<vmem>>) offsets(%dma_start3A_105 : memref<64xi32, #tpu.memory_space<vmem>>) semaphore(%arg12 : memref<!tpu.dma_semaphore, #tpu.memory_space<semaphore_mem>>)
      %mul3A_109 = arith.constant 64 : i32
      %mul3A_110 = arith.muli %mul3A_100, %mul3A_109 : i32
      %dma_wait3A = tpu.memref_slice %arg6[%mul3A_110] : memref<10112xi32, #tpu.memory_space<vmem>> -> memref<64xi32, #tpu.memory_space<vmem>>
      %dma_wait3A_111 = arith.constant 0 : i32
      %dma_wait3A_112 = arith.constant 0 : i32
      %dma_wait3A_113 = tpu.memref_slice %arg2[%dma_wait3A_111, %dma_wait3A_112] : memref<10000x128xf32, #tpu.memory_space<hbm>> -> memref<10000x128xf32, #tpu.memory_space<hbm>>
      tpu.wait_indirect_dma semaphore(%arg11 : memref<!tpu.dma_semaphore, #tpu.memory_space<semaphore_mem>>) src(%dma_wait3A_113 : memref<10000x128xf32, #tpu.memory_space<hbm>>) dst(%arg8 : memref<64x128xf32, #tpu.memory_space<vmem>>)
      "tpu.region"() ({
        %run_scoped3A = tpu.sem_alloc : memref<!tpu.dma_semaphore, #tpu.memory_space<semaphore_mem>>
        %dma_start3A_126 = arith.constant 0 : i32
        %dma_start3A_127 = tpu.memref_slice %arg7[%mul3A_100, %dma_start3A_126] : memref<158x64xi32, #tpu.memory_space<vmem>> -> memref<1x64xi32, #tpu.memory_space<vmem>>
        %dma_start3A_128 = tpu.memref_squeeze %dma_start3A_127 : memref<1x64xi32, #tpu.memory_space<vmem>> -> memref<64xi32, #tpu.memory_space<vmem>>
        %dma_start3A_129 = arith.constant 0 : i32
        %dma_start3A_130 = arith.constant 0 : i32
        %dma_start3A_131 = tpu.memref_slice %arg10[%dma_start3A_129, %dma_start3A_130] : memref<10240x128xf32, #tpu.memory_space<vmem_shared>> -> memref<10240x128xf32, #tpu.memory_space<vmem_shared>>
        tpu.enqueue_indirect_dma source(%arg8 : memref<64x128xf32, #tpu.memory_space<vmem>>) target(%dma_start3A_131 : memref<10240x128xf32, #tpu.memory_space<vmem_shared>>) offsets(%dma_start3A_128 : memref<64xi32, #tpu.memory_space<vmem>>) semaphore(%run_scoped3A : memref<!tpu.dma_semaphore, #tpu.memory_space<semaphore_mem>>) {add = true}
        %dma_wait3A_132 = arith.constant 0 : i32
        %dma_wait3A_133 = tpu.memref_slice %arg7[%mul3A_100, %dma_wait3A_132] : memref<158x64xi32, #tpu.memory_space<vmem>> -> memref<1x64xi32, #tpu.memory_space<vmem>>
        %dma_wait3A_134 = tpu.memref_squeeze %dma_wait3A_133 : memref<1x64xi32, #tpu.memory_space<vmem>> -> memref<64xi32, #tpu.memory_space<vmem>>
        %dma_wait3A_135 = arith.constant 0 : i32
        %dma_wait3A_136 = arith.constant 0 : i32
        %dma_wait3A_137 = tpu.memref_slice %arg10[%dma_wait3A_135, %dma_wait3A_136] : memref<10240x128xf32, #tpu.memory_space<vmem_shared>> -> memref<10240x128xf32, #tpu.memory_space<vmem_shared>>
        tpu.wait_indirect_dma semaphore(%run_scoped3A : memref<!tpu.dma_semaphore, #tpu.memory_space<semaphore_mem>>) src(%arg8 : memref<64x128xf32, #tpu.memory_space<vmem>>) dst(%dma_wait3A_137 : memref<10240x128xf32, #tpu.memory_space<vmem_shared>>)
        tpu.yield
      }) : () -> ()
      %lt3A = arith.constant 78 : i32
      %lt3A_114 = arith.cmpi slt, %scan3A_98, %lt3A : i32
      %convert_element_type3A = arith.extui %lt3A_114 : i1 to i32
      %cond3A = arith.constant 0 : i32
      %cond3A_115 = arith.cmpi ne, %convert_element_type3A, %cond3A : i32
      scf.if %cond3A_115 {
        %add3A_126 = arith.constant 2 : i32
        %add3A_127 = arith.addi %mul3A_100, %add3A_126 : i32
        %mul3A_128 = arith.constant 64 : i32
        %mul3A_129 = arith.muli %add3A_127, %mul3A_128 : i32
        %dma_start3A_130 = tpu.memref_slice %arg6[%mul3A_129] : memref<10112xi32, #tpu.memory_space<vmem>> -> memref<64xi32, #tpu.memory_space<vmem>>
        %dma_start3A_131 = arith.constant 0 : i32
        %dma_start3A_132 = arith.constant 0 : i32
        %dma_start3A_133 = tpu.memref_slice %arg2[%dma_start3A_131, %dma_start3A_132] : memref<10000x128xf32, #tpu.memory_space<hbm>> -> memref<10000x128xf32, #tpu.memory_space<hbm>>
        tpu.enqueue_indirect_dma source(%dma_start3A_133 : memref<10000x128xf32, #tpu.memory_space<hbm>>) target(%arg8 : memref<64x128xf32, #tpu.memory_space<vmem>>) offsets(%dma_start3A_130 : memref<64xi32, #tpu.memory_space<vmem>>) semaphore(%arg11 : memref<!tpu.dma_semaphore, #tpu.memory_space<semaphore_mem>>)
      } else {
      }
      %add3A_116 = arith.constant 1 : i32
      %add3A_117 = arith.addi %mul3A_100, %add3A_116 : i32
      %mul3A_118 = arith.constant 64 : i32
      %mul3A_119 = arith.muli %add3A_117, %mul3A_118 : i32
      %dma_wait3A_120 = tpu.memref_slice %arg6[%mul3A_119] : memref<10112xi32, #tpu.memory_space<vmem>> -> memref<64xi32, #tpu.memory_space<vmem>>
      %dma_wait3A_121 = arith.constant 0 : i32
      %dma_wait3A_122 = arith.constant 0 : i32
      %dma_wait3A_123 = tpu.memref_slice %arg2[%dma_wait3A_121, %dma_wait3A_122] : memref<10000x128xf32, #tpu.memory_space<hbm>> -> memref<10000x128xf32, #tpu.memory_space<hbm>>
      tpu.wait_indirect_dma semaphore(%arg12 : memref<!tpu.dma_semaphore, #tpu.memory_space<semaphore_mem>>) src(%dma_wait3A_123 : memref<10000x128xf32, #tpu.memory_space<hbm>>) dst(%arg9 : memref<64x128xf32, #tpu.memory_space<vmem>>)
      %add3A_124 = arith.constant 1 : i32
      %add3A_125 = arith.addi %mul3A_100, %add3A_124 : i32
      "tpu.region"() ({
        %run_scoped3A = tpu.sem_alloc : memref<!tpu.dma_semaphore, #tpu.memory_space<semaphore_mem>>
        %dma_start3A_126 = arith.constant 0 : i32
        %dma_start3A_127 = tpu.memref_slice %arg7[%add3A_125, %dma_start3A_126] : memref<158x64xi32, #tpu.memory_space<vmem>> -> memref<1x64xi32, #tpu.memory_space<vmem>>
        %dma_start3A_128 = tpu.memref_squeeze %dma_start3A_127 : memref<1x64xi32, #tpu.memory_space<vmem>> -> memref<64xi32, #tpu.memory_space<vmem>>
        %dma_start3A_129 = arith.constant 0 : i32
        %dma_start3A_130 = arith.constant 0 : i32
        %dma_start3A_131 = tpu.memref_slice %arg10[%dma_start3A_129, %dma_start3A_130] : memref<10240x128xf32, #tpu.memory_space<vmem_shared>> -> memref<10240x128xf32, #tpu.memory_space<vmem_shared>>
        tpu.enqueue_indirect_dma source(%arg9 : memref<64x128xf32, #tpu.memory_space<vmem>>) target(%dma_start3A_131 : memref<10240x128xf32, #tpu.memory_space<vmem_shared>>) offsets(%dma_start3A_128 : memref<64xi32, #tpu.memory_space<vmem>>) semaphore(%run_scoped3A : memref<!tpu.dma_semaphore, #tpu.memory_space<semaphore_mem>>) {add = true}
        %dma_wait3A_132 = arith.constant 0 : i32
        %dma_wait3A_133 = tpu.memref_slice %arg7[%add3A_125, %dma_wait3A_132] : memref<158x64xi32, #tpu.memory_space<vmem>> -> memref<1x64xi32, #tpu.memory_space<vmem>>
        %dma_wait3A_134 = tpu.memref_squeeze %dma_wait3A_133 : memref<1x64xi32, #tpu.memory_space<vmem>> -> memref<64xi32, #tpu.memory_space<vmem>>
        %dma_wait3A_135 = arith.constant 0 : i32
        %dma_wait3A_136 = arith.constant 0 : i32
        %dma_wait3A_137 = tpu.memref_slice %arg10[%dma_wait3A_135, %dma_wait3A_136] : memref<10240x128xf32, #tpu.memory_space<vmem_shared>> -> memref<10240x128xf32, #tpu.memory_space<vmem_shared>>
        tpu.wait_indirect_dma semaphore(%run_scoped3A : memref<!tpu.dma_semaphore, #tpu.memory_space<semaphore_mem>>) src(%arg9 : memref<64x128xf32, #tpu.memory_space<vmem>>) dst(%dma_wait3A_137 : memref<10240x128xf32, #tpu.memory_space<vmem_shared>>)
        tpu.yield
      }) : () -> ()
    }
    %scan3A_56 = arith.constant 79 : i32
    %barrier3A_57 = arith.constant 0 : index
    tpu.barrier barrier_id(%barrier3A_57)
    %mul3A_58 = arith.constant 640 : i32
    %mul3A_59 = arith.muli %arg1, %mul3A_58 : i32
    %add3A_60 = arith.constant 0 : i32
    %add3A_61 = arith.addi %mul3A_59, %add3A_60 : i32
    "tpu.region"() ({
      %run_scoped3A = tpu.sem_alloc : memref<!tpu.dma_semaphore, #tpu.memory_space<semaphore_mem>>
      %dma_start3A_98 = arith.constant 0 : i32
      %dma_start3A_99 = tpu.memref_slice %arg5[%arg0, %add3A_61, %dma_start3A_98] : memref<2x10240x128xf32, #tpu.memory_space<hbm>> -> memref<1x64x128xf32, #tpu.memory_space<hbm>>
      %dma_start3A_100 = tpu.memref_squeeze %dma_start3A_99 : memref<1x64x128xf32, #tpu.memory_space<hbm>> -> memref<64x128xf32, #tpu.memory_space<hbm>>
      %dma_start3A_101 = arith.constant 0 : i32
      %dma_start3A_102 = tpu.memref_slice %arg10[%add3A_61, %dma_start3A_101] : memref<10240x128xf32, #tpu.memory_space<vmem_shared>> -> memref<64x128xf32, #tpu.memory_space<vmem_shared>>
      tpu.enqueue_dma source(%dma_start3A_102 : memref<64x128xf32, #tpu.memory_space<vmem_shared>>) target(%dma_start3A_100 : memref<64x128xf32, #tpu.memory_space<hbm>>) target_semaphore(%run_scoped3A : memref<!tpu.dma_semaphore, #tpu.memory_space<semaphore_mem>>)
      %dma_wait3A = arith.constant 0 : i32
      %dma_wait3A_103 = tpu.memref_slice %arg5[%arg0, %add3A_61, %dma_wait3A] : memref<2x10240x128xf32, #tpu.memory_space<hbm>> -> memref<1x64x128xf32, #tpu.memory_space<hbm>>
      %dma_wait3A_104 = tpu.memref_squeeze %dma_wait3A_103 : memref<1x64x128xf32, #tpu.memory_space<hbm>> -> memref<64x128xf32, #tpu.memory_space<hbm>>
      %dma_wait3A_105 = arith.constant 0 : i32
      %dma_wait3A_106 = tpu.memref_slice %arg10[%add3A_61, %dma_wait3A_105] : memref<10240x128xf32, #tpu.memory_space<vmem_shared>> -> memref<64x128xf32, #tpu.memory_space<vmem_shared>>
      tpu.wait_dma2 semaphore(%run_scoped3A : memref<!tpu.dma_semaphore, #tpu.memory_space<semaphore_mem>>) src(%dma_wait3A_106 : memref<64x128xf32, #tpu.memory_space<vmem_shared>>) dst(%dma_wait3A_104 : memref<64x128xf32, #tpu.memory_space<hbm>>)
      tpu.yield
    }) : () -> ()
    %mul3A_62 = arith.constant 640 : i32
    %mul3A_63 = arith.muli %arg1, %mul3A_62 : i32
    %add3A_64 = arith.constant 64 : i32
    %add3A_65 = arith.addi %mul3A_63, %add3A_64 : i32
    "tpu.region"() ({
      %run_scoped3A = tpu.sem_alloc : memref<!tpu.dma_semaphore, #tpu.memory_space<semaphore_mem>>
      %dma_start3A_98 = arith.constant 0 : i32
      %dma_start3A_99 = tpu.memref_slice %arg5[%arg0, %add3A_65, %dma_start3A_98] : memref<2x10240x128xf32, #tpu.memory_space<hbm>> -> memref<1x64x128xf32, #tpu.memory_space<hbm>>
      %dma_start3A_100 = tpu.memref_squeeze %dma_start3A_99 : memref<1x64x128xf32, #tpu.memory_space<hbm>> -> memref<64x128xf32, #tpu.memory_space<hbm>>
      %dma_start3A_101 = arith.constant 0 : i32
      %dma_start3A_102 = tpu.memref_slice %arg10[%add3A_65, %dma_start3A_101] : memref<10240x128xf32, #tpu.memory_space<vmem_shared>> -> memref<64x128xf32, #tpu.memory_space<vmem_shared>>
      tpu.enqueue_dma source(%dma_start3A_102 : memref<64x128xf32, #tpu.memory_space<vmem_shared>>) target(%dma_start3A_100 : memref<64x128xf32, #tpu.memory_space<hbm>>) target_semaphore(%run_scoped3A : memref<!tpu.dma_semaphore, #tpu.memory_space<semaphore_mem>>)
      %dma_wait3A = arith.constant 0 : i32
      %dma_wait3A_103 = tpu.memref_slice %arg5[%arg0, %add3A_65, %dma_wait3A] : memref<2x10240x128xf32, #tpu.memory_space<hbm>> -> memref<1x64x128xf32, #tpu.memory_space<hbm>>
      %dma_wait3A_104 = tpu.memref_squeeze %dma_wait3A_103 : memref<1x64x128xf32, #tpu.memory_space<hbm>> -> memref<64x128xf32, #tpu.memory_space<hbm>>
      %dma_wait3A_105 = arith.constant 0 : i32
      %dma_wait3A_106 = tpu.memref_slice %arg10[%add3A_65, %dma_wait3A_105] : memref<10240x128xf32, #tpu.memory_space<vmem_shared>> -> memref<64x128xf32, #tpu.memory_space<vmem_shared>>
      tpu.wait_dma2 semaphore(%run_scoped3A : memref<!tpu.dma_semaphore, #tpu.memory_space<semaphore_mem>>) src(%dma_wait3A_106 : memref<64x128xf32, #tpu.memory_space<vmem_shared>>) dst(%dma_wait3A_104 : memref<64x128xf32, #tpu.memory_space<hbm>>)
      tpu.yield
    }) : () -> ()
    %mul3A_66 = arith.constant 640 : i32
    %mul3A_67 = arith.muli %arg1, %mul3A_66 : i32
    %add3A_68 = arith.constant 128 : i32
    %add3A_69 = arith.addi %mul3A_67, %add3A_68 : i32
    "tpu.region"() ({
      %run_scoped3A = tpu.sem_alloc : memref<!tpu.dma_semaphore, #tpu.memory_space<semaphore_mem>>
      %dma_start3A_98 = arith.constant 0 : i32
      %dma_start3A_99 = tpu.memref_slice %arg5[%arg0, %add3A_69, %dma_start3A_98] : memref<2x10240x128xf32, #tpu.memory_space<hbm>> -> memref<1x64x128xf32, #tpu.memory_space<hbm>>
      %dma_start3A_100 = tpu.memref_squeeze %dma_start3A_99 : memref<1x64x128xf32, #tpu.memory_space<hbm>> -> memref<64x128xf32, #tpu.memory_space<hbm>>
      %dma_start3A_101 = arith.constant 0 : i32
      %dma_start3A_102 = tpu.memref_slice %arg10[%add3A_69, %dma_start3A_101] : memref<10240x128xf32, #tpu.memory_space<vmem_shared>> -> memref<64x128xf32, #tpu.memory_space<vmem_shared>>
      tpu.enqueue_dma source(%dma_start3A_102 : memref<64x128xf32, #tpu.memory_space<vmem_shared>>) target(%dma_start3A_100 : memref<64x128xf32, #tpu.memory_space<hbm>>) target_semaphore(%run_scoped3A : memref<!tpu.dma_semaphore, #tpu.memory_space<semaphore_mem>>)
      %dma_wait3A = arith.constant 0 : i32
      %dma_wait3A_103 = tpu.memref_slice %arg5[%arg0, %add3A_69, %dma_wait3A] : memref<2x10240x128xf32, #tpu.memory_space<hbm>> -> memref<1x64x128xf32, #tpu.memory_space<hbm>>
      %dma_wait3A_104 = tpu.memref_squeeze %dma_wait3A_103 : memref<1x64x128xf32, #tpu.memory_space<hbm>> -> memref<64x128xf32, #tpu.memory_space<hbm>>
      %dma_wait3A_105 = arith.constant 0 : i32
      %dma_wait3A_106 = tpu.memref_slice %arg10[%add3A_69, %dma_wait3A_105] : memref<10240x128xf32, #tpu.memory_space<vmem_shared>> -> memref<64x128xf32, #tpu.memory_space<vmem_shared>>
      tpu.wait_dma2 semaphore(%run_scoped3A : memref<!tpu.dma_semaphore, #tpu.memory_space<semaphore_mem>>) src(%dma_wait3A_106 : memref<64x128xf32, #tpu.memory_space<vmem_shared>>) dst(%dma_wait3A_104 : memref<64x128xf32, #tpu.memory_space<hbm>>)
      tpu.yield
    }) : () -> ()
    %mul3A_70 = arith.constant 640 : i32
    %mul3A_71 = arith.muli %arg1, %mul3A_70 : i32
    %add3A_72 = arith.constant 192 : i32
    %add3A_73 = arith.addi %mul3A_71, %add3A_72 : i32
    "tpu.region"() ({
      %run_scoped3A = tpu.sem_alloc : memref<!tpu.dma_semaphore, #tpu.memory_space<semaphore_mem>>
      %dma_start3A_98 = arith.constant 0 : i32
      %dma_start3A_99 = tpu.memref_slice %arg5[%arg0, %add3A_73, %dma_start3A_98] : memref<2x10240x128xf32, #tpu.memory_space<hbm>> -> memref<1x64x128xf32, #tpu.memory_space<hbm>>
      %dma_start3A_100 = tpu.memref_squeeze %dma_start3A_99 : memref<1x64x128xf32, #tpu.memory_space<hbm>> -> memref<64x128xf32, #tpu.memory_space<hbm>>
      %dma_start3A_101 = arith.constant 0 : i32
      %dma_start3A_102 = tpu.memref_slice %arg10[%add3A_73, %dma_start3A_101] : memref<10240x128xf32, #tpu.memory_space<vmem_shared>> -> memref<64x128xf32, #tpu.memory_space<vmem_shared>>
      tpu.enqueue_dma source(%dma_start3A_102 : memref<64x128xf32, #tpu.memory_space<vmem_shared>>) target(%dma_start3A_100 : memref<64x128xf32, #tpu.memory_space<hbm>>) target_semaphore(%run_scoped3A : memref<!tpu.dma_semaphore, #tpu.memory_space<semaphore_mem>>)
      %dma_wait3A = arith.constant 0 : i32
      %dma_wait3A_103 = tpu.memref_slice %arg5[%arg0, %add3A_73, %dma_wait3A] : memref<2x10240x128xf32, #tpu.memory_space<hbm>> -> memref<1x64x128xf32, #tpu.memory_space<hbm>>
      %dma_wait3A_104 = tpu.memref_squeeze %dma_wait3A_103 : memref<1x64x128xf32, #tpu.memory_space<hbm>> -> memref<64x128xf32, #tpu.memory_space<hbm>>
      %dma_wait3A_105 = arith.constant 0 : i32
      %dma_wait3A_106 = tpu.memref_slice %arg10[%add3A_73, %dma_wait3A_105] : memref<10240x128xf32, #tpu.memory_space<vmem_shared>> -> memref<64x128xf32, #tpu.memory_space<vmem_shared>>
      tpu.wait_dma2 semaphore(%run_scoped3A : memref<!tpu.dma_semaphore, #tpu.memory_space<semaphore_mem>>) src(%dma_wait3A_106 : memref<64x128xf32, #tpu.memory_space<vmem_shared>>) dst(%dma_wait3A_104 : memref<64x128xf32, #tpu.memory_space<hbm>>)
      tpu.yield
    }) : () -> ()
    %mul3A_74 = arith.constant 640 : i32
    %mul3A_75 = arith.muli %arg1, %mul3A_74 : i32
    %add3A_76 = arith.constant 256 : i32
    %add3A_77 = arith.addi %mul3A_75, %add3A_76 : i32
    "tpu.region"() ({
      %run_scoped3A = tpu.sem_alloc : memref<!tpu.dma_semaphore, #tpu.memory_space<semaphore_mem>>
      %dma_start3A_98 = arith.constant 0 : i32
      %dma_start3A_99 = tpu.memref_slice %arg5[%arg0, %add3A_77, %dma_start3A_98] : memref<2x10240x128xf32, #tpu.memory_space<hbm>> -> memref<1x64x128xf32, #tpu.memory_space<hbm>>
      %dma_start3A_100 = tpu.memref_squeeze %dma_start3A_99 : memref<1x64x128xf32, #tpu.memory_space<hbm>> -> memref<64x128xf32, #tpu.memory_space<hbm>>
      %dma_start3A_101 = arith.constant 0 : i32
      %dma_start3A_102 = tpu.memref_slice %arg10[%add3A_77, %dma_start3A_101] : memref<10240x128xf32, #tpu.memory_space<vmem_shared>> -> memref<64x128xf32, #tpu.memory_space<vmem_shared>>
      tpu.enqueue_dma source(%dma_start3A_102 : memref<64x128xf32, #tpu.memory_space<vmem_shared>>) target(%dma_start3A_100 : memref<64x128xf32, #tpu.memory_space<hbm>>) target_semaphore(%run_scoped3A : memref<!tpu.dma_semaphore, #tpu.memory_space<semaphore_mem>>)
      %dma_wait3A = arith.constant 0 : i32
      %dma_wait3A_103 = tpu.memref_slice %arg5[%arg0, %add3A_77, %dma_wait3A] : memref<2x10240x128xf32, #tpu.memory_space<hbm>> -> memref<1x64x128xf32, #tpu.memory_space<hbm>>
      %dma_wait3A_104 = tpu.memref_squeeze %dma_wait3A_103 : memref<1x64x128xf32, #tpu.memory_space<hbm>> -> memref<64x128xf32, #tpu.memory_space<hbm>>
      %dma_wait3A_105 = arith.constant 0 : i32
      %dma_wait3A_106 = tpu.memref_slice %arg10[%add3A_77, %dma_wait3A_105] : memref<10240x128xf32, #tpu.memory_space<vmem_shared>> -> memref<64x128xf32, #tpu.memory_space<vmem_shared>>
      tpu.wait_dma2 semaphore(%run_scoped3A : memref<!tpu.dma_semaphore, #tpu.memory_space<semaphore_mem>>) src(%dma_wait3A_106 : memref<64x128xf32, #tpu.memory_space<vmem_shared>>) dst(%dma_wait3A_104 : memref<64x128xf32, #tpu.memory_space<hbm>>)
      tpu.yield
    }) : () -> ()
    %mul3A_78 = arith.constant 640 : i32
    %mul3A_79 = arith.muli %arg1, %mul3A_78 : i32
    %add3A_80 = arith.constant 320 : i32
    %add3A_81 = arith.addi %mul3A_79, %add3A_80 : i32
    "tpu.region"() ({
      %run_scoped3A = tpu.sem_alloc : memref<!tpu.dma_semaphore, #tpu.memory_space<semaphore_mem>>
      %dma_start3A_98 = arith.constant 0 : i32
      %dma_start3A_99 = tpu.memref_slice %arg5[%arg0, %add3A_81, %dma_start3A_98] : memref<2x10240x128xf32, #tpu.memory_space<hbm>> -> memref<1x64x128xf32, #tpu.memory_space<hbm>>
      %dma_start3A_100 = tpu.memref_squeeze %dma_start3A_99 : memref<1x64x128xf32, #tpu.memory_space<hbm>> -> memref<64x128xf32, #tpu.memory_space<hbm>>
      %dma_start3A_101 = arith.constant 0 : i32
      %dma_start3A_102 = tpu.memref_slice %arg10[%add3A_81, %dma_start3A_101] : memref<10240x128xf32, #tpu.memory_space<vmem_shared>> -> memref<64x128xf32, #tpu.memory_space<vmem_shared>>
      tpu.enqueue_dma source(%dma_start3A_102 : memref<64x128xf32, #tpu.memory_space<vmem_shared>>) target(%dma_start3A_100 : memref<64x128xf32, #tpu.memory_space<hbm>>) target_semaphore(%run_scoped3A : memref<!tpu.dma_semaphore, #tpu.memory_space<semaphore_mem>>)
      %dma_wait3A = arith.constant 0 : i32
      %dma_wait3A_103 = tpu.memref_slice %arg5[%arg0, %add3A_81, %dma_wait3A] : memref<2x10240x128xf32, #tpu.memory_space<hbm>> -> memref<1x64x128xf32, #tpu.memory_space<hbm>>
      %dma_wait3A_104 = tpu.memref_squeeze %dma_wait3A_103 : memref<1x64x128xf32, #tpu.memory_space<hbm>> -> memref<64x128xf32, #tpu.memory_space<hbm>>
      %dma_wait3A_105 = arith.constant 0 : i32
      %dma_wait3A_106 = tpu.memref_slice %arg10[%add3A_81, %dma_wait3A_105] : memref<10240x128xf32, #tpu.memory_space<vmem_shared>> -> memref<64x128xf32, #tpu.memory_space<vmem_shared>>
      tpu.wait_dma2 semaphore(%run_scoped3A : memref<!tpu.dma_semaphore, #tpu.memory_space<semaphore_mem>>) src(%dma_wait3A_106 : memref<64x128xf32, #tpu.memory_space<vmem_shared>>) dst(%dma_wait3A_104 : memref<64x128xf32, #tpu.memory_space<hbm>>)
      tpu.yield
    }) : () -> ()
    %mul3A_82 = arith.constant 640 : i32
    %mul3A_83 = arith.muli %arg1, %mul3A_82 : i32
    %add3A_84 = arith.constant 384 : i32
    %add3A_85 = arith.addi %mul3A_83, %add3A_84 : i32
    "tpu.region"() ({
      %run_scoped3A = tpu.sem_alloc : memref<!tpu.dma_semaphore, #tpu.memory_space<semaphore_mem>>
      %dma_start3A_98 = arith.constant 0 : i32
      %dma_start3A_99 = tpu.memref_slice %arg5[%arg0, %add3A_85, %dma_start3A_98] : memref<2x10240x128xf32, #tpu.memory_space<hbm>> -> memref<1x64x128xf32, #tpu.memory_space<hbm>>
      %dma_start3A_100 = tpu.memref_squeeze %dma_start3A_99 : memref<1x64x128xf32, #tpu.memory_space<hbm>> -> memref<64x128xf32, #tpu.memory_space<hbm>>
      %dma_start3A_101 = arith.constant 0 : i32
      %dma_start3A_102 = tpu.memref_slice %arg10[%add3A_85, %dma_start3A_101] : memref<10240x128xf32, #tpu.memory_space<vmem_shared>> -> memref<64x128xf32, #tpu.memory_space<vmem_shared>>
      tpu.enqueue_dma source(%dma_start3A_102 : memref<64x128xf32, #tpu.memory_space<vmem_shared>>) target(%dma_start3A_100 : memref<64x128xf32, #tpu.memory_space<hbm>>) target_semaphore(%run_scoped3A : memref<!tpu.dma_semaphore, #tpu.memory_space<semaphore_mem>>)
      %dma_wait3A = arith.constant 0 : i32
      %dma_wait3A_103 = tpu.memref_slice %arg5[%arg0, %add3A_85, %dma_wait3A] : memref<2x10240x128xf32, #tpu.memory_space<hbm>> -> memref<1x64x128xf32, #tpu.memory_space<hbm>>
      %dma_wait3A_104 = tpu.memref_squeeze %dma_wait3A_103 : memref<1x64x128xf32, #tpu.memory_space<hbm>> -> memref<64x128xf32, #tpu.memory_space<hbm>>
      %dma_wait3A_105 = arith.constant 0 : i32
      %dma_wait3A_106 = tpu.memref_slice %arg10[%add3A_85, %dma_wait3A_105] : memref<10240x128xf32, #tpu.memory_space<vmem_shared>> -> memref<64x128xf32, #tpu.memory_space<vmem_shared>>
      tpu.wait_dma2 semaphore(%run_scoped3A : memref<!tpu.dma_semaphore, #tpu.memory_space<semaphore_mem>>) src(%dma_wait3A_106 : memref<64x128xf32, #tpu.memory_space<vmem_shared>>) dst(%dma_wait3A_104 : memref<64x128xf32, #tpu.memory_space<hbm>>)
      tpu.yield
    }) : () -> ()
    %mul3A_86 = arith.constant 640 : i32
    %mul3A_87 = arith.muli %arg1, %mul3A_86 : i32
    %add3A_88 = arith.constant 448 : i32
    %add3A_89 = arith.addi %mul3A_87, %add3A_88 : i32
    "tpu.region"() ({
      %run_scoped3A = tpu.sem_alloc : memref<!tpu.dma_semaphore, #tpu.memory_space<semaphore_mem>>
      %dma_start3A_98 = arith.constant 0 : i32
      %dma_start3A_99 = tpu.memref_slice %arg5[%arg0, %add3A_89, %dma_start3A_98] : memref<2x10240x128xf32, #tpu.memory_space<hbm>> -> memref<1x64x128xf32, #tpu.memory_space<hbm>>
      %dma_start3A_100 = tpu.memref_squeeze %dma_start3A_99 : memref<1x64x128xf32, #tpu.memory_space<hbm>> -> memref<64x128xf32, #tpu.memory_space<hbm>>
      %dma_start3A_101 = arith.constant 0 : i32
      %dma_start3A_102 = tpu.memref_slice %arg10[%add3A_89, %dma_start3A_101] : memref<10240x128xf32, #tpu.memory_space<vmem_shared>> -> memref<64x128xf32, #tpu.memory_space<vmem_shared>>
      tpu.enqueue_dma source(%dma_start3A_102 : memref<64x128xf32, #tpu.memory_space<vmem_shared>>) target(%dma_start3A_100 : memref<64x128xf32, #tpu.memory_space<hbm>>) target_semaphore(%run_scoped3A : memref<!tpu.dma_semaphore, #tpu.memory_space<semaphore_mem>>)
      %dma_wait3A = arith.constant 0 : i32
      %dma_wait3A_103 = tpu.memref_slice %arg5[%arg0, %add3A_89, %dma_wait3A] : memref<2x10240x128xf32, #tpu.memory_space<hbm>> -> memref<1x64x128xf32, #tpu.memory_space<hbm>>
      %dma_wait3A_104 = tpu.memref_squeeze %dma_wait3A_103 : memref<1x64x128xf32, #tpu.memory_space<hbm>> -> memref<64x128xf32, #tpu.memory_space<hbm>>
      %dma_wait3A_105 = arith.constant 0 : i32
      %dma_wait3A_106 = tpu.memref_slice %arg10[%add3A_89, %dma_wait3A_105] : memref<10240x128xf32, #tpu.memory_space<vmem_shared>> -> memref<64x128xf32, #tpu.memory_space<vmem_shared>>
      tpu.wait_dma2 semaphore(%run_scoped3A : memref<!tpu.dma_semaphore, #tpu.memory_space<semaphore_mem>>) src(%dma_wait3A_106 : memref<64x128xf32, #tpu.memory_space<vmem_shared>>) dst(%dma_wait3A_104 : memref<64x128xf32, #tpu.memory_space<hbm>>)
      tpu.yield
    }) : () -> ()
    %mul3A_90 = arith.constant 640 : i32
    %mul3A_91 = arith.muli %arg1, %mul3A_90 : i32
    %add3A_92 = arith.constant 512 : i32
    %add3A_93 = arith.addi %mul3A_91, %add3A_92 : i32
    "tpu.region"() ({
      %run_scoped3A = tpu.sem_alloc : memref<!tpu.dma_semaphore, #tpu.memory_space<semaphore_mem>>
      %dma_start3A_98 = arith.constant 0 : i32
      %dma_start3A_99 = tpu.memref_slice %arg5[%arg0, %add3A_93, %dma_start3A_98] : memref<2x10240x128xf32, #tpu.memory_space<hbm>> -> memref<1x64x128xf32, #tpu.memory_space<hbm>>
      %dma_start3A_100 = tpu.memref_squeeze %dma_start3A_99 : memref<1x64x128xf32, #tpu.memory_space<hbm>> -> memref<64x128xf32, #tpu.memory_space<hbm>>
      %dma_start3A_101 = arith.constant 0 : i32
      %dma_start3A_102 = tpu.memref_slice %arg10[%add3A_93, %dma_start3A_101] : memref<10240x128xf32, #tpu.memory_space<vmem_shared>> -> memref<64x128xf32, #tpu.memory_space<vmem_shared>>
      tpu.enqueue_dma source(%dma_start3A_102 : memref<64x128xf32, #tpu.memory_space<vmem_shared>>) target(%dma_start3A_100 : memref<64x128xf32, #tpu.memory_space<hbm>>) target_semaphore(%run_scoped3A : memref<!tpu.dma_semaphore, #tpu.memory_space<semaphore_mem>>)
      %dma_wait3A = arith.constant 0 : i32
      %dma_wait3A_103 = tpu.memref_slice %arg5[%arg0, %add3A_93, %dma_wait3A] : memref<2x10240x128xf32, #tpu.memory_space<hbm>> -> memref<1x64x128xf32, #tpu.memory_space<hbm>>
      %dma_wait3A_104 = tpu.memref_squeeze %dma_wait3A_103 : memref<1x64x128xf32, #tpu.memory_space<hbm>> -> memref<64x128xf32, #tpu.memory_space<hbm>>
      %dma_wait3A_105 = arith.constant 0 : i32
      %dma_wait3A_106 = tpu.memref_slice %arg10[%add3A_93, %dma_wait3A_105] : memref<10240x128xf32, #tpu.memory_space<vmem_shared>> -> memref<64x128xf32, #tpu.memory_space<vmem_shared>>
      tpu.wait_dma2 semaphore(%run_scoped3A : memref<!tpu.dma_semaphore, #tpu.memory_space<semaphore_mem>>) src(%dma_wait3A_106 : memref<64x128xf32, #tpu.memory_space<vmem_shared>>) dst(%dma_wait3A_104 : memref<64x128xf32, #tpu.memory_space<hbm>>)
      tpu.yield
    }) : () -> ()
    %mul3A_94 = arith.constant 640 : i32
    %mul3A_95 = arith.muli %arg1, %mul3A_94 : i32
    %add3A_96 = arith.constant 576 : i32
    %add3A_97 = arith.addi %mul3A_95, %add3A_96 : i32
    "tpu.region"() ({
      %run_scoped3A = tpu.sem_alloc : memref<!tpu.dma_semaphore, #tpu.memory_space<semaphore_mem>>
      %dma_start3A_98 = arith.constant 0 : i32
      %dma_start3A_99 = tpu.memref_slice %arg5[%arg0, %add3A_97, %dma_start3A_98] : memref<2x10240x128xf32, #tpu.memory_space<hbm>> -> memref<1x64x128xf32, #tpu.memory_space<hbm>>
      %dma_start3A_100 = tpu.memref_squeeze %dma_start3A_99 : memref<1x64x128xf32, #tpu.memory_space<hbm>> -> memref<64x128xf32, #tpu.memory_space<hbm>>
      %dma_start3A_101 = arith.constant 0 : i32
      %dma_start3A_102 = tpu.memref_slice %arg10[%add3A_97, %dma_start3A_101] : memref<10240x128xf32, #tpu.memory_space<vmem_shared>> -> memref<64x128xf32, #tpu.memory_space<vmem_shared>>
      tpu.enqueue_dma source(%dma_start3A_102 : memref<64x128xf32, #tpu.memory_space<vmem_shared>>) target(%dma_start3A_100 : memref<64x128xf32, #tpu.memory_space<hbm>>) target_semaphore(%run_scoped3A : memref<!tpu.dma_semaphore, #tpu.memory_space<semaphore_mem>>)
      %dma_wait3A = arith.constant 0 : i32
      %dma_wait3A_103 = tpu.memref_slice %arg5[%arg0, %add3A_97, %dma_wait3A] : memref<2x10240x128xf32, #tpu.memory_space<hbm>> -> memref<1x64x128xf32, #tpu.memory_space<hbm>>
      %dma_wait3A_104 = tpu.memref_squeeze %dma_wait3A_103 : memref<1x64x128xf32, #tpu.memory_space<hbm>> -> memref<64x128xf32, #tpu.memory_space<hbm>>
      %dma_wait3A_105 = arith.constant 0 : i32
      %dma_wait3A_106 = tpu.memref_slice %arg10[%add3A_97, %dma_wait3A_105] : memref<10240x128xf32, #tpu.memory_space<vmem_shared>> -> memref<64x128xf32, #tpu.memory_space<vmem_shared>>
      tpu.wait_dma2 semaphore(%run_scoped3A : memref<!tpu.dma_semaphore, #tpu.memory_space<semaphore_mem>>) src(%dma_wait3A_106 : memref<64x128xf32, #tpu.memory_space<vmem_shared>>) dst(%dma_wait3A_104 : memref<64x128xf32, #tpu.memory_space<hbm>>)
      tpu.yield
    }) : () -> ()
    return
  }
}

module attributes {stable_mosaic.version = 14 : i64} {
  func.func @_c0_body(%arg0: i32, %arg1: memref<2x200x128xf32, #tpu.memory_space<vmem>>, %arg2: memref<200x128xf32, #tpu.memory_space<vmem>>, %arg3: memref<2x200x1xf32, #tpu.memory_space<vmem>>, %arg4: memref<128x128xf32, #tpu.memory_space<vmem>>, %arg5: memref<1x128xf32, #tpu.memory_space<vmem>>, %arg6: memref<128x128xf32, #tpu.memory_space<vmem>>, %arg7: memref<200x128xf32, #tpu.memory_space<vmem>>, %arg8: memref<200x1xf32, #tpu.memory_space<vmem>>) attributes {dimension_semantics = [#tpu.dimension_semantics<arbitrary>], iteration_bounds = array<i64: 50>, scalar_prefetch = 0 : i64, scratch_operands = 0 : i64, tpu.core_type = #tpu.core_type<tc>, window_params = [{transform_indices = @transform_0, window_bounds = array<i64: 2, 200, 128>}, {transform_indices = @transform_1, window_bounds = array<i64: 200, 128>}, {transform_indices = @transform_2, window_bounds = array<i64: 2, 200, 1>}, {pipeline_mode = #tpu.pipeline_mode<synchronous>, transform_indices = @transform_3, window_bounds = array<i64: 128, 128>}, {pipeline_mode = #tpu.pipeline_mode<synchronous>, transform_indices = @transform_4, window_bounds = array<i64: 1, 128>}, {pipeline_mode = #tpu.pipeline_mode<synchronous>, transform_indices = @transform_5, window_bounds = array<i64: 128, 128>}, {transform_indices = @transform_6, window_bounds = array<i64: 200, 128>}, {transform_indices = @transform_7, window_bounds = array<i64: 200, 1>}]} {
    %get3A = arith.constant 0 : index
    %get3A_0 = arith.constant 0 : index
    %get3A_1 = arith.constant 0 : index
    %get3A_2 = vector.load %arg3[%get3A, %get3A_0, %get3A_1] : memref<2x200x1xf32, #tpu.memory_space<vmem>>, vector<1x200x1xf32>
    %get3A_3 = vector.shape_cast %get3A_2 : vector<1x200x1xf32> to vector<200x1xf32>
    %get3A_4 = arith.constant 1 : index
    %get3A_5 = arith.constant 0 : index
    %get3A_6 = arith.constant 0 : index
    %get3A_7 = vector.load %arg3[%get3A_4, %get3A_5, %get3A_6] : memref<2x200x1xf32, #tpu.memory_space<vmem>>, vector<1x200x1xf32>
    %get3A_8 = vector.shape_cast %get3A_7 : vector<1x200x1xf32> to vector<200x1xf32>
    %add3A = arith.addf %get3A_3, %get3A_8 : vector<200x1xf32>
    %max3A = arith.constant 1.000000e+00 : f32
    %max3A_9 = vector.broadcast %max3A : f32 to vector<200x1xf32>
    %max3A_10 = arith.maximumf %add3A, %max3A_9 : vector<200x1xf32>
    %div3A = arith.constant 1.000000e+00 : f32
    %div3A_11 = vector.broadcast %div3A : f32 to vector<200x1xf32>
    %div3A_12 = arith.divf %div3A_11, %max3A_10 : vector<200x1xf32>
    %get3A_13 = arith.constant 0 : index
    %get3A_14 = arith.constant 0 : index
    %get3A_15 = arith.constant 0 : index
    %get3A_16 = vector.load %arg1[%get3A_13, %get3A_14, %get3A_15] : memref<2x200x128xf32, #tpu.memory_space<vmem>>, vector<1x200x128xf32>
    %get3A_17 = vector.shape_cast %get3A_16 : vector<1x200x128xf32> to vector<200x128xf32>
    %get3A_18 = arith.constant 1 : index
    %get3A_19 = arith.constant 0 : index
    %get3A_20 = arith.constant 0 : index
    %get3A_21 = vector.load %arg1[%get3A_18, %get3A_19, %get3A_20] : memref<2x200x128xf32, #tpu.memory_space<vmem>>, vector<1x200x128xf32>
    %get3A_22 = vector.shape_cast %get3A_21 : vector<1x200x128xf32> to vector<200x128xf32>
    %add3A_23 = arith.addf %get3A_17, %get3A_22 : vector<200x128xf32>
    %mul3A = vector.broadcast %div3A_12 : vector<200x1xf32> to vector<200x128xf32>
    %mul3A_24 = arith.mulf %add3A_23, %mul3A : vector<200x128xf32>
    %get3A_25 = arith.constant 0 : index
    %get3A_26 = arith.constant 0 : index
    %get3A_27 = vector.load %arg4[%get3A_25, %get3A_26] : memref<128x128xf32, #tpu.memory_space<vmem>>, vector<128x128xf32>
    %dot_general3A = arith.constant dense<0.000000e+00> : vector<200x128xf32>
    %dot_general3A_28 = tpu.matmul %mul3A_24, %get3A_27, %dot_general3A {dimension_numbers = #tpu.dot_dimension_numbers<[1], [0], [0], [1], [0, 0, 1, 1], [], []>, transpose_lhs_hint = false} : vector<200x128xf32>, vector<128x128xf32>, vector<200x128xf32> -> vector<200x128xf32>
    %get3A_29 = arith.constant 0 : index
    %get3A_30 = arith.constant 0 : index
    %get3A_31 = vector.load %arg5[%get3A_29, %get3A_30] : memref<1x128xf32, #tpu.memory_space<vmem>>, vector<1x128xf32>
    %add3A_32 = vector.broadcast %get3A_31 : vector<1x128xf32> to vector<200x128xf32>
    %add3A_33 = arith.addf %dot_general3A_28, %add3A_32 : vector<200x128xf32>
    %get3A_34 = arith.constant 0 : index
    %get3A_35 = arith.constant 0 : index
    %get3A_36 = vector.load %arg2[%get3A_34, %get3A_35] : memref<200x128xf32, #tpu.memory_space<vmem>>, vector<200x128xf32>
    %get3A_37 = arith.constant 0 : index
    %get3A_38 = arith.constant 0 : index
    %get3A_39 = vector.load %arg6[%get3A_37, %get3A_38] : memref<128x128xf32, #tpu.memory_space<vmem>>, vector<128x128xf32>
    %dot_general3A_40 = arith.constant dense<0.000000e+00> : vector<200x128xf32>
    %dot_general3A_41 = tpu.matmul %get3A_36, %get3A_39, %dot_general3A_40 {dimension_numbers = #tpu.dot_dimension_numbers<[1], [0], [0], [1], [0, 0, 1, 1], [], []>, transpose_lhs_hint = false} : vector<200x128xf32>, vector<128x128xf32>, vector<200x128xf32> -> vector<200x128xf32>
    %add3A_42 = arith.addf %add3A_33, %dot_general3A_41 : vector<200x128xf32>
    %max3A_43 = arith.constant 0.000000e+00 : f32
    %max3A_44 = vector.broadcast %max3A_43 : f32 to vector<200x128xf32>
    %max3A_45 = arith.maximumf %add3A_42, %max3A_44 : vector<200x128xf32>
    %swap3A = arith.constant 0 : index
    %swap3A_46 = arith.constant 0 : index
    %swap3A_47 = vector.load %arg7[%swap3A, %swap3A_46] : memref<200x128xf32, #tpu.memory_space<vmem>>, vector<200x128xf32>
    tpu.vector_store %arg7[%swap3A, %swap3A_46], %max3A_45 {strides = array<i32>} : memref<200x128xf32, #tpu.memory_space<vmem>>, vector<200x128xf32>,
    %swap3A_48 = arith.constant 0 : index
    %swap3A_49 = arith.constant 0 : index
    %swap3A_50 = vector.load %arg8[%swap3A_48, %swap3A_49] : memref<200x1xf32, #tpu.memory_space<vmem>>, vector<200x1xf32>
    tpu.vector_store %arg8[%swap3A_48, %swap3A_49], %div3A_12 {strides = array<i32>} : memref<200x1xf32, #tpu.memory_space<vmem>>, vector<200x1xf32>,
    return
  }
  func.func @transform_0(%arg0: i32) -> (i32, i32, i32) {
    %c0_i32 = arith.constant 0 : i32
    %c0_i32_0 = arith.constant 0 : i32
    %c0_i32_1 = arith.constant 0 : i32
    return %c0_i32, %arg0, %c0_i32_0 : i32, i32, i32
  }
  func.func @transform_1(%arg0: i32) -> (i32, i32) {
    %c0_i32 = arith.constant 0 : i32
    %c0_i32_0 = arith.constant 0 : i32
    return %arg0, %c0_i32 : i32, i32
  }
  func.func @transform_2(%arg0: i32) -> (i32, i32, i32) {
    %c0_i32 = arith.constant 0 : i32
    %c0_i32_0 = arith.constant 0 : i32
    %c0_i32_1 = arith.constant 0 : i32
    return %c0_i32, %arg0, %c0_i32_0 : i32, i32, i32
  }
  func.func @transform_3(%arg0: i32) -> (i32, i32) {
    %c0_i32 = arith.constant 0 : i32
    %c0_i32_0 = arith.constant 0 : i32
    %c0_i32_1 = arith.constant 0 : i32
    return %c0_i32, %c0_i32_0 : i32, i32
  }
  func.func @transform_4(%arg0: i32) -> (i32, i32) {
    %c0_i32 = arith.constant 0 : i32
    %c0_i32_0 = arith.constant 0 : i32
    %c0_i32_1 = arith.constant 0 : i32
    return %c0_i32, %c0_i32_0 : i32, i32
  }
  func.func @transform_5(%arg0: i32) -> (i32, i32) {
    %c0_i32 = arith.constant 0 : i32
    %c0_i32_0 = arith.constant 0 : i32
    %c0_i32_1 = arith.constant 0 : i32
    return %c0_i32, %c0_i32_0 : i32, i32
  }
  func.func @transform_6(%arg0: i32) -> (i32, i32) {
    %c0_i32 = arith.constant 0 : i32
    %c0_i32_0 = arith.constant 0 : i32
    return %arg0, %c0_i32 : i32, i32
  }
  func.func @transform_7(%arg0: i32) -> (i32, i32) {
    %c0_i32 = arith.constant 0 : i32
    %c0_i32_0 = arith.constant 0 : i32
    return %arg0, %c0_i32 : i32, i32
  }
}

module attributes {stable_mosaic.version = 14 : i64} {
  func.func @_c1_body(%arg0: i32, %arg1: memref<2x200x128xf32, #tpu.memory_space<vmem>>, %arg2: memref<200x128xf32, #tpu.memory_space<vmem>>, %arg3: memref<200x1xf32, #tpu.memory_space<vmem>>, %arg4: memref<128x128xf32, #tpu.memory_space<vmem>>, %arg5: memref<1x128xf32, #tpu.memory_space<vmem>>, %arg6: memref<128x128xf32, #tpu.memory_space<vmem>>, %arg7: memref<128x128xf32, #tpu.memory_space<vmem>>, %arg8: memref<1x128xf32, #tpu.memory_space<vmem>>, %arg9: memref<200x128xf32, #tpu.memory_space<vmem>>) attributes {dimension_semantics = [#tpu.dimension_semantics<arbitrary>], iteration_bounds = array<i64: 50>, scalar_prefetch = 0 : i64, scratch_operands = 0 : i64, tpu.core_type = #tpu.core_type<tc>, window_params = [{transform_indices = @transform_0, window_bounds = array<i64: 2, 200, 128>}, {transform_indices = @transform_1, window_bounds = array<i64: 200, 128>}, {transform_indices = @transform_2, window_bounds = array<i64: 200, 1>}, {pipeline_mode = #tpu.pipeline_mode<synchronous>, transform_indices = @transform_3, window_bounds = array<i64: 128, 128>}, {pipeline_mode = #tpu.pipeline_mode<synchronous>, transform_indices = @transform_4, window_bounds = array<i64: 1, 128>}, {pipeline_mode = #tpu.pipeline_mode<synchronous>, transform_indices = @transform_5, window_bounds = array<i64: 128, 128>}, {pipeline_mode = #tpu.pipeline_mode<synchronous>, transform_indices = @transform_6, window_bounds = array<i64: 128, 128>}, {pipeline_mode = #tpu.pipeline_mode<synchronous>, transform_indices = @transform_7, window_bounds = array<i64: 1, 128>}, {transform_indices = @transform_8, window_bounds = array<i64: 200, 128>}]} {
    %get3A = arith.constant 0 : index
    %get3A_0 = arith.constant 0 : index
    %get3A_1 = arith.constant 0 : index
    %get3A_2 = vector.load %arg1[%get3A, %get3A_0, %get3A_1] : memref<2x200x128xf32, #tpu.memory_space<vmem>>, vector<1x200x128xf32>
    %get3A_3 = vector.shape_cast %get3A_2 : vector<1x200x128xf32> to vector<200x128xf32>
    %get3A_4 = arith.constant 1 : index
    %get3A_5 = arith.constant 0 : index
    %get3A_6 = arith.constant 0 : index
    %get3A_7 = vector.load %arg1[%get3A_4, %get3A_5, %get3A_6] : memref<2x200x128xf32, #tpu.memory_space<vmem>>, vector<1x200x128xf32>
    %get3A_8 = vector.shape_cast %get3A_7 : vector<1x200x128xf32> to vector<200x128xf32>
    %add3A = arith.addf %get3A_3, %get3A_8 : vector<200x128xf32>
    %get3A_9 = arith.constant 0 : index
    %get3A_10 = arith.constant 0 : index
    %get3A_11 = vector.load %arg3[%get3A_9, %get3A_10] : memref<200x1xf32, #tpu.memory_space<vmem>>, vector<200x1xf32>
    %mul3A = vector.broadcast %get3A_11 : vector<200x1xf32> to vector<200x128xf32>
    %mul3A_12 = arith.mulf %add3A, %mul3A : vector<200x128xf32>
    %get3A_13 = arith.constant 0 : index
    %get3A_14 = arith.constant 0 : index
    %get3A_15 = vector.load %arg4[%get3A_13, %get3A_14] : memref<128x128xf32, #tpu.memory_space<vmem>>, vector<128x128xf32>
    %dot_general3A = arith.constant dense<0.000000e+00> : vector<200x128xf32>
    %dot_general3A_16 = tpu.matmul %mul3A_12, %get3A_15, %dot_general3A {dimension_numbers = #tpu.dot_dimension_numbers<[1], [0], [0], [1], [0, 0, 1, 1], [], []>, transpose_lhs_hint = false} : vector<200x128xf32>, vector<128x128xf32>, vector<200x128xf32> -> vector<200x128xf32>
    %get3A_17 = arith.constant 0 : index
    %get3A_18 = arith.constant 0 : index
    %get3A_19 = vector.load %arg5[%get3A_17, %get3A_18] : memref<1x128xf32, #tpu.memory_space<vmem>>, vector<1x128xf32>
    %add3A_20 = vector.broadcast %get3A_19 : vector<1x128xf32> to vector<200x128xf32>
    %add3A_21 = arith.addf %dot_general3A_16, %add3A_20 : vector<200x128xf32>
    %get3A_22 = arith.constant 0 : index
    %get3A_23 = arith.constant 0 : index
    %get3A_24 = vector.load %arg2[%get3A_22, %get3A_23] : memref<200x128xf32, #tpu.memory_space<vmem>>, vector<200x128xf32>
    %get3A_25 = arith.constant 0 : index
    %get3A_26 = arith.constant 0 : index
    %get3A_27 = vector.load %arg6[%get3A_25, %get3A_26] : memref<128x128xf32, #tpu.memory_space<vmem>>, vector<128x128xf32>
    %dot_general3A_28 = arith.constant dense<0.000000e+00> : vector<200x128xf32>
    %dot_general3A_29 = tpu.matmul %get3A_24, %get3A_27, %dot_general3A_28 {dimension_numbers = #tpu.dot_dimension_numbers<[1], [0], [0], [1], [0, 0, 1, 1], [], []>, transpose_lhs_hint = false} : vector<200x128xf32>, vector<128x128xf32>, vector<200x128xf32> -> vector<200x128xf32>
    %add3A_30 = arith.addf %add3A_21, %dot_general3A_29 : vector<200x128xf32>
    %max3A = arith.constant 0.000000e+00 : f32
    %max3A_31 = vector.broadcast %max3A : f32 to vector<200x128xf32>
    %max3A_32 = arith.maximumf %add3A_30, %max3A_31 : vector<200x128xf32>
    %get3A_33 = arith.constant 0 : index
    %get3A_34 = arith.constant 0 : index
    %get3A_35 = vector.load %arg7[%get3A_33, %get3A_34] : memref<128x128xf32, #tpu.memory_space<vmem>>, vector<128x128xf32>
    %dot_general3A_36 = arith.constant dense<0.000000e+00> : vector<200x128xf32>
    %dot_general3A_37 = tpu.matmul %max3A_32, %get3A_35, %dot_general3A_36 {dimension_numbers = #tpu.dot_dimension_numbers<[1], [0], [0], [1], [0, 0, 1, 1], [], []>, transpose_lhs_hint = false} : vector<200x128xf32>, vector<128x128xf32>, vector<200x128xf32> -> vector<200x128xf32>
    %get3A_38 = arith.constant 0 : index
    %get3A_39 = arith.constant 0 : index
    %get3A_40 = vector.load %arg8[%get3A_38, %get3A_39] : memref<1x128xf32, #tpu.memory_space<vmem>>, vector<1x128xf32>
    %add3A_41 = vector.broadcast %get3A_40 : vector<1x128xf32> to vector<200x128xf32>
    %add3A_42 = arith.addf %dot_general3A_37, %add3A_41 : vector<200x128xf32>
    %swap3A = arith.constant 0 : index
    %swap3A_43 = arith.constant 0 : index
    %swap3A_44 = vector.load %arg9[%swap3A, %swap3A_43] : memref<200x128xf32, #tpu.memory_space<vmem>>, vector<200x128xf32>
    tpu.vector_store %arg9[%swap3A, %swap3A_43], %add3A_42 {strides = array<i32>} : memref<200x128xf32, #tpu.memory_space<vmem>>, vector<200x128xf32>,
    return
  }
  func.func @transform_0(%arg0: i32) -> (i32, i32, i32) {
    %c0_i32 = arith.constant 0 : i32
    %c0_i32_0 = arith.constant 0 : i32
    %c0_i32_1 = arith.constant 0 : i32
    return %c0_i32, %arg0, %c0_i32_0 : i32, i32, i32
  }
  func.func @transform_1(%arg0: i32) -> (i32, i32) {
    %c0_i32 = arith.constant 0 : i32
    %c0_i32_0 = arith.constant 0 : i32
    return %arg0, %c0_i32 : i32, i32
  }
  func.func @transform_2(%arg0: i32) -> (i32, i32) {
    %c0_i32 = arith.constant 0 : i32
    %c0_i32_0 = arith.constant 0 : i32
    return %arg0, %c0_i32 : i32, i32
  }
  func.func @transform_3(%arg0: i32) -> (i32, i32) {
    %c0_i32 = arith.constant 0 : i32
    %c0_i32_0 = arith.constant 0 : i32
    %c0_i32_1 = arith.constant 0 : i32
    return %c0_i32, %c0_i32_0 : i32, i32
  }
  func.func @transform_4(%arg0: i32) -> (i32, i32) {
    %c0_i32 = arith.constant 0 : i32
    %c0_i32_0 = arith.constant 0 : i32
    %c0_i32_1 = arith.constant 0 : i32
    return %c0_i32, %c0_i32_0 : i32, i32
  }
  func.func @transform_5(%arg0: i32) -> (i32, i32) {
    %c0_i32 = arith.constant 0 : i32
    %c0_i32_0 = arith.constant 0 : i32
    %c0_i32_1 = arith.constant 0 : i32
    return %c0_i32, %c0_i32_0 : i32, i32
  }
  func.func @transform_6(%arg0: i32) -> (i32, i32) {
    %c0_i32 = arith.constant 0 : i32
    %c0_i32_0 = arith.constant 0 : i32
    %c0_i32_1 = arith.constant 0 : i32
    return %c0_i32, %c0_i32_0 : i32, i32
  }
  func.func @transform_7(%arg0: i32) -> (i32, i32) {
    %c0_i32 = arith.constant 0 : i32
    %c0_i32_0 = arith.constant 0 : i32
    %c0_i32_1 = arith.constant 0 : i32
    return %c0_i32, %c0_i32_0 : i32, i32
  }
  func.func @transform_8(%arg0: i32) -> (i32, i32) {
    %c0_i32 = arith.constant 0 : i32
    %c0_i32_0 = arith.constant 0 : i32
    return %arg0, %c0_i32 : i32, i32
  }
}

module attributes {stable_mosaic.version = 14 : i64} {
  func.func @_final_body(%arg0: i32, %arg1: memref<2x200x1xf32, #tpu.memory_space<vmem>>, %arg2: memref<200x1xf32, #tpu.memory_space<vmem>>, %arg3: memref<200x1xf32, #tpu.memory_space<vmem>>, %arg4: memref<200x1xf32, #tpu.memory_space<vmem>>) attributes {dimension_semantics = [#tpu.dimension_semantics<arbitrary>], iteration_bounds = array<i64: 50>, scalar_prefetch = 0 : i64, scratch_operands = 0 : i64, tpu.core_type = #tpu.core_type<tc>, window_params = [{transform_indices = @transform_0, window_bounds = array<i64: 2, 200, 1>}, {transform_indices = @transform_1, window_bounds = array<i64: 200, 1>}, {transform_indices = @transform_2, window_bounds = array<i64: 200, 1>}, {transform_indices = @transform_3, window_bounds = array<i64: 200, 1>}]} {
    %get3A = arith.constant 0 : index
    %get3A_0 = arith.constant 0 : index
    %get3A_1 = arith.constant 0 : index
    %get3A_2 = vector.load %arg1[%get3A, %get3A_0, %get3A_1] : memref<2x200x1xf32, #tpu.memory_space<vmem>>, vector<1x200x1xf32>
    %get3A_3 = vector.shape_cast %get3A_2 : vector<1x200x1xf32> to vector<200x1xf32>
    %get3A_4 = arith.constant 1 : index
    %get3A_5 = arith.constant 0 : index
    %get3A_6 = arith.constant 0 : index
    %get3A_7 = vector.load %arg1[%get3A_4, %get3A_5, %get3A_6] : memref<2x200x1xf32, #tpu.memory_space<vmem>>, vector<1x200x1xf32>
    %get3A_8 = vector.shape_cast %get3A_7 : vector<1x200x1xf32> to vector<200x1xf32>
    %add3A = arith.addf %get3A_3, %get3A_8 : vector<200x1xf32>
    %get3A_9 = arith.constant 0 : index
    %get3A_10 = arith.constant 0 : index
    %get3A_11 = vector.load %arg2[%get3A_9, %get3A_10] : memref<200x1xf32, #tpu.memory_space<vmem>>, vector<200x1xf32>
    %mul3A = arith.mulf %add3A, %get3A_11 : vector<200x1xf32>
    %get3A_12 = arith.constant 0 : index
    %get3A_13 = arith.constant 0 : index
    %get3A_14 = vector.load %arg3[%get3A_12, %get3A_13] : memref<200x1xf32, #tpu.memory_space<vmem>>, vector<200x1xf32>
    %add3A_15 = arith.addf %mul3A, %get3A_14 : vector<200x1xf32>
    %logistic3A = arith.negf %add3A_15 : vector<200x1xf32>
    %logistic3A_16 = math.exp %logistic3A : vector<200x1xf32>
    %logistic3A_17 = arith.constant 1.000000e+00 : f32
    %logistic3A_18 = vector.broadcast %logistic3A_17 : f32 to vector<200x1xf32>
    %logistic3A_19 = arith.addf %logistic3A_18, %logistic3A_16 : vector<200x1xf32>
    %logistic3A_20 = arith.divf %logistic3A_18, %logistic3A_19 : vector<200x1xf32>
    %swap3A = arith.constant 0 : index
    %swap3A_21 = arith.constant 0 : index
    %swap3A_22 = vector.load %arg4[%swap3A, %swap3A_21] : memref<200x1xf32, #tpu.memory_space<vmem>>, vector<200x1xf32>
    tpu.vector_store %arg4[%swap3A, %swap3A_21], %logistic3A_20 {strides = array<i32>} : memref<200x1xf32, #tpu.memory_space<vmem>>, vector<200x1xf32>,
    return
  }
  func.func @transform_0(%arg0: i32) -> (i32, i32, i32) {
    %c0_i32 = arith.constant 0 : i32
    %c0_i32_0 = arith.constant 0 : i32
    %c0_i32_1 = arith.constant 0 : i32
    return %c0_i32, %arg0, %c0_i32_0 : i32, i32, i32
  }
  func.func @transform_1(%arg0: i32) -> (i32, i32) {
    %c0_i32 = arith.constant 0 : i32
    %c0_i32_0 = arith.constant 0 : i32
    return %arg0, %c0_i32 : i32, i32
  }
  func.func @transform_2(%arg0: i32) -> (i32, i32) {
    %c0_i32 = arith.constant 0 : i32
    %c0_i32_0 = arith.constant 0 : i32
    return %arg0, %c0_i32 : i32, i32
  }
  func.func @transform_3(%arg0: i32) -> (i32, i32) {
    %c0_i32 = arith.constant 0 : i32
    %c0_i32_0 = arith.constant 0 : i32
    return %arg0, %c0_i32 : i32, i32
  }
}

</mosaic_0001>

<sc_bundles>
// kernel: kernel.11.cloned.1.call-start
scs
__scs_entry_jumppad:
0x0: {  	(pc) =	sbr.rel $0x88, $3  }
0x1: {  	(tag) =	ssettag $0x0;
	lr =	simm.s32 $0x1  }
0x2: {  	[smem:$0x3F96] =	sst lr;
	_ =	strace $0xD0000000  }
0x3: {  	_ = 	snop  }
0x4: {  	_ = 	snop  }
0x5: {  	_ = 	snop  }
0x6: {  	_ = 	snop  }
0x7: {  	_ = 	snop  }
__scs_overlays_trampoline_lowered:
0x8: {  	[smem:$0x3FA5] =	sst s0  }
0x9: {  	[smem:$0x3FA6] =	sst s1  }
0xa: {  	[smem:$0x3FA7] =	sst s2  }
0xb: {  	[smem:$0x3FA8] =	sst s3  }
0xc: {  	[smem:$0x3FA9] =	sst s4  }
0xd: {  	[smem:$0x3FAA] =	sst s5  }
0xe: {  	[smem:$0x3FAB] =	sst s6  }
0xf: {  	[smem:$0x3FAC] =	sst s7  }
0x10: {  	[smem:$0x3FAD] =	sst s8  }
0x11: {  	[smem:$0x3FAE] =	sst s9;
	s0 =	simm.s32 @!p0 $0x0  }
0x12: {  	s1 =	sld [smem:$0x3F94];
	s0 =	simm.s32 @p0 $0x1  }
0x13: {  	[smem:$0x3FAF] =	sst s0;
	s0 =	simm.s32 @!p1 $0x0  }
0x14: {  	s2 =	sld [smem:$0x3F93];
	s0 =	simm.s32 @p1 $0x1  }
0x15: {  	[smem:$0x3FB0] =	sst s0;
	s0 =	simm.s32 @!p2 $0x0  }
0x16: {  	s3 =	sld [smem:$0x3FDB];
	s0 =	simm.s32 @p2 $0x1  }
0x17: {  	s4 =	simm.s32 $0x1BF5;
	[smem:$0x3FB2] =	sst s0  }
0x18: {  	s0 =	sld [smem:$0x3F95];
	_ =	swait.ge [sflag:s4], $0x0  }
0x19: {  	s7 =	sld [smem:$0x3F96]  }
0x1a: {  	s8 =	sadd.s32 $0xFFFFE003, lr  }
0x1b: {  	s9 =	sadd.s32 $0xFFFFFEF7, lr;
	s5 =	simm.s32 $0xFFFFFFFF;
	p2 =	slt.u32 s8, $0xFFFFF086  }
0x1c: {  	p1 =	slt.u32 s9, $0xF7A;
	s5 =	simm.s32 @!p2 $0x0  }
0x1d: {  	s5 =	simm.s32 @p1 $0x1;
	p0 =	seq.s32 s7, s2  }
0x1e: {  	s7 =	smul.u32 @!p0 $0xF7A, s2;
	p2 =	seq.s32 @!p0 s5, $0x0  }
0x1f: {  	s9 =	smul.u32 $0xF7A, s1;
	s8 =	simm.s32 @!p0 $0x1BF5;
	p2 =	por !p2, p0  }
0x20: {  	[sflag:s8] =	ssyncset.s32 @!p0 $0xFFFFF086;
	s6 =	sadd.s32 @!p0 s3, s7;
	s7 =	simm.s32 @!p0 $0x108  }
0x21: {  	s3 =	sadd.s32 s3, s9;
	s6 =	sadd.s32 @!p0 $0x88, s6;
	s7 =	simm.s32 @p2 $0x1082  }
0x22: {  	[simem:s7], [sflag:s8] =	dma.local @!p0 [hbm:s6], $0xF7A  }
0x23: {  	s9 =	sor.u32 $0xD0000000, s2;
	s6 =	simm.s32 $0x108;
	_ =	swait.ge @!p0 [sflag:s8], $0x0  }
0x24: {  	s3 =	sadd.s32 $0x88, s3;
	s6 =	simm.s32 @!p1 $0x1082;
	[sflag:s4] =	ssyncset.s32 $0xFFFFF086  }
0x25: {  	[simem:s6], [sflag:s4] =	dma.local [hbm:s3], $0xF7A  }
0x26: {  	[smem:$0x3F96] =	sst s1;
	(tag) =	ssettag s2;
	_ =	strace s9  }
0x27: {  	s1 =	sld [smem:$0x3FA6]  }
0x28: {  	s2 =	sld [smem:$0x3FA7]  }
0x29: {  	s4 =	sld [smem:$0x3FA9]  }
0x2a: {  	p0 =	seq.s32 s5, $0x0;
	s5 =	sld [smem:$0x3FAA]  }
0x2b: {  	s6 =	sld [smem:$0x3FAB]  }
0x2c: {  	s7 =	sld [smem:$0x3FAC]  }
0x2d: {  	s3 =	simm.s32 $0x108;
	s8 =	sld [smem:$0x3FAD]  }
0x2e: {  	s3 =	simm.s32 @!p0 $0x1082;
	s9 =	sld [smem:$0x3FAE]  }
0x2f: {  	lr =	sadd.s32 s0, s3;
	s0 =	sld [smem:$0x3FA5]  }
0x30: {  	s3 =	sld [smem:$0x3FA8]  }
0x31: {  	[smem:$0x3FB1] =	sst s10  }
0x32: {  	s10 =	sld [smem:$0x3FAF];
	_ =	sdelay $0x3  }
0x33: {  	p0 =	seq.s32 s10, $0x1;
	s10 =	sld [smem:$0x3FB1];
	_ =	sdelay $0x3  }
0x34: {  	[smem:$0x3FB1] =	sst s10  }
0x35: {  	s10 =	sld [smem:$0x3FB0];
	_ =	sdelay $0x3  }
0x36: {  	p1 =	seq.s32 s10, $0x1;
	s10 =	sld [smem:$0x3FB1];
	_ =	sdelay $0x3  }
0x37: {  	[smem:$0x3FB1] =	sst s10  }
0x38: {  	s10 =	sld [smem:$0x3FB2]  }
0x39: {  	_ = 	snop;
	(pc) =	sbr.ind lr, $3  }
0x3a: {  	_ = 	snop  }
0x3b: {  	_ = 	snop  }
0x3c: {  	p2 =	seq.s32 s10, $0x1;
	s10 =	sld [smem:$0x3FB1]  }
0x3d: {  	_ =	shalt  }
0x3e: {  	_ =	shalt  }
0x3f: {  	_ =	shalt  }
0x40: {  	_ =	shalt  }
0x41: {  	_ =	shalt  }
0x42: {  	_ =	shalt  }
0x43: {  	_ =	shalt  }
0x44: {  	_ =	shalt  }
0x45: {  	_ =	shalt  }
0x46: {  	_ =	shalt  }
0x47: {  	_ =	shalt  }
0x48: {  	_ =	shalt  }
0x49: {  	_ =	shalt  }
0x4a: {  	_ =	shalt  }
0x4b: {  	_ =	shalt  }
0x4c: {  	_ =	shalt  }
0x4d: {  	_ =	shalt  }
0x4e: {  	_ =	shalt  }
0x4f: {  	_ =	shalt  }
0x50: {  	_ =	shalt  }
0x51: {  	_ =	shalt  }
0x52: {  	_ =	shalt  }
0x53: {  	_ =	shalt  }
0x54: {  	_ =	shalt  }
0x55: {  	_ =	shalt  }
0x56: {  	_ =	shalt  }
0x57: {  	_ =	shalt  }
0x58: {  	_ =	shalt  }
0x59: {  	_ =	shalt  }
0x5a: {  	_ =	shalt  }
0x5b: {  	_ =	shalt  }
0x5c: {  	_ =	shalt  }
0x5d: {  	_ =	shalt  }
0x5e: {  	_ =	shalt  }
0x5f: {  	_ =	shalt  }
0x60: {  	_ =	shalt  }
0x61: {  	_ =	shalt  }
0x62: {  	_ =	shalt  }
0x63: {  	_ =	shalt  }
0x64: {  	_ =	shalt  }
0x65: {  	_ =	shalt  }
0x66: {  	_ =	shalt  }
0x67: {  	_ =	shalt  }
0x68: {  	_ =	shalt  }
0x69: {  	_ =	shalt  }
0x6a: {  	_ =	shalt  }
0x6b: {  	_ =	shalt  }
0x6c: {  	_ =	shalt  }
0x6d: {  	_ =	shalt  }
0x6e: {  	_ =	shalt  }
0x6f: {  	_ =	shalt  }
0x70: {  	_ =	shalt  }
0x71: {  	_ =	shalt  }
0x72: {  	_ =	shalt  }
0x73: {  	_ =	shalt  }
0x74: {  	_ =	shalt  }
0x75: {  	_ =	shalt  }
0x76: {  	_ =	shalt  }
0x77: {  	_ =	shalt  }
0x78: {  	_ =	shalt  }
0x79: {  	_ =	shalt  }
0x7a: {  	_ =	shalt  }
0x7b: {  	_ =	shalt  }
0x7c: {  	_ =	shalt  }
0x7d: {  	_ =	shalt  }
0x7e: {  	_ =	shalt  }
0x7f: {  	_ =	shalt  }
0x80: {  	_ =	shalt  }
0x81: {  	_ =	shalt  }
0x82: {  	_ =	shalt  }
0x83: {  	_ =	shalt  }
0x84: {  	_ =	shalt  }
0x85: {  	_ =	shalt  }
0x86: {  	_ =	shalt  }
0x87: {  	_ =	shalt  }
.Lfunc_end0:
.L_simem_size_0:
called_computation.1_lowered:
.L_overlay_start_0:
0x88: {  	s2 =	sld [smem:$0x3FD9]  }
0x89: {  	s3 =	sld [smem:$0x3FFE];
	_ =	sdelay $0x1  }
0x8a: {  	s1 =	srdreg.scid  }
0x8b: {  	s0 =	sand.u32 $0x1, s1  }
0x8c: {  	s16 =	sshll.u32 s0, $0xA;
	s2 =	sadd.s32 s3, s2  }
0x8d: {  	s2 =	sadd.s32 s2, s16  }
0x8e: {  	[smem:$0x3FBD] =	sst s2  }
0x8f: {  	_ = 	snop  }
0x90: {  	(tm) =	ssettm $0x1  }
0x91: {  	s17 =	sld [smem:$0x3FFB];
	_ =	sdelay $0x3  }
0x92: {  	_ =	strace s17  }
0x93: {  	s2 =	sld [smem:$0x3FFC];
	_ =	sdelay $0x3  }
0x94: {  	_ =	strace s2  }
0x95: {  	s2 =	sld [smem:$0x3FFD];
	_ =	sdelay $0x3  }
0x96: {  	_ =	strace s2  }
0x97: {  	_ =	strace $0x8FFFFFFF  }
0x98: {  	s18 =	sld [smem:$0x3FDB];
	_ =	sdelay $0x1  }
0x99: {  	s19 =	simm.s32 $_scs_section_size  }
0x9a: {  	s4 =	simm.s32 $_size__tile_overlayer_lowered;
	s5 =	simm.s32 $_tile_overlayer_lowered  }
0x9b: {  	s22 =	simm.s32 $0x1BFF;
	s21 =	sshll.u32 s5, $0x1;
	s2 =	sadd.s32 s19, s18  }
0x9c: {  	s6 =	simm.s32 $0x0;
	s20 =	sshll.u32 s4, $0x1;
	s4 =	sadd.s32 s21, s2  }
0x9d: {  	[timem:s6], [sflag:s22] =	dma.local [hbm:s4], s20  }
0x9e: {  	_ =	swait.ge [sflag:s22], s20  }
0x9f: {  	s3 =	ssub.s32 $0x0, s20;
	[sflag:s22] =	ssyncset.done $0x0  }
0xa0: {  	[sflag:s22] =	ssyncadd.s32 s3;
	_ =	sdelay $0x1  }
0xa1: {  	s23 =	simm.s32 $0x1B8B  }
0xa2: {  	_ =	swait.ge [sflag:s23], $0x1  }
0xa3: {  	[sflag:s23] =	ssyncset.done $0x0  }
0xa4: {  	s25 =	simm.s32 $0x1B8E;
	s24 =	sld [smem:$0x3FFE];
	[sflag:s23] =	ssyncadd.s32 $0xFFFFFFFF  }
0xa5: {  	s26 =	simm.s32 $execute0_lowered;
	[smem:$0x3FD2] =	sst s25  }
0xa6: {  	s4 =	sshll.u32 s26, $0x1;
	_ =	strace $0x80000049;
	[dreg:$0x1] =	wrdreg $0xFFFFFFFF  }
0xa7: {  	s28 =	simm.s32 $_size_execute0_lowered;
	s2 =	sadd.s32 s2, s4;
	[dreg:$0x0] =	wrdreg $0x0  }
0xa8: {  	s4 =	sshll.u32 s28, $0x1;
	[dreg:$0x2] =	wrdreg s2  }
0xa9: {  	[dreg:$0x3] =	wrdreg s4  }
0xaa: {  	[dreg:$0x4] =	wrdreg $0xC0  }
0xab: {  	_ =	task [dreg:s6], $0x5FFFF  }
0xac: {  	[dreg:$0x1] =	wrdreg $0xFFFFFFFF  }
0xad: {  	[dreg:$0x0] =	wrdreg $0x60  }
0xae: {  	[dreg:$0x2] =	wrdreg s24  }
0xaf: {  	[dreg:$0x3] =	wrdreg $0xB7800  }
0xb0: {  	[dreg:$0x4] =	wrdreg $0x9  }
0xb1: {  	_ =	task.clear_ibuf [dreg:s6], $0x5FFFF;
	_ =	strace $0x90000049  }
0xb2: {  	s29 =	simm.s32 $0x9;
	_ =	strace $0x8000004B  }
0xb3: {  	_ =	swait.ge [sflag:s29], $0x1  }
0xb4: {  	[sflag:s29] =	ssyncadd.s32 $0xFFFFFFFF  }
0xb5: {  	_ =	strace $0x9000004B  }
0xb6: {  	_ =	sfence  }
0xb7: {  	s30 =	sld [smem:$0x0];
	_ =	sdelay $0x2  }
0xb8: {  	s31 =	sshll.u32 s1, $0xD;
	s1 =	sshrl.u32 s1, $0x2  }
0xb9: {  	s3 =	sand.u32 $0x4000, s31;
	s1 =	sadd.s32 s1, s30  }
0xba: {  	s0 =	sor.u32 s3, s0;
	s1 =	sshll.u32 s1, $0x11  }
0xbb: {  	s0 =	sor.u32 s1, s0  }
0xbc: {  	s0 =	sadd.s32 $0x8F2B, s0  }
0xbd: {  	[sflag:s0] =	ssyncadd.remote.s32 $0x1  }
0xbe: {  	_ =	sfence.sel $0xFFFF  }
0xbf: {  	[dreg:$0x0] =	wrdreg $0xFFFFFFFF;
	(pc) =	sbr.abs _section_cstart, $3  }
0xc0: {  	[dreg:$0x1] =	wrdreg $0xFFFFFFFF  }
0xc1: {  	_ =	task.clear_ibuf [dreg:s6], $0x2FFFF;
	_ =	strace $0x9FFFFFFF  }
0xc2: {  	(tm) =	ssettm $0x7FFFFFFF  }
0xc3: {  	_ =	shalt  }
tec
execute0_lowered:
.L_overlay_start_1:
0x0: {  	(tag) =	ssettag $0x1  }
0x1: {  	s0 =	srdreg.scid;
	s14 =	stileid.u32  }
0x2: {  	s3 =	rddreg [dreg:$0x0];
	s7 =	simm.s32 $0x0;
	s31 =	simm.s32 $0x3  }
0x3: {  	s29 =	simm.s32 $0x40;
	s30 =	simm.s32 $0x9780;
	s1 =	sand.u32 $0x1, s0  }
0x4: {  	s4 =	sshll.u32 s14, $0x7;
	s6 =	smul.u32 $0x14000, s14;
	[smem:$0x7FF] =	sst s7  }
0x5: {  	s10 =	sadd.s32 $0x47200, s3;
	s0 =	sshll.u32 s1, $0x4;
	s4 =	sand.u32 $0x380, s4  }
0x6: {  	s5 =	ssub.s32 $0x2, s1;
	s1 =	smul.u32 $0x140000, s1;
	s2 =	sor.u32 s14, s0  }
0x7: {  	s16 =	sshrl.u32 s5, $0x1;
	s18 =	sor.u32 $0x2000, s6;
	s19 =	sadd.s32 $0x4000, s6  }
0x8: {  	s20 =	sadd.s32 $0x6000, s6;
	s21 =	sadd.s32 $0x8000, s6;
	s22 =	sadd.s32 $0xA000, s6  }
0x9: {  	s23 =	sadd.s32 $0xC000, s6;
	s24 =	sadd.s32 $0xE000, s6;
	s25 =	sadd.s32 $0x10000, s6  }
0xa: {  	s26 =	sadd.s32 $0x12000, s6;
	s0 =	sshrl.u32 s2, $0x3;
	s17 =	sadd.s32 s6, s1  }
0xb: {  	s7 =	sadd.s32 s1, s18;
	s9 =	sadd.s32 s1, s19;
	s12 =	sadd.s32 s1, s20  }
0xc: {  	s15 =	sadd.s32 s1, s21;
	s0 =	smul.u32 $0x13C00, s0;
	s8 =	sshrl.u32 s7, $0x3  }
0xd: {  	s11 =	sshrl.u32 s9, $0x3;
	s13 =	sshrl.u32 s12, $0x3;
	s9 =	sadd.s32 s1, s24  }
0xe: {  	s6 =	sshrl.u32 s15, $0x3;
	s12 =	rddreg [dreg:$0x1];
	s9 =	sshrl.u32 s9, $0x3  }
0xf: {  	s18 =	sadd.s32 s18, s12;
	s19 =	sadd.s32 s19, s12;
	s20 =	sadd.s32 s20, s12  }
0x10: {  	s21 =	sadd.s32 s21, s12;
	s24 =	sadd.s32 s24, s12;
	s4 =	sor.u32 s4, s0  }
0x11: {  	s0 =	ssub.s32 s5, s16;
	s5 =	sshrl.u32 s17, $0x3;
	s16 =	sadd.s32 s1, s22  }
0x12: {  	s17 =	sadd.s32 s10, s6;
	s9 =	sadd.s32 s10, s9;
	s22 =	sadd.s32 s22, s12  }
0x13: {  	s5 =	sadd.s32 s10, s5;
	[dreg:$0x7] =	wrdreg s17;
	s7 =	sshrl.u32 s16, $0x3  }
0x14: {  	s6 =	sshrl.u32 s4, $0x3;
	s28 =	smax.u32 s0, $0x1;
	s0 =	simm.s32 $0x7780  }
0x15: {  	[dreg:$0x3] =	wrdreg s5;
	s5 =	sadd.s32 s10, s8;
	s8 =	sadd.s32 s1, s23  }
0x16: {  	s7 =	sadd.s32 s10, s7;
	s23 =	sadd.s32 s23, s12;
	[dreg:$0x4] =	wrdreg s5  }
0x17: {  	s5 =	sadd.s32 s10, s11;
	s8 =	sshrl.u32 s8, $0x3;
	s11 =	sadd.s32 s1, s25  }
0x18: {  	s1 =	sadd.s32 s1, s26;
	s25 =	sadd.s32 s25, s12;
	s26 =	sadd.s32 s26, s12  }
0x19: {  	[dreg:$0x5] =	wrdreg s5;
	s5 =	sadd.s32 s10, s13;
	s8 =	sadd.s32 s10, s8  }
0x1a: {  	s11 =	sshrl.u32 s11, $0x3;
	s1 =	sshrl.u32 s1, $0x3;
	[dreg:$0x6] =	wrdreg s5  }
0x1b: {  	s11 =	sadd.s32 s10, s11;
	s13 =	sadd.s32 s10, s1;
	s5 =	smul.u32 $0xA00, s2  }
0x1c: {  	s10 =	smul.u32 $0x50000, s14;
	s2 =	sadd.s32 s6, s3;
	s14 =	sadd.s32 $0x20000, s3  }
0x1d: {  	_ =	strace $0x8000004A;
	s15 =	sadd.s32 $0x16200, s2;
	s2 =	simm.s32 $0x0  }
0x1e: {  	s1 =	sadd.s32 s5, s3;
	s17 =	sshrl.u32 s10, $0x2;
	s10 =	simm.s32 $0x1  }
0x1f: {  	v0 =	vimm.f32 $0.0e+00;
	s16 =	sadd.s32 $0x2200, s1;
	s17 =	sadd.s32 s17, s12;
	s1 =	simm.s32 $0x2  }
.LBB2_1:
0x20: {  	s3 =	simm.s32 $0x0;
	s4 =	simm.s32 $0x80;
	s5 =	simm.s32 $0x400  }
0x21: {  	[tilespmem:s3], [sflag:$0x3] =	stream.strided.gather [hbm4b:s15+s4], $0x2780, s5, s4, $0x38;
	[tilespmem:$0x1F780] =	vst v63  }
0x22: {  	_ =	swait.ge [sflag:s31], $0x2780  }
0x23: {  	[sflag:s31] =	ssyncset.done $0x0  }
0x24: {  	s6 =	simm.s32 $0x2780;
	[sflag:s31] =	ssyncadd.s32 $0xFFFFD880  }
0x25: {  	[tilespmem:s6], [sflag:$0x3] =	stream.linear.gather [hbm4b:s16+s3], $0x4F00, $0x38;
	[tilespmem:$0x1F780] =	vst v63  }
0x26: {  	_ =	swait.ge [sflag:s31], $0x4F00  }
0x27: {  	[sflag:s31] =	ssyncset.done $0x0  }
0x28: {  	s4 =	simm.s32 $0x200;
	s3 =	simm.s32 $0x0;
	[sflag:s31] =	ssyncadd.s32 $0xFFFFB100  }
.LBB2_2:
0x29: {  	p0 =	sne.s32 s4, $0x7E00;
	[tilespmem:s3+$0x77F0] =	vst v0  }
0x2a: {  	[tilespmem:s3+$0x7780] =	vst v0  }
0x2b: {  	[tilespmem:s3+$0x7790] =	vst v0  }
.Ltmp0:
0x2c: {  	[tilespmem:s3+$0x77A0] =	vst v0;
	(pc) =	sbr.rel @p0 .LBB2_2-.Ltmp0, $4  }
0x2d: {  	[tilespmem:s3+$0x77B0] =	vst v0  }
0x2e: {  	[tilespmem:s3+$0x77C0] =	vst v0  }
0x2f: {  	[tilespmem:s3+$0x77D0] =	vst v0  }
0x30: {  	[tilespmem:s3+$0x77E0] =	vst v0;
	s3 =	sshra.s32 s4, $0x2;
	s4 =	sadd.s32 $0x200, s4  }
0x31: {  	[tilespmem:s3+$0x77F0] =	vst v0  }
0x32: {  	[tilespmem:s3+$0x7780] =	vst v0  }
0x33: {  	[tilespmem:s3+$0x7790] =	vst v0  }
0x34: {  	[tilespmem:s3+$0x77A0] =	vst v0  }
0x35: {  	[tilespmem:s3+$0x77B0] =	vst v0  }
0x36: {  	[tilespmem:s3+$0x77C0] =	vst v0  }
0x37: {  	[tilespmem:s3+$0x77D0] =	vst v0  }
0x38: {  	[tilespmem:s3+$0x77E0] =	vst v0  }
0x39: {  	[spmem:s17] =	stream.linear.scatter [tilespmem:s0], [sflag:$0x3], $0x2000, $0x38;
	[tilespmem:$0x1F780] =	vst v63  }
0x3a: {  	_ =	swait.ge [sflag:s31], $0x2000  }
0x3b: {  	[sflag:s31] =	ssyncset.done $0x0  }
0x3c: {  	[sflag:s31] =	ssyncadd.s32 $0xFFFFE000  }
0x3d: {  	[spmem:s18] =	stream.linear.scatter [tilespmem:s0], [sflag:$0x3], $0x2000, $0x38;
	[tilespmem:$0x1F780] =	vst v63  }
0x3e: {  	_ =	swait.ge [sflag:s31], $0x2000  }
0x3f: {  	[sflag:s31] =	ssyncset.done $0x0  }
0x40: {  	[sflag:s31] =	ssyncadd.s32 $0xFFFFE000  }
0x41: {  	[spmem:s19] =	stream.linear.scatter [tilespmem:s0], [sflag:$0x3], $0x2000, $0x38;
	[tilespmem:$0x1F780] =	vst v63  }
0x42: {  	_ =	swait.ge [sflag:s31], $0x2000  }
0x43: {  	[sflag:s31] =	ssyncset.done $0x0  }
0x44: {  	[sflag:s31] =	ssyncadd.s32 $0xFFFFE000  }
0x45: {  	[spmem:s20] =	stream.linear.scatter [tilespmem:s0], [sflag:$0x3], $0x2000, $0x38;
	[tilespmem:$0x1F780] =	vst v63  }
0x46: {  	_ =	swait.ge [sflag:s31], $0x2000  }
0x47: {  	[sflag:s31] =	ssyncset.done $0x0  }
0x48: {  	[sflag:s31] =	ssyncadd.s32 $0xFFFFE000  }
0x49: {  	[spmem:s21] =	stream.linear.scatter [tilespmem:s0], [sflag:$0x3], $0x2000, $0x38;
	[tilespmem:$0x1F780] =	vst v63  }
0x4a: {  	_ =	swait.ge [sflag:s31], $0x2000  }
0x4b: {  	[sflag:s31] =	ssyncset.done $0x0  }
0x4c: {  	[sflag:s31] =	ssyncadd.s32 $0xFFFFE000  }
0x4d: {  	[spmem:s22] =	stream.linear.scatter [tilespmem:s0], [sflag:$0x3], $0x2000, $0x38;
	[tilespmem:$0x1F780] =	vst v63  }
0x4e: {  	_ =	swait.ge [sflag:s31], $0x2000  }
0x4f: {  	[sflag:s31] =	ssyncset.done $0x0  }
0x50: {  	[sflag:s31] =	ssyncadd.s32 $0xFFFFE000  }
0x51: {  	[spmem:s23] =	stream.linear.scatter [tilespmem:s0], [sflag:$0x3], $0x2000, $0x38;
	[tilespmem:$0x1F780] =	vst v63  }
0x52: {  	_ =	swait.ge [sflag:s31], $0x2000  }
0x53: {  	[sflag:s31] =	ssyncset.done $0x0  }
0x54: {  	[sflag:s31] =	ssyncadd.s32 $0xFFFFE000  }
0x55: {  	[spmem:s24] =	stream.linear.scatter [tilespmem:s0], [sflag:$0x3], $0x2000, $0x38;
	[tilespmem:$0x1F780] =	vst v63  }
0x56: {  	_ =	swait.ge [sflag:s31], $0x2000  }
0x57: {  	[sflag:s31] =	ssyncset.done $0x0  }
0x58: {  	[sflag:s31] =	ssyncadd.s32 $0xFFFFE000  }
0x59: {  	[spmem:s25] =	stream.linear.scatter [tilespmem:s0], [sflag:$0x3], $0x2000, $0x38;
	[tilespmem:$0x1F780] =	vst v63  }
0x5a: {  	_ =	swait.ge [sflag:s31], $0x2000  }
0x5b: {  	[sflag:s31] =	ssyncset.done $0x0  }
0x5c: {  	[sflag:s31] =	ssyncadd.s32 $0xFFFFE000  }
0x5d: {  	[spmem:s26] =	stream.linear.scatter [tilespmem:s0], [sflag:$0x3], $0x2000, $0x38;
	[tilespmem:$0x1F780] =	vst v63  }
0x5e: {  	_ =	swait.ge [sflag:s31], $0x2000  }
0x5f: {  	[sflag:s31] =	ssyncset.done $0x0  }
0x60: {  	[sflag:s31] =	ssyncadd.s32 $0xFFFFE000  }
0x61: {  	s3 =	simm.s32 $0x40;
	s4 =	simm.s32 $0x0;
	[bflag:$0x0] =	sbarrier.arrive $0xFFFF  }
0x62: {  	[tilespmem:s0], [sflag:$0x1] =	stream.indirect.gather [hbm4b:s14+s3], $0x80, s4, s3, $0xb8;
	[tilespmem:$0x1F780] =	vst v63  }
0x63: {  	_ = 	snop  }
0x64: {  	[tilespmem:s30], [sflag:$0x2] =	stream.indirect.gather [hbm4b:s14+s29], $0x80, s3, s29, $0xb8;
	[tilespmem:$0x1F780] =	vst v63  }
0x65: {  	_ =	swait.ge [sflag:s10], $0x2000  }
0x66: {  	[sflag:s10] =	ssyncset.done $0x0  }
0x67: {  	s6 =	simm.s32 $0x2780;
	[sflag:s10] =	ssyncadd.s32 $0xFFFFE000  }
0x68: {  	[spmem:s12] =	stream.indirect.scatter.add.f32 [tilespmem:s0], [sflag:$0x3], $0x80, s6, s29, $0xb8;
	[tilespmem:$0x1F780] =	vst v63  }
0x69: {  	_ =	swait.ge [sflag:s31], $0x2000  }
0x6a: {  	[sflag:s31] =	ssyncset.done $0x0  }
0x6b: {  	s5 =	simm.s32 $0x80;
	[sflag:s31] =	ssyncadd.s32 $0xFFFFE000  }
0x6c: {  	[tilespmem:s0], [sflag:$0x1] =	stream.indirect.gather [hbm4b:s14+s29], $0x80, s5, s29, $0xb8;
	[tilespmem:$0x1F780] =	vst v63  }
0x6d: {  	_ =	swait.ge [sflag:s1], $0x2000  }
0x6e: {  	[sflag:s1] =	ssyncset.done $0x0  }
0x6f: {  	s6 =	simm.s32 $0x2800;
	[sflag:s1] =	ssyncadd.s32 $0xFFFFE000  }
0x70: {  	[spmem:s12] =	stream.indirect.scatter.add.f32 [tilespmem:s30], [sflag:$0x3], $0x80, s6, s29, $0xb8;
	[tilespmem:$0x1F780] =	vst v63  }
0x71: {  	_ =	swait.ge [sflag:s31], $0x2000  }
0x72: {  	s4 =	simm.s32 $0x400;
	[sflag:s31] =	ssyncset.done $0x0  }
.LBB2_4:
0x73: {  	p0 =	sne.s32 s4, $0x13400;
	[sflag:s31] =	ssyncadd.s32 $0xFFFFE000;
	s3 =	sadd.s32 $0x80, s3  }
0x74: {  	[tilespmem:s30], [sflag:$0x2] =	stream.indirect.gather [hbm4b:s14+s29], $0x80, s3, s29, $0xb8;
	[tilespmem:$0x1F780] =	vst v63  }
0x75: {  	s5 =	smov.u32 s4;
	s4 =	sadd.s32 $0x400, s4;
	_ =	swait.ge [sflag:s10], $0x2000  }
0x76: {  	s5 =	sshra.s32 s5, $0x2;
	[sflag:s10] =	ssyncset.done $0x0  }
0x77: {  	s6 =	sadd.s32 $0x2780, s5;
	[sflag:s10] =	ssyncadd.s32 $0xFFFFE000  }
0x78: {  	[spmem:s12] =	stream.indirect.scatter.add.f32 [tilespmem:s0], [sflag:$0x3], $0x80, s6, s29, $0xb8;
	[tilespmem:$0x1F780] =	vst v63  }
0x79: {  	_ =	swait.ge [sflag:s31], $0x2000  }
0x7a: {  	[sflag:s31] =	ssyncset.done $0x0  }
0x7b: {  	s6 =	sadd.s32 $0x40, s3;
	[sflag:s31] =	ssyncadd.s32 $0xFFFFE000  }
0x7c: {  	[tilespmem:s0], [sflag:$0x1] =	stream.indirect.gather [hbm4b:s14+s29], $0x80, s6, s29, $0xb8;
	[tilespmem:$0x1F780] =	vst v63  }
0x7d: {  	_ =	swait.ge [sflag:s1], $0x2000  }
.Ltmp1:
0x7e: {  	[sflag:s1] =	ssyncset.done $0x0;
	(pc) =	sbr.rel @p0 .LBB2_4-.Ltmp1, $4  }
0x7f: {  	s5 =	sadd.s32 $0x2800, s5;
	[sflag:s1] =	ssyncadd.s32 $0xFFFFE000  }
0x80: {  	[spmem:s12] =	stream.indirect.scatter.add.f32 [tilespmem:s30], [sflag:$0x3], $0x80, s5, s29, $0xb8;
	[tilespmem:$0x1F780] =	vst v63  }
0x81: {  	_ =	swait.ge [sflag:s31], $0x2000  }
0x82: {  	[sflag:s31] =	ssyncset.done $0x0  }
0x83: {  	[sflag:s31] =	ssyncadd.s32 $0xFFFFE000;
	s3 =	simm.s32 $0x2740  }
0x84: {  	[tilespmem:s30], [sflag:$0x2] =	stream.indirect.gather [hbm4b:s14+s29], $0x80, s3, s29, $0xb8;
	[tilespmem:$0x1F780] =	vst v63  }
0x85: {  	_ =	swait.ge [sflag:s10], $0x2000  }
0x86: {  	[sflag:s10] =	ssyncset.done $0x0  }
0x87: {  	s5 =	simm.s32 $0x7580;
	[sflag:s10] =	ssyncadd.s32 $0xFFFFE000  }
0x88: {  	[spmem:s12] =	stream.indirect.scatter.add.f32 [tilespmem:s0], [sflag:$0x3], $0x80, s5, s29, $0xb8;
	[tilespmem:$0x1F780] =	vst v63  }
0x89: {  	_ =	swait.ge [sflag:s31], $0x2000  }
0x8a: {  	[sflag:s31] =	ssyncset.done $0x0  }
0x8b: {  	[sflag:s31] =	ssyncadd.s32 $0xFFFFE000  }
0x8c: {  	_ =	swait.ge [sflag:s1], $0x2000  }
0x8d: {  	[sflag:s1] =	ssyncset.done $0x0  }
0x8e: {  	s6 =	simm.s32 $0x7600;
	[sflag:s1] =	ssyncadd.s32 $0xFFFFE000  }
0x8f: {  	[spmem:s12] =	stream.indirect.scatter.add.f32 [tilespmem:s30], [sflag:$0x3], $0x80, s6, s29, $0xb8;
	[tilespmem:$0x1F780] =	vst v63  }
0x90: {  	_ =	swait.ge [sflag:s31], $0x2000  }
0x91: {  	[sflag:s31] =	ssyncset.done $0x0  }
0x92: {  	s4 =	stileid.u32;
	[sflag:s31] =	ssyncadd.s32 $0xFFFFE000  }
0x93: {  	s3 =	sshll.u32 s4, $0x6;
	[bflag:$0x0] =	sbarrier.arrive $0xFFFF  }
0x94: {  	s4 =	sshrl.u32 s17, $0x3;
	s3 =	sor.u32 $0x1C03, s3;
	s5 =	rddreg [dreg:$0x3]  }
0x95: {  	[hbm:s5], [sflag:s3] =	dma.local [spmem:s4], $0x400  }
0x96: {  	_ =	swait.ge [sflag:s31], $0x400  }
0x97: {  	[sflag:s31] =	ssyncset.done $0x0  }
0x98: {  	s5 =	sshrl.u32 s18, $0x3;
	s6 =	rddreg [dreg:$0x4];
	[sflag:s31] =	ssyncadd.s32 $0xFFFFFC00  }
0x99: {  	[hbm:s6], [sflag:s3] =	dma.local [spmem:s5], $0x400  }
0x9a: {  	_ =	swait.ge [sflag:s31], $0x400  }
0x9b: {  	[sflag:s31] =	ssyncset.done $0x0  }
0x9c: {  	s5 =	sshrl.u32 s19, $0x3;
	s6 =	rddreg [dreg:$0x5];
	[sflag:s31] =	ssyncadd.s32 $0xFFFFFC00  }
0x9d: {  	[hbm:s6], [sflag:s3] =	dma.local [spmem:s5], $0x400  }
0x9e: {  	_ =	swait.ge [sflag:s31], $0x400  }
0x9f: {  	[sflag:s31] =	ssyncset.done $0x0  }
0xa0: {  	s5 =	sshrl.u32 s20, $0x3;
	s6 =	rddreg [dreg:$0x6];
	[sflag:s31] =	ssyncadd.s32 $0xFFFFFC00  }
0xa1: {  	[hbm:s6], [sflag:s3] =	dma.local [spmem:s5], $0x400  }
0xa2: {  	_ =	swait.ge [sflag:s31], $0x400  }
0xa3: {  	[sflag:s31] =	ssyncset.done $0x0  }
0xa4: {  	s5 =	sshrl.u32 s21, $0x3;
	s6 =	rddreg [dreg:$0x7];
	[sflag:s31] =	ssyncadd.s32 $0xFFFFFC00  }
0xa5: {  	[hbm:s6], [sflag:s3] =	dma.local [spmem:s5], $0x400  }
0xa6: {  	_ =	swait.ge [sflag:s31], $0x400  }
0xa7: {  	[sflag:s31] =	ssyncset.done $0x0  }
0xa8: {  	s6 =	sshrl.u32 s22, $0x3;
	[sflag:s31] =	ssyncadd.s32 $0xFFFFFC00  }
0xa9: {  	[hbm:s7], [sflag:s3] =	dma.local [spmem:s6], $0x400  }
0xaa: {  	_ =	swait.ge [sflag:s31], $0x400  }
0xab: {  	[sflag:s31] =	ssyncset.done $0x0  }
0xac: {  	s5 =	sshrl.u32 s23, $0x3;
	[sflag:s31] =	ssyncadd.s32 $0xFFFFFC00  }
0xad: {  	[hbm:s8], [sflag:s3] =	dma.local [spmem:s5], $0x400  }
0xae: {  	_ =	swait.ge [sflag:s31], $0x400  }
0xaf: {  	[sflag:s31] =	ssyncset.done $0x0  }
0xb0: {  	s6 =	sshrl.u32 s24, $0x3;
	[sflag:s31] =	ssyncadd.s32 $0xFFFFFC00  }
0xb1: {  	[hbm:s9], [sflag:s3] =	dma.local [spmem:s6], $0x400  }
0xb2: {  	_ =	swait.ge [sflag:s31], $0x400  }
0xb3: {  	[sflag:s31] =	ssyncset.done $0x0  }
0xb4: {  	s5 =	sshrl.u32 s25, $0x3;
	[sflag:s31] =	ssyncadd.s32 $0xFFFFFC00  }
0xb5: {  	[hbm:s11], [sflag:s3] =	dma.local [spmem:s5], $0x400  }
0xb6: {  	s2 =	sadd.s32 $0x1, s2;
	_ =	swait.ge [sflag:s31], $0x400  }
0xb7: {  	p0 =	sne.s32 s2, s28;
	[sflag:s31] =	ssyncset.done $0x0  }
.Ltmp2:
0xb8: {  	s6 =	sshrl.u32 s26, $0x3;
	[sflag:s31] =	ssyncadd.s32 $0xFFFFFC00;
	(pc) =	sbr.rel @p0 .LBB2_1-.Ltmp2, $4  }
0xb9: {  	[hbm:s13], [sflag:s3] =	dma.local [spmem:s6], $0x400  }
0xba: {  	_ =	swait.ge [sflag:s31], $0x400  }
0xbb: {  	[sflag:s31] =	ssyncset.done $0x0  }
0xbc: {  	[sflag:s31] =	ssyncadd.s32 $0xFFFFFC00  }
0xbd: {  	_ =	sfence.sel $0x180000  }
0xbe: {  	[bflag:$0x0] =	sbarrier.arrive $0xFFFF  }
0xbf: {  	_ =	strace $0x9000004A  }
0xc0: {  	s0 =	stileid.u32;
	[bflag:$0x2] =	sbarrier.arrive $0xFFFF  }
0xc1: {  	p0 =	sne.s32 s0, $0x0;
	s0 =	rddreg [dreg:$0x2]  }
0xc2: {  	s0 =	sadd.s32 @!p0 $0x100000, s0  }
0xc3: {  	[sflag:s0] =	ssyncadd.tile.s32 @!p0 $0x1;
	_ =	shalt  }
.Lfunc_end2:
_tile_overlayer_lowered:
.L_overlay_start_2:
0xc4: {  	(tag) =	ssettag $0x2  }
0xc5: {  	s0 =	rddreg [dreg:$0x0];
	s2 =	stileid.u32  }
0xc6: {  	s1 =	rddreg [dreg:$0x1];
	p0 =	sne.s32 s2, $0x0  }
0xc7: {  	s3 =	rddreg [dreg:$0x2];
	[bflag:$0x3] =	sbarrier.arrive $0xFFFF;
	s2 =	simm.s32 @!p0 $0x1C03  }
0xc8: {  	[timem:s3], [sflag:s2] =	dma.local @!p0 [hbm:s0], s1  }
0xc9: {  	s0 =	simm.s32 @!p0 $0x3  }
0xca: {  	_ =	swait.ge @!p0 [sflag:s0], s1  }
0xcb: {  	s1 =	ssub.s32 @!p0 $0x0, s1;
	[sflag:s0] =	ssyncset.done @!p0 $0x0  }
0xcc: {  	[sflag:s0] =	ssyncadd.s32 @!p0 s1  }
0xcd: {  	[bflag:$0x3] =	sbarrier.arrive $0xFFFF  }
0xce: {  	_ =	shalt  }

// kernel: kernel.14.cloned.1.call-start
scs
__scs_entry_jumppad:
0x0: {  	(pc) =	sbr.rel $0x88, $3  }
0x1: {  	(tag) =	ssettag $0x0;
	lr =	simm.s32 $0x1  }
0x2: {  	[smem:$0x3F96] =	sst lr;
	_ =	strace $0xD0000000  }
0x3: {  	_ = 	snop  }
0x4: {  	_ = 	snop  }
0x5: {  	_ = 	snop  }
0x6: {  	_ = 	snop  }
0x7: {  	_ = 	snop  }
__scs_overlays_trampoline_lowered:
0x8: {  	[smem:$0x3FA5] =	sst s0  }
0x9: {  	[smem:$0x3FA6] =	sst s1  }
0xa: {  	[smem:$0x3FA7] =	sst s2  }
0xb: {  	[smem:$0x3FA8] =	sst s3  }
0xc: {  	[smem:$0x3FA9] =	sst s4  }
0xd: {  	[smem:$0x3FAA] =	sst s5  }
0xe: {  	[smem:$0x3FAB] =	sst s6  }
0xf: {  	[smem:$0x3FAC] =	sst s7  }
0x10: {  	[smem:$0x3FAD] =	sst s8  }
0x11: {  	[smem:$0x3FAE] =	sst s9;
	s0 =	simm.s32 @!p0 $0x0  }
0x12: {  	s1 =	sld [smem:$0x3F94];
	s0 =	simm.s32 @p0 $0x1  }
0x13: {  	[smem:$0x3FAF] =	sst s0;
	s0 =	simm.s32 @!p1 $0x0  }
0x14: {  	s2 =	sld [smem:$0x3F93];
	s0 =	simm.s32 @p1 $0x1  }
0x15: {  	[smem:$0x3FB0] =	sst s0;
	s0 =	simm.s32 @!p2 $0x0  }
0x16: {  	s3 =	sld [smem:$0x3FDB];
	s0 =	simm.s32 @p2 $0x1  }
0x17: {  	s4 =	simm.s32 $0x1BF5;
	[smem:$0x3FB2] =	sst s0  }
0x18: {  	s0 =	sld [smem:$0x3F95];
	_ =	swait.ge [sflag:s4], $0x0  }
0x19: {  	s7 =	sld [smem:$0x3F96]  }
0x1a: {  	s8 =	sadd.s32 $0xFFFFE003, lr  }
0x1b: {  	s9 =	sadd.s32 $0xFFFFFEF7, lr;
	s5 =	simm.s32 $0xFFFFFFFF;
	p2 =	slt.u32 s8, $0xFFFFF086  }
0x1c: {  	p1 =	slt.u32 s9, $0xF7A;
	s5 =	simm.s32 @!p2 $0x0  }
0x1d: {  	s5 =	simm.s32 @p1 $0x1;
	p0 =	seq.s32 s7, s2  }
0x1e: {  	s7 =	smul.u32 @!p0 $0xF7A, s2;
	p2 =	seq.s32 @!p0 s5, $0x0  }
0x1f: {  	s9 =	smul.u32 $0xF7A, s1;
	s8 =	simm.s32 @!p0 $0x1BF5;
	p2 =	por !p2, p0  }
0x20: {  	[sflag:s8] =	ssyncset.s32 @!p0 $0xFFFFF086;
	s6 =	sadd.s32 @!p0 s3, s7;
	s7 =	simm.s32 @!p0 $0x108  }
0x21: {  	s3 =	sadd.s32 s3, s9;
	s6 =	sadd.s32 @!p0 $0x88, s6;
	s7 =	simm.s32 @p2 $0x1082  }
0x22: {  	[simem:s7], [sflag:s8] =	dma.local @!p0 [hbm:s6], $0xF7A  }
0x23: {  	s9 =	sor.u32 $0xD0000000, s2;
	s6 =	simm.s32 $0x108;
	_ =	swait.ge @!p0 [sflag:s8], $0x0  }
0x24: {  	s3 =	sadd.s32 $0x88, s3;
	s6 =	simm.s32 @!p1 $0x1082;
	[sflag:s4] =	ssyncset.s32 $0xFFFFF086  }
0x25: {  	[simem:s6], [sflag:s4] =	dma.local [hbm:s3], $0xF7A  }
0x26: {  	[smem:$0x3F96] =	sst s1;
	(tag) =	ssettag s2;
	_ =	strace s9  }
0x27: {  	s1 =	sld [smem:$0x3FA6]  }
0x28: {  	s2 =	sld [smem:$0x3FA7]  }
0x29: {  	s4 =	sld [smem:$0x3FA9]  }
0x2a: {  	p0 =	seq.s32 s5, $0x0;
	s5 =	sld [smem:$0x3FAA]  }
0x2b: {  	s6 =	sld [smem:$0x3FAB]  }
0x2c: {  	s7 =	sld [smem:$0x3FAC]  }
0x2d: {  	s3 =	simm.s32 $0x108;
	s8 =	sld [smem:$0x3FAD]  }
0x2e: {  	s3 =	simm.s32 @!p0 $0x1082;
	s9 =	sld [smem:$0x3FAE]  }
0x2f: {  	lr =	sadd.s32 s0, s3;
	s0 =	sld [smem:$0x3FA5]  }
0x30: {  	s3 =	sld [smem:$0x3FA8]  }
0x31: {  	[smem:$0x3FB1] =	sst s10  }
0x32: {  	s10 =	sld [smem:$0x3FAF];
	_ =	sdelay $0x3  }
0x33: {  	p0 =	seq.s32 s10, $0x1;
	s10 =	sld [smem:$0x3FB1];
	_ =	sdelay $0x3  }
0x34: {  	[smem:$0x3FB1] =	sst s10  }
0x35: {  	s10 =	sld [smem:$0x3FB0];
	_ =	sdelay $0x3  }
0x36: {  	p1 =	seq.s32 s10, $0x1;
	s10 =	sld [smem:$0x3FB1];
	_ =	sdelay $0x3  }
0x37: {  	[smem:$0x3FB1] =	sst s10  }
0x38: {  	s10 =	sld [smem:$0x3FB2]  }
0x39: {  	_ = 	snop;
	(pc) =	sbr.ind lr, $3  }
0x3a: {  	_ = 	snop  }
0x3b: {  	_ = 	snop  }
0x3c: {  	p2 =	seq.s32 s10, $0x1;
	s10 =	sld [smem:$0x3FB1]  }
0x3d: {  	_ =	shalt  }
0x3e: {  	_ =	shalt  }
0x3f: {  	_ =	shalt  }
0x40: {  	_ =	shalt  }
0x41: {  	_ =	shalt  }
0x42: {  	_ =	shalt  }
0x43: {  	_ =	shalt  }
0x44: {  	_ =	shalt  }
0x45: {  	_ =	shalt  }
0x46: {  	_ =	shalt  }
0x47: {  	_ =	shalt  }
0x48: {  	_ =	shalt  }
0x49: {  	_ =	shalt  }
0x4a: {  	_ =	shalt  }
0x4b: {  	_ =	shalt  }
0x4c: {  	_ =	shalt  }
0x4d: {  	_ =	shalt  }
0x4e: {  	_ =	shalt  }
0x4f: {  	_ =	shalt  }
0x50: {  	_ =	shalt  }
0x51: {  	_ =	shalt  }
0x52: {  	_ =	shalt  }
0x53: {  	_ =	shalt  }
0x54: {  	_ =	shalt  }
0x55: {  	_ =	shalt  }
0x56: {  	_ =	shalt  }
0x57: {  	_ =	shalt  }
0x58: {  	_ =	shalt  }
0x59: {  	_ =	shalt  }
0x5a: {  	_ =	shalt  }
0x5b: {  	_ =	shalt  }
0x5c: {  	_ =	shalt  }
0x5d: {  	_ =	shalt  }
0x5e: {  	_ =	shalt  }
0x5f: {  	_ =	shalt  }
0x60: {  	_ =	shalt  }
0x61: {  	_ =	shalt  }
0x62: {  	_ =	shalt  }
0x63: {  	_ =	shalt  }
0x64: {  	_ =	shalt  }
0x65: {  	_ =	shalt  }
0x66: {  	_ =	shalt  }
0x67: {  	_ =	shalt  }
0x68: {  	_ =	shalt  }
0x69: {  	_ =	shalt  }
0x6a: {  	_ =	shalt  }
0x6b: {  	_ =	shalt  }
0x6c: {  	_ =	shalt  }
0x6d: {  	_ =	shalt  }
0x6e: {  	_ =	shalt  }
0x6f: {  	_ =	shalt  }
0x70: {  	_ =	shalt  }
0x71: {  	_ =	shalt  }
0x72: {  	_ =	shalt  }
0x73: {  	_ =	shalt  }
0x74: {  	_ =	shalt  }
0x75: {  	_ =	shalt  }
0x76: {  	_ =	shalt  }
0x77: {  	_ =	shalt  }
0x78: {  	_ =	shalt  }
0x79: {  	_ =	shalt  }
0x7a: {  	_ =	shalt  }
0x7b: {  	_ =	shalt  }
0x7c: {  	_ =	shalt  }
0x7d: {  	_ =	shalt  }
0x7e: {  	_ =	shalt  }
0x7f: {  	_ =	shalt  }
0x80: {  	_ =	shalt  }
0x81: {  	_ =	shalt  }
0x82: {  	_ =	shalt  }
0x83: {  	_ =	shalt  }
0x84: {  	_ =	shalt  }
0x85: {  	_ =	shalt  }
0x86: {  	_ =	shalt  }
0x87: {  	_ =	shalt  }
.Lfunc_end0:
.L_simem_size_0:
called_computation.2_lowered:
.L_overlay_start_0:
0x88: {  	s2 =	sld [smem:$0x3FD9]  }
0x89: {  	s3 =	sld [smem:$0x3FFE];
	_ =	sdelay $0x1  }
0x8a: {  	s1 =	srdreg.scid  }
0x8b: {  	s0 =	sand.u32 $0x1, s1  }
0x8c: {  	s16 =	sshll.u32 s0, $0xA;
	s2 =	sadd.s32 s3, s2  }
0x8d: {  	s2 =	sadd.s32 s2, s16  }
0x8e: {  	[smem:$0x3FBD] =	sst s2  }
0x8f: {  	_ = 	snop  }
0x90: {  	(tm) =	ssettm $0x1  }
0x91: {  	s17 =	sld [smem:$0x3FFB];
	_ =	sdelay $0x3  }
0x92: {  	_ =	strace s17  }
0x93: {  	s2 =	sld [smem:$0x3FFC];
	_ =	sdelay $0x3  }
0x94: {  	_ =	strace s2  }
0x95: {  	s2 =	sld [smem:$0x3FFD];
	_ =	sdelay $0x3  }
0x96: {  	_ =	strace s2  }
0x97: {  	_ =	strace $0x8FFFFFFF  }
0x98: {  	s18 =	sld [smem:$0x3FDB];
	_ =	sdelay $0x1  }
0x99: {  	s19 =	simm.s32 $_scs_section_size  }
0x9a: {  	s4 =	simm.s32 $_size__tile_overlayer_lowered;
	s5 =	simm.s32 $_tile_overlayer_lowered  }
0x9b: {  	s22 =	simm.s32 $0x1BFF;
	s21 =	sshll.u32 s5, $0x1;
	s2 =	sadd.s32 s19, s18  }
0x9c: {  	s6 =	simm.s32 $0x0;
	s20 =	sshll.u32 s4, $0x1;
	s4 =	sadd.s32 s21, s2  }
0x9d: {  	[timem:s6], [sflag:s22] =	dma.local [hbm:s4], s20  }
0x9e: {  	_ =	swait.ge [sflag:s22], s20  }
0x9f: {  	s3 =	ssub.s32 $0x0, s20;
	[sflag:s22] =	ssyncset.done $0x0  }
0xa0: {  	[sflag:s22] =	ssyncadd.s32 s3;
	_ =	sdelay $0x1  }
0xa1: {  	s23 =	simm.s32 $0x1B8B  }
0xa2: {  	_ =	swait.ge [sflag:s23], $0x1  }
0xa3: {  	[sflag:s23] =	ssyncset.done $0x0  }
0xa4: {  	s25 =	simm.s32 $0x1B8E;
	s24 =	sld [smem:$0x3FFE];
	[sflag:s23] =	ssyncadd.s32 $0xFFFFFFFF  }
0xa5: {  	s26 =	simm.s32 $execute0_lowered;
	[smem:$0x3FD2] =	sst s25  }
0xa6: {  	s4 =	sshll.u32 s26, $0x1;
	_ =	strace $0x8000004C;
	[dreg:$0x1] =	wrdreg $0xFFFFFFFF  }
0xa7: {  	s28 =	simm.s32 $_size_execute0_lowered;
	s2 =	sadd.s32 s2, s4;
	[dreg:$0x0] =	wrdreg $0x0  }
0xa8: {  	s4 =	sshll.u32 s28, $0x1;
	[dreg:$0x2] =	wrdreg s2  }
0xa9: {  	[dreg:$0x3] =	wrdreg s4  }
0xaa: {  	[dreg:$0x4] =	wrdreg $0xC0  }
0xab: {  	_ =	task [dreg:s6], $0x5FFFF  }
0xac: {  	[dreg:$0x1] =	wrdreg $0xFFFFFFFF  }
0xad: {  	[dreg:$0x0] =	wrdreg $0x60  }
0xae: {  	[dreg:$0x2] =	wrdreg s24  }
0xaf: {  	[dreg:$0x3] =	wrdreg $0x78800  }
0xb0: {  	[dreg:$0x4] =	wrdreg $0x9  }
0xb1: {  	_ =	task.clear_ibuf [dreg:s6], $0x5FFFF;
	_ =	strace $0x9000004C  }
0xb2: {  	s29 =	simm.s32 $0x9;
	_ =	strace $0x8000004E  }
0xb3: {  	_ =	swait.ge [sflag:s29], $0x1  }
0xb4: {  	[sflag:s29] =	ssyncadd.s32 $0xFFFFFFFF  }
0xb5: {  	_ =	strace $0x9000004E  }
0xb6: {  	_ =	sfence  }
0xb7: {  	s30 =	sld [smem:$0x0];
	_ =	sdelay $0x2  }
0xb8: {  	s31 =	sshll.u32 s1, $0xD;
	s1 =	sshrl.u32 s1, $0x2  }
0xb9: {  	s3 =	sand.u32 $0x4000, s31;
	s1 =	sadd.s32 s1, s30  }
0xba: {  	s0 =	sor.u32 s3, s0;
	s1 =	sshll.u32 s1, $0x11  }
0xbb: {  	s0 =	sor.u32 s1, s0  }
0xbc: {  	s0 =	sadd.s32 $0x8F2B, s0  }
0xbd: {  	[sflag:s0] =	ssyncadd.remote.s32 $0x1  }
0xbe: {  	_ =	sfence.sel $0xFFFF  }
0xbf: {  	[dreg:$0x0] =	wrdreg $0xFFFFFFFF;
	(pc) =	sbr.abs _section_cstart, $3  }
0xc0: {  	[dreg:$0x1] =	wrdreg $0xFFFFFFFF  }
0xc1: {  	_ =	task.clear_ibuf [dreg:s6], $0x2FFFF;
	_ =	strace $0x9FFFFFFF  }
0xc2: {  	(tm) =	ssettm $0x7FFFFFFF  }
0xc3: {  	_ =	shalt  }
tec
execute0_lowered:
.L_overlay_start_1:
0x0: {  	(tag) =	ssettag $0x1  }
0x1: {  	s0 =	srdreg.scid  }
0x2: {  	s1 =	rddreg [dreg:$0x0];
	s9 =	stileid.u32  }
0x3: {  	s2 =	rddreg [dreg:$0x1];
	s21 =	simm.s32 $0x3;
	s28 =	simm.s32 $0x2  }
0x4: {  	s31 =	simm.s32 $0x7600;
	s19 =	simm.s32 $0x0;
	s23 =	smul.u32 $0x500, s9  }
0x5: {  	s0 =	sand.u32 $0x1, s0;
	s22 =	sshll.u32 s9, $0x7;
	s24 =	smul.u32 $0xA00, s9  }
0x6: {  	s3 =	sshll.u32 s0, $0x4;
	s7 =	sand.u32 $0x380, s22;
	s8 =	sshll.u32 s0, $0x7  }
0x7: {  	s0 =	ssub.s32 $0x2, s0;
	s5 =	sor.u32 s9, s3;
	s3 =	simm.s32 $0x0  }
0x8: {  	s29 =	sshrl.u32 s0, $0x1;
	s30 =	sshrl.u32 s24, $0x2;
	s24 =	simm.s32 $0x40  }
0x9: {  	s4 =	sshrl.u32 s5, $0x3;
	[smem:$0x7FF] =	sst s3;
	s5 =	smul.u32 $0xA00, s5  }
0xa: {  	s0 =	ssub.s32 s0, s29;
	s6 =	smul.u32 $0x13C00, s4;
	_ =	strace $0x8000004D  }
0xb: {  	s4 =	sadd.s32 $0x20000, s1;
	s18 =	smax.u32 s0, $0x1;
	s0 =	simm.s32 $0x10  }
0xc: {  	s25 =	sadd.s32 s5, s1;
	s6 =	sor.u32 s7, s6;
	s7 =	sor.u32 s8, s23  }
0xd: {  	s23 =	simm.s32 $0x7780;
	s6 =	sshrl.u32 s6, $0x3;
	s26 =	sshrl.u32 s7, $0x3  }
0xe: {  	s7 =	sadd.s32 $0x2200, s25;
	s25 =	simm.s32 $0x7800;
	s6 =	sadd.s32 s6, s1  }
0xf: {  	s1 =	sadd.s32 s26, s1;
	s26 =	simm.s32 $0x1;
	s5 =	sadd.s32 $0x16200, s6  }
0x10: {  	s6 =	sadd.s32 s30, s2;
	s17 =	sadd.s32 $0x20600, s1;
	s1 =	simm.s32 $0x20  }
0x11: {  	s8 =	sadd.s32 $0x40, s6;
	s9 =	sadd.s32 $0x80, s6;
	s10 =	sadd.s32 $0xC0, s6  }
0x12: {  	s11 =	sadd.s32 $0x100, s6;
	s12 =	sadd.s32 $0x140, s6;
	s13 =	sadd.s32 $0x180, s6  }
0x13: {  	v0 =	vimm.f32 $0.0e+00;
	s14 =	sadd.s32 $0x1C0, s6;
	s15 =	sadd.s32 $0x200, s6;
	s16 =	sadd.s32 $0x240, s6  }
.LBB2_1:
0x14: {  	s20 =	simm.s32 $0x80;
	s22 =	simm.s32 $0x400  }
0x15: {  	[tilespmem:s3], [sflag:$0x3] =	stream.strided.gather [hbm4b:s5+s20], $0x2780, s22, s20, $0x38;
	[tilespmem:$0x7B00] =	vst v63  }
0x16: {  	_ =	swait.ge [sflag:s21], $0x2780  }
0x17: {  	[sflag:s21] =	ssyncset.done $0x0  }
0x18: {  	s30 =	simm.s32 $0x2780;
	[sflag:s21] =	ssyncadd.s32 $0xFFFFD880  }
0x19: {  	[tilespmem:s30], [sflag:$0x3] =	stream.linear.gather [hbm4b:s7+s3], $0x4F00, $0x38;
	[tilespmem:$0x7B00] =	vst v63  }
0x1a: {  	_ =	swait.ge [sflag:s21], $0x4F00  }
0x1b: {  	[sflag:s21] =	ssyncset.done $0x0  }
0x1c: {  	[sflag:s21] =	ssyncadd.s32 $0xFFFFB100  }
0x1d: {  	[tilespmem:$0x7780] =	vst v0  }
0x1e: {  	[tilespmem:$0x7790] =	vst v0  }
0x1f: {  	[tilespmem:$0x77A0] =	vst v0  }
0x20: {  	[tilespmem:$0x77B0] =	vst v0  }
0x21: {  	[spmem:s6] =	stream.linear.scatter [tilespmem:s23], [sflag:$0x3], $0x40, $0x38;
	[tilespmem:$0x7B00] =	vst v63  }
0x22: {  	_ =	swait.ge [sflag:s21], $0x40  }
0x23: {  	[sflag:s21] =	ssyncset.done $0x0  }
0x24: {  	[sflag:s21] =	ssyncadd.s32 $0xFFFFFFC0  }
0x25: {  	[spmem:s8] =	stream.linear.scatter [tilespmem:s23], [sflag:$0x3], $0x40, $0x38;
	[tilespmem:$0x7B00] =	vst v63  }
0x26: {  	_ =	swait.ge [sflag:s21], $0x40  }
0x27: {  	[sflag:s21] =	ssyncset.done $0x0  }
0x28: {  	[sflag:s21] =	ssyncadd.s32 $0xFFFFFFC0  }
0x29: {  	[spmem:s9] =	stream.linear.scatter [tilespmem:s23], [sflag:$0x3], $0x40, $0x38;
	[tilespmem:$0x7B00] =	vst v63  }
0x2a: {  	_ =	swait.ge [sflag:s21], $0x40  }
0x2b: {  	[sflag:s21] =	ssyncset.done $0x0  }
0x2c: {  	[sflag:s21] =	ssyncadd.s32 $0xFFFFFFC0  }
0x2d: {  	[spmem:s10] =	stream.linear.scatter [tilespmem:s23], [sflag:$0x3], $0x40, $0x38;
	[tilespmem:$0x7B00] =	vst v63  }
0x2e: {  	_ =	swait.ge [sflag:s21], $0x40  }
0x2f: {  	[sflag:s21] =	ssyncset.done $0x0  }
0x30: {  	[sflag:s21] =	ssyncadd.s32 $0xFFFFFFC0  }
0x31: {  	[spmem:s11] =	stream.linear.scatter [tilespmem:s23], [sflag:$0x3], $0x40, $0x38;
	[tilespmem:$0x7B00] =	vst v63  }
0x32: {  	_ =	swait.ge [sflag:s21], $0x40  }
0x33: {  	[sflag:s21] =	ssyncset.done $0x0  }
0x34: {  	[sflag:s21] =	ssyncadd.s32 $0xFFFFFFC0  }
0x35: {  	[spmem:s12] =	stream.linear.scatter [tilespmem:s23], [sflag:$0x3], $0x40, $0x38;
	[tilespmem:$0x7B00] =	vst v63  }
0x36: {  	_ =	swait.ge [sflag:s21], $0x40  }
0x37: {  	[sflag:s21] =	ssyncset.done $0x0  }
0x38: {  	[sflag:s21] =	ssyncadd.s32 $0xFFFFFFC0  }
0x39: {  	[spmem:s13] =	stream.linear.scatter [tilespmem:s23], [sflag:$0x3], $0x40, $0x38;
	[tilespmem:$0x7B00] =	vst v63  }
0x3a: {  	_ =	swait.ge [sflag:s21], $0x40  }
0x3b: {  	[sflag:s21] =	ssyncset.done $0x0  }
0x3c: {  	[sflag:s21] =	ssyncadd.s32 $0xFFFFFFC0  }
0x3d: {  	[spmem:s14] =	stream.linear.scatter [tilespmem:s23], [sflag:$0x3], $0x40, $0x38;
	[tilespmem:$0x7B00] =	vst v63  }
0x3e: {  	_ =	swait.ge [sflag:s21], $0x40  }
0x3f: {  	[sflag:s21] =	ssyncset.done $0x0  }
0x40: {  	[sflag:s21] =	ssyncadd.s32 $0xFFFFFFC0  }
0x41: {  	[spmem:s15] =	stream.linear.scatter [tilespmem:s23], [sflag:$0x3], $0x40, $0x38;
	[tilespmem:$0x7B00] =	vst v63  }
0x42: {  	_ =	swait.ge [sflag:s21], $0x40  }
0x43: {  	[sflag:s21] =	ssyncset.done $0x0  }
0x44: {  	[sflag:s21] =	ssyncadd.s32 $0xFFFFFFC0  }
0x45: {  	[spmem:s16] =	stream.linear.scatter [tilespmem:s23], [sflag:$0x3], $0x40, $0x38;
	[tilespmem:$0x7B00] =	vst v63  }
0x46: {  	_ =	swait.ge [sflag:s21], $0x40  }
0x47: {  	[sflag:s21] =	ssyncset.done $0x0  }
0x48: {  	[sflag:s21] =	ssyncadd.s32 $0xFFFFFFC0  }
0x49: {  	[bflag:$0x0] =	sbarrier.arrive $0xFFFF  }
0x4a: {  	[tilespmem:s23], [sflag:$0x1] =	stream.indirect.gather [hbm4b:s4+s24], $0x1, s3, s24, $0xb8;
	[tilespmem:$0x7B00] =	vst v63  }
0x4b: {  	_ = 	snop  }
0x4c: {  	[tilespmem:s25], [sflag:$0x2] =	stream.indirect.gather [hbm4b:s4+s24], $0x1, s24, s24, $0xb8;
	[tilespmem:$0x7B00] =	vst v63  }
0x4d: {  	_ =	swait.ge [sflag:s26], $0x40  }
0x4e: {  	[sflag:s26] =	ssyncset.done $0x0  }
0x4f: {  	s22 =	simm.s32 $0x2780;
	[sflag:s26] =	ssyncadd.s32 $0xFFFFFFC0  }
0x50: {  	[spmem:s2] =	stream.indirect.scatter.add.f32 [tilespmem:s23], [sflag:$0x3], $0x1, s22, s24, $0xb8;
	[tilespmem:$0x7B00] =	vst v63  }
0x51: {  	_ =	swait.ge [sflag:s21], $0x40  }
0x52: {  	[sflag:s21] =	ssyncset.done $0x0  }
0x53: {  	s29 =	simm.s32 $0x80;
	[sflag:s21] =	ssyncadd.s32 $0xFFFFFFC0  }
0x54: {  	[tilespmem:s23], [sflag:$0x1] =	stream.indirect.gather [hbm4b:s4+s24], $0x1, s29, s24, $0xb8;
	[tilespmem:$0x7B00] =	vst v63  }
0x55: {  	_ =	swait.ge [sflag:s28], $0x40  }
0x56: {  	[sflag:s28] =	ssyncset.done $0x0  }
0x57: {  	s30 =	simm.s32 $0x2800;
	[sflag:s28] =	ssyncadd.s32 $0xFFFFFFC0  }
0x58: {  	[spmem:s2] =	stream.indirect.scatter.add.f32 [tilespmem:s25], [sflag:$0x3], $0x1, s30, s24, $0xb8;
	[tilespmem:$0x7B00] =	vst v63  }
0x59: {  	_ =	swait.ge [sflag:s21], $0x40  }
0x5a: {  	s20 =	simm.s32 $0x400;
	s22 =	simm.s32 $0x40;
	[sflag:s21] =	ssyncset.done $0x0  }
.LBB2_2:
0x5b: {  	p0 =	sne.s32 s20, $0x13400;
	[sflag:s21] =	ssyncadd.s32 $0xFFFFFFC0;
	s22 =	sadd.s32 $0x80, s22  }
0x5c: {  	[tilespmem:s25], [sflag:$0x2] =	stream.indirect.gather [hbm4b:s4+s24], $0x1, s22, s24, $0xb8;
	[tilespmem:$0x7B00] =	vst v63  }
0x5d: {  	s29 =	smov.u32 s20;
	s20 =	sadd.s32 $0x400, s20;
	_ =	swait.ge [sflag:s26], $0x40  }
0x5e: {  	s29 =	sshra.s32 s29, $0x2;
	[sflag:s26] =	ssyncset.done $0x0  }
0x5f: {  	s30 =	sadd.s32 $0x2780, s29;
	[sflag:s26] =	ssyncadd.s32 $0xFFFFFFC0  }
0x60: {  	[spmem:s2] =	stream.indirect.scatter.add.f32 [tilespmem:s23], [sflag:$0x3], $0x1, s30, s24, $0xb8;
	[tilespmem:$0x7B00] =	vst v63  }
0x61: {  	_ =	swait.ge [sflag:s21], $0x40  }
0x62: {  	[sflag:s21] =	ssyncset.done $0x0  }
0x63: {  	s30 =	sadd.s32 $0x40, s22;
	[sflag:s21] =	ssyncadd.s32 $0xFFFFFFC0  }
0x64: {  	[tilespmem:s23], [sflag:$0x1] =	stream.indirect.gather [hbm4b:s4+s24], $0x1, s30, s24, $0xb8;
	[tilespmem:$0x7B00] =	vst v63  }
0x65: {  	_ =	swait.ge [sflag:s28], $0x40  }
.Ltmp0:
0x66: {  	[sflag:s28] =	ssyncset.done $0x0;
	(pc) =	sbr.rel @p0 .LBB2_2-.Ltmp0, $4  }
0x67: {  	s29 =	sadd.s32 $0x2800, s29;
	[sflag:s28] =	ssyncadd.s32 $0xFFFFFFC0  }
0x68: {  	[spmem:s2] =	stream.indirect.scatter.add.f32 [tilespmem:s25], [sflag:$0x3], $0x1, s29, s24, $0xb8;
	[tilespmem:$0x7B00] =	vst v63  }
0x69: {  	_ =	swait.ge [sflag:s21], $0x40  }
0x6a: {  	[sflag:s21] =	ssyncset.done $0x0  }
0x6b: {  	[sflag:s21] =	ssyncadd.s32 $0xFFFFFFC0;
	s20 =	simm.s32 $0x2740  }
0x6c: {  	[tilespmem:s25], [sflag:$0x2] =	stream.indirect.gather [hbm4b:s4+s24], $0x1, s20, s24, $0xb8;
	[tilespmem:$0x7B00] =	vst v63  }
0x6d: {  	_ =	swait.ge [sflag:s26], $0x40  }
0x6e: {  	[sflag:s26] =	ssyncset.done $0x0  }
0x6f: {  	s29 =	simm.s32 $0x7580;
	[sflag:s26] =	ssyncadd.s32 $0xFFFFFFC0  }
0x70: {  	[spmem:s2] =	stream.indirect.scatter.add.f32 [tilespmem:s23], [sflag:$0x3], $0x1, s29, s24, $0xb8;
	[tilespmem:$0x7B00] =	vst v63  }
0x71: {  	_ =	swait.ge [sflag:s21], $0x40  }
0x72: {  	[sflag:s21] =	ssyncset.done $0x0  }
0x73: {  	[sflag:s21] =	ssyncadd.s32 $0xFFFFFFC0  }
0x74: {  	_ =	swait.ge [sflag:s28], $0x40  }
0x75: {  	[sflag:s28] =	ssyncset.done $0x0  }
0x76: {  	[sflag:s28] =	ssyncadd.s32 $0xFFFFFFC0  }
0x77: {  	[spmem:s2] =	stream.indirect.scatter.add.f32 [tilespmem:s25], [sflag:$0x3], $0x1, s31, s24, $0xb8;
	[tilespmem:$0x7B00] =	vst v63  }
0x78: {  	s30 =	stileid.u32;
	_ =	swait.ge [sflag:s21], $0x40  }
0x79: {  	s22 =	sshrl.u32 s6, $0x3;
	s19 =	sadd.s32 $0x1, s19;
	[sflag:s21] =	ssyncset.done $0x0  }
0x7a: {  	s20 =	sshll.u32 s30, $0x6;
	p0 =	sne.s32 s19, s18;
	[sflag:s21] =	ssyncadd.s32 $0xFFFFFFC0  }
.Ltmp1:
0x7b: {  	s20 =	sor.u32 $0x1C03, s20;
	[bflag:$0x0] =	sbarrier.arrive $0xFFFF;
	(pc) =	sbr.rel @p0 .LBB2_1-.Ltmp1, $4  }
0x7c: {  	[hbm:s17@s1], [sflag:s20] =	dma.strided [spmem:s22@s0], $0x50, s26, $0x10   }
0x7d: {  	_ =	swait.ge [sflag:s21], $0x50  }
0x7e: {  	[sflag:s21] =	ssyncset.done $0x0  }
0x7f: {  	[sflag:s21] =	ssyncadd.s32 $0xFFFFFFB0  }
0x80: {  	_ =	sfence.sel $0x180000  }
0x81: {  	[bflag:$0x0] =	sbarrier.arrive $0xFFFF  }
0x82: {  	_ =	strace $0x9000004D  }
0x83: {  	s0 =	stileid.u32;
	[bflag:$0x2] =	sbarrier.arrive $0xFFFF  }
0x84: {  	p0 =	sne.s32 s0, $0x0;
	s0 =	rddreg [dreg:$0x2]  }
0x85: {  	s0 =	sadd.s32 @!p0 $0x100000, s0  }
0x86: {  	[sflag:s0] =	ssyncadd.tile.s32 @!p0 $0x1;
	_ =	shalt  }
.Lfunc_end2:
_tile_overlayer_lowered:
.L_overlay_start_2:
0x87: {  	(tag) =	ssettag $0x2  }
0x88: {  	s0 =	rddreg [dreg:$0x0];
	s2 =	stileid.u32  }
0x89: {  	s1 =	rddreg [dreg:$0x1];
	p0 =	sne.s32 s2, $0x0  }
0x8a: {  	s3 =	rddreg [dreg:$0x2];
	[bflag:$0x3] =	sbarrier.arrive $0xFFFF;
	s2 =	simm.s32 @!p0 $0x1C03  }
0x8b: {  	[timem:s3], [sflag:s2] =	dma.local @!p0 [hbm:s0], s1  }
0x8c: {  	s0 =	simm.s32 @!p0 $0x3  }
0x8d: {  	_ =	swait.ge @!p0 [sflag:s0], s1  }
0x8e: {  	s1 =	ssub.s32 @!p0 $0x0, s1;
	[sflag:s0] =	ssyncset.done @!p0 $0x0  }
0x8f: {  	[sflag:s0] =	ssyncadd.s32 @!p0 s1  }
0x90: {  	[bflag:$0x3] =	sbarrier.arrive $0xFFFF  }
0x91: {  	_ =	shalt  }

// kernel: kernel.8.cloned.1.call-start
scs
__scs_entry_jumppad:
0x0: {  	(pc) =	sbr.rel $0x88, $3  }
0x1: {  	(tag) =	ssettag $0x0;
	lr =	simm.s32 $0x1  }
0x2: {  	[smem:$0x3F96] =	sst lr;
	_ =	strace $0xD0000000  }
0x3: {  	_ = 	snop  }
0x4: {  	_ = 	snop  }
0x5: {  	_ = 	snop  }
0x6: {  	_ = 	snop  }
0x7: {  	_ = 	snop  }
__scs_overlays_trampoline_lowered:
0x8: {  	[smem:$0x3FA5] =	sst s0  }
0x9: {  	[smem:$0x3FA6] =	sst s1  }
0xa: {  	[smem:$0x3FA7] =	sst s2  }
0xb: {  	[smem:$0x3FA8] =	sst s3  }
0xc: {  	[smem:$0x3FA9] =	sst s4  }
0xd: {  	[smem:$0x3FAA] =	sst s5  }
0xe: {  	[smem:$0x3FAB] =	sst s6  }
0xf: {  	[smem:$0x3FAC] =	sst s7  }
0x10: {  	[smem:$0x3FAD] =	sst s8  }
0x11: {  	[smem:$0x3FAE] =	sst s9;
	s0 =	simm.s32 @!p0 $0x0  }
0x12: {  	s1 =	sld [smem:$0x3F94];
	s0 =	simm.s32 @p0 $0x1  }
0x13: {  	[smem:$0x3FAF] =	sst s0;
	s0 =	simm.s32 @!p1 $0x0  }
0x14: {  	s2 =	sld [smem:$0x3F93];
	s0 =	simm.s32 @p1 $0x1  }
0x15: {  	[smem:$0x3FB0] =	sst s0;
	s0 =	simm.s32 @!p2 $0x0  }
0x16: {  	s3 =	sld [smem:$0x3FDB];
	s0 =	simm.s32 @p2 $0x1  }
0x17: {  	s4 =	simm.s32 $0x1BF5;
	[smem:$0x3FB2] =	sst s0  }
0x18: {  	s0 =	sld [smem:$0x3F95];
	_ =	swait.ge [sflag:s4], $0x0  }
0x19: {  	s7 =	sld [smem:$0x3F96]  }
0x1a: {  	s8 =	sadd.s32 $0xFFFFE003, lr  }
0x1b: {  	s9 =	sadd.s32 $0xFFFFFEF7, lr;
	s5 =	simm.s32 $0xFFFFFFFF;
	p2 =	slt.u32 s8, $0xFFFFF086  }
0x1c: {  	p1 =	slt.u32 s9, $0xF7A;
	s5 =	simm.s32 @!p2 $0x0  }
0x1d: {  	s5 =	simm.s32 @p1 $0x1;
	p0 =	seq.s32 s7, s2  }
0x1e: {  	s7 =	smul.u32 @!p0 $0xF7A, s2;
	p2 =	seq.s32 @!p0 s5, $0x0  }
0x1f: {  	s9 =	smul.u32 $0xF7A, s1;
	s8 =	simm.s32 @!p0 $0x1BF5;
	p2 =	por !p2, p0  }
0x20: {  	[sflag:s8] =	ssyncset.s32 @!p0 $0xFFFFF086;
	s6 =	sadd.s32 @!p0 s3, s7;
	s7 =	simm.s32 @!p0 $0x108  }
0x21: {  	s3 =	sadd.s32 s3, s9;
	s6 =	sadd.s32 @!p0 $0x88, s6;
	s7 =	simm.s32 @p2 $0x1082  }
0x22: {  	[simem:s7], [sflag:s8] =	dma.local @!p0 [hbm:s6], $0xF7A  }
0x23: {  	s9 =	sor.u32 $0xD0000000, s2;
	s6 =	simm.s32 $0x108;
	_ =	swait.ge @!p0 [sflag:s8], $0x0  }
0x24: {  	s3 =	sadd.s32 $0x88, s3;
	s6 =	simm.s32 @!p1 $0x1082;
	[sflag:s4] =	ssyncset.s32 $0xFFFFF086  }
0x25: {  	[simem:s6], [sflag:s4] =	dma.local [hbm:s3], $0xF7A  }
0x26: {  	[smem:$0x3F96] =	sst s1;
	(tag) =	ssettag s2;
	_ =	strace s9  }
0x27: {  	s1 =	sld [smem:$0x3FA6]  }
0x28: {  	s2 =	sld [smem:$0x3FA7]  }
0x29: {  	s4 =	sld [smem:$0x3FA9]  }
0x2a: {  	p0 =	seq.s32 s5, $0x0;
	s5 =	sld [smem:$0x3FAA]  }
0x2b: {  	s6 =	sld [smem:$0x3FAB]  }
0x2c: {  	s7 =	sld [smem:$0x3FAC]  }
0x2d: {  	s3 =	simm.s32 $0x108;
	s8 =	sld [smem:$0x3FAD]  }
0x2e: {  	s3 =	simm.s32 @!p0 $0x1082;
	s9 =	sld [smem:$0x3FAE]  }
0x2f: {  	lr =	sadd.s32 s0, s3;
	s0 =	sld [smem:$0x3FA5]  }
0x30: {  	s3 =	sld [smem:$0x3FA8]  }
0x31: {  	[smem:$0x3FB1] =	sst s10  }
0x32: {  	s10 =	sld [smem:$0x3FAF];
	_ =	sdelay $0x3  }
0x33: {  	p0 =	seq.s32 s10, $0x1;
	s10 =	sld [smem:$0x3FB1];
	_ =	sdelay $0x3  }
0x34: {  	[smem:$0x3FB1] =	sst s10  }
0x35: {  	s10 =	sld [smem:$0x3FB0];
	_ =	sdelay $0x3  }
0x36: {  	p1 =	seq.s32 s10, $0x1;
	s10 =	sld [smem:$0x3FB1];
	_ =	sdelay $0x3  }
0x37: {  	[smem:$0x3FB1] =	sst s10  }
0x38: {  	s10 =	sld [smem:$0x3FB2]  }
0x39: {  	_ = 	snop;
	(pc) =	sbr.ind lr, $3  }
0x3a: {  	_ = 	snop  }
0x3b: {  	_ = 	snop  }
0x3c: {  	p2 =	seq.s32 s10, $0x1;
	s10 =	sld [smem:$0x3FB1]  }
0x3d: {  	_ =	shalt  }
0x3e: {  	_ =	shalt  }
0x3f: {  	_ =	shalt  }
0x40: {  	_ =	shalt  }
0x41: {  	_ =	shalt  }
0x42: {  	_ =	shalt  }
0x43: {  	_ =	shalt  }
0x44: {  	_ =	shalt  }
0x45: {  	_ =	shalt  }
0x46: {  	_ =	shalt  }
0x47: {  	_ =	shalt  }
0x48: {  	_ =	shalt  }
0x49: {  	_ =	shalt  }
0x4a: {  	_ =	shalt  }
0x4b: {  	_ =	shalt  }
0x4c: {  	_ =	shalt  }
0x4d: {  	_ =	shalt  }
0x4e: {  	_ =	shalt  }
0x4f: {  	_ =	shalt  }
0x50: {  	_ =	shalt  }
0x51: {  	_ =	shalt  }
0x52: {  	_ =	shalt  }
0x53: {  	_ =	shalt  }
0x54: {  	_ =	shalt  }
0x55: {  	_ =	shalt  }
0x56: {  	_ =	shalt  }
0x57: {  	_ =	shalt  }
0x58: {  	_ =	shalt  }
0x59: {  	_ =	shalt  }
0x5a: {  	_ =	shalt  }
0x5b: {  	_ =	shalt  }
0x5c: {  	_ =	shalt  }
0x5d: {  	_ =	shalt  }
0x5e: {  	_ =	shalt  }
0x5f: {  	_ =	shalt  }
0x60: {  	_ =	shalt  }
0x61: {  	_ =	shalt  }
0x62: {  	_ =	shalt  }
0x63: {  	_ =	shalt  }
0x64: {  	_ =	shalt  }
0x65: {  	_ =	shalt  }
0x66: {  	_ =	shalt  }
0x67: {  	_ =	shalt  }
0x68: {  	_ =	shalt  }
0x69: {  	_ =	shalt  }
0x6a: {  	_ =	shalt  }
0x6b: {  	_ =	shalt  }
0x6c: {  	_ =	shalt  }
0x6d: {  	_ =	shalt  }
0x6e: {  	_ =	shalt  }
0x6f: {  	_ =	shalt  }
0x70: {  	_ =	shalt  }
0x71: {  	_ =	shalt  }
0x72: {  	_ =	shalt  }
0x73: {  	_ =	shalt  }
0x74: {  	_ =	shalt  }
0x75: {  	_ =	shalt  }
0x76: {  	_ =	shalt  }
0x77: {  	_ =	shalt  }
0x78: {  	_ =	shalt  }
0x79: {  	_ =	shalt  }
0x7a: {  	_ =	shalt  }
0x7b: {  	_ =	shalt  }
0x7c: {  	_ =	shalt  }
0x7d: {  	_ =	shalt  }
0x7e: {  	_ =	shalt  }
0x7f: {  	_ =	shalt  }
0x80: {  	_ =	shalt  }
0x81: {  	_ =	shalt  }
0x82: {  	_ =	shalt  }
0x83: {  	_ =	shalt  }
0x84: {  	_ =	shalt  }
0x85: {  	_ =	shalt  }
0x86: {  	_ =	shalt  }
0x87: {  	_ =	shalt  }
.Lfunc_end0:
.L_simem_size_0:
called_computation_lowered:
.L_overlay_start_0:
0x88: {  	s2 =	sld [smem:$0x3FD9]  }
0x89: {  	s3 =	sld [smem:$0x3FFE];
	_ =	sdelay $0x1  }
0x8a: {  	s1 =	srdreg.scid  }
0x8b: {  	s0 =	sand.u32 $0x1, s1  }
0x8c: {  	s17 =	sshll.u32 s0, $0xA;
	s2 =	sadd.s32 s3, s2  }
0x8d: {  	s2 =	sadd.s32 s2, s17  }
0x8e: {  	[smem:$0x3FBD] =	sst s2  }
0x8f: {  	_ = 	snop  }
0x90: {  	s2 =	sld [smem:$0x3FC9];
	(tm) =	ssettm $0x1  }
0x91: {  	s18 =	sld [smem:$0x3FFB];
	_ =	sdelay $0x3  }
0x92: {  	_ =	strace s18  }
0x93: {  	s3 =	sld [smem:$0x3FFC];
	_ =	sdelay $0x3  }
0x94: {  	_ =	strace s3  }
0x95: {  	s3 =	sld [smem:$0x3FFD];
	_ =	sdelay $0x3  }
0x96: {  	_ =	strace s3  }
0x97: {  	_ =	strace $0x8FFFFFFF  }
0x98: {  	s19 =	sld [smem:$0x3FDB];
	_ =	sdelay $0x1  }
0x99: {  	s4 =	simm.s32 $_scs_section_size  }
0x9a: {  	s5 =	simm.s32 $_size__tile_overlayer_lowered;
	s6 =	simm.s32 $_tile_overlayer_lowered  }
0x9b: {  	s22 =	simm.s32 $0x1BFF;
	s21 =	sshll.u32 s6, $0x1;
	s3 =	sadd.s32 s4, s19  }
0x9c: {  	s7 =	simm.s32 $0x0;
	s20 =	sshll.u32 s5, $0x1;
	s5 =	sadd.s32 s21, s3  }
0x9d: {  	[timem:s7], [sflag:s22] =	dma.local [hbm:s5], s20  }
0x9e: {  	_ =	swait.ge [sflag:s22], s20  }
0x9f: {  	s4 =	ssub.s32 $0x0, s20;
	[sflag:s22] =	ssyncset.done $0x0  }
0xa0: {  	[sflag:s22] =	ssyncadd.s32 s4;
	_ =	sdelay $0x1  }
0xa1: {  	s23 =	simm.s32 $0x1B8B  }
0xa2: {  	_ =	swait.ge [sflag:s23], $0x1  }
0xa3: {  	[sflag:s23] =	ssyncset.done $0x0  }
0xa4: {  	s25 =	simm.s32 $0x1B8E;
	s24 =	sld [smem:$0x3FFE];
	[sflag:s23] =	ssyncadd.s32 $0xFFFFFFFF  }
0xa5: {  	s26 =	simm.s32 $execute0_lowered;
	[smem:$0x3FD2] =	sst s25  }
0xa6: {  	s5 =	sshll.u32 s26, $0x1;
	_ =	strace $0x80000046;
	[dreg:$0x1] =	wrdreg $0xFFFFFFFF  }
0xa7: {  	s28 =	simm.s32 $_size_execute0_lowered;
	s3 =	sadd.s32 s3, s5;
	[dreg:$0x0] =	wrdreg $0x0  }
0xa8: {  	s5 =	sshll.u32 s28, $0x1;
	[dreg:$0x2] =	wrdreg s3  }
0xa9: {  	[dreg:$0x3] =	wrdreg s5  }
0xaa: {  	[dreg:$0x4] =	wrdreg $0xC0  }
0xab: {  	_ =	task [dreg:s7], $0x5FFFF  }
0xac: {  	[dreg:$0x1] =	wrdreg $0xFFFFFFFF  }
0xad: {  	[dreg:$0x0] =	wrdreg $0x60  }
0xae: {  	[dreg:$0x2] =	wrdreg s2  }
0xaf: {  	[dreg:$0x3] =	wrdreg s24  }
0xb0: {  	[dreg:$0x4] =	wrdreg $0xB7800  }
0xb1: {  	[dreg:$0x5] =	wrdreg $0x1F8800  }
0xb2: {  	[dreg:$0x6] =	wrdreg $0x9  }
0xb3: {  	_ =	task.clear_ibuf [dreg:s7], $0x7FFFF;
	_ =	strace $0x90000046  }
0xb4: {  	s29 =	simm.s32 $0x9;
	_ =	strace $0x80000048  }
0xb5: {  	_ =	swait.ge [sflag:s29], $0x1  }
0xb6: {  	[sflag:s29] =	ssyncadd.s32 $0xFFFFFFFF  }
0xb7: {  	_ =	strace $0x90000048  }
0xb8: {  	_ =	sfence  }
0xb9: {  	s30 =	sld [smem:$0x0];
	_ =	sdelay $0x2  }
0xba: {  	s31 =	sshll.u32 s1, $0xD;
	s1 =	sshrl.u32 s1, $0x2  }
0xbb: {  	s3 =	sand.u32 $0x4000, s31;
	s1 =	sadd.s32 s1, s30  }
0xbc: {  	s0 =	sor.u32 s3, s0;
	s1 =	sshll.u32 s1, $0x11  }
0xbd: {  	s0 =	sor.u32 s1, s0  }
0xbe: {  	s0 =	sadd.s32 $0x8F2B, s0  }
0xbf: {  	[sflag:s0] =	ssyncadd.remote.s32 $0x1  }
0xc0: {  	_ =	sfence.sel $0xFFFF  }
0xc1: {  	[dreg:$0x0] =	wrdreg $0xFFFFFFFF;
	(pc) =	sbr.abs _section_cstart, $3  }
0xc2: {  	[dreg:$0x1] =	wrdreg $0xFFFFFFFF  }
0xc3: {  	_ =	task.clear_ibuf [dreg:s7], $0x2FFFF;
	_ =	strace $0x9FFFFFFF  }
0xc4: {  	(tm) =	ssettm $0x7FFFFFFF  }
0xc5: {  	_ =	shalt  }
tec
execute0_lowered:
.L_overlay_start_1:
0x0: {  	(tag) =	ssettag $0x1  }
0x1: {  	s0 =	srdreg.scid  }
0x2: {  	s21 =	stileid.u32;
	s3 =	rddreg [dreg:$0x1]  }
0x3: {  	s4 =	simm.s32 $0x0;
	s5 =	sand.u32 $0x1, s0;
	s2 =	sshll.u32 s21, $0x7  }
0x4: {  	s17 =	smul.u32 $0x500, s21;
	[smem:$0x7FF] =	sst s4;
	s12 =	sadd.s32 $0x20A00, s3  }
0x5: {  	s10 =	smul.u32 $0x14000, s21;
	s0 =	sshll.u32 s5, $0x4;
	s2 =	sand.u32 $0x380, s2  }
0x6: {  	s18 =	sshll.u32 s5, $0x7;
	s13 =	smul.u32 $0x140000, s5;
	s0 =	sor.u32 s21, s0  }
0x7: {  	s22 =	ssub.s32 $0x2, s5;
	s1 =	sshrl.u32 s0, $0x3;
	s0 =	smul.u32 $0xA00, s0  }
0x8: {  	s20 =	sor.u32 s18, s17;
	s10 =	sadd.s32 s10, s13;
	s1 =	smul.u32 $0x13C00, s1  }
0x9: {  	s23 =	sshrl.u32 s22, $0x1;
	s10 =	sshrl.u32 s10, $0x3;
	s8 =	sadd.s32 s0, s3  }
0xa: {  	s0 =	sshrl.u32 s20, $0x3;
	s24 =	sadd.s32 s12, s10;
	s1 =	sor.u32 s2, s1  }
0xb: {  	s2 =	smul.u32 $0x280, s21;
	s0 =	sadd.s32 s0, s3;
	[dreg:$0x5] =	wrdreg s24  }
0xc: {  	s21 =	smul.u32 $0x50000, s21;
	s8 =	sadd.s32 $0x2200, s8;
	s1 =	sshrl.u32 s1, $0x3  }
0xd: {  	[dreg:$0x1a] =	wrdreg s0;
	s19 =	sadd.s32 s1, s3;
	s1 =	ssub.s32 s22, s23  }
0xe: {  	s3 =	sor.u32 $0x40, s2;
	s4 =	sadd.s32 $0x80, s2;
	s5 =	sadd.s32 $0xC0, s2  }
0xf: {  	s6 =	sadd.s32 $0x100, s2;
	s9 =	sadd.s32 $0x140, s2;
	s30 =	sadd.s32 $0x180, s2  }
0x10: {  	s31 =	sadd.s32 $0x1C0, s2;
	s14 =	sshll.u32 s3, $0x7;
	s15 =	sshll.u32 s4, $0x7  }
0x11: {  	s16 =	sshll.u32 s5, $0x7;
	s17 =	sshll.u32 s6, $0x7;
	s23 =	sshll.u32 s9, $0x7  }
0x12: {  	s24 =	sshll.u32 s30, $0x7;
	s11 =	sadd.s32 s13, s14;
	s26 =	sadd.s32 s13, s15  }
0x13: {  	s0 =	sadd.s32 s13, s16;
	s18 =	sadd.s32 s13, s17;
	s11 =	sshrl.u32 s11, $0x3  }
0x14: {  	s20 =	sadd.s32 s13, s24;
	s10 =	sshrl.u32 s26, $0x3;
	s25 =	sadd.s32 s12, s11  }
0x15: {  	s11 =	sshrl.u32 s0, $0x3;
	s7 =	sadd.s32 s12, s10;
	[dreg:$0x6] =	wrdreg s25  }
0x16: {  	s18 =	sshrl.u32 s18, $0x3;
	[dreg:$0x7] =	wrdreg s7;
	s10 =	sadd.s32 s12, s11  }
0x17: {  	s0 =	sshrl.u32 s20, $0x3;
	s11 =	sadd.s32 s12, s18;
	[dreg:$0x8] =	wrdreg s10  }
0x18: {  	s25 =	sshll.u32 s31, $0x7;
	s18 =	sadd.s32 s13, s23;
	[dreg:$0x9] =	wrdreg s11  }
0x19: {  	s10 =	sshrl.u32 s18, $0x3;
	s18 =	sadd.s32 s12, s0;
	s11 =	rddreg [dreg:$0x2]  }
0x1a: {  	s22 =	sadd.s32 s13, s25;
	s0 =	sadd.s32 $0x200, s2;
	[dreg:$0xb] =	wrdreg s18  }
0x1b: {  	s26 =	sadd.s32 s12, s10;
	s7 =	sshrl.u32 s22, $0x3;
	s10 =	rddreg [dreg:$0x0]  }
0x1c: {  	s23 =	sadd.s32 s23, s11;
	s24 =	sadd.s32 s24, s11;
	s25 =	sadd.s32 s25, s11  }
0x1d: {  	[dreg:$0xa] =	wrdreg s26;
	s20 =	sadd.s32 s12, s7;
	s26 =	sshll.u32 s0, $0x7  }
0x1e: {  	s7 =	sadd.s32 $0x240, s2;
	[dreg:$0xc] =	wrdreg s20;
	s22 =	sadd.s32 s13, s26  }
0x1f: {  	s28 =	sshll.u32 s7, $0x7;
	s26 =	sadd.s32 s26, s11;
	s18 =	sshrl.u32 s22, $0x3  }
0x20: {  	s20 =	sadd.s32 s13, s28;
	s13 =	rddreg [dreg:$0x3];
	s22 =	sshrl.u32 s21, $0x2  }
0x21: {  	s21 =	sadd.s32 s16, s11;
	s20 =	sshrl.u32 s20, $0x3;
	s18 =	sadd.s32 s12, s18  }
0x22: {  	s28 =	sadd.s32 s28, s11;
	[dreg:$0xd] =	wrdreg s18;
	s12 =	sadd.s32 s12, s20  }
0x23: {  	s29 =	sadd.s32 s2, s13;
	s20 =	sadd.s32 $0x16200, s19;
	[dreg:$0xe] =	wrdreg s12  }
0x24: {  	s3 =	sadd.s32 s3, s13;
	_ =	strace $0x80000047;
	[dreg:$0xf] =	wrdreg s20  }
0x25: {  	s4 =	sadd.s32 s4, s13;
	s5 =	sadd.s32 s5, s13;
	[dreg:$0x10] =	wrdreg s8  }
0x26: {  	s0 =	sadd.s32 s0, s13;
	s16 =	sadd.s32 s7, s13;
	[dreg:$0x11] =	wrdreg s3  }
0x27: {  	s7 =	smax.u32 s1, $0x1;
	s1 =	simm.s32 $0x0;
	[dreg:$0x12] =	wrdreg s4  }
0x28: {  	s18 =	sadd.s32 s22, s11;
	s12 =	sadd.s32 s9, s13;
	[dreg:$0x13] =	wrdreg s5  }
0x29: {  	s19 =	sadd.s32 s14, s11;
	s14 =	sadd.s32 s30, s13;
	[dreg:$0x15] =	wrdreg s12  }
0x2a: {  	s22 =	sadd.s32 s17, s11;
	s30 =	simm.s32 $0x1F780;
	[dreg:$0x16] =	wrdreg s14  }
0x2b: {  	s9 =	simm.s32 $0x7780;
	s20 =	sadd.s32 s15, s11;
	[dreg:$0x18] =	wrdreg s0  }
0x2c: {  	s8 =	sadd.s32 s6, s13;
	s15 =	sadd.s32 s31, s13;
	[dreg:$0x19] =	wrdreg s16  }
0x2d: {  	s14 =	simm.s32 $0x1F800;
	s16 =	simm.s32 $0x9780;
	[dreg:$0x14] =	wrdreg s8  }
0x2e: {  	s31 =	simm.s32 $0x2;
	s12 =	simm.s32 $0x7580;
	[dreg:$0x17] =	wrdreg s15  }
0x2f: {  	s0 =	simm.s32 $0x7600;
	s17 =	rddreg [dreg:$0x1a];
	s8 =	simm.s32 $0x3  }
0x30: {  	v0 =	vimm.f32 $0.0e+00;
	v1 =	vimm.f32 $1.000000000e+00;
	s15 =	simm.s32 $0x40;
	s6 =	sadd.s32 $0x20000, s17;
	s17 =	simm.s32 $0x1  }
.LBB2_1:
0x31: {  	s2 =	simm.s32 $0x0  }
0x32: {  	s3 =	rddreg [dreg:$0xf];
	s4 =	simm.s32 $0x80;
	s5 =	simm.s32 $0x400  }
0x33: {  	[tilespmem:s2], [sflag:$0x3] =	stream.strided.gather [hbm4b:s3+s4], $0x2780, s5, s4, $0x38;
	[tilespmem:$0x1FB00] =	vst v63  }
0x34: {  	_ =	swait.ge [sflag:s8], $0x2780  }
0x35: {  	[sflag:s8] =	ssyncset.done $0x0  }
0x36: {  	s5 =	simm.s32 $0x2780;
	s4 =	rddreg [dreg:$0x10];
	[sflag:s8] =	ssyncadd.s32 $0xFFFFD880  }
0x37: {  	[tilespmem:s5], [sflag:$0x3] =	stream.linear.gather [hbm4b:s4+s2], $0x4F00, $0x38;
	[tilespmem:$0x1FB00] =	vst v63  }
0x38: {  	_ =	swait.ge [sflag:s8], $0x4F00  }
0x39: {  	[sflag:s8] =	ssyncset.done $0x0  }
0x3a: {  	s3 =	simm.s32 $0x200;
	s2 =	simm.s32 $0x0;
	[sflag:s8] =	ssyncadd.s32 $0xFFFFB100  }
.LBB2_2:
0x3b: {  	p0 =	sne.s32 s3, $0x7E00;
	[tilespmem:s2+$0x77F0] =	vst v0  }
0x3c: {  	[tilespmem:s2+$0x7780] =	vst v0  }
0x3d: {  	[tilespmem:s2+$0x7790] =	vst v0  }
.Ltmp0:
0x3e: {  	[tilespmem:s2+$0x77A0] =	vst v0;
	(pc) =	sbr.rel @p0 .LBB2_2-.Ltmp0, $4  }
0x3f: {  	[tilespmem:s2+$0x77B0] =	vst v0  }
0x40: {  	[tilespmem:s2+$0x77C0] =	vst v0  }
0x41: {  	[tilespmem:s2+$0x77D0] =	vst v0  }
0x42: {  	[tilespmem:s2+$0x77E0] =	vst v0;
	s2 =	sshra.s32 s3, $0x2;
	s3 =	sadd.s32 $0x200, s3  }
0x43: {  	[tilespmem:s2+$0x77F0] =	vst v0  }
0x44: {  	[tilespmem:s2+$0x7780] =	vst v0  }
0x45: {  	[tilespmem:s2+$0x7790] =	vst v0  }
0x46: {  	[tilespmem:s2+$0x77A0] =	vst v0  }
0x47: {  	[tilespmem:s2+$0x77B0] =	vst v0  }
0x48: {  	[tilespmem:s2+$0x77C0] =	vst v0  }
0x49: {  	[tilespmem:s2+$0x77D0] =	vst v0  }
0x4a: {  	[tilespmem:s2+$0x77E0] =	vst v0  }
0x4b: {  	[tilespmem:$0x1F780] =	vst v1  }
0x4c: {  	[tilespmem:$0x1F790] =	vst v1  }
0x4d: {  	[tilespmem:$0x1F7A0] =	vst v1  }
0x4e: {  	[tilespmem:$0x1F7B0] =	vst v1  }
0x4f: {  	[tilespmem:$0x1F800] =	vst v0  }
0x50: {  	[tilespmem:$0x1F810] =	vst v0  }
0x51: {  	[tilespmem:$0x1F820] =	vst v0  }
0x52: {  	[tilespmem:$0x1F830] =	vst v0  }
0x53: {  	[spmem:s18] =	stream.linear.scatter [tilespmem:s9], [sflag:$0x3], $0x2000, $0x38;
	[tilespmem:$0x1FB00] =	vst v63  }
0x54: {  	_ =	swait.ge [sflag:s8], $0x2000  }
0x55: {  	[sflag:s8] =	ssyncset.done $0x0  }
0x56: {  	[sflag:s8] =	ssyncadd.s32 $0xFFFFE000  }
0x57: {  	[spmem:s19] =	stream.linear.scatter [tilespmem:s9], [sflag:$0x3], $0x2000, $0x38;
	[tilespmem:$0x1FB00] =	vst v63  }
0x58: {  	_ =	swait.ge [sflag:s8], $0x2000  }
0x59: {  	[sflag:s8] =	ssyncset.done $0x0  }
0x5a: {  	[sflag:s8] =	ssyncadd.s32 $0xFFFFE000  }
0x5b: {  	[spmem:s20] =	stream.linear.scatter [tilespmem:s9], [sflag:$0x3], $0x2000, $0x38;
	[tilespmem:$0x1FB00] =	vst v63  }
0x5c: {  	_ =	swait.ge [sflag:s8], $0x2000  }
0x5d: {  	[sflag:s8] =	ssyncset.done $0x0  }
0x5e: {  	[sflag:s8] =	ssyncadd.s32 $0xFFFFE000  }
0x5f: {  	[spmem:s21] =	stream.linear.scatter [tilespmem:s9], [sflag:$0x3], $0x2000, $0x38;
	[tilespmem:$0x1FB00] =	vst v63  }
0x60: {  	_ =	swait.ge [sflag:s8], $0x2000  }
0x61: {  	[sflag:s8] =	ssyncset.done $0x0  }
0x62: {  	[sflag:s8] =	ssyncadd.s32 $0xFFFFE000  }
0x63: {  	[spmem:s22] =	stream.linear.scatter [tilespmem:s9], [sflag:$0x3], $0x2000, $0x38;
	[tilespmem:$0x1FB00] =	vst v63  }
0x64: {  	_ =	swait.ge [sflag:s8], $0x2000  }
0x65: {  	[sflag:s8] =	ssyncset.done $0x0  }
0x66: {  	[sflag:s8] =	ssyncadd.s32 $0xFFFFE000  }
0x67: {  	[spmem:s23] =	stream.linear.scatter [tilespmem:s9], [sflag:$0x3], $0x2000, $0x38;
	[tilespmem:$0x1FB00] =	vst v63  }
0x68: {  	_ =	swait.ge [sflag:s8], $0x2000  }
0x69: {  	[sflag:s8] =	ssyncset.done $0x0  }
0x6a: {  	[sflag:s8] =	ssyncadd.s32 $0xFFFFE000  }
0x6b: {  	[spmem:s24] =	stream.linear.scatter [tilespmem:s9], [sflag:$0x3], $0x2000, $0x38;
	[tilespmem:$0x1FB00] =	vst v63  }
0x6c: {  	_ =	swait.ge [sflag:s8], $0x2000  }
0x6d: {  	[sflag:s8] =	ssyncset.done $0x0  }
0x6e: {  	[sflag:s8] =	ssyncadd.s32 $0xFFFFE000  }
0x6f: {  	[spmem:s25] =	stream.linear.scatter [tilespmem:s9], [sflag:$0x3], $0x2000, $0x38;
	[tilespmem:$0x1FB00] =	vst v63  }
0x70: {  	_ =	swait.ge [sflag:s8], $0x2000  }
0x71: {  	[sflag:s8] =	ssyncset.done $0x0  }
0x72: {  	[sflag:s8] =	ssyncadd.s32 $0xFFFFE000  }
0x73: {  	[spmem:s26] =	stream.linear.scatter [tilespmem:s9], [sflag:$0x3], $0x2000, $0x38;
	[tilespmem:$0x1FB00] =	vst v63  }
0x74: {  	_ =	swait.ge [sflag:s8], $0x2000  }
0x75: {  	[sflag:s8] =	ssyncset.done $0x0  }
0x76: {  	[sflag:s8] =	ssyncadd.s32 $0xFFFFE000  }
0x77: {  	[spmem:s28] =	stream.linear.scatter [tilespmem:s9], [sflag:$0x3], $0x2000, $0x38;
	[tilespmem:$0x1FB00] =	vst v63  }
0x78: {  	_ =	swait.ge [sflag:s8], $0x2000  }
0x79: {  	[sflag:s8] =	ssyncset.done $0x0  }
0x7a: {  	[sflag:s8] =	ssyncadd.s32 $0xFFFFE000  }
0x7b: {  	[spmem:s29] =	stream.linear.scatter [tilespmem:s14], [sflag:$0x3], $0x40, $0x38;
	[tilespmem:$0x1FB00] =	vst v63  }
0x7c: {  	_ =	swait.ge [sflag:s8], $0x40  }
0x7d: {  	[sflag:s8] =	ssyncset.done $0x0  }
0x7e: {  	s5 =	rddreg [dreg:$0x11];
	[sflag:s8] =	ssyncadd.s32 $0xFFFFFFC0  }
0x7f: {  	[spmem:s5] =	stream.linear.scatter [tilespmem:s14], [sflag:$0x3], $0x40, $0x38;
	[tilespmem:$0x1FB00] =	vst v63  }
0x80: {  	_ =	swait.ge [sflag:s8], $0x40  }
0x81: {  	[sflag:s8] =	ssyncset.done $0x0  }
0x82: {  	s3 =	rddreg [dreg:$0x12];
	[sflag:s8] =	ssyncadd.s32 $0xFFFFFFC0  }
0x83: {  	[spmem:s3] =	stream.linear.scatter [tilespmem:s14], [sflag:$0x3], $0x40, $0x38;
	[tilespmem:$0x1FB00] =	vst v63  }
0x84: {  	_ =	swait.ge [sflag:s8], $0x40  }
0x85: {  	[sflag:s8] =	ssyncset.done $0x0  }
0x86: {  	s4 =	rddreg [dreg:$0x13];
	[sflag:s8] =	ssyncadd.s32 $0xFFFFFFC0  }
0x87: {  	[spmem:s4] =	stream.linear.scatter [tilespmem:s14], [sflag:$0x3], $0x40, $0x38;
	[tilespmem:$0x1FB00] =	vst v63  }
0x88: {  	_ =	swait.ge [sflag:s8], $0x40  }
0x89: {  	[sflag:s8] =	ssyncset.done $0x0  }
0x8a: {  	s5 =	rddreg [dreg:$0x14];
	[sflag:s8] =	ssyncadd.s32 $0xFFFFFFC0  }
0x8b: {  	[spmem:s5] =	stream.linear.scatter [tilespmem:s14], [sflag:$0x3], $0x40, $0x38;
	[tilespmem:$0x1FB00] =	vst v63  }
0x8c: {  	_ =	swait.ge [sflag:s8], $0x40  }
0x8d: {  	[sflag:s8] =	ssyncset.done $0x0  }
0x8e: {  	s3 =	rddreg [dreg:$0x15];
	[sflag:s8] =	ssyncadd.s32 $0xFFFFFFC0  }
0x8f: {  	[spmem:s3] =	stream.linear.scatter [tilespmem:s14], [sflag:$0x3], $0x40, $0x38;
	[tilespmem:$0x1FB00] =	vst v63  }
0x90: {  	_ =	swait.ge [sflag:s8], $0x40  }
0x91: {  	[sflag:s8] =	ssyncset.done $0x0  }
0x92: {  	s4 =	rddreg [dreg:$0x16];
	[sflag:s8] =	ssyncadd.s32 $0xFFFFFFC0  }
0x93: {  	[spmem:s4] =	stream.linear.scatter [tilespmem:s14], [sflag:$0x3], $0x40, $0x38;
	[tilespmem:$0x1FB00] =	vst v63  }
0x94: {  	_ =	swait.ge [sflag:s8], $0x40  }
0x95: {  	[sflag:s8] =	ssyncset.done $0x0  }
0x96: {  	s5 =	rddreg [dreg:$0x17];
	[sflag:s8] =	ssyncadd.s32 $0xFFFFFFC0  }
0x97: {  	[spmem:s5] =	stream.linear.scatter [tilespmem:s14], [sflag:$0x3], $0x40, $0x38;
	[tilespmem:$0x1FB00] =	vst v63  }
0x98: {  	_ =	swait.ge [sflag:s8], $0x40  }
0x99: {  	[sflag:s8] =	ssyncset.done $0x0  }
0x9a: {  	s3 =	rddreg [dreg:$0x18];
	[sflag:s8] =	ssyncadd.s32 $0xFFFFFFC0  }
0x9b: {  	[spmem:s3] =	stream.linear.scatter [tilespmem:s14], [sflag:$0x3], $0x40, $0x38;
	[tilespmem:$0x1FB00] =	vst v63  }
0x9c: {  	_ =	swait.ge [sflag:s8], $0x40  }
0x9d: {  	[sflag:s8] =	ssyncset.done $0x0  }
0x9e: {  	s4 =	rddreg [dreg:$0x19];
	[sflag:s8] =	ssyncadd.s32 $0xFFFFFFC0  }
0x9f: {  	[spmem:s4] =	stream.linear.scatter [tilespmem:s14], [sflag:$0x3], $0x40, $0x38;
	[tilespmem:$0x1FB00] =	vst v63  }
0xa0: {  	_ =	swait.ge [sflag:s8], $0x40  }
0xa1: {  	[sflag:s8] =	ssyncset.done $0x0  }
0xa2: {  	[sflag:s8] =	ssyncadd.s32 $0xFFFFFFC0  }
0xa3: {  	s2 =	simm.s32 $0x40;
	s3 =	simm.s32 $0x0;
	[bflag:$0x0] =	sbarrier.arrive $0xFFFF  }
0xa4: {  	[tilespmem:s9], [sflag:$0x1] =	stream.indirect.gather [hbm4b:s10+s2], $0x80, s3, s2, $0xb8;
	[tilespmem:$0x1FB00] =	vst v63  }
0xa5: {  	_ = 	snop  }
0xa6: {  	[tilespmem:s16], [sflag:$0x2] =	stream.indirect.gather [hbm4b:s10+s15], $0x80, s2, s15, $0xb8;
	[tilespmem:$0x1FB00] =	vst v63  }
0xa7: {  	_ =	swait.ge [sflag:s17], $0x2000  }
0xa8: {  	[sflag:s17] =	ssyncset.done $0x0  }
0xa9: {  	s5 =	simm.s32 $0x2780;
	[sflag:s17] =	ssyncadd.s32 $0xFFFFE000  }
0xaa: {  	[spmem:s11] =	stream.indirect.scatter.add.f32 [tilespmem:s9], [sflag:$0x3], $0x80, s5, s15, $0xb8;
	[tilespmem:$0x1FB00] =	vst v63  }
0xab: {  	_ =	swait.ge [sflag:s8], $0x2000  }
0xac: {  	[sflag:s8] =	ssyncset.done $0x0  }
0xad: {  	[sflag:s8] =	ssyncadd.s32 $0xFFFFE000  }
0xae: {  	[spmem:s13] =	stream.indirect.scatter.add.f32 [tilespmem:s30], [sflag:$0x3], $0x1, s5, s15, $0xb8;
	[tilespmem:$0x1FB00] =	vst v63  }
0xaf: {  	_ =	swait.ge [sflag:s8], $0x40  }
0xb0: {  	[sflag:s8] =	ssyncset.done $0x0  }
0xb1: {  	s4 =	simm.s32 $0x80;
	[sflag:s8] =	ssyncadd.s32 $0xFFFFFFC0  }
0xb2: {  	[tilespmem:s9], [sflag:$0x1] =	stream.indirect.gather [hbm4b:s10+s15], $0x80, s4, s15, $0xb8;
	[tilespmem:$0x1FB00] =	vst v63  }
0xb3: {  	_ =	swait.ge [sflag:s31], $0x2000  }
0xb4: {  	[sflag:s31] =	ssyncset.done $0x0  }
0xb5: {  	s5 =	simm.s32 $0x2800;
	[sflag:s31] =	ssyncadd.s32 $0xFFFFE000  }
0xb6: {  	[spmem:s11] =	stream.indirect.scatter.add.f32 [tilespmem:s16], [sflag:$0x3], $0x80, s5, s15, $0xb8;
	[tilespmem:$0x1FB00] =	vst v63  }
0xb7: {  	_ =	swait.ge [sflag:s8], $0x2000  }
0xb8: {  	[sflag:s8] =	ssyncset.done $0x0  }
0xb9: {  	[sflag:s8] =	ssyncadd.s32 $0xFFFFE000  }
0xba: {  	[spmem:s13] =	stream.indirect.scatter.add.f32 [tilespmem:s30], [sflag:$0x3], $0x1, s5, s15, $0xb8;
	[tilespmem:$0x1FB00] =	vst v63  }
0xbb: {  	_ =	swait.ge [sflag:s8], $0x40  }
0xbc: {  	s3 =	simm.s32 $0x400;
	[sflag:s8] =	ssyncset.done $0x0  }
.LBB2_4:
0xbd: {  	p0 =	sne.s32 s3, $0x13400;
	[sflag:s8] =	ssyncadd.s32 $0xFFFFFFC0;
	s2 =	sadd.s32 $0x80, s2  }
0xbe: {  	[tilespmem:s16], [sflag:$0x2] =	stream.indirect.gather [hbm4b:s10+s15], $0x80, s2, s15, $0xb8;
	[tilespmem:$0x1FB00] =	vst v63  }
0xbf: {  	s4 =	smov.u32 s3;
	s3 =	sadd.s32 $0x400, s3;
	_ =	swait.ge [sflag:s17], $0x2000  }
0xc0: {  	s4 =	sshra.s32 s4, $0x2;
	[sflag:s17] =	ssyncset.done $0x0  }
0xc1: {  	s5 =	sadd.s32 $0x2780, s4;
	[sflag:s17] =	ssyncadd.s32 $0xFFFFE000  }
0xc2: {  	[spmem:s11] =	stream.indirect.scatter.add.f32 [tilespmem:s9], [sflag:$0x3], $0x80, s5, s15, $0xb8;
	[tilespmem:$0x1FB00] =	vst v63  }
0xc3: {  	_ =	swait.ge [sflag:s8], $0x2000  }
0xc4: {  	[sflag:s8] =	ssyncset.done $0x0  }
0xc5: {  	[sflag:s8] =	ssyncadd.s32 $0xFFFFE000  }
0xc6: {  	[spmem:s13] =	stream.indirect.scatter.add.f32 [tilespmem:s30], [sflag:$0x3], $0x1, s5, s15, $0xb8;
	[tilespmem:$0x1FB00] =	vst v63  }
0xc7: {  	_ =	swait.ge [sflag:s8], $0x40  }
0xc8: {  	[sflag:s8] =	ssyncset.done $0x0  }
0xc9: {  	s5 =	sadd.s32 $0x40, s2;
	[sflag:s8] =	ssyncadd.s32 $0xFFFFFFC0  }
0xca: {  	[tilespmem:s9], [sflag:$0x1] =	stream.indirect.gather [hbm4b:s10+s15], $0x80, s5, s15, $0xb8;
	[tilespmem:$0x1FB00] =	vst v63  }
0xcb: {  	_ =	swait.ge [sflag:s31], $0x2000  }
0xcc: {  	[sflag:s31] =	ssyncset.done $0x0  }
0xcd: {  	s4 =	sadd.s32 $0x2800, s4;
	[sflag:s31] =	ssyncadd.s32 $0xFFFFE000  }
0xce: {  	[spmem:s11] =	stream.indirect.scatter.add.f32 [tilespmem:s16], [sflag:$0x3], $0x80, s4, s15, $0xb8;
	[tilespmem:$0x1FB00] =	vst v63  }
0xcf: {  	_ =	swait.ge [sflag:s8], $0x2000  }
.Ltmp1:
0xd0: {  	[sflag:s8] =	ssyncset.done $0x0;
	(pc) =	sbr.rel @p0 .LBB2_4-.Ltmp1, $4  }
0xd1: {  	[sflag:s8] =	ssyncadd.s32 $0xFFFFE000  }
0xd2: {  	[spmem:s13] =	stream.indirect.scatter.add.f32 [tilespmem:s30], [sflag:$0x3], $0x1, s4, s15, $0xb8;
	[tilespmem:$0x1FB00] =	vst v63  }
0xd3: {  	_ =	swait.ge [sflag:s8], $0x40  }
0xd4: {  	[sflag:s8] =	ssyncset.done $0x0  }
0xd5: {  	[sflag:s8] =	ssyncadd.s32 $0xFFFFFFC0;
	s2 =	simm.s32 $0x2740  }
0xd6: {  	[tilespmem:s16], [sflag:$0x2] =	stream.indirect.gather [hbm4b:s10+s15], $0x80, s2, s15, $0xb8;
	[tilespmem:$0x1FB00] =	vst v63  }
0xd7: {  	_ =	swait.ge [sflag:s17], $0x2000  }
0xd8: {  	[sflag:s17] =	ssyncset.done $0x0  }
0xd9: {  	[sflag:s17] =	ssyncadd.s32 $0xFFFFE000  }
0xda: {  	[spmem:s11] =	stream.indirect.scatter.add.f32 [tilespmem:s9], [sflag:$0x3], $0x80, s12, s15, $0xb8;
	[tilespmem:$0x1FB00] =	vst v63  }
0xdb: {  	_ =	swait.ge [sflag:s8], $0x2000  }
0xdc: {  	[sflag:s8] =	ssyncset.done $0x0  }
0xdd: {  	[sflag:s8] =	ssyncadd.s32 $0xFFFFE000  }
0xde: {  	[spmem:s13] =	stream.indirect.scatter.add.f32 [tilespmem:s30], [sflag:$0x3], $0x1, s12, s15, $0xb8;
	[tilespmem:$0x1FB00] =	vst v63  }
0xdf: {  	_ =	swait.ge [sflag:s8], $0x40  }
0xe0: {  	[sflag:s8] =	ssyncset.done $0x0  }
0xe1: {  	[sflag:s8] =	ssyncadd.s32 $0xFFFFFFC0  }
0xe2: {  	_ =	swait.ge [sflag:s31], $0x2000  }
0xe3: {  	[sflag:s31] =	ssyncset.done $0x0  }
0xe4: {  	[sflag:s31] =	ssyncadd.s32 $0xFFFFE000  }
0xe5: {  	[spmem:s11] =	stream.indirect.scatter.add.f32 [tilespmem:s16], [sflag:$0x3], $0x80, s0, s15, $0xb8;
	[tilespmem:$0x1FB00] =	vst v63  }
0xe6: {  	_ =	swait.ge [sflag:s8], $0x2000  }
0xe7: {  	[sflag:s8] =	ssyncset.done $0x0  }
0xe8: {  	[sflag:s8] =	ssyncadd.s32 $0xFFFFE000  }
0xe9: {  	[spmem:s13] =	stream.indirect.scatter.add.f32 [tilespmem:s30], [sflag:$0x3], $0x1, s0, s15, $0xb8;
	[tilespmem:$0x1FB00] =	vst v63  }
0xea: {  	_ =	swait.ge [sflag:s8], $0x40  }
0xeb: {  	[sflag:s8] =	ssyncset.done $0x0  }
0xec: {  	s3 =	stileid.u32;
	[sflag:s8] =	ssyncadd.s32 $0xFFFFFFC0  }
0xed: {  	s2 =	sshll.u32 s3, $0x6;
	[bflag:$0x0] =	sbarrier.arrive $0xFFFF  }
0xee: {  	s3 =	sshrl.u32 s18, $0x3;
	s2 =	sor.u32 $0x1C03, s2;
	s4 =	rddreg [dreg:$0x5]  }
0xef: {  	[hbm:s4], [sflag:s2] =	dma.local [spmem:s3], $0x400  }
0xf0: {  	_ =	swait.ge [sflag:s8], $0x400  }
0xf1: {  	[sflag:s8] =	ssyncset.done $0x0  }
0xf2: {  	s4 =	sshrl.u32 s19, $0x3;
	s5 =	rddreg [dreg:$0x6];
	[sflag:s8] =	ssyncadd.s32 $0xFFFFFC00  }
0xf3: {  	[hbm:s5], [sflag:s2] =	dma.local [spmem:s4], $0x400  }
0xf4: {  	_ =	swait.ge [sflag:s8], $0x400  }
0xf5: {  	[sflag:s8] =	ssyncset.done $0x0  }
0xf6: {  	s4 =	sshrl.u32 s20, $0x3;
	s5 =	rddreg [dreg:$0x7];
	[sflag:s8] =	ssyncadd.s32 $0xFFFFFC00  }
0xf7: {  	[hbm:s5], [sflag:s2] =	dma.local [spmem:s4], $0x400  }
0xf8: {  	_ =	swait.ge [sflag:s8], $0x400  }
0xf9: {  	[sflag:s8] =	ssyncset.done $0x0  }
0xfa: {  	s4 =	sshrl.u32 s21, $0x3;
	s5 =	rddreg [dreg:$0x8];
	[sflag:s8] =	ssyncadd.s32 $0xFFFFFC00  }
0xfb: {  	[hbm:s5], [sflag:s2] =	dma.local [spmem:s4], $0x400  }
0xfc: {  	_ =	swait.ge [sflag:s8], $0x400  }
0xfd: {  	[sflag:s8] =	ssyncset.done $0x0  }
0xfe: {  	s4 =	sshrl.u32 s22, $0x3;
	s5 =	rddreg [dreg:$0x9];
	[sflag:s8] =	ssyncadd.s32 $0xFFFFFC00  }
0xff: {  	[hbm:s5], [sflag:s2] =	dma.local [spmem:s4], $0x400  }
0x100: {  	_ =	swait.ge [sflag:s8], $0x400  }
0x101: {  	[sflag:s8] =	ssyncset.done $0x0  }
0x102: {  	s4 =	sshrl.u32 s23, $0x3;
	s5 =	rddreg [dreg:$0xa];
	[sflag:s8] =	ssyncadd.s32 $0xFFFFFC00  }
0x103: {  	[hbm:s5], [sflag:s2] =	dma.local [spmem:s4], $0x400  }
0x104: {  	_ =	swait.ge [sflag:s8], $0x400  }
0x105: {  	[sflag:s8] =	ssyncset.done $0x0  }
0x106: {  	s4 =	sshrl.u32 s24, $0x3;
	s5 =	rddreg [dreg:$0xb];
	[sflag:s8] =	ssyncadd.s32 $0xFFFFFC00  }
0x107: {  	[hbm:s5], [sflag:s2] =	dma.local [spmem:s4], $0x400  }
0x108: {  	_ =	swait.ge [sflag:s8], $0x400  }
0x109: {  	[sflag:s8] =	ssyncset.done $0x0  }
0x10a: {  	s4 =	sshrl.u32 s25, $0x3;
	s5 =	rddreg [dreg:$0xc];
	[sflag:s8] =	ssyncadd.s32 $0xFFFFFC00  }
0x10b: {  	[hbm:s5], [sflag:s2] =	dma.local [spmem:s4], $0x400  }
0x10c: {  	_ =	swait.ge [sflag:s8], $0x400  }
0x10d: {  	[sflag:s8] =	ssyncset.done $0x0  }
0x10e: {  	s4 =	sshrl.u32 s26, $0x3;
	s5 =	rddreg [dreg:$0xd];
	[sflag:s8] =	ssyncadd.s32 $0xFFFFFC00  }
0x10f: {  	[hbm:s5], [sflag:s2] =	dma.local [spmem:s4], $0x400  }
0x110: {  	_ =	swait.ge [sflag:s8], $0x400  }
0x111: {  	s1 =	sadd.s32 $0x1, s1;
	[sflag:s8] =	ssyncset.done $0x0  }
0x112: {  	s4 =	sshrl.u32 s28, $0x3;
	s5 =	rddreg [dreg:$0xe];
	[sflag:s8] =	ssyncadd.s32 $0xFFFFFC00  }
0x113: {  	[hbm:s5], [sflag:s2] =	dma.local [spmem:s4], $0x400  }
0x114: {  	p0 =	sne.s32 s1, s7;
	_ =	swait.ge [sflag:s8], $0x400  }
0x115: {  	s3 =	sshrl.u32 s29, $0x3;
	s4 =	simm.s32 $0x20;
	[sflag:s8] =	ssyncset.done $0x0  }
.Ltmp2:
0x116: {  	s5 =	simm.s32 $0x10;
	[sflag:s8] =	ssyncadd.s32 $0xFFFFFC00;
	(pc) =	sbr.rel @p0 .LBB2_1-.Ltmp2, $4  }
0x117: {  	[hbm:s6@s4], [sflag:s2] =	dma.strided [spmem:s3@s5], $0x50, s17, $0x10   }
0x118: {  	_ =	swait.ge [sflag:s8], $0x50  }
0x119: {  	[sflag:s8] =	ssyncset.done $0x0  }
0x11a: {  	[sflag:s8] =	ssyncadd.s32 $0xFFFFFFB0  }
0x11b: {  	_ =	sfence.sel $0x180000  }
0x11c: {  	[bflag:$0x0] =	sbarrier.arrive $0xFFFF  }
0x11d: {  	_ =	strace $0x90000047  }
0x11e: {  	s0 =	stileid.u32;
	[bflag:$0x2] =	sbarrier.arrive $0xFFFF  }
0x11f: {  	p0 =	sne.s32 s0, $0x0;
	s0 =	rddreg [dreg:$0x4]  }
0x120: {  	s0 =	sadd.s32 @!p0 $0x100000, s0  }
0x121: {  	[sflag:s0] =	ssyncadd.tile.s32 @!p0 $0x1;
	_ =	shalt  }
.Lfunc_end2:
_tile_overlayer_lowered:
.L_overlay_start_2:
0x122: {  	(tag) =	ssettag $0x2  }
0x123: {  	s0 =	rddreg [dreg:$0x0];
	s2 =	stileid.u32  }
0x124: {  	s1 =	rddreg [dreg:$0x1];
	p0 =	sne.s32 s2, $0x0  }
0x125: {  	s3 =	rddreg [dreg:$0x2];
	[bflag:$0x3] =	sbarrier.arrive $0xFFFF;
	s2 =	simm.s32 @!p0 $0x1C03  }
0x126: {  	[timem:s3], [sflag:s2] =	dma.local @!p0 [hbm:s0], s1  }
0x127: {  	s0 =	simm.s32 @!p0 $0x3  }
0x128: {  	_ =	swait.ge @!p0 [sflag:s0], s1  }
0x129: {  	s1 =	ssub.s32 @!p0 $0x0, s1;
	[sflag:s0] =	ssyncset.done @!p0 $0x0  }
0x12a: {  	[sflag:s0] =	ssyncadd.s32 @!p0 s1  }
0x12b: {  	[bflag:$0x3] =	sbarrier.arrive $0xFFFF  }
0x12c: {  	_ =	shalt  }

</sc_bundles>
